<compile_context>
chip_gen: v7x
topology: tpu7x:2x2x1
jax: 0.10.2.dev20260603
libtpu: 0.0.44.dev20260713+nightly
codegen_flags: <defaults>
</compile_context>

<pallas_src>
import functools

import jax
import jax.numpy as jnp
from jax import lax
from jax.experimental import pallas as pl
from jax.experimental.pallas import tpu as pltpu
from jax.experimental.pallas import tpu_sc as plsc

N_NODES = 10000
NP = 10240
D = 128
C_OUT = 10
CP = 16
E_RAW = 320000
CAPV = 1344
REG = CAPV * 16
E_BUCK = 256 * CAPV
E_SPARE = 4096
E_MAIN = E_BUCK + E_SPARE
CH = 17408
NCHUNK = E_MAIN // CH
NCH3 = 19
E_TOT = E_MAIN + NCH3 * CH
NTILES = 32
FPT = D // NTILES
ESH = E_TOT // NTILES
COLB = 1024

_mesh = plsc.VectorSubcoreMesh(core_axis_name="c", subcore_axis_name="s")
_sc_params = pltpu.CompilerParams(needs_layout_passes=False)


def _wid():
    return lax.axis_index("c") * 16 + lax.axis_index("s")


def _unpack(pk):
    s16 = lax.bitwise_and(pk, jnp.int32(0xFFFF))
    d16 = lax.shift_right_logical(pk, jnp.int32(16))
    return s16, d16


ESH1 = E_RAW // NTILES


@functools.partial(
    pl.kernel,
    out_type=jax.ShapeDtypeStruct((NTILES, 256), jnp.int32),
    mesh=_mesh,
    compiler_params=_sc_params,
    scratch_types=[
        pltpu.VMEM((256,), jnp.int32),
        pltpu.VMEM((ESH1,), jnp.int32),
        pltpu.SemaphoreType.DMA,
    ],
)
def _cnt_kernel(pk_hbm, cnt_hbm, cnt_t, pkbuf, sem):
    wid = _wid()
    pltpu.async_copy(pk_hbm.at[pl.ds(wid * ESH1, ESH1)], pkbuf, sem).wait()

    @pl.loop(0, 256, step=16)
    def _(i):
        cnt_t[pl.ds(i, 16)] = jnp.zeros((16,), jnp.int32)

    one16 = jnp.ones((16,), jnp.int32)

    @plsc.parallel_loop(0, ESH1, 16, unroll=2)
    def _(e):
        pk16 = pkbuf[pl.ds(e, 16)]
        sl = lax.bitwise_and(pk16, jnp.int32(0xFFFF))
        dl = lax.shift_right_logical(pk16, jnp.int32(16))
        b16 = (lax.bitwise_and(dl - sl, jnp.int32(15)) * 16
               + lax.bitwise_and(sl, jnp.int32(15)))
        plsc.addupdate_scatter(cnt_t, [b16], one16)

    pltpu.sync_copy(cnt_t, cnt_hbm.at[wid])


@functools.partial(
    pl.kernel,
    out_type=jax.ShapeDtypeStruct((E_TOT,), jnp.int32),
    mesh=_mesh,
    compiler_params=_sc_params,
    scratch_types=[
        pltpu.VMEM((256,), jnp.int32),
        pltpu.VMEM((256,), jnp.int32),
        pltpu.VMEM((ESH1,), jnp.int32),
        pltpu.VMEM((ESH1,), jnp.int32),
        pltpu.SemaphoreType.DMA,
    ],
)
def _pos_kernel(pk_hbm, base_hbm, sbase_hbm, epk_hbm,
                cnt_t, scnt_t, pkbuf, posbuf, sem):
    wid = _wid()
    pltpu.async_copy(pk_hbm.at[pl.ds(wid * ESH1, ESH1)], pkbuf, sem).wait()
    pltpu.async_copy(base_hbm.at[wid], cnt_t, sem).wait()
    pltpu.async_copy(sbase_hbm.at[wid], scnt_t, sem).wait()

    @pl.loop(0, ESH1, step=16)
    def _(e):
        pk16 = pkbuf[pl.ds(e, 16)]
        sl = lax.bitwise_and(pk16, jnp.int32(0xFFFF))
        dl = lax.shift_right_logical(pk16, jnp.int32(16))
        b16 = (lax.bitwise_and(dl - sl, jnp.int32(15)) * 16
               + lax.bitwise_and(sl, jnp.int32(15)))
        cum, last = plsc.scan_count(b16)
        old = plsc.load_gather(cnt_t, [b16])
        g = old + cum - 1
        plsc.addupdate_scatter(cnt_t, [b16], cum, mask=last)
        incap = g < CAPV
        posm = (lax.shift_right_logical(b16, jnp.int32(4)) * REG + g * 16
                + lax.bitwise_and(b16, jnp.int32(15)))
        notcap = jnp.logical_not(incap)
        scum, slast = plsc.scan_count(b16, mask=notcap)
        sold = plsc.load_gather(scnt_t, [b16])
        sp = sold + scum - 1
        plsc.addupdate_scatter(scnt_t, [b16], scum,
                               mask=jnp.logical_and(slast, notcap))
        posbuf[pl.ds(e, 16)] = jnp.where(incap, posm, E_BUCK + sp)

    pltpu.async_copy(pkbuf, epk_hbm.at[posbuf], sem).wait()


@functools.partial(
    pl.kernel,
    out_type=jax.ShapeDtypeStruct((NTILES, NP), jnp.float32),
    mesh=_mesh,
    compiler_params=_sc_params,
    scratch_types=[
        pltpu.VMEM((NP,), jnp.float32),
        pltpu.VMEM((ESH,), jnp.int32),
        pltpu.SemaphoreType.DMA,
    ],
)
def _deg_kernel(edge_hbm, hist_hbm, hist_t, ebuf, sem):
    wid = _wid()
    pltpu.async_copy(edge_hbm.at[pl.ds(wid * ESH, ESH)], ebuf, sem).wait()

    @pl.loop(0, NP, step=16, unroll=4)
    def _(i):
        hist_t[pl.ds(i, 16)] = jnp.zeros((16,), jnp.float32)

    one16 = jnp.ones((16,), jnp.float32)

    @plsc.parallel_loop(0, ESH, 16, unroll=4)
    def _(e):
        pk = ebuf[pl.ds(e, 16)]
        _, d16 = _unpack(pk)
        plsc.addupdate_scatter(hist_t, [d16], one16)

    pltpu.sync_copy(hist_t, hist_hbm.at[wid])


@functools.partial(
    pl.kernel,
    out_type=jax.ShapeDtypeStruct((D, NP), jnp.float32),
    mesh=_mesh,
    compiler_params=_sc_params,
    scratch_types=[
        [pltpu.VMEM((NP,), jnp.float32)] * FPT,
        [pltpu.VMEM((NP,), jnp.float32)] * FPT,
        pltpu.VMEM((NP,), jnp.float32),
        pltpu.VMEM((2, CH), jnp.int32),
        pltpu.VMEM((16,), jnp.int32),
        pltpu.SemaphoreType.DMA,
        pltpu.SemaphoreType.DMA,
        pltpu.SemaphoreType.DMA,
    ],
)
def _prop_kernel(u0_hbm, edge_hbm, dinv_hbm, ns_hbm, out_hbm,
                 u_refs, acc_refs, dinv_t, ebuf, nsv, sem_a, sem_b, sem_m):
    wid = _wid()
    f0 = wid * FPT
    for f in range(FPT):
        pltpu.async_copy(u0_hbm.at[f0 + f], u_refs[f], sem_m)
    pltpu.async_copy(dinv_hbm, dinv_t, sem_m)
    pltpu.async_copy(ns_hbm, nsv, sem_m)
    for f in range(FPT):
        pltpu.make_async_copy(u0_hbm.at[f0 + f], u_refs[f], sem_m).wait()
    pltpu.make_async_copy(dinv_hbm, dinv_t, sem_m).wait()
    pltpu.make_async_copy(ns_hbm, nsv, sem_m).wait()
    nspk = jnp.max(nsv[...])
    nsteps = lax.bitwise_and(nspk, jnp.int32(0xFF))
    nch3 = lax.shift_right_logical(nspk, jnp.int32(8))

    def _issue(ci, buf, sem):
        pltpu.async_copy(edge_hbm.at[pl.ds(ci * CH, CH)], ebuf.at[buf], sem)

    def _wait(ci, buf, sem):
        pltpu.make_async_copy(
            edge_hbm.at[pl.ds(ci * CH, CH)], ebuf.at[buf], sem).wait()

    def _process(buf):
        @plsc.parallel_loop(0, CH, 16, unroll=8)
        def _(e):
            pk = ebuf[buf, pl.ds(e, 16)]
            s16, d16 = _unpack(pk)
            vs = [plsc.load_gather(u_refs[f], [s16]) for f in range(FPT)]
            for f in range(FPT):
                plsc.addupdate_scatter(acc_refs[f], [d16], vs[f])

    def _step(_, carry):
        @pl.loop(0, NP, step=16, unroll=4)
        def _(i):
            for f in range(FPT):
                acc_refs[f][pl.ds(i, 16)] = u_refs[f][pl.ds(i, 16)]

        _issue(0, 0, sem_a)

        @pl.loop(0, NCHUNK, step=2)
        def _(ci):
            _issue(ci + 1, 1, sem_b)
            _wait(ci, 0, sem_a)
            _process(0)

            @pl.when(ci + 2 < NCHUNK)
            def _():
                _issue(ci + 2, 0, sem_a)

            _wait(ci + 1, 1, sem_b)
            _process(1)

        @pl.loop(0, nch3)
        def _(c3):
            pltpu.sync_copy(edge_hbm.at[pl.ds(E_MAIN + c3 * CH, CH)],
                            ebuf.at[0])
            _process(0)

        @pl.loop(0, NP, step=16, unroll=4)
        def _(i):
            dv = dinv_t[pl.ds(i, 16)]
            for f in range(FPT):
                u_refs[f][pl.ds(i, 16)] = acc_refs[f][pl.ds(i, 16)] * dv

        return carry

    lax.fori_loop(0, nsteps, _step, 0)
    for f in range(FPT):
        pltpu.async_copy(u_refs[f], out_hbm.at[f0 + f], sem_m)
    for f in range(FPT):
        pltpu.make_async_copy(u_refs[f], out_hbm.at[f0 + f], sem_m).wait()


@functools.partial(
    pl.kernel,
    out_type=jax.ShapeDtypeStruct((CP, NP), jnp.float32),
    mesh=_mesh,
    compiler_params=_sc_params,
    scratch_types=[
        pltpu.VMEM((NP,), jnp.float32),
        pltpu.VMEM((NP,), jnp.float32),
        pltpu.VMEM((NP,), jnp.float32),
        pltpu.VMEM((2, CH), jnp.int32),
        pltpu.VMEM((16,), jnp.int32),
        pltpu.SemaphoreType.DMA,
        pltpu.SemaphoreType.DMA,
        pltpu.SemaphoreType.DMA,
    ],
)
def _final_kernel(z_hbm, edge_hbm, disq_hbm, ns_hbm, out_hbm,
                  z_t, acc_t, disq_t, ebuf, nsv, sem_a, sem_b, sem_m):
    wid = _wid()

    @pl.when(wid < CP)
    def _():
        pltpu.async_copy(z_hbm.at[wid], z_t, sem_m).wait()
        pltpu.async_copy(disq_hbm, disq_t, sem_m).wait()
        pltpu.async_copy(ns_hbm, nsv, sem_m).wait()
        nch3 = lax.shift_right_logical(jnp.max(nsv[...]), jnp.int32(8))

        @pl.loop(0, NP, step=16, unroll=4)
        def _(i):
            acc_t[pl.ds(i, 16)] = z_t[pl.ds(i, 16)]

        def _issue(ci, buf, sem):
            pltpu.async_copy(edge_hbm.at[pl.ds(ci * CH, CH)], ebuf.at[buf], sem)

        def _wait(ci, buf, sem):
            pltpu.make_async_copy(
                edge_hbm.at[pl.ds(ci * CH, CH)], ebuf.at[buf], sem).wait()

        def _process(buf):
            @plsc.parallel_loop(0, CH, 16, unroll=4)
            def _(e):
                pk = ebuf[buf, pl.ds(e, 16)]
                s16, d16 = _unpack(pk)
                v = plsc.load_gather(z_t, [s16])
                plsc.addupdate_scatter(acc_t, [d16], v)

        _issue(0, 0, sem_a)

        @pl.loop(0, NCHUNK, step=2)
        def _(ci):
            _issue(ci + 1, 1, sem_b)
            _wait(ci, 0, sem_a)
            _process(0)

            @pl.when(ci + 2 < NCHUNK)
            def _():
                _issue(ci + 2, 0, sem_a)

            _wait(ci + 1, 1, sem_b)
            _process(1)

        @pl.loop(0, nch3)
        def _(c3):
            pltpu.sync_copy(edge_hbm.at[pl.ds(E_MAIN + c3 * CH, CH)],
                            ebuf.at[0])
            _process(0)

        @pl.loop(0, NP, step=16, unroll=4)
        def _(i):
            acc_t[pl.ds(i, 16)] = acc_t[pl.ds(i, 16)] * disq_t[pl.ds(i, 16)]

        pltpu.sync_copy(acc_t, out_hbm.at[wid])


def _mm0_body(w_ref, x_ref, b_ref, o_ref):
    o_ref[...] = lax.dot_general(
        w_ref[...], x_ref[...], (((0,), (1,)), ((), ())),
        preferred_element_type=jnp.float32) + b_ref[...]


_mm0 = pl.pallas_call(
    _mm0_body,
    grid=(NP // COLB,),
    in_specs=[
        pl.BlockSpec((D, D), lambda i: (0, 0)),
        pl.BlockSpec((COLB, D), lambda i: (i, 0)),
        pl.BlockSpec((D, 1), lambda i: (0, 0)),
    ],
    out_specs=pl.BlockSpec((D, COLB), lambda i: (0, i)),
    out_shape=jax.ShapeDtypeStruct((D, NP), jnp.float32),
)


def _scale_body(h_ref, hist_ref, u0_ref, dinv_ref, dsq_ref, disq_ref):
    deg = 1.0 + jnp.sum(hist_ref[...], axis=0, keepdims=True)
    pos = deg > 0
    dinv_ref[...] = jnp.where(pos, 1.0 / deg, 0.0)
    sq = jnp.sqrt(deg)
    dsq_ref[...] = sq
    disq = jnp.where(pos, 1.0 / sq, 0.0)
    disq_ref[...] = disq
    u0_ref[...] = h_ref[...] * disq


_scale = pl.pallas_call(
    _scale_body,
    grid=(NP // COLB,),
    in_specs=[
        pl.BlockSpec((D, COLB), lambda i: (0, i)),
        pl.BlockSpec((NTILES, COLB), lambda i: (0, i)),
    ],
    out_specs=[
        pl.BlockSpec((D, COLB), lambda i: (0, i)),
        pl.BlockSpec((1, COLB), lambda i: (0, i)),
        pl.BlockSpec((1, COLB), lambda i: (0, i)),
        pl.BlockSpec((1, COLB), lambda i: (0, i)),
    ],
    out_shape=[
        jax.ShapeDtypeStruct((D, NP), jnp.float32),
        jax.ShapeDtypeStruct((1, NP), jnp.float32),
        jax.ShapeDtypeStruct((1, NP), jnp.float32),
        jax.ShapeDtypeStruct((1, NP), jnp.float32),
    ],
)


def _clf_body(wt_ref, u_ref, dsq_ref, disq_ref, bc_ref, z_ref):
    y = jnp.maximum(u_ref[...], 0.0) * dsq_ref[...]
    z = lax.dot_general(
        wt_ref[...], y, (((1,), (0,)), ((), ())),
        preferred_element_type=jnp.float32)
    z_ref[...] = (z + bc_ref[...]) * disq_ref[...]


_clf = pl.pallas_call(
    _clf_body,
    grid=(NP // COLB,),
    in_specs=[
        pl.BlockSpec((CP, D), lambda i: (0, 0)),
        pl.BlockSpec((D, COLB), lambda i: (0, i)),
        pl.BlockSpec((1, COLB), lambda i: (0, i)),
        pl.BlockSpec((1, COLB), lambda i: (0, i)),
        pl.BlockSpec((CP, 1), lambda i: (0, 0)),
    ],
    out_specs=pl.BlockSpec((CP, COLB), lambda i: (0, i)),
    out_shape=jax.ShapeDtypeStruct((CP, NP), jnp.float32),
)


def kernel(x, edge_index, prop_nums, W0, b0, Wc, bc):
    src = edge_index[0].astype(jnp.int32)
    dst = edge_index[1].astype(jnp.int32)
    pk = jnp.bitwise_or(src, jnp.left_shift(dst, 16))
    cnt = _cnt_kernel(pk)
    base = jnp.cumsum(cnt, axis=0) - cnt
    total = jnp.sum(cnt, axis=0)
    tot_sp = jnp.maximum(total - CAPV, 0)
    s_excl = jnp.cumsum(tot_sp) - tot_sp
    spill_base = s_excl[None, :] + jnp.maximum(base - CAPV, 0)
    epk_sc = _pos_kernel(pk, base, spill_base)
    tot2 = jnp.minimum(total, CAPV)
    n_spill = E_RAW - jnp.sum(tot2)
    n_ovf = jnp.maximum(n_spill - E_SPARE, 0)
    nch3 = (n_ovf + CH - 1) // CH
    realb = (jnp.arange(CAPV, dtype=jnp.int32)[None, :, None]
             < tot2.reshape(16, 16)[:, None, :]).reshape(E_BUCK)
    real_sp = jnp.arange(E_TOT - E_BUCK, dtype=jnp.int32) < n_spill
    real_full = jnp.concatenate([realb, real_sp])
    t = jnp.arange(E_TOT, dtype=jnp.int32)
    lpad = t % 16
    kpad = (t // REG) % 16
    spad = N_NODES + lpad
    dpad = N_NODES + ((lpad + kpad) % 16)
    pad_pk = jnp.bitwise_or(spad, jnp.left_shift(dpad, 16))
    epk = jnp.where(real_full, epk_sc, pad_pk)

    x_pad = jnp.pad(x, ((0, NP - N_NODES), (0, 0)))
    b0c = b0.reshape(D, 1)
    wct = jnp.pad(Wc, ((0, 0), (0, CP - C_OUT))).T
    bcp = jnp.pad(bc, (0, CP - C_OUT)).reshape(CP, 1)
    ns_arr = jnp.full((16,), prop_nums + nch3 * 256, jnp.int32)

    hist = _deg_kernel(epk)
    h0t = _mm0(W0, x_pad, b0c)
    u0, dinv, dsq, disq = _scale(h0t, hist)
    u30 = _prop_kernel(u0, epk, dinv.reshape(NP), ns_arr)
    z2 = _clf(wct, u30, dsq, disq, bcp)
    outt = _final_kernel(z2, epk, disq.reshape(NP), ns_arr)
    return outt[:C_OUT, :N_NODES].T

# --- scband reference (transcript-rebuilt; emitter-appended) ---
"""Pipeline reference for scband-a2-gnnbase-46548855554536 (READ-ONLY COPY).

The authoritative reference and input builder live on the scoring server;
editing this copy changes nothing except your own understanding.
"""

import jax, jax.numpy as jnp
import numpy as np

N = 10000
E = 320000
D = 128
C = 10
PROP_NUMS = 30


def setup_inputs(seed: int = 0) -> dict:
    key = jax.random.key(seed)
    k1, k2, k3, k4 = jax.random.split(key, 4)
    x = jax.random.normal(k1, (N, D), dtype=jnp.float32)
    edge_index = jax.random.randint(k2, (2, E), 0, N, dtype=jnp.int32).astype(jnp.int64)
    # PropGCNConv linear weights (glorot-ish init) + biases
    W0 = jax.random.normal(k3, (D, D), dtype=jnp.float32) * (1.0 / np.sqrt(D))
    b0 = jnp.zeros((D,), dtype=jnp.float32)
    Wc = jax.random.normal(k4, (D, C), dtype=jnp.float32) * (1.0 / np.sqrt(D))
    bc = jnp.zeros((C,), dtype=jnp.float32)
    return {"x": x, "edge_index": edge_index, "prop_nums": PROP_NUMS,
            "W0": W0, "b0": b0, "Wc": Wc, "bc": bc}


def _gcn_norm(edge_index, num_nodes):
    # add self-loops and compute symmetric GCN normalization D^-1/2 A D^-1/2
    src = edge_index[0]
    dst = edge_index[1]
    loop = jnp.arange(num_nodes, dtype=src.dtype)
    src = jnp.concatenate([src, loop])
    dst = jnp.concatenate([dst, loop])
    deg = jnp.zeros((num_nodes,), jnp.float32).at[dst].add(1.0)
    dinv = jnp.where(deg > 0, 1.0 / jnp.sqrt(deg), 0.0)
    norm = dinv[src] * dinv[dst]
    return src, dst, norm


def _prop_gcn_conv(x, src, dst, norm, W, b, prop_nums, num_nodes):
    # linear transform, then propagate prop_nums times with normalized adjacency
    h = x @ W + b

    def _step(_, h):
        msg = norm[:, None] * h[src]
        return jnp.zeros((num_nodes, h.shape[1]), h.dtype).at[dst].add(msg)

    h = jax.lax.fori_loop(0, prop_nums, _step, h)
    return h


def reference(x, edge_index, prop_nums, W0, b0, Wc, bc):
    num_nodes = x.shape[0]
    src, dst, norm = _gcn_norm(edge_index, num_nodes)
    # feat_bottleneck: one PropGCNConv layer (num_layers=1), relu, dropout eval no-op
    h = _prop_gcn_conv(x, src, dst, norm, W0, b0, prop_nums, num_nodes)
    h = jax.nn.relu(h)
    # feat_classifier: PropGCNConv with prop_nums=1
    out = _prop_gcn_conv(h, src, dst, norm, Wc, bc, 1, num_nodes)
    return out

if __name__ == "__main__":
    import jax
    _d = setup_inputs()
    print(jax.jit(kernel)(*tuple(_d.values())))

</pallas_src>

<mosaic_0001>
#map = affine_map<(d0, d1) -> (0, 0)>
#map1 = affine_map<(d0, d1) -> (0)>
module attributes {stable_mosaic.version = 14 : i64} {
  func.func @_prop_kernel(%arg0: i32, %arg1: i32, %arg2: memref<128x10240xf32, #tpu.memory_space<hbm>>, %arg3: memref<678912xi32, #tpu.memory_space<hbm>>, %arg4: memref<10240xf32, #tpu.memory_space<hbm>>, %arg5: memref<16xi32, #tpu.memory_space<hbm>>, %arg6: memref<128x10240xf32, #tpu.memory_space<hbm>>, %arg7: memref<10240xf32, #tpu.memory_space<vmem>>, %arg8: memref<10240xf32, #tpu.memory_space<vmem>>, %arg9: memref<10240xf32, #tpu.memory_space<vmem>>, %arg10: memref<10240xf32, #tpu.memory_space<vmem>>, %arg11: memref<10240xf32, #tpu.memory_space<vmem>>, %arg12: memref<10240xf32, #tpu.memory_space<vmem>>, %arg13: memref<10240xf32, #tpu.memory_space<vmem>>, %arg14: memref<10240xf32, #tpu.memory_space<vmem>>, %arg15: memref<10240xf32, #tpu.memory_space<vmem>>, %arg16: memref<2x17408xi32, #tpu.memory_space<vmem>>, %arg17: memref<16xi32, #tpu.memory_space<vmem>>, %arg18: memref<!tpu.dma_semaphore, #tpu.memory_space<semaphore_mem>>, %arg19: memref<!tpu.dma_semaphore, #tpu.memory_space<semaphore_mem>>, %arg20: memref<!tpu.dma_semaphore, #tpu.memory_space<semaphore_mem>>) attributes {dimension_semantics = [#tpu.dimension_semantics<core_parallel>, #tpu.dimension_semantics<subcore_parallel>], iteration_bounds = array<i64: 2, 16>, scalar_prefetch = 0 : i64, scratch_operands = 14 : i64, tpu.core_type = #tpu.core_type<sc_vector_subcore>, window_params = [{transform_indices = #map}, {transform_indices = #map1}, {transform_indices = #map1}, {transform_indices = #map1}, {transform_indices = #map}]} {
    %mul3A = arith.constant 16 : i32
    %mul3A_0 = arith.muli %arg0, %mul3A : i32
    %add3A = arith.addi %mul3A_0, %arg1 : i32
    %mul3A_1 = arith.constant 4 : i32
    %mul3A_2 = arith.muli %add3A, %mul3A_1 : i32
    %add3A_3 = arith.constant 0 : i32
    %add3A_4 = arith.addi %mul3A_2, %add3A_3 : i32
    %dma_start3A = arith.constant 0 : i32
    %dma_start3A_5 = tpu.memref_slice %arg2[%add3A_4, %dma_start3A] : memref<128x10240xf32, #tpu.memory_space<hbm>> -> memref<1x10240xf32, #tpu.memory_space<hbm>>
    %dma_start3A_6 = tpu.memref_squeeze %dma_start3A_5 : memref<1x10240xf32, #tpu.memory_space<hbm>> -> memref<10240xf32, #tpu.memory_space<hbm>>
    %dma_start3A_7 = arith.constant 0 : i32
    %dma_start3A_8 = tpu.memref_slice %arg2[%add3A_4, %dma_start3A_7] : memref<128x10240xf32, #tpu.memory_space<hbm>> -> memref<1x10240xf32, #tpu.memory_space<hbm>>
    %dma_start3A_9 = tpu.memref_squeeze %dma_start3A_8 : memref<1x10240xf32, #tpu.memory_space<hbm>> -> memref<10240xf32, #tpu.memory_space<hbm>>
    tpu.enqueue_dma source(%dma_start3A_9 : memref<10240xf32, #tpu.memory_space<hbm>>) target(%arg7 : memref<10240xf32, #tpu.memory_space<vmem>>) target_semaphore(%arg20 : memref<!tpu.dma_semaphore, #tpu.memory_space<semaphore_mem>>)
    %add3A_10 = arith.constant 1 : i32
    %add3A_11 = arith.addi %mul3A_2, %add3A_10 : i32
    %dma_start3A_12 = arith.constant 0 : i32
    %dma_start3A_13 = tpu.memref_slice %arg2[%add3A_11, %dma_start3A_12] : memref<128x10240xf32, #tpu.memory_space<hbm>> -> memref<1x10240xf32, #tpu.memory_space<hbm>>
    %dma_start3A_14 = tpu.memref_squeeze %dma_start3A_13 : memref<1x10240xf32, #tpu.memory_space<hbm>> -> memref<10240xf32, #tpu.memory_space<hbm>>
    %dma_start3A_15 = arith.constant 0 : i32
    %dma_start3A_16 = tpu.memref_slice %arg2[%add3A_11, %dma_start3A_15] : memref<128x10240xf32, #tpu.memory_space<hbm>> -> memref<1x10240xf32, #tpu.memory_space<hbm>>
    %dma_start3A_17 = tpu.memref_squeeze %dma_start3A_16 : memref<1x10240xf32, #tpu.memory_space<hbm>> -> memref<10240xf32, #tpu.memory_space<hbm>>
    tpu.enqueue_dma source(%dma_start3A_17 : memref<10240xf32, #tpu.memory_space<hbm>>) target(%arg8 : memref<10240xf32, #tpu.memory_space<vmem>>) target_semaphore(%arg20 : memref<!tpu.dma_semaphore, #tpu.memory_space<semaphore_mem>>)
    %add3A_18 = arith.constant 2 : i32
    %add3A_19 = arith.addi %mul3A_2, %add3A_18 : i32
    %dma_start3A_20 = arith.constant 0 : i32
    %dma_start3A_21 = tpu.memref_slice %arg2[%add3A_19, %dma_start3A_20] : memref<128x10240xf32, #tpu.memory_space<hbm>> -> memref<1x10240xf32, #tpu.memory_space<hbm>>
    %dma_start3A_22 = tpu.memref_squeeze %dma_start3A_21 : memref<1x10240xf32, #tpu.memory_space<hbm>> -> memref<10240xf32, #tpu.memory_space<hbm>>
    %dma_start3A_23 = arith.constant 0 : i32
    %dma_start3A_24 = tpu.memref_slice %arg2[%add3A_19, %dma_start3A_23] : memref<128x10240xf32, #tpu.memory_space<hbm>> -> memref<1x10240xf32, #tpu.memory_space<hbm>>
    %dma_start3A_25 = tpu.memref_squeeze %dma_start3A_24 : memref<1x10240xf32, #tpu.memory_space<hbm>> -> memref<10240xf32, #tpu.memory_space<hbm>>
    tpu.enqueue_dma source(%dma_start3A_25 : memref<10240xf32, #tpu.memory_space<hbm>>) target(%arg9 : memref<10240xf32, #tpu.memory_space<vmem>>) target_semaphore(%arg20 : memref<!tpu.dma_semaphore, #tpu.memory_space<semaphore_mem>>)
    %add3A_26 = arith.constant 3 : i32
    %add3A_27 = arith.addi %mul3A_2, %add3A_26 : i32
    %dma_start3A_28 = arith.constant 0 : i32
    %dma_start3A_29 = tpu.memref_slice %arg2[%add3A_27, %dma_start3A_28] : memref<128x10240xf32, #tpu.memory_space<hbm>> -> memref<1x10240xf32, #tpu.memory_space<hbm>>
    %dma_start3A_30 = tpu.memref_squeeze %dma_start3A_29 : memref<1x10240xf32, #tpu.memory_space<hbm>> -> memref<10240xf32, #tpu.memory_space<hbm>>
    %dma_start3A_31 = arith.constant 0 : i32
    %dma_start3A_32 = tpu.memref_slice %arg2[%add3A_27, %dma_start3A_31] : memref<128x10240xf32, #tpu.memory_space<hbm>> -> memref<1x10240xf32, #tpu.memory_space<hbm>>
    %dma_start3A_33 = tpu.memref_squeeze %dma_start3A_32 : memref<1x10240xf32, #tpu.memory_space<hbm>> -> memref<10240xf32, #tpu.memory_space<hbm>>
    tpu.enqueue_dma source(%dma_start3A_33 : memref<10240xf32, #tpu.memory_space<hbm>>) target(%arg10 : memref<10240xf32, #tpu.memory_space<vmem>>) target_semaphore(%arg20 : memref<!tpu.dma_semaphore, #tpu.memory_space<semaphore_mem>>)
    tpu.enqueue_dma source(%arg4 : memref<10240xf32, #tpu.memory_space<hbm>>) target(%arg15 : memref<10240xf32, #tpu.memory_space<vmem>>) target_semaphore(%arg20 : memref<!tpu.dma_semaphore, #tpu.memory_space<semaphore_mem>>)
    tpu.enqueue_dma source(%arg5 : memref<16xi32, #tpu.memory_space<hbm>>) target(%arg17 : memref<16xi32, #tpu.memory_space<vmem>>) target_semaphore(%arg20 : memref<!tpu.dma_semaphore, #tpu.memory_space<semaphore_mem>>)
    %add3A_34 = arith.constant 0 : i32
    %add3A_35 = arith.addi %mul3A_2, %add3A_34 : i32
    %dma_wait3A = arith.constant 0 : i32
    %dma_wait3A_36 = tpu.memref_slice %arg2[%add3A_35, %dma_wait3A] : memref<128x10240xf32, #tpu.memory_space<hbm>> -> memref<1x10240xf32, #tpu.memory_space<hbm>>
    %dma_wait3A_37 = tpu.memref_squeeze %dma_wait3A_36 : memref<1x10240xf32, #tpu.memory_space<hbm>> -> memref<10240xf32, #tpu.memory_space<hbm>>
    %dma_wait3A_38 = arith.constant 0 : i32
    %dma_wait3A_39 = tpu.memref_slice %arg2[%add3A_35, %dma_wait3A_38] : memref<128x10240xf32, #tpu.memory_space<hbm>> -> memref<1x10240xf32, #tpu.memory_space<hbm>>
    %dma_wait3A_40 = tpu.memref_squeeze %dma_wait3A_39 : memref<1x10240xf32, #tpu.memory_space<hbm>> -> memref<10240xf32, #tpu.memory_space<hbm>>
    tpu.wait_dma2 semaphore(%arg20 : memref<!tpu.dma_semaphore, #tpu.memory_space<semaphore_mem>>) src(%dma_wait3A_40 : memref<10240xf32, #tpu.memory_space<hbm>>) dst(%arg7 : memref<10240xf32, #tpu.memory_space<vmem>>)
    %add3A_41 = arith.constant 1 : i32
    %add3A_42 = arith.addi %mul3A_2, %add3A_41 : i32
    %dma_wait3A_43 = arith.constant 0 : i32
    %dma_wait3A_44 = tpu.memref_slice %arg2[%add3A_42, %dma_wait3A_43] : memref<128x10240xf32, #tpu.memory_space<hbm>> -> memref<1x10240xf32, #tpu.memory_space<hbm>>
    %dma_wait3A_45 = tpu.memref_squeeze %dma_wait3A_44 : memref<1x10240xf32, #tpu.memory_space<hbm>> -> memref<10240xf32, #tpu.memory_space<hbm>>
    %dma_wait3A_46 = arith.constant 0 : i32
    %dma_wait3A_47 = tpu.memref_slice %arg2[%add3A_42, %dma_wait3A_46] : memref<128x10240xf32, #tpu.memory_space<hbm>> -> memref<1x10240xf32, #tpu.memory_space<hbm>>
    %dma_wait3A_48 = tpu.memref_squeeze %dma_wait3A_47 : memref<1x10240xf32, #tpu.memory_space<hbm>> -> memref<10240xf32, #tpu.memory_space<hbm>>
    tpu.wait_dma2 semaphore(%arg20 : memref<!tpu.dma_semaphore, #tpu.memory_space<semaphore_mem>>) src(%dma_wait3A_48 : memref<10240xf32, #tpu.memory_space<hbm>>) dst(%arg8 : memref<10240xf32, #tpu.memory_space<vmem>>)
    %add3A_49 = arith.constant 2 : i32
    %add3A_50 = arith.addi %mul3A_2, %add3A_49 : i32
    %dma_wait3A_51 = arith.constant 0 : i32
    %dma_wait3A_52 = tpu.memref_slice %arg2[%add3A_50, %dma_wait3A_51] : memref<128x10240xf32, #tpu.memory_space<hbm>> -> memref<1x10240xf32, #tpu.memory_space<hbm>>
    %dma_wait3A_53 = tpu.memref_squeeze %dma_wait3A_52 : memref<1x10240xf32, #tpu.memory_space<hbm>> -> memref<10240xf32, #tpu.memory_space<hbm>>
    %dma_wait3A_54 = arith.constant 0 : i32
    %dma_wait3A_55 = tpu.memref_slice %arg2[%add3A_50, %dma_wait3A_54] : memref<128x10240xf32, #tpu.memory_space<hbm>> -> memref<1x10240xf32, #tpu.memory_space<hbm>>
    %dma_wait3A_56 = tpu.memref_squeeze %dma_wait3A_55 : memref<1x10240xf32, #tpu.memory_space<hbm>> -> memref<10240xf32, #tpu.memory_space<hbm>>
    tpu.wait_dma2 semaphore(%arg20 : memref<!tpu.dma_semaphore, #tpu.memory_space<semaphore_mem>>) src(%dma_wait3A_56 : memref<10240xf32, #tpu.memory_space<hbm>>) dst(%arg9 : memref<10240xf32, #tpu.memory_space<vmem>>)
    %add3A_57 = arith.constant 3 : i32
    %add3A_58 = arith.addi %mul3A_2, %add3A_57 : i32
    %dma_wait3A_59 = arith.constant 0 : i32
    %dma_wait3A_60 = tpu.memref_slice %arg2[%add3A_58, %dma_wait3A_59] : memref<128x10240xf32, #tpu.memory_space<hbm>> -> memref<1x10240xf32, #tpu.memory_space<hbm>>
    %dma_wait3A_61 = tpu.memref_squeeze %dma_wait3A_60 : memref<1x10240xf32, #tpu.memory_space<hbm>> -> memref<10240xf32, #tpu.memory_space<hbm>>
    %dma_wait3A_62 = arith.constant 0 : i32
    %dma_wait3A_63 = tpu.memref_slice %arg2[%add3A_58, %dma_wait3A_62] : memref<128x10240xf32, #tpu.memory_space<hbm>> -> memref<1x10240xf32, #tpu.memory_space<hbm>>
    %dma_wait3A_64 = tpu.memref_squeeze %dma_wait3A_63 : memref<1x10240xf32, #tpu.memory_space<hbm>> -> memref<10240xf32, #tpu.memory_space<hbm>>
    tpu.wait_dma2 semaphore(%arg20 : memref<!tpu.dma_semaphore, #tpu.memory_space<semaphore_mem>>) src(%dma_wait3A_64 : memref<10240xf32, #tpu.memory_space<hbm>>) dst(%arg10 : memref<10240xf32, #tpu.memory_space<vmem>>)
    tpu.wait_dma2 semaphore(%arg20 : memref<!tpu.dma_semaphore, #tpu.memory_space<semaphore_mem>>) src(%arg4 : memref<10240xf32, #tpu.memory_space<hbm>>) dst(%arg15 : memref<10240xf32, #tpu.memory_space<vmem>>)
    tpu.wait_dma2 semaphore(%arg20 : memref<!tpu.dma_semaphore, #tpu.memory_space<semaphore_mem>>) src(%arg5 : memref<16xi32, #tpu.memory_space<hbm>>) dst(%arg17 : memref<16xi32, #tpu.memory_space<vmem>>)
    %get3A = arith.constant 0 : index
    %get3A_65 = tpu.vector_load %arg17[%get3A] {strides = array<i32>} : memref<16xi32, #tpu.memory_space<vmem>>, vector<16xi32>,
    %reduce_max3A = arith.constant true
    %reduce_max3A_66 = vector.broadcast %reduce_max3A : i1 to vector<16xi1>
    %reduce_max3A_67 = arith.constant -2147483648 : i32
    %reduce_max3A_68 = vector.broadcast %reduce_max3A_67 : i32 to vector<16xi32>
    %reduce_max3A_69 = arith.xori %get3A_65, %reduce_max3A_68 : vector<16xi32>
    %reduce_max3A_70 = tpu.scan <max>, %reduce_max3A_69 masked %reduce_max3A_66 : vector<16xi32>, vector<16xi1> -> vector<16xi32>
    %reduce_max3A_71 = arith.xori %reduce_max3A_70, %reduce_max3A_68 : vector<16xi32>
    %reduce_max3A_72 = vector.extract %reduce_max3A_71[15] : i32 from vector<16xi32>
    %and3A = arith.constant 255 : i32
    %and3A_73 = arith.andi %reduce_max3A_72, %and3A : i32
    %shift_right_logical3A = arith.constant 8 : i32
    %shift_right_logical3A_74 = arith.shrui %reduce_max3A_72, %shift_right_logical3A : i32
    %while3A = arith.constant 0 : i32
    %while3A_75 = arith.constant 0 : i32
    %while3A_76 = arith.subi %and3A_73, %while3A_75 : i32
    %while3A_77 = arith.addi %while3A_75, %while3A_76 : i32
    %while3A_78 = arith.constant 1 : i32
    %while3A_79 = arith.divsi %while3A_76, %while3A_78 : i32
    %while3A_80 = arith.muli %while3A_79, %while3A_78 : i32
    %while3A_81 = arith.addi %while3A_75, %while3A_80 : i32
    %while3A_82 = arith.constant 1 : i32
    scf.for %while3A_148 = %while3A_75 to %while3A_81 step %while3A_82  : i32 {
      %scan3A = arith.constant 0 : i32
      %scan3A_149 = arith.constant 640 : i32
      %scan3A_150 = arith.addi %scan3A, %scan3A_149 : i32
      %scan3A_151 = arith.constant 4 : i32
      scf.for %scan3A_191 = %scan3A to %scan3A_150 step %scan3A_151  : i32 {
        %mul3A_192 = arith.constant 16 : i32
        %mul3A_193 = arith.muli %scan3A_191, %mul3A_192 : i32
        %add3A_194 = arith.constant 0 : i32
        %add3A_195 = arith.addi %add3A_194, %mul3A_193 : i32
        %get3A_196 = arith.index_cast %add3A_195 : i32 to index
        %get3A_197 = tpu.vector_load %arg7[%get3A_196] {strides = array<i32>} : memref<10240xf32, #tpu.memory_space<vmem>>, vector<16xf32>,
        %swap3A = arith.index_cast %add3A_195 : i32 to index
        %swap3A_198 = tpu.vector_load %arg11[%swap3A] {strides = array<i32>} : memref<10240xf32, #tpu.memory_space<vmem>>, vector<16xf32>,
        tpu.vector_store %arg11[%swap3A], %get3A_197 {strides = array<i32>} : memref<10240xf32, #tpu.memory_space<vmem>>, vector<16xf32>,
        %get3A_199 = arith.index_cast %add3A_195 : i32 to index
        %get3A_200 = tpu.vector_load %arg8[%get3A_199] {strides = array<i32>} : memref<10240xf32, #tpu.memory_space<vmem>>, vector<16xf32>,
        %swap3A_201 = arith.index_cast %add3A_195 : i32 to index
        %swap3A_202 = tpu.vector_load %arg12[%swap3A_201] {strides = array<i32>} : memref<10240xf32, #tpu.memory_space<vmem>>, vector<16xf32>,
        tpu.vector_store %arg12[%swap3A_201], %get3A_200 {strides = array<i32>} : memref<10240xf32, #tpu.memory_space<vmem>>, vector<16xf32>,
        %get3A_203 = arith.index_cast %add3A_195 : i32 to index
        %get3A_204 = tpu.vector_load %arg9[%get3A_203] {strides = array<i32>} : memref<10240xf32, #tpu.memory_space<vmem>>, vector<16xf32>,
        %swap3A_205 = arith.index_cast %add3A_195 : i32 to index
        %swap3A_206 = tpu.vector_load %arg13[%swap3A_205] {strides = array<i32>} : memref<10240xf32, #tpu.memory_space<vmem>>, vector<16xf32>,
        tpu.vector_store %arg13[%swap3A_205], %get3A_204 {strides = array<i32>} : memref<10240xf32, #tpu.memory_space<vmem>>, vector<16xf32>,
        %get3A_207 = arith.index_cast %add3A_195 : i32 to index
        %get3A_208 = tpu.vector_load %arg10[%get3A_207] {strides = array<i32>} : memref<10240xf32, #tpu.memory_space<vmem>>, vector<16xf32>,
        %swap3A_209 = arith.index_cast %add3A_195 : i32 to index
        %swap3A_210 = tpu.vector_load %arg14[%swap3A_209] {strides = array<i32>} : memref<10240xf32, #tpu.memory_space<vmem>>, vector<16xf32>,
        tpu.vector_store %arg14[%swap3A_209], %get3A_208 {strides = array<i32>} : memref<10240xf32, #tpu.memory_space<vmem>>, vector<16xf32>,
        %scan3A_211 = arith.constant 1 : i32
        %scan3A_212 = arith.addi %scan3A_191, %scan3A_211 : i32
        %mul3A_213 = arith.constant 16 : i32
        %mul3A_214 = arith.muli %scan3A_212, %mul3A_213 : i32
        %add3A_215 = arith.constant 0 : i32
        %add3A_216 = arith.addi %add3A_215, %mul3A_214 : i32
        %get3A_217 = arith.index_cast %add3A_216 : i32 to index
        %get3A_218 = tpu.vector_load %arg7[%get3A_217] {strides = array<i32>} : memref<10240xf32, #tpu.memory_space<vmem>>, vector<16xf32>,
        %swap3A_219 = arith.index_cast %add3A_216 : i32 to index
        %swap3A_220 = tpu.vector_load %arg11[%swap3A_219] {strides = array<i32>} : memref<10240xf32, #tpu.memory_space<vmem>>, vector<16xf32>,
        tpu.vector_store %arg11[%swap3A_219], %get3A_218 {strides = array<i32>} : memref<10240xf32, #tpu.memory_space<vmem>>, vector<16xf32>,
        %get3A_221 = arith.index_cast %add3A_216 : i32 to index
        %get3A_222 = tpu.vector_load %arg8[%get3A_221] {strides = array<i32>} : memref<10240xf32, #tpu.memory_space<vmem>>, vector<16xf32>,
        %swap3A_223 = arith.index_cast %add3A_216 : i32 to index
        %swap3A_224 = tpu.vector_load %arg12[%swap3A_223] {strides = array<i32>} : memref<10240xf32, #tpu.memory_space<vmem>>, vector<16xf32>,
        tpu.vector_store %arg12[%swap3A_223], %get3A_222 {strides = array<i32>} : memref<10240xf32, #tpu.memory_space<vmem>>, vector<16xf32>,
        %get3A_225 = arith.index_cast %add3A_216 : i32 to index
        %get3A_226 = tpu.vector_load %arg9[%get3A_225] {strides = array<i32>} : memref<10240xf32, #tpu.memory_space<vmem>>, vector<16xf32>,
        %swap3A_227 = arith.index_cast %add3A_216 : i32 to index
        %swap3A_228 = tpu.vector_load %arg13[%swap3A_227] {strides = array<i32>} : memref<10240xf32, #tpu.memory_space<vmem>>, vector<16xf32>,
        tpu.vector_store %arg13[%swap3A_227], %get3A_226 {strides = array<i32>} : memref<10240xf32, #tpu.memory_space<vmem>>, vector<16xf32>,
        %get3A_229 = arith.index_cast %add3A_216 : i32 to index
        %get3A_230 = tpu.vector_load %arg10[%get3A_229] {strides = array<i32>} : memref<10240xf32, #tpu.memory_space<vmem>>, vector<16xf32>,
        %swap3A_231 = arith.index_cast %add3A_216 : i32 to index
        %swap3A_232 = tpu.vector_load %arg14[%swap3A_231] {strides = array<i32>} : memref<10240xf32, #tpu.memory_space<vmem>>, vector<16xf32>,
        tpu.vector_store %arg14[%swap3A_231], %get3A_230 {strides = array<i32>} : memref<10240xf32, #tpu.memory_space<vmem>>, vector<16xf32>,
        %scan3A_233 = arith.constant 2 : i32
        %scan3A_234 = arith.addi %scan3A_191, %scan3A_233 : i32
        %mul3A_235 = arith.constant 16 : i32
        %mul3A_236 = arith.muli %scan3A_234, %mul3A_235 : i32
        %add3A_237 = arith.constant 0 : i32
        %add3A_238 = arith.addi %add3A_237, %mul3A_236 : i32
        %get3A_239 = arith.index_cast %add3A_238 : i32 to index
        %get3A_240 = tpu.vector_load %arg7[%get3A_239] {strides = array<i32>} : memref<10240xf32, #tpu.memory_space<vmem>>, vector<16xf32>,
        %swap3A_241 = arith.index_cast %add3A_238 : i32 to index
        %swap3A_242 = tpu.vector_load %arg11[%swap3A_241] {strides = array<i32>} : memref<10240xf32, #tpu.memory_space<vmem>>, vector<16xf32>,
        tpu.vector_store %arg11[%swap3A_241], %get3A_240 {strides = array<i32>} : memref<10240xf32, #tpu.memory_space<vmem>>, vector<16xf32>,
        %get3A_243 = arith.index_cast %add3A_238 : i32 to index
        %get3A_244 = tpu.vector_load %arg8[%get3A_243] {strides = array<i32>} : memref<10240xf32, #tpu.memory_space<vmem>>, vector<16xf32>,
        %swap3A_245 = arith.index_cast %add3A_238 : i32 to index
        %swap3A_246 = tpu.vector_load %arg12[%swap3A_245] {strides = array<i32>} : memref<10240xf32, #tpu.memory_space<vmem>>, vector<16xf32>,
        tpu.vector_store %arg12[%swap3A_245], %get3A_244 {strides = array<i32>} : memref<10240xf32, #tpu.memory_space<vmem>>, vector<16xf32>,
        %get3A_247 = arith.index_cast %add3A_238 : i32 to index
        %get3A_248 = tpu.vector_load %arg9[%get3A_247] {strides = array<i32>} : memref<10240xf32, #tpu.memory_space<vmem>>, vector<16xf32>,
        %swap3A_249 = arith.index_cast %add3A_238 : i32 to index
        %swap3A_250 = tpu.vector_load %arg13[%swap3A_249] {strides = array<i32>} : memref<10240xf32, #tpu.memory_space<vmem>>, vector<16xf32>,
        tpu.vector_store %arg13[%swap3A_249], %get3A_248 {strides = array<i32>} : memref<10240xf32, #tpu.memory_space<vmem>>, vector<16xf32>,
        %get3A_251 = arith.index_cast %add3A_238 : i32 to index
        %get3A_252 = tpu.vector_load %arg10[%get3A_251] {strides = array<i32>} : memref<10240xf32, #tpu.memory_space<vmem>>, vector<16xf32>,
        %swap3A_253 = arith.index_cast %add3A_238 : i32 to index
        %swap3A_254 = tpu.vector_load %arg14[%swap3A_253] {strides = array<i32>} : memref<10240xf32, #tpu.memory_space<vmem>>, vector<16xf32>,
        tpu.vector_store %arg14[%swap3A_253], %get3A_252 {strides = array<i32>} : memref<10240xf32, #tpu.memory_space<vmem>>, vector<16xf32>,
        %scan3A_255 = arith.constant 3 : i32
        %scan3A_256 = arith.addi %scan3A_191, %scan3A_255 : i32
        %mul3A_257 = arith.constant 16 : i32
        %mul3A_258 = arith.muli %scan3A_256, %mul3A_257 : i32
        %add3A_259 = arith.constant 0 : i32
        %add3A_260 = arith.addi %add3A_259, %mul3A_258 : i32
        %get3A_261 = arith.index_cast %add3A_260 : i32 to index
        %get3A_262 = tpu.vector_load %arg7[%get3A_261] {strides = array<i32>} : memref<10240xf32, #tpu.memory_space<vmem>>, vector<16xf32>,
        %swap3A_263 = arith.index_cast %add3A_260 : i32 to index
        %swap3A_264 = tpu.vector_load %arg11[%swap3A_263] {strides = array<i32>} : memref<10240xf32, #tpu.memory_space<vmem>>, vector<16xf32>,
        tpu.vector_store %arg11[%swap3A_263], %get3A_262 {strides = array<i32>} : memref<10240xf32, #tpu.memory_space<vmem>>, vector<16xf32>,
        %get3A_265 = arith.index_cast %add3A_260 : i32 to index
        %get3A_266 = tpu.vector_load %arg8[%get3A_265] {strides = array<i32>} : memref<10240xf32, #tpu.memory_space<vmem>>, vector<16xf32>,
        %swap3A_267 = arith.index_cast %add3A_260 : i32 to index
        %swap3A_268 = tpu.vector_load %arg12[%swap3A_267] {strides = array<i32>} : memref<10240xf32, #tpu.memory_space<vmem>>, vector<16xf32>,
        tpu.vector_store %arg12[%swap3A_267], %get3A_266 {strides = array<i32>} : memref<10240xf32, #tpu.memory_space<vmem>>, vector<16xf32>,
        %get3A_269 = arith.index_cast %add3A_260 : i32 to index
        %get3A_270 = tpu.vector_load %arg9[%get3A_269] {strides = array<i32>} : memref<10240xf32, #tpu.memory_space<vmem>>, vector<16xf32>,
        %swap3A_271 = arith.index_cast %add3A_260 : i32 to index
        %swap3A_272 = tpu.vector_load %arg13[%swap3A_271] {strides = array<i32>} : memref<10240xf32, #tpu.memory_space<vmem>>, vector<16xf32>,
        tpu.vector_store %arg13[%swap3A_271], %get3A_270 {strides = array<i32>} : memref<10240xf32, #tpu.memory_space<vmem>>, vector<16xf32>,
        %get3A_273 = arith.index_cast %add3A_260 : i32 to index
        %get3A_274 = tpu.vector_load %arg10[%get3A_273] {strides = array<i32>} : memref<10240xf32, #tpu.memory_space<vmem>>, vector<16xf32>,
        %swap3A_275 = arith.index_cast %add3A_260 : i32 to index
        %swap3A_276 = tpu.vector_load %arg14[%swap3A_275] {strides = array<i32>} : memref<10240xf32, #tpu.memory_space<vmem>>, vector<16xf32>,
        tpu.vector_store %arg14[%swap3A_275], %get3A_274 {strides = array<i32>} : memref<10240xf32, #tpu.memory_space<vmem>>, vector<16xf32>,
      }
      %scan3A_152 = arith.constant 640 : i32
      %dma_start3A_153 = arith.constant 0 : i32
      %dma_start3A_154 = arith.constant 0 : i32
      %dma_start3A_155 = tpu.memref_slice %arg16[%dma_start3A_153, %dma_start3A_154] : memref<2x17408xi32, #tpu.memory_space<vmem>> -> memref<1x17408xi32, #tpu.memory_space<vmem>>
      %dma_start3A_156 = tpu.memref_squeeze %dma_start3A_155 : memref<1x17408xi32, #tpu.memory_space<vmem>> -> memref<17408xi32, #tpu.memory_space<vmem>>
      %dma_start3A_157 = arith.constant 0 : i32
      %dma_start3A_158 = tpu.memref_slice %arg3[%dma_start3A_157] : memref<678912xi32, #tpu.memory_space<hbm>> -> memref<17408xi32, #tpu.memory_space<hbm>>
      %dma_start3A_159 = arith.constant 0 : i32
      %dma_start3A_160 = tpu.memref_slice %arg16[%dma_start3A_153, %dma_start3A_159] : memref<2x17408xi32, #tpu.memory_space<vmem>> -> memref<1x17408xi32, #tpu.memory_space<vmem>>
      %dma_start3A_161 = tpu.memref_squeeze %dma_start3A_160 : memref<1x17408xi32, #tpu.memory_space<vmem>> -> memref<17408xi32, #tpu.memory_space<vmem>>
      %dma_start3A_162 = arith.constant 0 : i32
      %dma_start3A_163 = tpu.memref_slice %arg3[%dma_start3A_162] : memref<678912xi32, #tpu.memory_space<hbm>> -> memref<17408xi32, #tpu.memory_space<hbm>>
      tpu.enqueue_dma source(%dma_start3A_163 : memref<17408xi32, #tpu.memory_space<hbm>>) target(%dma_start3A_161 : memref<17408xi32, #tpu.memory_space<vmem>>) target_semaphore(%arg18 : memref<!tpu.dma_semaphore, #tpu.memory_space<semaphore_mem>>)
      %scan3A_164 = arith.constant 0 : i32
      %scan3A_165 = arith.constant 10 : i32
      %scan3A_166 = arith.addi %scan3A_164, %scan3A_165 : i32
      %scan3A_167 = arith.constant 1 : i32
      scf.for %scan3A_191 = %scan3A_164 to %scan3A_166 step %scan3A_167  : i32 {
        %mul3A_192 = arith.constant 2 : i32
        %mul3A_193 = arith.muli %scan3A_191, %mul3A_192 : i32
        %add3A_194 = arith.constant 0 : i32
        %add3A_195 = arith.addi %add3A_194, %mul3A_193 : i32
        %add3A_196 = arith.constant 1 : i32
        %add3A_197 = arith.addi %add3A_195, %add3A_196 : i32
        %mul3A_198 = arith.constant 17408 : i32
        %mul3A_199 = arith.muli %add3A_197, %mul3A_198 : i32
        %dma_start3A_200 = arith.constant 1 : i32
        %dma_start3A_201 = arith.constant 0 : i32
        %dma_start3A_202 = tpu.memref_slice %arg16[%dma_start3A_200, %dma_start3A_201] : memref<2x17408xi32, #tpu.memory_space<vmem>> -> memref<1x17408xi32, #tpu.memory_space<vmem>>
        %dma_start3A_203 = tpu.memref_squeeze %dma_start3A_202 : memref<1x17408xi32, #tpu.memory_space<vmem>> -> memref<17408xi32, #tpu.memory_space<vmem>>
        %dma_start3A_204 = tpu.memref_slice %arg3[%mul3A_199] : memref<678912xi32, #tpu.memory_space<hbm>> -> memref<17408xi32, #tpu.memory_space<hbm>>
        %dma_start3A_205 = arith.constant 0 : i32
        %dma_start3A_206 = tpu.memref_slice %arg16[%dma_start3A_200, %dma_start3A_205] : memref<2x17408xi32, #tpu.memory_space<vmem>> -> memref<1x17408xi32, #tpu.memory_space<vmem>>
        %dma_start3A_207 = tpu.memref_squeeze %dma_start3A_206 : memref<1x17408xi32, #tpu.memory_space<vmem>> -> memref<17408xi32, #tpu.memory_space<vmem>>
        %dma_start3A_208 = tpu.memref_slice %arg3[%mul3A_199] : memref<678912xi32, #tpu.memory_space<hbm>> -> memref<17408xi32, #tpu.memory_space<hbm>>
        tpu.enqueue_dma source(%dma_start3A_208 : memref<17408xi32, #tpu.memory_space<hbm>>) target(%dma_start3A_207 : memref<17408xi32, #tpu.memory_space<vmem>>) target_semaphore(%arg19 : memref<!tpu.dma_semaphore, #tpu.memory_space<semaphore_mem>>)
        %mul3A_209 = arith.constant 17408 : i32
        %mul3A_210 = arith.muli %add3A_195, %mul3A_209 : i32
        %dma_wait3A_211 = arith.constant 0 : i32
        %dma_wait3A_212 = arith.constant 0 : i32
        %dma_wait3A_213 = tpu.memref_slice %arg16[%dma_wait3A_211, %dma_wait3A_212] : memref<2x17408xi32, #tpu.memory_space<vmem>> -> memref<1x17408xi32, #tpu.memory_space<vmem>>
        %dma_wait3A_214 = tpu.memref_squeeze %dma_wait3A_213 : memref<1x17408xi32, #tpu.memory_space<vmem>> -> memref<17408xi32, #tpu.memory_space<vmem>>
        %dma_wait3A_215 = tpu.memref_slice %arg3[%mul3A_210] : memref<678912xi32, #tpu.memory_space<hbm>> -> memref<17408xi32, #tpu.memory_space<hbm>>
        %dma_wait3A_216 = arith.constant 0 : i32
        %dma_wait3A_217 = tpu.memref_slice %arg16[%dma_wait3A_211, %dma_wait3A_216] : memref<2x17408xi32, #tpu.memory_space<vmem>> -> memref<1x17408xi32, #tpu.memory_space<vmem>>
        %dma_wait3A_218 = tpu.memref_squeeze %dma_wait3A_217 : memref<1x17408xi32, #tpu.memory_space<vmem>> -> memref<17408xi32, #tpu.memory_space<vmem>>
        %dma_wait3A_219 = tpu.memref_slice %arg3[%mul3A_210] : memref<678912xi32, #tpu.memory_space<hbm>> -> memref<17408xi32, #tpu.memory_space<hbm>>
        tpu.wait_dma2 semaphore(%arg18 : memref<!tpu.dma_semaphore, #tpu.memory_space<semaphore_mem>>) src(%dma_wait3A_219 : memref<17408xi32, #tpu.memory_space<hbm>>) dst(%dma_wait3A_218 : memref<17408xi32, #tpu.memory_space<vmem>>)
        %parallel_loop3A = arith.constant 0 : i32
        %parallel_loop3A_220 = arith.constant 17408 : i32
        %parallel_loop3A_221 = arith.constant 16 : i32
        scf.for %parallel_loop3A_242 = %parallel_loop3A to %parallel_loop3A_220 step %parallel_loop3A_221  : i32 {
          %parallel_loop3A_243 = arith.constant 0 : i32
          %parallel_loop3A_244 = arith.index_cast %parallel_loop3A_243 : i32 to index
          %parallel_loop3A_245 = arith.index_cast %parallel_loop3A_242 : i32 to index
          %parallel_loop3A_246 = tpu.vector_load %arg16[%parallel_loop3A_244, %parallel_loop3A_245] {strides = array<i32>} : memref<2x17408xi32, #tpu.memory_space<vmem>>, vector<16xi32>,
          %parallel_loop3A_247 = arith.constant 65535 : i32
          %parallel_loop3A_248 = vector.broadcast %parallel_loop3A_247 : i32 to vector<16xi32>
          %parallel_loop3A_249 = arith.andi %parallel_loop3A_246, %parallel_loop3A_248 : vector<16xi32>
          %parallel_loop3A_250 = arith.constant 16 : i32
          %parallel_loop3A_251 = vector.broadcast %parallel_loop3A_250 : i32 to vector<16xi32>
          %parallel_loop3A_252 = arith.shrui %parallel_loop3A_246, %parallel_loop3A_251 : vector<16xi32>
          %parallel_loop3A_253 = tpu.vector_load_idx %arg7[%parallel_loop3A_249] : memref<10240xf32, #tpu.memory_space<vmem>>[vector<16xi32>], vector<16xf32>,
          %parallel_loop3A_254 = tpu.vector_load_idx %arg8[%parallel_loop3A_249] : memref<10240xf32, #tpu.memory_space<vmem>>[vector<16xi32>], vector<16xf32>,
          %parallel_loop3A_255 = tpu.vector_load_idx %arg9[%parallel_loop3A_249] : memref<10240xf32, #tpu.memory_space<vmem>>[vector<16xi32>], vector<16xf32>,
          %parallel_loop3A_256 = tpu.vector_load_idx %arg10[%parallel_loop3A_249] : memref<10240xf32, #tpu.memory_space<vmem>>[vector<16xi32>], vector<16xf32>,
          tpu.vector_store_idx %arg11[%parallel_loop3A_252], %parallel_loop3A_253 {add = true} : memref<10240xf32, #tpu.memory_space<vmem>>[vector<16xi32>], vector<16xf32>,
          tpu.vector_store_idx %arg12[%parallel_loop3A_252], %parallel_loop3A_254 {add = true} : memref<10240xf32, #tpu.memory_space<vmem>>[vector<16xi32>], vector<16xf32>,
          tpu.vector_store_idx %arg13[%parallel_loop3A_252], %parallel_loop3A_255 {add = true} : memref<10240xf32, #tpu.memory_space<vmem>>[vector<16xi32>], vector<16xf32>,
          tpu.vector_store_idx %arg14[%parallel_loop3A_252], %parallel_loop3A_256 {add = true} : memref<10240xf32, #tpu.memory_space<vmem>>[vector<16xi32>], vector<16xf32>,
        } {sc.loop_unroll_factor = 8 : i64, sc.parallel_access}
        %add3A_222 = arith.constant 2 : i32
        %add3A_223 = arith.addi %add3A_195, %add3A_222 : i32
        %lt3A = arith.constant 20 : i32
        %lt3A_224 = arith.cmpi slt, %add3A_223, %lt3A : i32
        %convert_element_type3A = arith.extui %lt3A_224 : i1 to i32
        %cond3A = arith.constant 0 : i32
        %cond3A_225 = arith.cmpi ne, %convert_element_type3A, %cond3A : i32
        scf.if %cond3A_225 {
          %add3A_242 = arith.constant 2 : i32
          %add3A_243 = arith.addi %add3A_195, %add3A_242 : i32
          %mul3A_244 = arith.constant 17408 : i32
          %mul3A_245 = arith.muli %add3A_243, %mul3A_244 : i32
          %dma_start3A_246 = arith.constant 0 : i32
          %dma_start3A_247 = arith.constant 0 : i32
          %dma_start3A_248 = tpu.memref_slice %arg16[%dma_start3A_246, %dma_start3A_247] : memref<2x17408xi32, #tpu.memory_space<vmem>> -> memref<1x17408xi32, #tpu.memory_space<vmem>>
          %dma_start3A_249 = tpu.memref_squeeze %dma_start3A_248 : memref<1x17408xi32, #tpu.memory_space<vmem>> -> memref<17408xi32, #tpu.memory_space<vmem>>
          %dma_start3A_250 = tpu.memref_slice %arg3[%mul3A_245] : memref<678912xi32, #tpu.memory_space<hbm>> -> memref<17408xi32, #tpu.memory_space<hbm>>
          %dma_start3A_251 = arith.constant 0 : i32
          %dma_start3A_252 = tpu.memref_slice %arg16[%dma_start3A_246, %dma_start3A_251] : memref<2x17408xi32, #tpu.memory_space<vmem>> -> memref<1x17408xi32, #tpu.memory_space<vmem>>
          %dma_start3A_253 = tpu.memref_squeeze %dma_start3A_252 : memref<1x17408xi32, #tpu.memory_space<vmem>> -> memref<17408xi32, #tpu.memory_space<vmem>>
          %dma_start3A_254 = tpu.memref_slice %arg3[%mul3A_245] : memref<678912xi32, #tpu.memory_space<hbm>> -> memref<17408xi32, #tpu.memory_space<hbm>>
          tpu.enqueue_dma source(%dma_start3A_254 : memref<17408xi32, #tpu.memory_space<hbm>>) target(%dma_start3A_253 : memref<17408xi32, #tpu.memory_space<vmem>>) target_semaphore(%arg18 : memref<!tpu.dma_semaphore, #tpu.memory_space<semaphore_mem>>)
        } else {
        }
        %add3A_226 = arith.constant 1 : i32
        %add3A_227 = arith.addi %add3A_195, %add3A_226 : i32
        %mul3A_228 = arith.constant 17408 : i32
        %mul3A_229 = arith.muli %add3A_227, %mul3A_228 : i32
        %dma_wait3A_230 = arith.constant 1 : i32
        %dma_wait3A_231 = arith.constant 0 : i32
        %dma_wait3A_232 = tpu.memref_slice %arg16[%dma_wait3A_230, %dma_wait3A_231] : memref<2x17408xi32, #tpu.memory_space<vmem>> -> memref<1x17408xi32, #tpu.memory_space<vmem>>
        %dma_wait3A_233 = tpu.memref_squeeze %dma_wait3A_232 : memref<1x17408xi32, #tpu.memory_space<vmem>> -> memref<17408xi32, #tpu.memory_space<vmem>>
        %dma_wait3A_234 = tpu.memref_slice %arg3[%mul3A_229] : memref<678912xi32, #tpu.memory_space<hbm>> -> memref<17408xi32, #tpu.memory_space<hbm>>
        %dma_wait3A_235 = arith.constant 0 : i32
        %dma_wait3A_236 = tpu.memref_slice %arg16[%dma_wait3A_230, %dma_wait3A_235] : memref<2x17408xi32, #tpu.memory_space<vmem>> -> memref<1x17408xi32, #tpu.memory_space<vmem>>
        %dma_wait3A_237 = tpu.memref_squeeze %dma_wait3A_236 : memref<1x17408xi32, #tpu.memory_space<vmem>> -> memref<17408xi32, #tpu.memory_space<vmem>>
        %dma_wait3A_238 = tpu.memref_slice %arg3[%mul3A_229] : memref<678912xi32, #tpu.memory_space<hbm>> -> memref<17408xi32, #tpu.memory_space<hbm>>
        tpu.wait_dma2 semaphore(%arg19 : memref<!tpu.dma_semaphore, #tpu.memory_space<semaphore_mem>>) src(%dma_wait3A_238 : memref<17408xi32, #tpu.memory_space<hbm>>) dst(%dma_wait3A_237 : memref<17408xi32, #tpu.memory_space<vmem>>)
        %parallel_loop3A_239 = arith.constant 0 : i32
        %parallel_loop3A_240 = arith.constant 17408 : i32
        %parallel_loop3A_241 = arith.constant 16 : i32
        scf.for %parallel_loop3A_242 = %parallel_loop3A_239 to %parallel_loop3A_240 step %parallel_loop3A_241  : i32 {
          %parallel_loop3A_243 = arith.constant 1 : i32
          %parallel_loop3A_244 = arith.index_cast %parallel_loop3A_243 : i32 to index
          %parallel_loop3A_245 = arith.index_cast %parallel_loop3A_242 : i32 to index
          %parallel_loop3A_246 = tpu.vector_load %arg16[%parallel_loop3A_244, %parallel_loop3A_245] {strides = array<i32>} : memref<2x17408xi32, #tpu.memory_space<vmem>>, vector<16xi32>,
          %parallel_loop3A_247 = arith.constant 65535 : i32
          %parallel_loop3A_248 = vector.broadcast %parallel_loop3A_247 : i32 to vector<16xi32>
          %parallel_loop3A_249 = arith.andi %parallel_loop3A_246, %parallel_loop3A_248 : vector<16xi32>
          %parallel_loop3A_250 = arith.constant 16 : i32
          %parallel_loop3A_251 = vector.broadcast %parallel_loop3A_250 : i32 to vector<16xi32>
          %parallel_loop3A_252 = arith.shrui %parallel_loop3A_246, %parallel_loop3A_251 : vector<16xi32>
          %parallel_loop3A_253 = tpu.vector_load_idx %arg7[%parallel_loop3A_249] : memref<10240xf32, #tpu.memory_space<vmem>>[vector<16xi32>], vector<16xf32>,
          %parallel_loop3A_254 = tpu.vector_load_idx %arg8[%parallel_loop3A_249] : memref<10240xf32, #tpu.memory_space<vmem>>[vector<16xi32>], vector<16xf32>,
          %parallel_loop3A_255 = tpu.vector_load_idx %arg9[%parallel_loop3A_249] : memref<10240xf32, #tpu.memory_space<vmem>>[vector<16xi32>], vector<16xf32>,
          %parallel_loop3A_256 = tpu.vector_load_idx %arg10[%parallel_loop3A_249] : memref<10240xf32, #tpu.memory_space<vmem>>[vector<16xi32>], vector<16xf32>,
          tpu.vector_store_idx %arg11[%parallel_loop3A_252], %parallel_loop3A_253 {add = true} : memref<10240xf32, #tpu.memory_space<vmem>>[vector<16xi32>], vector<16xf32>,
          tpu.vector_store_idx %arg12[%parallel_loop3A_252], %parallel_loop3A_254 {add = true} : memref<10240xf32, #tpu.memory_space<vmem>>[vector<16xi32>], vector<16xf32>,
          tpu.vector_store_idx %arg13[%parallel_loop3A_252], %parallel_loop3A_255 {add = true} : memref<10240xf32, #tpu.memory_space<vmem>>[vector<16xi32>], vector<16xf32>,
          tpu.vector_store_idx %arg14[%parallel_loop3A_252], %parallel_loop3A_256 {add = true} : memref<10240xf32, #tpu.memory_space<vmem>>[vector<16xi32>], vector<16xf32>,
        } {sc.loop_unroll_factor = 8 : i64, sc.parallel_access}
      }
      %scan3A_168 = arith.constant 10 : i32
      %sub3A = arith.constant 0 : i32
      %sub3A_169 = arith.subi %shift_right_logical3A_74, %sub3A : i32
      %sub3A_170 = arith.constant 1 : i32
      %sub3A_171 = arith.constant 1 : i32
      %sub3A_172 = arith.subi %sub3A_170, %sub3A_171 : i32
      %add3A_173 = arith.addi %sub3A_169, %sub3A_172 : i32
      %div3A = arith.constant 1 : i32
      %div3A_174 = arith.divsi %add3A_173, %div3A : i32
      %while3A_175 = arith.constant 1 : i32
      %while3A_176 = arith.constant 0 : i32
      %while3A_177 = arith.constant 0 : i32
      %while3A_178 = arith.subi %div3A_174, %while3A_177 : i32
      %while3A_179 = arith.addi %while3A_177, %while3A_178 : i32
      %while3A_180 = arith.constant 1 : i32
      %while3A_181 = arith.divsi %while3A_178, %while3A_180 : i32
      %while3A_182 = arith.muli %while3A_181, %while3A_180 : i32
      %while3A_183 = arith.addi %while3A_177, %while3A_182 : i32
      %while3A_184 = arith.constant 1 : i32
      scf.for %while3A_191 = %while3A_177 to %while3A_183 step %while3A_184  : i32 {
        %mul3A_192 = arith.muli %while3A_191, %while3A_175 : i32
        %add3A_193 = arith.addi %while3A_176, %mul3A_192 : i32
        %mul3A_194 = arith.constant 17408 : i32
        %mul3A_195 = arith.muli %add3A_193, %mul3A_194 : i32
        %add3A_196 = arith.constant 348160 : i32
        %add3A_197 = arith.addi %add3A_196, %mul3A_195 : i32
        %run_scoped3A = arith.constant 0 : i32
        "tpu.region"() ({
          %run_scoped3A_200 = tpu.sem_alloc : memref<!tpu.dma_semaphore, #tpu.memory_space<semaphore_mem>>
          %dma_start3A_201 = arith.constant 0 : i32
          %dma_start3A_202 = tpu.memref_slice %arg16[%run_scoped3A, %dma_start3A_201] : memref<2x17408xi32, #tpu.memory_space<vmem>> -> memref<1x17408xi32, #tpu.memory_space<vmem>>
          %dma_start3A_203 = tpu.memref_squeeze %dma_start3A_202 : memref<1x17408xi32, #tpu.memory_space<vmem>> -> memref<17408xi32, #tpu.memory_space<vmem>>
          %dma_start3A_204 = tpu.memref_slice %arg3[%add3A_197] : memref<678912xi32, #tpu.memory_space<hbm>> -> memref<17408xi32, #tpu.memory_space<hbm>>
          %dma_start3A_205 = arith.constant 0 : i32
          %dma_start3A_206 = tpu.memref_slice %arg16[%run_scoped3A, %dma_start3A_205] : memref<2x17408xi32, #tpu.memory_space<vmem>> -> memref<1x17408xi32, #tpu.memory_space<vmem>>
          %dma_start3A_207 = tpu.memref_squeeze %dma_start3A_206 : memref<1x17408xi32, #tpu.memory_space<vmem>> -> memref<17408xi32, #tpu.memory_space<vmem>>
          %dma_start3A_208 = tpu.memref_slice %arg3[%add3A_197] : memref<678912xi32, #tpu.memory_space<hbm>> -> memref<17408xi32, #tpu.memory_space<hbm>>
          tpu.enqueue_dma source(%dma_start3A_208 : memref<17408xi32, #tpu.memory_space<hbm>>) target(%dma_start3A_207 : memref<17408xi32, #tpu.memory_space<vmem>>) target_semaphore(%run_scoped3A_200 : memref<!tpu.dma_semaphore, #tpu.memory_space<semaphore_mem>>)
          %dma_wait3A_209 = arith.constant 0 : i32
          %dma_wait3A_210 = tpu.memref_slice %arg16[%run_scoped3A, %dma_wait3A_209] : memref<2x17408xi32, #tpu.memory_space<vmem>> -> memref<1x17408xi32, #tpu.memory_space<vmem>>
          %dma_wait3A_211 = tpu.memref_squeeze %dma_wait3A_210 : memref<1x17408xi32, #tpu.memory_space<vmem>> -> memref<17408xi32, #tpu.memory_space<vmem>>
          %dma_wait3A_212 = tpu.memref_slice %arg3[%add3A_197] : memref<678912xi32, #tpu.memory_space<hbm>> -> memref<17408xi32, #tpu.memory_space<hbm>>
          %dma_wait3A_213 = arith.constant 0 : i32
          %dma_wait3A_214 = tpu.memref_slice %arg16[%run_scoped3A, %dma_wait3A_213] : memref<2x17408xi32, #tpu.memory_space<vmem>> -> memref<1x17408xi32, #tpu.memory_space<vmem>>
          %dma_wait3A_215 = tpu.memref_squeeze %dma_wait3A_214 : memref<1x17408xi32, #tpu.memory_space<vmem>> -> memref<17408xi32, #tpu.memory_space<vmem>>
          %dma_wait3A_216 = tpu.memref_slice %arg3[%add3A_197] : memref<678912xi32, #tpu.memory_space<hbm>> -> memref<17408xi32, #tpu.memory_space<hbm>>
          tpu.wait_dma2 semaphore(%run_scoped3A_200 : memref<!tpu.dma_semaphore, #tpu.memory_space<semaphore_mem>>) src(%dma_wait3A_216 : memref<17408xi32, #tpu.memory_space<hbm>>) dst(%dma_wait3A_215 : memref<17408xi32, #tpu.memory_space<vmem>>)
          tpu.yield
        }) : () -> ()
        %parallel_loop3A = arith.constant 0 : i32
        %parallel_loop3A_198 = arith.constant 17408 : i32
        %parallel_loop3A_199 = arith.constant 16 : i32
        scf.for %parallel_loop3A_200 = %parallel_loop3A to %parallel_loop3A_198 step %parallel_loop3A_199  : i32 {
          %parallel_loop3A_201 = arith.constant 0 : i32
          %parallel_loop3A_202 = arith.index_cast %parallel_loop3A_201 : i32 to index
          %parallel_loop3A_203 = arith.index_cast %parallel_loop3A_200 : i32 to index
          %parallel_loop3A_204 = tpu.vector_load %arg16[%parallel_loop3A_202, %parallel_loop3A_203] {strides = array<i32>} : memref<2x17408xi32, #tpu.memory_space<vmem>>, vector<16xi32>,
          %parallel_loop3A_205 = arith.constant 65535 : i32
          %parallel_loop3A_206 = vector.broadcast %parallel_loop3A_205 : i32 to vector<16xi32>
          %parallel_loop3A_207 = arith.andi %parallel_loop3A_204, %parallel_loop3A_206 : vector<16xi32>
          %parallel_loop3A_208 = arith.constant 16 : i32
          %parallel_loop3A_209 = vector.broadcast %parallel_loop3A_208 : i32 to vector<16xi32>
          %parallel_loop3A_210 = arith.shrui %parallel_loop3A_204, %parallel_loop3A_209 : vector<16xi32>
          %parallel_loop3A_211 = tpu.vector_load_idx %arg7[%parallel_loop3A_207] : memref<10240xf32, #tpu.memory_space<vmem>>[vector<16xi32>], vector<16xf32>,
          %parallel_loop3A_212 = tpu.vector_load_idx %arg8[%parallel_loop3A_207] : memref<10240xf32, #tpu.memory_space<vmem>>[vector<16xi32>], vector<16xf32>,
          %parallel_loop3A_213 = tpu.vector_load_idx %arg9[%parallel_loop3A_207] : memref<10240xf32, #tpu.memory_space<vmem>>[vector<16xi32>], vector<16xf32>,
          %parallel_loop3A_214 = tpu.vector_load_idx %arg10[%parallel_loop3A_207] : memref<10240xf32, #tpu.memory_space<vmem>>[vector<16xi32>], vector<16xf32>,
          tpu.vector_store_idx %arg11[%parallel_loop3A_210], %parallel_loop3A_211 {add = true} : memref<10240xf32, #tpu.memory_space<vmem>>[vector<16xi32>], vector<16xf32>,
          tpu.vector_store_idx %arg12[%parallel_loop3A_210], %parallel_loop3A_212 {add = true} : memref<10240xf32, #tpu.memory_space<vmem>>[vector<16xi32>], vector<16xf32>,
          tpu.vector_store_idx %arg13[%parallel_loop3A_210], %parallel_loop3A_213 {add = true} : memref<10240xf32, #tpu.memory_space<vmem>>[vector<16xi32>], vector<16xf32>,
          tpu.vector_store_idx %arg14[%parallel_loop3A_210], %parallel_loop3A_214 {add = true} : memref<10240xf32, #tpu.memory_space<vmem>>[vector<16xi32>], vector<16xf32>,
        } {sc.loop_unroll_factor = 8 : i64, sc.parallel_access}
      }
      %while3A_185 = arith.constant 1 : i32
      scf.for %while3A_191 = %while3A_183 to %while3A_179 step %while3A_185  : i32 {
        %mul3A_192 = arith.muli %while3A_191, %while3A_175 : i32
        %add3A_193 = arith.addi %while3A_176, %mul3A_192 : i32
        %mul3A_194 = arith.constant 17408 : i32
        %mul3A_195 = arith.muli %add3A_193, %mul3A_194 : i32
        %add3A_196 = arith.constant 348160 : i32
        %add3A_197 = arith.addi %add3A_196, %mul3A_195 : i32
        %run_scoped3A = arith.constant 0 : i32
        "tpu.region"() ({
          %run_scoped3A_200 = tpu.sem_alloc : memref<!tpu.dma_semaphore, #tpu.memory_space<semaphore_mem>>
          %dma_start3A_201 = arith.constant 0 : i32
          %dma_start3A_202 = tpu.memref_slice %arg16[%run_scoped3A, %dma_start3A_201] : memref<2x17408xi32, #tpu.memory_space<vmem>> -> memref<1x17408xi32, #tpu.memory_space<vmem>>
          %dma_start3A_203 = tpu.memref_squeeze %dma_start3A_202 : memref<1x17408xi32, #tpu.memory_space<vmem>> -> memref<17408xi32, #tpu.memory_space<vmem>>
          %dma_start3A_204 = tpu.memref_slice %arg3[%add3A_197] : memref<678912xi32, #tpu.memory_space<hbm>> -> memref<17408xi32, #tpu.memory_space<hbm>>
          %dma_start3A_205 = arith.constant 0 : i32
          %dma_start3A_206 = tpu.memref_slice %arg16[%run_scoped3A, %dma_start3A_205] : memref<2x17408xi32, #tpu.memory_space<vmem>> -> memref<1x17408xi32, #tpu.memory_space<vmem>>
          %dma_start3A_207 = tpu.memref_squeeze %dma_start3A_206 : memref<1x17408xi32, #tpu.memory_space<vmem>> -> memref<17408xi32, #tpu.memory_space<vmem>>
          %dma_start3A_208 = tpu.memref_slice %arg3[%add3A_197] : memref<678912xi32, #tpu.memory_space<hbm>> -> memref<17408xi32, #tpu.memory_space<hbm>>
          tpu.enqueue_dma source(%dma_start3A_208 : memref<17408xi32, #tpu.memory_space<hbm>>) target(%dma_start3A_207 : memref<17408xi32, #tpu.memory_space<vmem>>) target_semaphore(%run_scoped3A_200 : memref<!tpu.dma_semaphore, #tpu.memory_space<semaphore_mem>>)
          %dma_wait3A_209 = arith.constant 0 : i32
          %dma_wait3A_210 = tpu.memref_slice %arg16[%run_scoped3A, %dma_wait3A_209] : memref<2x17408xi32, #tpu.memory_space<vmem>> -> memref<1x17408xi32, #tpu.memory_space<vmem>>
          %dma_wait3A_211 = tpu.memref_squeeze %dma_wait3A_210 : memref<1x17408xi32, #tpu.memory_space<vmem>> -> memref<17408xi32, #tpu.memory_space<vmem>>
          %dma_wait3A_212 = tpu.memref_slice %arg3[%add3A_197] : memref<678912xi32, #tpu.memory_space<hbm>> -> memref<17408xi32, #tpu.memory_space<hbm>>
          %dma_wait3A_213 = arith.constant 0 : i32
          %dma_wait3A_214 = tpu.memref_slice %arg16[%run_scoped3A, %dma_wait3A_213] : memref<2x17408xi32, #tpu.memory_space<vmem>> -> memref<1x17408xi32, #tpu.memory_space<vmem>>
          %dma_wait3A_215 = tpu.memref_squeeze %dma_wait3A_214 : memref<1x17408xi32, #tpu.memory_space<vmem>> -> memref<17408xi32, #tpu.memory_space<vmem>>
          %dma_wait3A_216 = tpu.memref_slice %arg3[%add3A_197] : memref<678912xi32, #tpu.memory_space<hbm>> -> memref<17408xi32, #tpu.memory_space<hbm>>
          tpu.wait_dma2 semaphore(%run_scoped3A_200 : memref<!tpu.dma_semaphore, #tpu.memory_space<semaphore_mem>>) src(%dma_wait3A_216 : memref<17408xi32, #tpu.memory_space<hbm>>) dst(%dma_wait3A_215 : memref<17408xi32, #tpu.memory_space<vmem>>)
          tpu.yield
        }) : () -> ()
        %parallel_loop3A = arith.constant 0 : i32
        %parallel_loop3A_198 = arith.constant 17408 : i32
        %parallel_loop3A_199 = arith.constant 16 : i32
        scf.for %parallel_loop3A_200 = %parallel_loop3A to %parallel_loop3A_198 step %parallel_loop3A_199  : i32 {
          %parallel_loop3A_201 = arith.constant 0 : i32
          %parallel_loop3A_202 = arith.index_cast %parallel_loop3A_201 : i32 to index
          %parallel_loop3A_203 = arith.index_cast %parallel_loop3A_200 : i32 to index
          %parallel_loop3A_204 = tpu.vector_load %arg16[%parallel_loop3A_202, %parallel_loop3A_203] {strides = array<i32>} : memref<2x17408xi32, #tpu.memory_space<vmem>>, vector<16xi32>,
          %parallel_loop3A_205 = arith.constant 65535 : i32
          %parallel_loop3A_206 = vector.broadcast %parallel_loop3A_205 : i32 to vector<16xi32>
          %parallel_loop3A_207 = arith.andi %parallel_loop3A_204, %parallel_loop3A_206 : vector<16xi32>
          %parallel_loop3A_208 = arith.constant 16 : i32
          %parallel_loop3A_209 = vector.broadcast %parallel_loop3A_208 : i32 to vector<16xi32>
          %parallel_loop3A_210 = arith.shrui %parallel_loop3A_204, %parallel_loop3A_209 : vector<16xi32>
          %parallel_loop3A_211 = tpu.vector_load_idx %arg7[%parallel_loop3A_207] : memref<10240xf32, #tpu.memory_space<vmem>>[vector<16xi32>], vector<16xf32>,
          %parallel_loop3A_212 = tpu.vector_load_idx %arg8[%parallel_loop3A_207] : memref<10240xf32, #tpu.memory_space<vmem>>[vector<16xi32>], vector<16xf32>,
          %parallel_loop3A_213 = tpu.vector_load_idx %arg9[%parallel_loop3A_207] : memref<10240xf32, #tpu.memory_space<vmem>>[vector<16xi32>], vector<16xf32>,
          %parallel_loop3A_214 = tpu.vector_load_idx %arg10[%parallel_loop3A_207] : memref<10240xf32, #tpu.memory_space<vmem>>[vector<16xi32>], vector<16xf32>,
          tpu.vector_store_idx %arg11[%parallel_loop3A_210], %parallel_loop3A_211 {add = true} : memref<10240xf32, #tpu.memory_space<vmem>>[vector<16xi32>], vector<16xf32>,
          tpu.vector_store_idx %arg12[%parallel_loop3A_210], %parallel_loop3A_212 {add = true} : memref<10240xf32, #tpu.memory_space<vmem>>[vector<16xi32>], vector<16xf32>,
          tpu.vector_store_idx %arg13[%parallel_loop3A_210], %parallel_loop3A_213 {add = true} : memref<10240xf32, #tpu.memory_space<vmem>>[vector<16xi32>], vector<16xf32>,
          tpu.vector_store_idx %arg14[%parallel_loop3A_210], %parallel_loop3A_214 {add = true} : memref<10240xf32, #tpu.memory_space<vmem>>[vector<16xi32>], vector<16xf32>,
        } {sc.loop_unroll_factor = 8 : i64, sc.parallel_access}
      }
      %scan3A_186 = arith.constant 0 : i32
      %scan3A_187 = arith.constant 640 : i32
      %scan3A_188 = arith.addi %scan3A_186, %scan3A_187 : i32
      %scan3A_189 = arith.constant 4 : i32
      scf.for %scan3A_191 = %scan3A_186 to %scan3A_188 step %scan3A_189  : i32 {
        %mul3A_192 = arith.constant 16 : i32
        %mul3A_193 = arith.muli %scan3A_191, %mul3A_192 : i32
        %add3A_194 = arith.constant 0 : i32
        %add3A_195 = arith.addi %add3A_194, %mul3A_193 : i32
        %get3A_196 = arith.index_cast %add3A_195 : i32 to index
        %get3A_197 = tpu.vector_load %arg15[%get3A_196] {strides = array<i32>} : memref<10240xf32, #tpu.memory_space<vmem>>, vector<16xf32>,
        %get3A_198 = arith.index_cast %add3A_195 : i32 to index
        %get3A_199 = tpu.vector_load %arg11[%get3A_198] {strides = array<i32>} : memref<10240xf32, #tpu.memory_space<vmem>>, vector<16xf32>,
        %mul3A_200 = arith.mulf %get3A_199, %get3A_197 : vector<16xf32>
        %swap3A = arith.index_cast %add3A_195 : i32 to index
        %swap3A_201 = tpu.vector_load %arg7[%swap3A] {strides = array<i32>} : memref<10240xf32, #tpu.memory_space<vmem>>, vector<16xf32>,
        tpu.vector_store %arg7[%swap3A], %mul3A_200 {strides = array<i32>} : memref<10240xf32, #tpu.memory_space<vmem>>, vector<16xf32>,
        %get3A_202 = arith.index_cast %add3A_195 : i32 to index
        %get3A_203 = tpu.vector_load %arg12[%get3A_202] {strides = array<i32>} : memref<10240xf32, #tpu.memory_space<vmem>>, vector<16xf32>,
        %mul3A_204 = arith.mulf %get3A_203, %get3A_197 : vector<16xf32>
        %swap3A_205 = arith.index_cast %add3A_195 : i32 to index
        %swap3A_206 = tpu.vector_load %arg8[%swap3A_205] {strides = array<i32>} : memref<10240xf32, #tpu.memory_space<vmem>>, vector<16xf32>,
        tpu.vector_store %arg8[%swap3A_205], %mul3A_204 {strides = array<i32>} : memref<10240xf32, #tpu.memory_space<vmem>>, vector<16xf32>,
        %get3A_207 = arith.index_cast %add3A_195 : i32 to index
        %get3A_208 = tpu.vector_load %arg13[%get3A_207] {strides = array<i32>} : memref<10240xf32, #tpu.memory_space<vmem>>, vector<16xf32>,
        %mul3A_209 = arith.mulf %get3A_208, %get3A_197 : vector<16xf32>
        %swap3A_210 = arith.index_cast %add3A_195 : i32 to index
        %swap3A_211 = tpu.vector_load %arg9[%swap3A_210] {strides = array<i32>} : memref<10240xf32, #tpu.memory_space<vmem>>, vector<16xf32>,
        tpu.vector_store %arg9[%swap3A_210], %mul3A_209 {strides = array<i32>} : memref<10240xf32, #tpu.memory_space<vmem>>, vector<16xf32>,
        %get3A_212 = arith.index_cast %add3A_195 : i32 to index
        %get3A_213 = tpu.vector_load %arg14[%get3A_212] {strides = array<i32>} : memref<10240xf32, #tpu.memory_space<vmem>>, vector<16xf32>,
        %mul3A_214 = arith.mulf %get3A_213, %get3A_197 : vector<16xf32>
        %swap3A_215 = arith.index_cast %add3A_195 : i32 to index
        %swap3A_216 = tpu.vector_load %arg10[%swap3A_215] {strides = array<i32>} : memref<10240xf32, #tpu.memory_space<vmem>>, vector<16xf32>,
        tpu.vector_store %arg10[%swap3A_215], %mul3A_214 {strides = array<i32>} : memref<10240xf32, #tpu.memory_space<vmem>>, vector<16xf32>,
        %scan3A_217 = arith.constant 1 : i32
        %scan3A_218 = arith.addi %scan3A_191, %scan3A_217 : i32
        %mul3A_219 = arith.constant 16 : i32
        %mul3A_220 = arith.muli %scan3A_218, %mul3A_219 : i32
        %add3A_221 = arith.constant 0 : i32
        %add3A_222 = arith.addi %add3A_221, %mul3A_220 : i32
        %get3A_223 = arith.index_cast %add3A_222 : i32 to index
        %get3A_224 = tpu.vector_load %arg15[%get3A_223] {strides = array<i32>} : memref<10240xf32, #tpu.memory_space<vmem>>, vector<16xf32>,
        %get3A_225 = arith.index_cast %add3A_222 : i32 to index
        %get3A_226 = tpu.vector_load %arg11[%get3A_225] {strides = array<i32>} : memref<10240xf32, #tpu.memory_space<vmem>>, vector<16xf32>,
        %mul3A_227 = arith.mulf %get3A_226, %get3A_224 : vector<16xf32>
        %swap3A_228 = arith.index_cast %add3A_222 : i32 to index
        %swap3A_229 = tpu.vector_load %arg7[%swap3A_228] {strides = array<i32>} : memref<10240xf32, #tpu.memory_space<vmem>>, vector<16xf32>,
        tpu.vector_store %arg7[%swap3A_228], %mul3A_227 {strides = array<i32>} : memref<10240xf32, #tpu.memory_space<vmem>>, vector<16xf32>,
        %get3A_230 = arith.index_cast %add3A_222 : i32 to index
        %get3A_231 = tpu.vector_load %arg12[%get3A_230] {strides = array<i32>} : memref<10240xf32, #tpu.memory_space<vmem>>, vector<16xf32>,
        %mul3A_232 = arith.mulf %get3A_231, %get3A_224 : vector<16xf32>
        %swap3A_233 = arith.index_cast %add3A_222 : i32 to index
        %swap3A_234 = tpu.vector_load %arg8[%swap3A_233] {strides = array<i32>} : memref<10240xf32, #tpu.memory_space<vmem>>, vector<16xf32>,
        tpu.vector_store %arg8[%swap3A_233], %mul3A_232 {strides = array<i32>} : memref<10240xf32, #tpu.memory_space<vmem>>, vector<16xf32>,
        %get3A_235 = arith.index_cast %add3A_222 : i32 to index
        %get3A_236 = tpu.vector_load %arg13[%get3A_235] {strides = array<i32>} : memref<10240xf32, #tpu.memory_space<vmem>>, vector<16xf32>,
        %mul3A_237 = arith.mulf %get3A_236, %get3A_224 : vector<16xf32>
        %swap3A_238 = arith.index_cast %add3A_222 : i32 to index
        %swap3A_239 = tpu.vector_load %arg9[%swap3A_238] {strides = array<i32>} : memref<10240xf32, #tpu.memory_space<vmem>>, vector<16xf32>,
        tpu.vector_store %arg9[%swap3A_238], %mul3A_237 {strides = array<i32>} : memref<10240xf32, #tpu.memory_space<vmem>>, vector<16xf32>,
        %get3A_240 = arith.index_cast %add3A_222 : i32 to index
        %get3A_241 = tpu.vector_load %arg14[%get3A_240] {strides = array<i32>} : memref<10240xf32, #tpu.memory_space<vmem>>, vector<16xf32>,
        %mul3A_242 = arith.mulf %get3A_241, %get3A_224 : vector<16xf32>
        %swap3A_243 = arith.index_cast %add3A_222 : i32 to index
        %swap3A_244 = tpu.vector_load %arg10[%swap3A_243] {strides = array<i32>} : memref<10240xf32, #tpu.memory_space<vmem>>, vector<16xf32>,
        tpu.vector_store %arg10[%swap3A_243], %mul3A_242 {strides = array<i32>} : memref<10240xf32, #tpu.memory_space<vmem>>, vector<16xf32>,
        %scan3A_245 = arith.constant 2 : i32
        %scan3A_246 = arith.addi %scan3A_191, %scan3A_245 : i32
        %mul3A_247 = arith.constant 16 : i32
        %mul3A_248 = arith.muli %scan3A_246, %mul3A_247 : i32
        %add3A_249 = arith.constant 0 : i32
        %add3A_250 = arith.addi %add3A_249, %mul3A_248 : i32
        %get3A_251 = arith.index_cast %add3A_250 : i32 to index
        %get3A_252 = tpu.vector_load %arg15[%get3A_251] {strides = array<i32>} : memref<10240xf32, #tpu.memory_space<vmem>>, vector<16xf32>,
        %get3A_253 = arith.index_cast %add3A_250 : i32 to index
        %get3A_254 = tpu.vector_load %arg11[%get3A_253] {strides = array<i32>} : memref<10240xf32, #tpu.memory_space<vmem>>, vector<16xf32>,
        %mul3A_255 = arith.mulf %get3A_254, %get3A_252 : vector<16xf32>
        %swap3A_256 = arith.index_cast %add3A_250 : i32 to index
        %swap3A_257 = tpu.vector_load %arg7[%swap3A_256] {strides = array<i32>} : memref<10240xf32, #tpu.memory_space<vmem>>, vector<16xf32>,
        tpu.vector_store %arg7[%swap3A_256], %mul3A_255 {strides = array<i32>} : memref<10240xf32, #tpu.memory_space<vmem>>, vector<16xf32>,
        %get3A_258 = arith.index_cast %add3A_250 : i32 to index
        %get3A_259 = tpu.vector_load %arg12[%get3A_258] {strides = array<i32>} : memref<10240xf32, #tpu.memory_space<vmem>>, vector<16xf32>,
        %mul3A_260 = arith.mulf %get3A_259, %get3A_252 : vector<16xf32>
        %swap3A_261 = arith.index_cast %add3A_250 : i32 to index
        %swap3A_262 = tpu.vector_load %arg8[%swap3A_261] {strides = array<i32>} : memref<10240xf32, #tpu.memory_space<vmem>>, vector<16xf32>,
        tpu.vector_store %arg8[%swap3A_261], %mul3A_260 {strides = array<i32>} : memref<10240xf32, #tpu.memory_space<vmem>>, vector<16xf32>,
        %get3A_263 = arith.index_cast %add3A_250 : i32 to index
        %get3A_264 = tpu.vector_load %arg13[%get3A_263] {strides = array<i32>} : memref<10240xf32, #tpu.memory_space<vmem>>, vector<16xf32>,
        %mul3A_265 = arith.mulf %get3A_264, %get3A_252 : vector<16xf32>
        %swap3A_266 = arith.index_cast %add3A_250 : i32 to index
        %swap3A_267 = tpu.vector_load %arg9[%swap3A_266] {strides = array<i32>} : memref<10240xf32, #tpu.memory_space<vmem>>, vector<16xf32>,
        tpu.vector_store %arg9[%swap3A_266], %mul3A_265 {strides = array<i32>} : memref<10240xf32, #tpu.memory_space<vmem>>, vector<16xf32>,
        %get3A_268 = arith.index_cast %add3A_250 : i32 to index
        %get3A_269 = tpu.vector_load %arg14[%get3A_268] {strides = array<i32>} : memref<10240xf32, #tpu.memory_space<vmem>>, vector<16xf32>,
        %mul3A_270 = arith.mulf %get3A_269, %get3A_252 : vector<16xf32>
        %swap3A_271 = arith.index_cast %add3A_250 : i32 to index
        %swap3A_272 = tpu.vector_load %arg10[%swap3A_271] {strides = array<i32>} : memref<10240xf32, #tpu.memory_space<vmem>>, vector<16xf32>,
        tpu.vector_store %arg10[%swap3A_271], %mul3A_270 {strides = array<i32>} : memref<10240xf32, #tpu.memory_space<vmem>>, vector<16xf32>,
        %scan3A_273 = arith.constant 3 : i32
        %scan3A_274 = arith.addi %scan3A_191, %scan3A_273 : i32
        %mul3A_275 = arith.constant 16 : i32
        %mul3A_276 = arith.muli %scan3A_274, %mul3A_275 : i32
        %add3A_277 = arith.constant 0 : i32
        %add3A_278 = arith.addi %add3A_277, %mul3A_276 : i32
        %get3A_279 = arith.index_cast %add3A_278 : i32 to index
        %get3A_280 = tpu.vector_load %arg15[%get3A_279] {strides = array<i32>} : memref<10240xf32, #tpu.memory_space<vmem>>, vector<16xf32>,
        %get3A_281 = arith.index_cast %add3A_278 : i32 to index
        %get3A_282 = tpu.vector_load %arg11[%get3A_281] {strides = array<i32>} : memref<10240xf32, #tpu.memory_space<vmem>>, vector<16xf32>,
        %mul3A_283 = arith.mulf %get3A_282, %get3A_280 : vector<16xf32>
        %swap3A_284 = arith.index_cast %add3A_278 : i32 to index
        %swap3A_285 = tpu.vector_load %arg7[%swap3A_284] {strides = array<i32>} : memref<10240xf32, #tpu.memory_space<vmem>>, vector<16xf32>,
        tpu.vector_store %arg7[%swap3A_284], %mul3A_283 {strides = array<i32>} : memref<10240xf32, #tpu.memory_space<vmem>>, vector<16xf32>,
        %get3A_286 = arith.index_cast %add3A_278 : i32 to index
        %get3A_287 = tpu.vector_load %arg12[%get3A_286] {strides = array<i32>} : memref<10240xf32, #tpu.memory_space<vmem>>, vector<16xf32>,
        %mul3A_288 = arith.mulf %get3A_287, %get3A_280 : vector<16xf32>
        %swap3A_289 = arith.index_cast %add3A_278 : i32 to index
        %swap3A_290 = tpu.vector_load %arg8[%swap3A_289] {strides = array<i32>} : memref<10240xf32, #tpu.memory_space<vmem>>, vector<16xf32>,
        tpu.vector_store %arg8[%swap3A_289], %mul3A_288 {strides = array<i32>} : memref<10240xf32, #tpu.memory_space<vmem>>, vector<16xf32>,
        %get3A_291 = arith.index_cast %add3A_278 : i32 to index
        %get3A_292 = tpu.vector_load %arg13[%get3A_291] {strides = array<i32>} : memref<10240xf32, #tpu.memory_space<vmem>>, vector<16xf32>,
        %mul3A_293 = arith.mulf %get3A_292, %get3A_280 : vector<16xf32>
        %swap3A_294 = arith.index_cast %add3A_278 : i32 to index
        %swap3A_295 = tpu.vector_load %arg9[%swap3A_294] {strides = array<i32>} : memref<10240xf32, #tpu.memory_space<vmem>>, vector<16xf32>,
        tpu.vector_store %arg9[%swap3A_294], %mul3A_293 {strides = array<i32>} : memref<10240xf32, #tpu.memory_space<vmem>>, vector<16xf32>,
        %get3A_296 = arith.index_cast %add3A_278 : i32 to index
        %get3A_297 = tpu.vector_load %arg14[%get3A_296] {strides = array<i32>} : memref<10240xf32, #tpu.memory_space<vmem>>, vector<16xf32>,
        %mul3A_298 = arith.mulf %get3A_297, %get3A_280 : vector<16xf32>
        %swap3A_299 = arith.index_cast %add3A_278 : i32 to index
        %swap3A_300 = tpu.vector_load %arg10[%swap3A_299] {strides = array<i32>} : memref<10240xf32, #tpu.memory_space<vmem>>, vector<16xf32>,
        tpu.vector_store %arg10[%swap3A_299], %mul3A_298 {strides = array<i32>} : memref<10240xf32, #tpu.memory_space<vmem>>, vector<16xf32>,
      }
      %scan3A_190 = arith.constant 640 : i32
    }
    %while3A_83 = arith.constant 1 : i32
    scf.for %while3A_148 = %while3A_81 to %while3A_77 step %while3A_83  : i32 {
      %scan3A = arith.constant 0 : i32
      %scan3A_149 = arith.constant 640 : i32
      %scan3A_150 = arith.addi %scan3A, %scan3A_149 : i32
      %scan3A_151 = arith.constant 4 : i32
      scf.for %scan3A_191 = %scan3A to %scan3A_150 step %scan3A_151  : i32 {
        %mul3A_192 = arith.constant 16 : i32
        %mul3A_193 = arith.muli %scan3A_191, %mul3A_192 : i32
        %add3A_194 = arith.constant 0 : i32
        %add3A_195 = arith.addi %add3A_194, %mul3A_193 : i32
        %get3A_196 = arith.index_cast %add3A_195 : i32 to index
        %get3A_197 = tpu.vector_load %arg7[%get3A_196] {strides = array<i32>} : memref<10240xf32, #tpu.memory_space<vmem>>, vector<16xf32>,
        %swap3A = arith.index_cast %add3A_195 : i32 to index
        %swap3A_198 = tpu.vector_load %arg11[%swap3A] {strides = array<i32>} : memref<10240xf32, #tpu.memory_space<vmem>>, vector<16xf32>,
        tpu.vector_store %arg11[%swap3A], %get3A_197 {strides = array<i32>} : memref<10240xf32, #tpu.memory_space<vmem>>, vector<16xf32>,
        %get3A_199 = arith.index_cast %add3A_195 : i32 to index
        %get3A_200 = tpu.vector_load %arg8[%get3A_199] {strides = array<i32>} : memref<10240xf32, #tpu.memory_space<vmem>>, vector<16xf32>,
        %swap3A_201 = arith.index_cast %add3A_195 : i32 to index
        %swap3A_202 = tpu.vector_load %arg12[%swap3A_201] {strides = array<i32>} : memref<10240xf32, #tpu.memory_space<vmem>>, vector<16xf32>,
        tpu.vector_store %arg12[%swap3A_201], %get3A_200 {strides = array<i32>} : memref<10240xf32, #tpu.memory_space<vmem>>, vector<16xf32>,
        %get3A_203 = arith.index_cast %add3A_195 : i32 to index
        %get3A_204 = tpu.vector_load %arg9[%get3A_203] {strides = array<i32>} : memref<10240xf32, #tpu.memory_space<vmem>>, vector<16xf32>,
        %swap3A_205 = arith.index_cast %add3A_195 : i32 to index
        %swap3A_206 = tpu.vector_load %arg13[%swap3A_205] {strides = array<i32>} : memref<10240xf32, #tpu.memory_space<vmem>>, vector<16xf32>,
        tpu.vector_store %arg13[%swap3A_205], %get3A_204 {strides = array<i32>} : memref<10240xf32, #tpu.memory_space<vmem>>, vector<16xf32>,
        %get3A_207 = arith.index_cast %add3A_195 : i32 to index
        %get3A_208 = tpu.vector_load %arg10[%get3A_207] {strides = array<i32>} : memref<10240xf32, #tpu.memory_space<vmem>>, vector<16xf32>,
        %swap3A_209 = arith.index_cast %add3A_195 : i32 to index
        %swap3A_210 = tpu.vector_load %arg14[%swap3A_209] {strides = array<i32>} : memref<10240xf32, #tpu.memory_space<vmem>>, vector<16xf32>,
        tpu.vector_store %arg14[%swap3A_209], %get3A_208 {strides = array<i32>} : memref<10240xf32, #tpu.memory_space<vmem>>, vector<16xf32>,
        %scan3A_211 = arith.constant 1 : i32
        %scan3A_212 = arith.addi %scan3A_191, %scan3A_211 : i32
        %mul3A_213 = arith.constant 16 : i32
        %mul3A_214 = arith.muli %scan3A_212, %mul3A_213 : i32
        %add3A_215 = arith.constant 0 : i32
        %add3A_216 = arith.addi %add3A_215, %mul3A_214 : i32
        %get3A_217 = arith.index_cast %add3A_216 : i32 to index
        %get3A_218 = tpu.vector_load %arg7[%get3A_217] {strides = array<i32>} : memref<10240xf32, #tpu.memory_space<vmem>>, vector<16xf32>,
        %swap3A_219 = arith.index_cast %add3A_216 : i32 to index
        %swap3A_220 = tpu.vector_load %arg11[%swap3A_219] {strides = array<i32>} : memref<10240xf32, #tpu.memory_space<vmem>>, vector<16xf32>,
        tpu.vector_store %arg11[%swap3A_219], %get3A_218 {strides = array<i32>} : memref<10240xf32, #tpu.memory_space<vmem>>, vector<16xf32>,
        %get3A_221 = arith.index_cast %add3A_216 : i32 to index
        %get3A_222 = tpu.vector_load %arg8[%get3A_221] {strides = array<i32>} : memref<10240xf32, #tpu.memory_space<vmem>>, vector<16xf32>,
        %swap3A_223 = arith.index_cast %add3A_216 : i32 to index
        %swap3A_224 = tpu.vector_load %arg12[%swap3A_223] {strides = array<i32>} : memref<10240xf32, #tpu.memory_space<vmem>>, vector<16xf32>,
        tpu.vector_store %arg12[%swap3A_223], %get3A_222 {strides = array<i32>} : memref<10240xf32, #tpu.memory_space<vmem>>, vector<16xf32>,
        %get3A_225 = arith.index_cast %add3A_216 : i32 to index
        %get3A_226 = tpu.vector_load %arg9[%get3A_225] {strides = array<i32>} : memref<10240xf32, #tpu.memory_space<vmem>>, vector<16xf32>,
        %swap3A_227 = arith.index_cast %add3A_216 : i32 to index
        %swap3A_228 = tpu.vector_load %arg13[%swap3A_227] {strides = array<i32>} : memref<10240xf32, #tpu.memory_space<vmem>>, vector<16xf32>,
        tpu.vector_store %arg13[%swap3A_227], %get3A_226 {strides = array<i32>} : memref<10240xf32, #tpu.memory_space<vmem>>, vector<16xf32>,
        %get3A_229 = arith.index_cast %add3A_216 : i32 to index
        %get3A_230 = tpu.vector_load %arg10[%get3A_229] {strides = array<i32>} : memref<10240xf32, #tpu.memory_space<vmem>>, vector<16xf32>,
        %swap3A_231 = arith.index_cast %add3A_216 : i32 to index
        %swap3A_232 = tpu.vector_load %arg14[%swap3A_231] {strides = array<i32>} : memref<10240xf32, #tpu.memory_space<vmem>>, vector<16xf32>,
        tpu.vector_store %arg14[%swap3A_231], %get3A_230 {strides = array<i32>} : memref<10240xf32, #tpu.memory_space<vmem>>, vector<16xf32>,
        %scan3A_233 = arith.constant 2 : i32
        %scan3A_234 = arith.addi %scan3A_191, %scan3A_233 : i32
        %mul3A_235 = arith.constant 16 : i32
        %mul3A_236 = arith.muli %scan3A_234, %mul3A_235 : i32
        %add3A_237 = arith.constant 0 : i32
        %add3A_238 = arith.addi %add3A_237, %mul3A_236 : i32
        %get3A_239 = arith.index_cast %add3A_238 : i32 to index
        %get3A_240 = tpu.vector_load %arg7[%get3A_239] {strides = array<i32>} : memref<10240xf32, #tpu.memory_space<vmem>>, vector<16xf32>,
        %swap3A_241 = arith.index_cast %add3A_238 : i32 to index
        %swap3A_242 = tpu.vector_load %arg11[%swap3A_241] {strides = array<i32>} : memref<10240xf32, #tpu.memory_space<vmem>>, vector<16xf32>,
        tpu.vector_store %arg11[%swap3A_241], %get3A_240 {strides = array<i32>} : memref<10240xf32, #tpu.memory_space<vmem>>, vector<16xf32>,
        %get3A_243 = arith.index_cast %add3A_238 : i32 to index
        %get3A_244 = tpu.vector_load %arg8[%get3A_243] {strides = array<i32>} : memref<10240xf32, #tpu.memory_space<vmem>>, vector<16xf32>,
        %swap3A_245 = arith.index_cast %add3A_238 : i32 to index
        %swap3A_246 = tpu.vector_load %arg12[%swap3A_245] {strides = array<i32>} : memref<10240xf32, #tpu.memory_space<vmem>>, vector<16xf32>,
        tpu.vector_store %arg12[%swap3A_245], %get3A_244 {strides = array<i32>} : memref<10240xf32, #tpu.memory_space<vmem>>, vector<16xf32>,
        %get3A_247 = arith.index_cast %add3A_238 : i32 to index
        %get3A_248 = tpu.vector_load %arg9[%get3A_247] {strides = array<i32>} : memref<10240xf32, #tpu.memory_space<vmem>>, vector<16xf32>,
        %swap3A_249 = arith.index_cast %add3A_238 : i32 to index
        %swap3A_250 = tpu.vector_load %arg13[%swap3A_249] {strides = array<i32>} : memref<10240xf32, #tpu.memory_space<vmem>>, vector<16xf32>,
        tpu.vector_store %arg13[%swap3A_249], %get3A_248 {strides = array<i32>} : memref<10240xf32, #tpu.memory_space<vmem>>, vector<16xf32>,
        %get3A_251 = arith.index_cast %add3A_238 : i32 to index
        %get3A_252 = tpu.vector_load %arg10[%get3A_251] {strides = array<i32>} : memref<10240xf32, #tpu.memory_space<vmem>>, vector<16xf32>,
        %swap3A_253 = arith.index_cast %add3A_238 : i32 to index
        %swap3A_254 = tpu.vector_load %arg14[%swap3A_253] {strides = array<i32>} : memref<10240xf32, #tpu.memory_space<vmem>>, vector<16xf32>,
        tpu.vector_store %arg14[%swap3A_253], %get3A_252 {strides = array<i32>} : memref<10240xf32, #tpu.memory_space<vmem>>, vector<16xf32>,
        %scan3A_255 = arith.constant 3 : i32
        %scan3A_256 = arith.addi %scan3A_191, %scan3A_255 : i32
        %mul3A_257 = arith.constant 16 : i32
        %mul3A_258 = arith.muli %scan3A_256, %mul3A_257 : i32
        %add3A_259 = arith.constant 0 : i32
        %add3A_260 = arith.addi %add3A_259, %mul3A_258 : i32
        %get3A_261 = arith.index_cast %add3A_260 : i32 to index
        %get3A_262 = tpu.vector_load %arg7[%get3A_261] {strides = array<i32>} : memref<10240xf32, #tpu.memory_space<vmem>>, vector<16xf32>,
        %swap3A_263 = arith.index_cast %add3A_260 : i32 to index
        %swap3A_264 = tpu.vector_load %arg11[%swap3A_263] {strides = array<i32>} : memref<10240xf32, #tpu.memory_space<vmem>>, vector<16xf32>,
        tpu.vector_store %arg11[%swap3A_263], %get3A_262 {strides = array<i32>} : memref<10240xf32, #tpu.memory_space<vmem>>, vector<16xf32>,
        %get3A_265 = arith.index_cast %add3A_260 : i32 to index
        %get3A_266 = tpu.vector_load %arg8[%get3A_265] {strides = array<i32>} : memref<10240xf32, #tpu.memory_space<vmem>>, vector<16xf32>,
        %swap3A_267 = arith.index_cast %add3A_260 : i32 to index
        %swap3A_268 = tpu.vector_load %arg12[%swap3A_267] {strides = array<i32>} : memref<10240xf32, #tpu.memory_space<vmem>>, vector<16xf32>,
        tpu.vector_store %arg12[%swap3A_267], %get3A_266 {strides = array<i32>} : memref<10240xf32, #tpu.memory_space<vmem>>, vector<16xf32>,
        %get3A_269 = arith.index_cast %add3A_260 : i32 to index
        %get3A_270 = tpu.vector_load %arg9[%get3A_269] {strides = array<i32>} : memref<10240xf32, #tpu.memory_space<vmem>>, vector<16xf32>,
        %swap3A_271 = arith.index_cast %add3A_260 : i32 to index
        %swap3A_272 = tpu.vector_load %arg13[%swap3A_271] {strides = array<i32>} : memref<10240xf32, #tpu.memory_space<vmem>>, vector<16xf32>,
        tpu.vector_store %arg13[%swap3A_271], %get3A_270 {strides = array<i32>} : memref<10240xf32, #tpu.memory_space<vmem>>, vector<16xf32>,
        %get3A_273 = arith.index_cast %add3A_260 : i32 to index
        %get3A_274 = tpu.vector_load %arg10[%get3A_273] {strides = array<i32>} : memref<10240xf32, #tpu.memory_space<vmem>>, vector<16xf32>,
        %swap3A_275 = arith.index_cast %add3A_260 : i32 to index
        %swap3A_276 = tpu.vector_load %arg14[%swap3A_275] {strides = array<i32>} : memref<10240xf32, #tpu.memory_space<vmem>>, vector<16xf32>,
        tpu.vector_store %arg14[%swap3A_275], %get3A_274 {strides = array<i32>} : memref<10240xf32, #tpu.memory_space<vmem>>, vector<16xf32>,
      }
      %scan3A_152 = arith.constant 640 : i32
      %dma_start3A_153 = arith.constant 0 : i32
      %dma_start3A_154 = arith.constant 0 : i32
      %dma_start3A_155 = tpu.memref_slice %arg16[%dma_start3A_153, %dma_start3A_154] : memref<2x17408xi32, #tpu.memory_space<vmem>> -> memref<1x17408xi32, #tpu.memory_space<vmem>>
      %dma_start3A_156 = tpu.memref_squeeze %dma_start3A_155 : memref<1x17408xi32, #tpu.memory_space<vmem>> -> memref<17408xi32, #tpu.memory_space<vmem>>
      %dma_start3A_157 = arith.constant 0 : i32
      %dma_start3A_158 = tpu.memref_slice %arg3[%dma_start3A_157] : memref<678912xi32, #tpu.memory_space<hbm>> -> memref<17408xi32, #tpu.memory_space<hbm>>
      %dma_start3A_159 = arith.constant 0 : i32
      %dma_start3A_160 = tpu.memref_slice %arg16[%dma_start3A_153, %dma_start3A_159] : memref<2x17408xi32, #tpu.memory_space<vmem>> -> memref<1x17408xi32, #tpu.memory_space<vmem>>
      %dma_start3A_161 = tpu.memref_squeeze %dma_start3A_160 : memref<1x17408xi32, #tpu.memory_space<vmem>> -> memref<17408xi32, #tpu.memory_space<vmem>>
      %dma_start3A_162 = arith.constant 0 : i32
      %dma_start3A_163 = tpu.memref_slice %arg3[%dma_start3A_162] : memref<678912xi32, #tpu.memory_space<hbm>> -> memref<17408xi32, #tpu.memory_space<hbm>>
      tpu.enqueue_dma source(%dma_start3A_163 : memref<17408xi32, #tpu.memory_space<hbm>>) target(%dma_start3A_161 : memref<17408xi32, #tpu.memory_space<vmem>>) target_semaphore(%arg18 : memref<!tpu.dma_semaphore, #tpu.memory_space<semaphore_mem>>)
      %scan3A_164 = arith.constant 0 : i32
      %scan3A_165 = arith.constant 10 : i32
      %scan3A_166 = arith.addi %scan3A_164, %scan3A_165 : i32
      %scan3A_167 = arith.constant 1 : i32
      scf.for %scan3A_191 = %scan3A_164 to %scan3A_166 step %scan3A_167  : i32 {
        %mul3A_192 = arith.constant 2 : i32
        %mul3A_193 = arith.muli %scan3A_191, %mul3A_192 : i32
        %add3A_194 = arith.constant 0 : i32
        %add3A_195 = arith.addi %add3A_194, %mul3A_193 : i32
        %add3A_196 = arith.constant 1 : i32
        %add3A_197 = arith.addi %add3A_195, %add3A_196 : i32
        %mul3A_198 = arith.constant 17408 : i32
        %mul3A_199 = arith.muli %add3A_197, %mul3A_198 : i32
        %dma_start3A_200 = arith.constant 1 : i32
        %dma_start3A_201 = arith.constant 0 : i32
        %dma_start3A_202 = tpu.memref_slice %arg16[%dma_start3A_200, %dma_start3A_201] : memref<2x17408xi32, #tpu.memory_space<vmem>> -> memref<1x17408xi32, #tpu.memory_space<vmem>>
        %dma_start3A_203 = tpu.memref_squeeze %dma_start3A_202 : memref<1x17408xi32, #tpu.memory_space<vmem>> -> memref<17408xi32, #tpu.memory_space<vmem>>
        %dma_start3A_204 = tpu.memref_slice %arg3[%mul3A_199] : memref<678912xi32, #tpu.memory_space<hbm>> -> memref<17408xi32, #tpu.memory_space<hbm>>
        %dma_start3A_205 = arith.constant 0 : i32
        %dma_start3A_206 = tpu.memref_slice %arg16[%dma_start3A_200, %dma_start3A_205] : memref<2x17408xi32, #tpu.memory_space<vmem>> -> memref<1x17408xi32, #tpu.memory_space<vmem>>
        %dma_start3A_207 = tpu.memref_squeeze %dma_start3A_206 : memref<1x17408xi32, #tpu.memory_space<vmem>> -> memref<17408xi32, #tpu.memory_space<vmem>>
        %dma_start3A_208 = tpu.memref_slice %arg3[%mul3A_199] : memref<678912xi32, #tpu.memory_space<hbm>> -> memref<17408xi32, #tpu.memory_space<hbm>>
        tpu.enqueue_dma source(%dma_start3A_208 : memref<17408xi32, #tpu.memory_space<hbm>>) target(%dma_start3A_207 : memref<17408xi32, #tpu.memory_space<vmem>>) target_semaphore(%arg19 : memref<!tpu.dma_semaphore, #tpu.memory_space<semaphore_mem>>)
        %mul3A_209 = arith.constant 17408 : i32
        %mul3A_210 = arith.muli %add3A_195, %mul3A_209 : i32
        %dma_wait3A_211 = arith.constant 0 : i32
        %dma_wait3A_212 = arith.constant 0 : i32
        %dma_wait3A_213 = tpu.memref_slice %arg16[%dma_wait3A_211, %dma_wait3A_212] : memref<2x17408xi32, #tpu.memory_space<vmem>> -> memref<1x17408xi32, #tpu.memory_space<vmem>>
        %dma_wait3A_214 = tpu.memref_squeeze %dma_wait3A_213 : memref<1x17408xi32, #tpu.memory_space<vmem>> -> memref<17408xi32, #tpu.memory_space<vmem>>
        %dma_wait3A_215 = tpu.memref_slice %arg3[%mul3A_210] : memref<678912xi32, #tpu.memory_space<hbm>> -> memref<17408xi32, #tpu.memory_space<hbm>>
        %dma_wait3A_216 = arith.constant 0 : i32
        %dma_wait3A_217 = tpu.memref_slice %arg16[%dma_wait3A_211, %dma_wait3A_216] : memref<2x17408xi32, #tpu.memory_space<vmem>> -> memref<1x17408xi32, #tpu.memory_space<vmem>>
        %dma_wait3A_218 = tpu.memref_squeeze %dma_wait3A_217 : memref<1x17408xi32, #tpu.memory_space<vmem>> -> memref<17408xi32, #tpu.memory_space<vmem>>
        %dma_wait3A_219 = tpu.memref_slice %arg3[%mul3A_210] : memref<678912xi32, #tpu.memory_space<hbm>> -> memref<17408xi32, #tpu.memory_space<hbm>>
        tpu.wait_dma2 semaphore(%arg18 : memref<!tpu.dma_semaphore, #tpu.memory_space<semaphore_mem>>) src(%dma_wait3A_219 : memref<17408xi32, #tpu.memory_space<hbm>>) dst(%dma_wait3A_218 : memref<17408xi32, #tpu.memory_space<vmem>>)
        %parallel_loop3A = arith.constant 0 : i32
        %parallel_loop3A_220 = arith.constant 17408 : i32
        %parallel_loop3A_221 = arith.constant 16 : i32
        scf.for %parallel_loop3A_242 = %parallel_loop3A to %parallel_loop3A_220 step %parallel_loop3A_221  : i32 {
          %parallel_loop3A_243 = arith.constant 0 : i32
          %parallel_loop3A_244 = arith.index_cast %parallel_loop3A_243 : i32 to index
          %parallel_loop3A_245 = arith.index_cast %parallel_loop3A_242 : i32 to index
          %parallel_loop3A_246 = tpu.vector_load %arg16[%parallel_loop3A_244, %parallel_loop3A_245] {strides = array<i32>} : memref<2x17408xi32, #tpu.memory_space<vmem>>, vector<16xi32>,
          %parallel_loop3A_247 = arith.constant 65535 : i32
          %parallel_loop3A_248 = vector.broadcast %parallel_loop3A_247 : i32 to vector<16xi32>
          %parallel_loop3A_249 = arith.andi %parallel_loop3A_246, %parallel_loop3A_248 : vector<16xi32>
          %parallel_loop3A_250 = arith.constant 16 : i32
          %parallel_loop3A_251 = vector.broadcast %parallel_loop3A_250 : i32 to vector<16xi32>
          %parallel_loop3A_252 = arith.shrui %parallel_loop3A_246, %parallel_loop3A_251 : vector<16xi32>
          %parallel_loop3A_253 = tpu.vector_load_idx %arg7[%parallel_loop3A_249] : memref<10240xf32, #tpu.memory_space<vmem>>[vector<16xi32>], vector<16xf32>,
          %parallel_loop3A_254 = tpu.vector_load_idx %arg8[%parallel_loop3A_249] : memref<10240xf32, #tpu.memory_space<vmem>>[vector<16xi32>], vector<16xf32>,
          %parallel_loop3A_255 = tpu.vector_load_idx %arg9[%parallel_loop3A_249] : memref<10240xf32, #tpu.memory_space<vmem>>[vector<16xi32>], vector<16xf32>,
          %parallel_loop3A_256 = tpu.vector_load_idx %arg10[%parallel_loop3A_249] : memref<10240xf32, #tpu.memory_space<vmem>>[vector<16xi32>], vector<16xf32>,
          tpu.vector_store_idx %arg11[%parallel_loop3A_252], %parallel_loop3A_253 {add = true} : memref<10240xf32, #tpu.memory_space<vmem>>[vector<16xi32>], vector<16xf32>,
          tpu.vector_store_idx %arg12[%parallel_loop3A_252], %parallel_loop3A_254 {add = true} : memref<10240xf32, #tpu.memory_space<vmem>>[vector<16xi32>], vector<16xf32>,
          tpu.vector_store_idx %arg13[%parallel_loop3A_252], %parallel_loop3A_255 {add = true} : memref<10240xf32, #tpu.memory_space<vmem>>[vector<16xi32>], vector<16xf32>,
          tpu.vector_store_idx %arg14[%parallel_loop3A_252], %parallel_loop3A_256 {add = true} : memref<10240xf32, #tpu.memory_space<vmem>>[vector<16xi32>], vector<16xf32>,
        } {sc.loop_unroll_factor = 8 : i64, sc.parallel_access}
        %add3A_222 = arith.constant 2 : i32
        %add3A_223 = arith.addi %add3A_195, %add3A_222 : i32
        %lt3A = arith.constant 20 : i32
        %lt3A_224 = arith.cmpi slt, %add3A_223, %lt3A : i32
        %convert_element_type3A = arith.extui %lt3A_224 : i1 to i32
        %cond3A = arith.constant 0 : i32
        %cond3A_225 = arith.cmpi ne, %convert_element_type3A, %cond3A : i32
        scf.if %cond3A_225 {
          %add3A_242 = arith.constant 2 : i32
          %add3A_243 = arith.addi %add3A_195, %add3A_242 : i32
          %mul3A_244 = arith.constant 17408 : i32
          %mul3A_245 = arith.muli %add3A_243, %mul3A_244 : i32
          %dma_start3A_246 = arith.constant 0 : i32
          %dma_start3A_247 = arith.constant 0 : i32
          %dma_start3A_248 = tpu.memref_slice %arg16[%dma_start3A_246, %dma_start3A_247] : memref<2x17408xi32, #tpu.memory_space<vmem>> -> memref<1x17408xi32, #tpu.memory_space<vmem>>
          %dma_start3A_249 = tpu.memref_squeeze %dma_start3A_248 : memref<1x17408xi32, #tpu.memory_space<vmem>> -> memref<17408xi32, #tpu.memory_space<vmem>>
          %dma_start3A_250 = tpu.memref_slice %arg3[%mul3A_245] : memref<678912xi32, #tpu.memory_space<hbm>> -> memref<17408xi32, #tpu.memory_space<hbm>>
          %dma_start3A_251 = arith.constant 0 : i32
          %dma_start3A_252 = tpu.memref_slice %arg16[%dma_start3A_246, %dma_start3A_251] : memref<2x17408xi32, #tpu.memory_space<vmem>> -> memref<1x17408xi32, #tpu.memory_space<vmem>>
          %dma_start3A_253 = tpu.memref_squeeze %dma_start3A_252 : memref<1x17408xi32, #tpu.memory_space<vmem>> -> memref<17408xi32, #tpu.memory_space<vmem>>
          %dma_start3A_254 = tpu.memref_slice %arg3[%mul3A_245] : memref<678912xi32, #tpu.memory_space<hbm>> -> memref<17408xi32, #tpu.memory_space<hbm>>
          tpu.enqueue_dma source(%dma_start3A_254 : memref<17408xi32, #tpu.memory_space<hbm>>) target(%dma_start3A_253 : memref<17408xi32, #tpu.memory_space<vmem>>) target_semaphore(%arg18 : memref<!tpu.dma_semaphore, #tpu.memory_space<semaphore_mem>>)
        } else {
        }
        %add3A_226 = arith.constant 1 : i32
        %add3A_227 = arith.addi %add3A_195, %add3A_226 : i32
        %mul3A_228 = arith.constant 17408 : i32
        %mul3A_229 = arith.muli %add3A_227, %mul3A_228 : i32
        %dma_wait3A_230 = arith.constant 1 : i32
        %dma_wait3A_231 = arith.constant 0 : i32
        %dma_wait3A_232 = tpu.memref_slice %arg16[%dma_wait3A_230, %dma_wait3A_231] : memref<2x17408xi32, #tpu.memory_space<vmem>> -> memref<1x17408xi32, #tpu.memory_space<vmem>>
        %dma_wait3A_233 = tpu.memref_squeeze %dma_wait3A_232 : memref<1x17408xi32, #tpu.memory_space<vmem>> -> memref<17408xi32, #tpu.memory_space<vmem>>
        %dma_wait3A_234 = tpu.memref_slice %arg3[%mul3A_229] : memref<678912xi32, #tpu.memory_space<hbm>> -> memref<17408xi32, #tpu.memory_space<hbm>>
        %dma_wait3A_235 = arith.constant 0 : i32
        %dma_wait3A_236 = tpu.memref_slice %arg16[%dma_wait3A_230, %dma_wait3A_235] : memref<2x17408xi32, #tpu.memory_space<vmem>> -> memref<1x17408xi32, #tpu.memory_space<vmem>>
        %dma_wait3A_237 = tpu.memref_squeeze %dma_wait3A_236 : memref<1x17408xi32, #tpu.memory_space<vmem>> -> memref<17408xi32, #tpu.memory_space<vmem>>
        %dma_wait3A_238 = tpu.memref_slice %arg3[%mul3A_229] : memref<678912xi32, #tpu.memory_space<hbm>> -> memref<17408xi32, #tpu.memory_space<hbm>>
        tpu.wait_dma2 semaphore(%arg19 : memref<!tpu.dma_semaphore, #tpu.memory_space<semaphore_mem>>) src(%dma_wait3A_238 : memref<17408xi32, #tpu.memory_space<hbm>>) dst(%dma_wait3A_237 : memref<17408xi32, #tpu.memory_space<vmem>>)
        %parallel_loop3A_239 = arith.constant 0 : i32
        %parallel_loop3A_240 = arith.constant 17408 : i32
        %parallel_loop3A_241 = arith.constant 16 : i32
        scf.for %parallel_loop3A_242 = %parallel_loop3A_239 to %parallel_loop3A_240 step %parallel_loop3A_241  : i32 {
          %parallel_loop3A_243 = arith.constant 1 : i32
          %parallel_loop3A_244 = arith.index_cast %parallel_loop3A_243 : i32 to index
          %parallel_loop3A_245 = arith.index_cast %parallel_loop3A_242 : i32 to index
          %parallel_loop3A_246 = tpu.vector_load %arg16[%parallel_loop3A_244, %parallel_loop3A_245] {strides = array<i32>} : memref<2x17408xi32, #tpu.memory_space<vmem>>, vector<16xi32>,
          %parallel_loop3A_247 = arith.constant 65535 : i32
          %parallel_loop3A_248 = vector.broadcast %parallel_loop3A_247 : i32 to vector<16xi32>
          %parallel_loop3A_249 = arith.andi %parallel_loop3A_246, %parallel_loop3A_248 : vector<16xi32>
          %parallel_loop3A_250 = arith.constant 16 : i32
          %parallel_loop3A_251 = vector.broadcast %parallel_loop3A_250 : i32 to vector<16xi32>
          %parallel_loop3A_252 = arith.shrui %parallel_loop3A_246, %parallel_loop3A_251 : vector<16xi32>
          %parallel_loop3A_253 = tpu.vector_load_idx %arg7[%parallel_loop3A_249] : memref<10240xf32, #tpu.memory_space<vmem>>[vector<16xi32>], vector<16xf32>,
          %parallel_loop3A_254 = tpu.vector_load_idx %arg8[%parallel_loop3A_249] : memref<10240xf32, #tpu.memory_space<vmem>>[vector<16xi32>], vector<16xf32>,
          %parallel_loop3A_255 = tpu.vector_load_idx %arg9[%parallel_loop3A_249] : memref<10240xf32, #tpu.memory_space<vmem>>[vector<16xi32>], vector<16xf32>,
          %parallel_loop3A_256 = tpu.vector_load_idx %arg10[%parallel_loop3A_249] : memref<10240xf32, #tpu.memory_space<vmem>>[vector<16xi32>], vector<16xf32>,
          tpu.vector_store_idx %arg11[%parallel_loop3A_252], %parallel_loop3A_253 {add = true} : memref<10240xf32, #tpu.memory_space<vmem>>[vector<16xi32>], vector<16xf32>,
          tpu.vector_store_idx %arg12[%parallel_loop3A_252], %parallel_loop3A_254 {add = true} : memref<10240xf32, #tpu.memory_space<vmem>>[vector<16xi32>], vector<16xf32>,
          tpu.vector_store_idx %arg13[%parallel_loop3A_252], %parallel_loop3A_255 {add = true} : memref<10240xf32, #tpu.memory_space<vmem>>[vector<16xi32>], vector<16xf32>,
          tpu.vector_store_idx %arg14[%parallel_loop3A_252], %parallel_loop3A_256 {add = true} : memref<10240xf32, #tpu.memory_space<vmem>>[vector<16xi32>], vector<16xf32>,
        } {sc.loop_unroll_factor = 8 : i64, sc.parallel_access}
      }
      %scan3A_168 = arith.constant 10 : i32
      %sub3A = arith.constant 0 : i32
      %sub3A_169 = arith.subi %shift_right_logical3A_74, %sub3A : i32
      %sub3A_170 = arith.constant 1 : i32
      %sub3A_171 = arith.constant 1 : i32
      %sub3A_172 = arith.subi %sub3A_170, %sub3A_171 : i32
      %add3A_173 = arith.addi %sub3A_169, %sub3A_172 : i32
      %div3A = arith.constant 1 : i32
      %div3A_174 = arith.divsi %add3A_173, %div3A : i32
      %while3A_175 = arith.constant 1 : i32
      %while3A_176 = arith.constant 0 : i32
      %while3A_177 = arith.constant 0 : i32
      %while3A_178 = arith.subi %div3A_174, %while3A_177 : i32
      %while3A_179 = arith.addi %while3A_177, %while3A_178 : i32
      %while3A_180 = arith.constant 1 : i32
      %while3A_181 = arith.divsi %while3A_178, %while3A_180 : i32
      %while3A_182 = arith.muli %while3A_181, %while3A_180 : i32
      %while3A_183 = arith.addi %while3A_177, %while3A_182 : i32
      %while3A_184 = arith.constant 1 : i32
      scf.for %while3A_191 = %while3A_177 to %while3A_183 step %while3A_184  : i32 {
        %mul3A_192 = arith.muli %while3A_191, %while3A_175 : i32
        %add3A_193 = arith.addi %while3A_176, %mul3A_192 : i32
        %mul3A_194 = arith.constant 17408 : i32
        %mul3A_195 = arith.muli %add3A_193, %mul3A_194 : i32
        %add3A_196 = arith.constant 348160 : i32
        %add3A_197 = arith.addi %add3A_196, %mul3A_195 : i32
        %run_scoped3A = arith.constant 0 : i32
        "tpu.region"() ({
          %run_scoped3A_200 = tpu.sem_alloc : memref<!tpu.dma_semaphore, #tpu.memory_space<semaphore_mem>>
          %dma_start3A_201 = arith.constant 0 : i32
          %dma_start3A_202 = tpu.memref_slice %arg16[%run_scoped3A, %dma_start3A_201] : memref<2x17408xi32, #tpu.memory_space<vmem>> -> memref<1x17408xi32, #tpu.memory_space<vmem>>
          %dma_start3A_203 = tpu.memref_squeeze %dma_start3A_202 : memref<1x17408xi32, #tpu.memory_space<vmem>> -> memref<17408xi32, #tpu.memory_space<vmem>>
          %dma_start3A_204 = tpu.memref_slice %arg3[%add3A_197] : memref<678912xi32, #tpu.memory_space<hbm>> -> memref<17408xi32, #tpu.memory_space<hbm>>
          %dma_start3A_205 = arith.constant 0 : i32
          %dma_start3A_206 = tpu.memref_slice %arg16[%run_scoped3A, %dma_start3A_205] : memref<2x17408xi32, #tpu.memory_space<vmem>> -> memref<1x17408xi32, #tpu.memory_space<vmem>>
          %dma_start3A_207 = tpu.memref_squeeze %dma_start3A_206 : memref<1x17408xi32, #tpu.memory_space<vmem>> -> memref<17408xi32, #tpu.memory_space<vmem>>
          %dma_start3A_208 = tpu.memref_slice %arg3[%add3A_197] : memref<678912xi32, #tpu.memory_space<hbm>> -> memref<17408xi32, #tpu.memory_space<hbm>>
          tpu.enqueue_dma source(%dma_start3A_208 : memref<17408xi32, #tpu.memory_space<hbm>>) target(%dma_start3A_207 : memref<17408xi32, #tpu.memory_space<vmem>>) target_semaphore(%run_scoped3A_200 : memref<!tpu.dma_semaphore, #tpu.memory_space<semaphore_mem>>)
          %dma_wait3A_209 = arith.constant 0 : i32
          %dma_wait3A_210 = tpu.memref_slice %arg16[%run_scoped3A, %dma_wait3A_209] : memref<2x17408xi32, #tpu.memory_space<vmem>> -> memref<1x17408xi32, #tpu.memory_space<vmem>>
          %dma_wait3A_211 = tpu.memref_squeeze %dma_wait3A_210 : memref<1x17408xi32, #tpu.memory_space<vmem>> -> memref<17408xi32, #tpu.memory_space<vmem>>
          %dma_wait3A_212 = tpu.memref_slice %arg3[%add3A_197] : memref<678912xi32, #tpu.memory_space<hbm>> -> memref<17408xi32, #tpu.memory_space<hbm>>
          %dma_wait3A_213 = arith.constant 0 : i32
          %dma_wait3A_214 = tpu.memref_slice %arg16[%run_scoped3A, %dma_wait3A_213] : memref<2x17408xi32, #tpu.memory_space<vmem>> -> memref<1x17408xi32, #tpu.memory_space<vmem>>
          %dma_wait3A_215 = tpu.memref_squeeze %dma_wait3A_214 : memref<1x17408xi32, #tpu.memory_space<vmem>> -> memref<17408xi32, #tpu.memory_space<vmem>>
          %dma_wait3A_216 = tpu.memref_slice %arg3[%add3A_197] : memref<678912xi32, #tpu.memory_space<hbm>> -> memref<17408xi32, #tpu.memory_space<hbm>>
          tpu.wait_dma2 semaphore(%run_scoped3A_200 : memref<!tpu.dma_semaphore, #tpu.memory_space<semaphore_mem>>) src(%dma_wait3A_216 : memref<17408xi32, #tpu.memory_space<hbm>>) dst(%dma_wait3A_215 : memref<17408xi32, #tpu.memory_space<vmem>>)
          tpu.yield
        }) : () -> ()
        %parallel_loop3A = arith.constant 0 : i32
        %parallel_loop3A_198 = arith.constant 17408 : i32
        %parallel_loop3A_199 = arith.constant 16 : i32
        scf.for %parallel_loop3A_200 = %parallel_loop3A to %parallel_loop3A_198 step %parallel_loop3A_199  : i32 {
          %parallel_loop3A_201 = arith.constant 0 : i32
          %parallel_loop3A_202 = arith.index_cast %parallel_loop3A_201 : i32 to index
          %parallel_loop3A_203 = arith.index_cast %parallel_loop3A_200 : i32 to index
          %parallel_loop3A_204 = tpu.vector_load %arg16[%parallel_loop3A_202, %parallel_loop3A_203] {strides = array<i32>} : memref<2x17408xi32, #tpu.memory_space<vmem>>, vector<16xi32>,
          %parallel_loop3A_205 = arith.constant 65535 : i32
          %parallel_loop3A_206 = vector.broadcast %parallel_loop3A_205 : i32 to vector<16xi32>
          %parallel_loop3A_207 = arith.andi %parallel_loop3A_204, %parallel_loop3A_206 : vector<16xi32>
          %parallel_loop3A_208 = arith.constant 16 : i32
          %parallel_loop3A_209 = vector.broadcast %parallel_loop3A_208 : i32 to vector<16xi32>
          %parallel_loop3A_210 = arith.shrui %parallel_loop3A_204, %parallel_loop3A_209 : vector<16xi32>
          %parallel_loop3A_211 = tpu.vector_load_idx %arg7[%parallel_loop3A_207] : memref<10240xf32, #tpu.memory_space<vmem>>[vector<16xi32>], vector<16xf32>,
          %parallel_loop3A_212 = tpu.vector_load_idx %arg8[%parallel_loop3A_207] : memref<10240xf32, #tpu.memory_space<vmem>>[vector<16xi32>], vector<16xf32>,
          %parallel_loop3A_213 = tpu.vector_load_idx %arg9[%parallel_loop3A_207] : memref<10240xf32, #tpu.memory_space<vmem>>[vector<16xi32>], vector<16xf32>,
          %parallel_loop3A_214 = tpu.vector_load_idx %arg10[%parallel_loop3A_207] : memref<10240xf32, #tpu.memory_space<vmem>>[vector<16xi32>], vector<16xf32>,
          tpu.vector_store_idx %arg11[%parallel_loop3A_210], %parallel_loop3A_211 {add = true} : memref<10240xf32, #tpu.memory_space<vmem>>[vector<16xi32>], vector<16xf32>,
          tpu.vector_store_idx %arg12[%parallel_loop3A_210], %parallel_loop3A_212 {add = true} : memref<10240xf32, #tpu.memory_space<vmem>>[vector<16xi32>], vector<16xf32>,
          tpu.vector_store_idx %arg13[%parallel_loop3A_210], %parallel_loop3A_213 {add = true} : memref<10240xf32, #tpu.memory_space<vmem>>[vector<16xi32>], vector<16xf32>,
          tpu.vector_store_idx %arg14[%parallel_loop3A_210], %parallel_loop3A_214 {add = true} : memref<10240xf32, #tpu.memory_space<vmem>>[vector<16xi32>], vector<16xf32>,
        } {sc.loop_unroll_factor = 8 : i64, sc.parallel_access}
      }
      %while3A_185 = arith.constant 1 : i32
      scf.for %while3A_191 = %while3A_183 to %while3A_179 step %while3A_185  : i32 {
        %mul3A_192 = arith.muli %while3A_191, %while3A_175 : i32
        %add3A_193 = arith.addi %while3A_176, %mul3A_192 : i32
        %mul3A_194 = arith.constant 17408 : i32
        %mul3A_195 = arith.muli %add3A_193, %mul3A_194 : i32
        %add3A_196 = arith.constant 348160 : i32
        %add3A_197 = arith.addi %add3A_196, %mul3A_195 : i32
        %run_scoped3A = arith.constant 0 : i32
        "tpu.region"() ({
          %run_scoped3A_200 = tpu.sem_alloc : memref<!tpu.dma_semaphore, #tpu.memory_space<semaphore_mem>>
          %dma_start3A_201 = arith.constant 0 : i32
          %dma_start3A_202 = tpu.memref_slice %arg16[%run_scoped3A, %dma_start3A_201] : memref<2x17408xi32, #tpu.memory_space<vmem>> -> memref<1x17408xi32, #tpu.memory_space<vmem>>
          %dma_start3A_203 = tpu.memref_squeeze %dma_start3A_202 : memref<1x17408xi32, #tpu.memory_space<vmem>> -> memref<17408xi32, #tpu.memory_space<vmem>>
          %dma_start3A_204 = tpu.memref_slice %arg3[%add3A_197] : memref<678912xi32, #tpu.memory_space<hbm>> -> memref<17408xi32, #tpu.memory_space<hbm>>
          %dma_start3A_205 = arith.constant 0 : i32
          %dma_start3A_206 = tpu.memref_slice %arg16[%run_scoped3A, %dma_start3A_205] : memref<2x17408xi32, #tpu.memory_space<vmem>> -> memref<1x17408xi32, #tpu.memory_space<vmem>>
          %dma_start3A_207 = tpu.memref_squeeze %dma_start3A_206 : memref<1x17408xi32, #tpu.memory_space<vmem>> -> memref<17408xi32, #tpu.memory_space<vmem>>
          %dma_start3A_208 = tpu.memref_slice %arg3[%add3A_197] : memref<678912xi32, #tpu.memory_space<hbm>> -> memref<17408xi32, #tpu.memory_space<hbm>>
          tpu.enqueue_dma source(%dma_start3A_208 : memref<17408xi32, #tpu.memory_space<hbm>>) target(%dma_start3A_207 : memref<17408xi32, #tpu.memory_space<vmem>>) target_semaphore(%run_scoped3A_200 : memref<!tpu.dma_semaphore, #tpu.memory_space<semaphore_mem>>)
          %dma_wait3A_209 = arith.constant 0 : i32
          %dma_wait3A_210 = tpu.memref_slice %arg16[%run_scoped3A, %dma_wait3A_209] : memref<2x17408xi32, #tpu.memory_space<vmem>> -> memref<1x17408xi32, #tpu.memory_space<vmem>>
          %dma_wait3A_211 = tpu.memref_squeeze %dma_wait3A_210 : memref<1x17408xi32, #tpu.memory_space<vmem>> -> memref<17408xi32, #tpu.memory_space<vmem>>
          %dma_wait3A_212 = tpu.memref_slice %arg3[%add3A_197] : memref<678912xi32, #tpu.memory_space<hbm>> -> memref<17408xi32, #tpu.memory_space<hbm>>
          %dma_wait3A_213 = arith.constant 0 : i32
          %dma_wait3A_214 = tpu.memref_slice %arg16[%run_scoped3A, %dma_wait3A_213] : memref<2x17408xi32, #tpu.memory_space<vmem>> -> memref<1x17408xi32, #tpu.memory_space<vmem>>
          %dma_wait3A_215 = tpu.memref_squeeze %dma_wait3A_214 : memref<1x17408xi32, #tpu.memory_space<vmem>> -> memref<17408xi32, #tpu.memory_space<vmem>>
          %dma_wait3A_216 = tpu.memref_slice %arg3[%add3A_197] : memref<678912xi32, #tpu.memory_space<hbm>> -> memref<17408xi32, #tpu.memory_space<hbm>>
          tpu.wait_dma2 semaphore(%run_scoped3A_200 : memref<!tpu.dma_semaphore, #tpu.memory_space<semaphore_mem>>) src(%dma_wait3A_216 : memref<17408xi32, #tpu.memory_space<hbm>>) dst(%dma_wait3A_215 : memref<17408xi32, #tpu.memory_space<vmem>>)
          tpu.yield
        }) : () -> ()
        %parallel_loop3A = arith.constant 0 : i32
        %parallel_loop3A_198 = arith.constant 17408 : i32
        %parallel_loop3A_199 = arith.constant 16 : i32
        scf.for %parallel_loop3A_200 = %parallel_loop3A to %parallel_loop3A_198 step %parallel_loop3A_199  : i32 {
          %parallel_loop3A_201 = arith.constant 0 : i32
          %parallel_loop3A_202 = arith.index_cast %parallel_loop3A_201 : i32 to index
          %parallel_loop3A_203 = arith.index_cast %parallel_loop3A_200 : i32 to index
          %parallel_loop3A_204 = tpu.vector_load %arg16[%parallel_loop3A_202, %parallel_loop3A_203] {strides = array<i32>} : memref<2x17408xi32, #tpu.memory_space<vmem>>, vector<16xi32>,
          %parallel_loop3A_205 = arith.constant 65535 : i32
          %parallel_loop3A_206 = vector.broadcast %parallel_loop3A_205 : i32 to vector<16xi32>
          %parallel_loop3A_207 = arith.andi %parallel_loop3A_204, %parallel_loop3A_206 : vector<16xi32>
          %parallel_loop3A_208 = arith.constant 16 : i32
          %parallel_loop3A_209 = vector.broadcast %parallel_loop3A_208 : i32 to vector<16xi32>
          %parallel_loop3A_210 = arith.shrui %parallel_loop3A_204, %parallel_loop3A_209 : vector<16xi32>
          %parallel_loop3A_211 = tpu.vector_load_idx %arg7[%parallel_loop3A_207] : memref<10240xf32, #tpu.memory_space<vmem>>[vector<16xi32>], vector<16xf32>,
          %parallel_loop3A_212 = tpu.vector_load_idx %arg8[%parallel_loop3A_207] : memref<10240xf32, #tpu.memory_space<vmem>>[vector<16xi32>], vector<16xf32>,
          %parallel_loop3A_213 = tpu.vector_load_idx %arg9[%parallel_loop3A_207] : memref<10240xf32, #tpu.memory_space<vmem>>[vector<16xi32>], vector<16xf32>,
          %parallel_loop3A_214 = tpu.vector_load_idx %arg10[%parallel_loop3A_207] : memref<10240xf32, #tpu.memory_space<vmem>>[vector<16xi32>], vector<16xf32>,
          tpu.vector_store_idx %arg11[%parallel_loop3A_210], %parallel_loop3A_211 {add = true} : memref<10240xf32, #tpu.memory_space<vmem>>[vector<16xi32>], vector<16xf32>,
          tpu.vector_store_idx %arg12[%parallel_loop3A_210], %parallel_loop3A_212 {add = true} : memref<10240xf32, #tpu.memory_space<vmem>>[vector<16xi32>], vector<16xf32>,
          tpu.vector_store_idx %arg13[%parallel_loop3A_210], %parallel_loop3A_213 {add = true} : memref<10240xf32, #tpu.memory_space<vmem>>[vector<16xi32>], vector<16xf32>,
          tpu.vector_store_idx %arg14[%parallel_loop3A_210], %parallel_loop3A_214 {add = true} : memref<10240xf32, #tpu.memory_space<vmem>>[vector<16xi32>], vector<16xf32>,
        } {sc.loop_unroll_factor = 8 : i64, sc.parallel_access}
      }
      %scan3A_186 = arith.constant 0 : i32
      %scan3A_187 = arith.constant 640 : i32
      %scan3A_188 = arith.addi %scan3A_186, %scan3A_187 : i32
      %scan3A_189 = arith.constant 4 : i32
      scf.for %scan3A_191 = %scan3A_186 to %scan3A_188 step %scan3A_189  : i32 {
        %mul3A_192 = arith.constant 16 : i32
        %mul3A_193 = arith.muli %scan3A_191, %mul3A_192 : i32
        %add3A_194 = arith.constant 0 : i32
        %add3A_195 = arith.addi %add3A_194, %mul3A_193 : i32
        %get3A_196 = arith.index_cast %add3A_195 : i32 to index
        %get3A_197 = tpu.vector_load %arg15[%get3A_196] {strides = array<i32>} : memref<10240xf32, #tpu.memory_space<vmem>>, vector<16xf32>,
        %get3A_198 = arith.index_cast %add3A_195 : i32 to index
        %get3A_199 = tpu.vector_load %arg11[%get3A_198] {strides = array<i32>} : memref<10240xf32, #tpu.memory_space<vmem>>, vector<16xf32>,
        %mul3A_200 = arith.mulf %get3A_199, %get3A_197 : vector<16xf32>
        %swap3A = arith.index_cast %add3A_195 : i32 to index
        %swap3A_201 = tpu.vector_load %arg7[%swap3A] {strides = array<i32>} : memref<10240xf32, #tpu.memory_space<vmem>>, vector<16xf32>,
        tpu.vector_store %arg7[%swap3A], %mul3A_200 {strides = array<i32>} : memref<10240xf32, #tpu.memory_space<vmem>>, vector<16xf32>,
        %get3A_202 = arith.index_cast %add3A_195 : i32 to index
        %get3A_203 = tpu.vector_load %arg12[%get3A_202] {strides = array<i32>} : memref<10240xf32, #tpu.memory_space<vmem>>, vector<16xf32>,
        %mul3A_204 = arith.mulf %get3A_203, %get3A_197 : vector<16xf32>
        %swap3A_205 = arith.index_cast %add3A_195 : i32 to index
        %swap3A_206 = tpu.vector_load %arg8[%swap3A_205] {strides = array<i32>} : memref<10240xf32, #tpu.memory_space<vmem>>, vector<16xf32>,
        tpu.vector_store %arg8[%swap3A_205], %mul3A_204 {strides = array<i32>} : memref<10240xf32, #tpu.memory_space<vmem>>, vector<16xf32>,
        %get3A_207 = arith.index_cast %add3A_195 : i32 to index
        %get3A_208 = tpu.vector_load %arg13[%get3A_207] {strides = array<i32>} : memref<10240xf32, #tpu.memory_space<vmem>>, vector<16xf32>,
        %mul3A_209 = arith.mulf %get3A_208, %get3A_197 : vector<16xf32>
        %swap3A_210 = arith.index_cast %add3A_195 : i32 to index
        %swap3A_211 = tpu.vector_load %arg9[%swap3A_210] {strides = array<i32>} : memref<10240xf32, #tpu.memory_space<vmem>>, vector<16xf32>,
        tpu.vector_store %arg9[%swap3A_210], %mul3A_209 {strides = array<i32>} : memref<10240xf32, #tpu.memory_space<vmem>>, vector<16xf32>,
        %get3A_212 = arith.index_cast %add3A_195 : i32 to index
        %get3A_213 = tpu.vector_load %arg14[%get3A_212] {strides = array<i32>} : memref<10240xf32, #tpu.memory_space<vmem>>, vector<16xf32>,
        %mul3A_214 = arith.mulf %get3A_213, %get3A_197 : vector<16xf32>
        %swap3A_215 = arith.index_cast %add3A_195 : i32 to index
        %swap3A_216 = tpu.vector_load %arg10[%swap3A_215] {strides = array<i32>} : memref<10240xf32, #tpu.memory_space<vmem>>, vector<16xf32>,
        tpu.vector_store %arg10[%swap3A_215], %mul3A_214 {strides = array<i32>} : memref<10240xf32, #tpu.memory_space<vmem>>, vector<16xf32>,
        %scan3A_217 = arith.constant 1 : i32
        %scan3A_218 = arith.addi %scan3A_191, %scan3A_217 : i32
        %mul3A_219 = arith.constant 16 : i32
        %mul3A_220 = arith.muli %scan3A_218, %mul3A_219 : i32
        %add3A_221 = arith.constant 0 : i32
        %add3A_222 = arith.addi %add3A_221, %mul3A_220 : i32
        %get3A_223 = arith.index_cast %add3A_222 : i32 to index
        %get3A_224 = tpu.vector_load %arg15[%get3A_223] {strides = array<i32>} : memref<10240xf32, #tpu.memory_space<vmem>>, vector<16xf32>,
        %get3A_225 = arith.index_cast %add3A_222 : i32 to index
        %get3A_226 = tpu.vector_load %arg11[%get3A_225] {strides = array<i32>} : memref<10240xf32, #tpu.memory_space<vmem>>, vector<16xf32>,
        %mul3A_227 = arith.mulf %get3A_226, %get3A_224 : vector<16xf32>
        %swap3A_228 = arith.index_cast %add3A_222 : i32 to index
        %swap3A_229 = tpu.vector_load %arg7[%swap3A_228] {strides = array<i32>} : memref<10240xf32, #tpu.memory_space<vmem>>, vector<16xf32>,
        tpu.vector_store %arg7[%swap3A_228], %mul3A_227 {strides = array<i32>} : memref<10240xf32, #tpu.memory_space<vmem>>, vector<16xf32>,
        %get3A_230 = arith.index_cast %add3A_222 : i32 to index
        %get3A_231 = tpu.vector_load %arg12[%get3A_230] {strides = array<i32>} : memref<10240xf32, #tpu.memory_space<vmem>>, vector<16xf32>,
        %mul3A_232 = arith.mulf %get3A_231, %get3A_224 : vector<16xf32>
        %swap3A_233 = arith.index_cast %add3A_222 : i32 to index
        %swap3A_234 = tpu.vector_load %arg8[%swap3A_233] {strides = array<i32>} : memref<10240xf32, #tpu.memory_space<vmem>>, vector<16xf32>,
        tpu.vector_store %arg8[%swap3A_233], %mul3A_232 {strides = array<i32>} : memref<10240xf32, #tpu.memory_space<vmem>>, vector<16xf32>,
        %get3A_235 = arith.index_cast %add3A_222 : i32 to index
        %get3A_236 = tpu.vector_load %arg13[%get3A_235] {strides = array<i32>} : memref<10240xf32, #tpu.memory_space<vmem>>, vector<16xf32>,
        %mul3A_237 = arith.mulf %get3A_236, %get3A_224 : vector<16xf32>
        %swap3A_238 = arith.index_cast %add3A_222 : i32 to index
        %swap3A_239 = tpu.vector_load %arg9[%swap3A_238] {strides = array<i32>} : memref<10240xf32, #tpu.memory_space<vmem>>, vector<16xf32>,
        tpu.vector_store %arg9[%swap3A_238], %mul3A_237 {strides = array<i32>} : memref<10240xf32, #tpu.memory_space<vmem>>, vector<16xf32>,
        %get3A_240 = arith.index_cast %add3A_222 : i32 to index
        %get3A_241 = tpu.vector_load %arg14[%get3A_240] {strides = array<i32>} : memref<10240xf32, #tpu.memory_space<vmem>>, vector<16xf32>,
        %mul3A_242 = arith.mulf %get3A_241, %get3A_224 : vector<16xf32>
        %swap3A_243 = arith.index_cast %add3A_222 : i32 to index
        %swap3A_244 = tpu.vector_load %arg10[%swap3A_243] {strides = array<i32>} : memref<10240xf32, #tpu.memory_space<vmem>>, vector<16xf32>,
        tpu.vector_store %arg10[%swap3A_243], %mul3A_242 {strides = array<i32>} : memref<10240xf32, #tpu.memory_space<vmem>>, vector<16xf32>,
        %scan3A_245 = arith.constant 2 : i32
        %scan3A_246 = arith.addi %scan3A_191, %scan3A_245 : i32
        %mul3A_247 = arith.constant 16 : i32
        %mul3A_248 = arith.muli %scan3A_246, %mul3A_247 : i32
        %add3A_249 = arith.constant 0 : i32
        %add3A_250 = arith.addi %add3A_249, %mul3A_248 : i32
        %get3A_251 = arith.index_cast %add3A_250 : i32 to index
        %get3A_252 = tpu.vector_load %arg15[%get3A_251] {strides = array<i32>} : memref<10240xf32, #tpu.memory_space<vmem>>, vector<16xf32>,
        %get3A_253 = arith.index_cast %add3A_250 : i32 to index
        %get3A_254 = tpu.vector_load %arg11[%get3A_253] {strides = array<i32>} : memref<10240xf32, #tpu.memory_space<vmem>>, vector<16xf32>,
        %mul3A_255 = arith.mulf %get3A_254, %get3A_252 : vector<16xf32>
        %swap3A_256 = arith.index_cast %add3A_250 : i32 to index
        %swap3A_257 = tpu.vector_load %arg7[%swap3A_256] {strides = array<i32>} : memref<10240xf32, #tpu.memory_space<vmem>>, vector<16xf32>,
        tpu.vector_store %arg7[%swap3A_256], %mul3A_255 {strides = array<i32>} : memref<10240xf32, #tpu.memory_space<vmem>>, vector<16xf32>,
        %get3A_258 = arith.index_cast %add3A_250 : i32 to index
        %get3A_259 = tpu.vector_load %arg12[%get3A_258] {strides = array<i32>} : memref<10240xf32, #tpu.memory_space<vmem>>, vector<16xf32>,
        %mul3A_260 = arith.mulf %get3A_259, %get3A_252 : vector<16xf32>
        %swap3A_261 = arith.index_cast %add3A_250 : i32 to index
        %swap3A_262 = tpu.vector_load %arg8[%swap3A_261] {strides = array<i32>} : memref<10240xf32, #tpu.memory_space<vmem>>, vector<16xf32>,
        tpu.vector_store %arg8[%swap3A_261], %mul3A_260 {strides = array<i32>} : memref<10240xf32, #tpu.memory_space<vmem>>, vector<16xf32>,
        %get3A_263 = arith.index_cast %add3A_250 : i32 to index
        %get3A_264 = tpu.vector_load %arg13[%get3A_263] {strides = array<i32>} : memref<10240xf32, #tpu.memory_space<vmem>>, vector<16xf32>,
        %mul3A_265 = arith.mulf %get3A_264, %get3A_252 : vector<16xf32>
        %swap3A_266 = arith.index_cast %add3A_250 : i32 to index
        %swap3A_267 = tpu.vector_load %arg9[%swap3A_266] {strides = array<i32>} : memref<10240xf32, #tpu.memory_space<vmem>>, vector<16xf32>,
        tpu.vector_store %arg9[%swap3A_266], %mul3A_265 {strides = array<i32>} : memref<10240xf32, #tpu.memory_space<vmem>>, vector<16xf32>,
        %get3A_268 = arith.index_cast %add3A_250 : i32 to index
        %get3A_269 = tpu.vector_load %arg14[%get3A_268] {strides = array<i32>} : memref<10240xf32, #tpu.memory_space<vmem>>, vector<16xf32>,
        %mul3A_270 = arith.mulf %get3A_269, %get3A_252 : vector<16xf32>
        %swap3A_271 = arith.index_cast %add3A_250 : i32 to index
        %swap3A_272 = tpu.vector_load %arg10[%swap3A_271] {strides = array<i32>} : memref<10240xf32, #tpu.memory_space<vmem>>, vector<16xf32>,
        tpu.vector_store %arg10[%swap3A_271], %mul3A_270 {strides = array<i32>} : memref<10240xf32, #tpu.memory_space<vmem>>, vector<16xf32>,
        %scan3A_273 = arith.constant 3 : i32
        %scan3A_274 = arith.addi %scan3A_191, %scan3A_273 : i32
        %mul3A_275 = arith.constant 16 : i32
        %mul3A_276 = arith.muli %scan3A_274, %mul3A_275 : i32
        %add3A_277 = arith.constant 0 : i32
        %add3A_278 = arith.addi %add3A_277, %mul3A_276 : i32
        %get3A_279 = arith.index_cast %add3A_278 : i32 to index
        %get3A_280 = tpu.vector_load %arg15[%get3A_279] {strides = array<i32>} : memref<10240xf32, #tpu.memory_space<vmem>>, vector<16xf32>,
        %get3A_281 = arith.index_cast %add3A_278 : i32 to index
        %get3A_282 = tpu.vector_load %arg11[%get3A_281] {strides = array<i32>} : memref<10240xf32, #tpu.memory_space<vmem>>, vector<16xf32>,
        %mul3A_283 = arith.mulf %get3A_282, %get3A_280 : vector<16xf32>
        %swap3A_284 = arith.index_cast %add3A_278 : i32 to index
        %swap3A_285 = tpu.vector_load %arg7[%swap3A_284] {strides = array<i32>} : memref<10240xf32, #tpu.memory_space<vmem>>, vector<16xf32>,
        tpu.vector_store %arg7[%swap3A_284], %mul3A_283 {strides = array<i32>} : memref<10240xf32, #tpu.memory_space<vmem>>, vector<16xf32>,
        %get3A_286 = arith.index_cast %add3A_278 : i32 to index
        %get3A_287 = tpu.vector_load %arg12[%get3A_286] {strides = array<i32>} : memref<10240xf32, #tpu.memory_space<vmem>>, vector<16xf32>,
        %mul3A_288 = arith.mulf %get3A_287, %get3A_280 : vector<16xf32>
        %swap3A_289 = arith.index_cast %add3A_278 : i32 to index
        %swap3A_290 = tpu.vector_load %arg8[%swap3A_289] {strides = array<i32>} : memref<10240xf32, #tpu.memory_space<vmem>>, vector<16xf32>,
        tpu.vector_store %arg8[%swap3A_289], %mul3A_288 {strides = array<i32>} : memref<10240xf32, #tpu.memory_space<vmem>>, vector<16xf32>,
        %get3A_291 = arith.index_cast %add3A_278 : i32 to index
        %get3A_292 = tpu.vector_load %arg13[%get3A_291] {strides = array<i32>} : memref<10240xf32, #tpu.memory_space<vmem>>, vector<16xf32>,
        %mul3A_293 = arith.mulf %get3A_292, %get3A_280 : vector<16xf32>
        %swap3A_294 = arith.index_cast %add3A_278 : i32 to index
        %swap3A_295 = tpu.vector_load %arg9[%swap3A_294] {strides = array<i32>} : memref<10240xf32, #tpu.memory_space<vmem>>, vector<16xf32>,
        tpu.vector_store %arg9[%swap3A_294], %mul3A_293 {strides = array<i32>} : memref<10240xf32, #tpu.memory_space<vmem>>, vector<16xf32>,
        %get3A_296 = arith.index_cast %add3A_278 : i32 to index
        %get3A_297 = tpu.vector_load %arg14[%get3A_296] {strides = array<i32>} : memref<10240xf32, #tpu.memory_space<vmem>>, vector<16xf32>,
        %mul3A_298 = arith.mulf %get3A_297, %get3A_280 : vector<16xf32>
        %swap3A_299 = arith.index_cast %add3A_278 : i32 to index
        %swap3A_300 = tpu.vector_load %arg10[%swap3A_299] {strides = array<i32>} : memref<10240xf32, #tpu.memory_space<vmem>>, vector<16xf32>,
        tpu.vector_store %arg10[%swap3A_299], %mul3A_298 {strides = array<i32>} : memref<10240xf32, #tpu.memory_space<vmem>>, vector<16xf32>,
      }
      %scan3A_190 = arith.constant 640 : i32
    }
    %add3A_84 = arith.constant 0 : i32
    %add3A_85 = arith.addi %mul3A_2, %add3A_84 : i32
    %dma_start3A_86 = arith.constant 0 : i32
    %dma_start3A_87 = tpu.memref_slice %arg6[%add3A_85, %dma_start3A_86] : memref<128x10240xf32, #tpu.memory_space<hbm>> -> memref<1x10240xf32, #tpu.memory_space<hbm>>
    %dma_start3A_88 = tpu.memref_squeeze %dma_start3A_87 : memref<1x10240xf32, #tpu.memory_space<hbm>> -> memref<10240xf32, #tpu.memory_space<hbm>>
    %dma_start3A_89 = arith.constant 0 : i32
    %dma_start3A_90 = tpu.memref_slice %arg6[%add3A_85, %dma_start3A_89] : memref<128x10240xf32, #tpu.memory_space<hbm>> -> memref<1x10240xf32, #tpu.memory_space<hbm>>
    %dma_start3A_91 = tpu.memref_squeeze %dma_start3A_90 : memref<1x10240xf32, #tpu.memory_space<hbm>> -> memref<10240xf32, #tpu.memory_space<hbm>>
    tpu.enqueue_dma source(%arg7 : memref<10240xf32, #tpu.memory_space<vmem>>) target(%dma_start3A_91 : memref<10240xf32, #tpu.memory_space<hbm>>) target_semaphore(%arg20 : memref<!tpu.dma_semaphore, #tpu.memory_space<semaphore_mem>>)
    %add3A_92 = arith.constant 1 : i32
    %add3A_93 = arith.addi %mul3A_2, %add3A_92 : i32
    %dma_start3A_94 = arith.constant 0 : i32
    %dma_start3A_95 = tpu.memref_slice %arg6[%add3A_93, %dma_start3A_94] : memref<128x10240xf32, #tpu.memory_space<hbm>> -> memref<1x10240xf32, #tpu.memory_space<hbm>>
    %dma_start3A_96 = tpu.memref_squeeze %dma_start3A_95 : memref<1x10240xf32, #tpu.memory_space<hbm>> -> memref<10240xf32, #tpu.memory_space<hbm>>
    %dma_start3A_97 = arith.constant 0 : i32
    %dma_start3A_98 = tpu.memref_slice %arg6[%add3A_93, %dma_start3A_97] : memref<128x10240xf32, #tpu.memory_space<hbm>> -> memref<1x10240xf32, #tpu.memory_space<hbm>>
    %dma_start3A_99 = tpu.memref_squeeze %dma_start3A_98 : memref<1x10240xf32, #tpu.memory_space<hbm>> -> memref<10240xf32, #tpu.memory_space<hbm>>
    tpu.enqueue_dma source(%arg8 : memref<10240xf32, #tpu.memory_space<vmem>>) target(%dma_start3A_99 : memref<10240xf32, #tpu.memory_space<hbm>>) target_semaphore(%arg20 : memref<!tpu.dma_semaphore, #tpu.memory_space<semaphore_mem>>)
    %add3A_100 = arith.constant 2 : i32
    %add3A_101 = arith.addi %mul3A_2, %add3A_100 : i32
    %dma_start3A_102 = arith.constant 0 : i32
    %dma_start3A_103 = tpu.memref_slice %arg6[%add3A_101, %dma_start3A_102] : memref<128x10240xf32, #tpu.memory_space<hbm>> -> memref<1x10240xf32, #tpu.memory_space<hbm>>
    %dma_start3A_104 = tpu.memref_squeeze %dma_start3A_103 : memref<1x10240xf32, #tpu.memory_space<hbm>> -> memref<10240xf32, #tpu.memory_space<hbm>>
    %dma_start3A_105 = arith.constant 0 : i32
    %dma_start3A_106 = tpu.memref_slice %arg6[%add3A_101, %dma_start3A_105] : memref<128x10240xf32, #tpu.memory_space<hbm>> -> memref<1x10240xf32, #tpu.memory_space<hbm>>
    %dma_start3A_107 = tpu.memref_squeeze %dma_start3A_106 : memref<1x10240xf32, #tpu.memory_space<hbm>> -> memref<10240xf32, #tpu.memory_space<hbm>>
    tpu.enqueue_dma source(%arg9 : memref<10240xf32, #tpu.memory_space<vmem>>) target(%dma_start3A_107 : memref<10240xf32, #tpu.memory_space<hbm>>) target_semaphore(%arg20 : memref<!tpu.dma_semaphore, #tpu.memory_space<semaphore_mem>>)
    %add3A_108 = arith.constant 3 : i32
    %add3A_109 = arith.addi %mul3A_2, %add3A_108 : i32
    %dma_start3A_110 = arith.constant 0 : i32
    %dma_start3A_111 = tpu.memref_slice %arg6[%add3A_109, %dma_start3A_110] : memref<128x10240xf32, #tpu.memory_space<hbm>> -> memref<1x10240xf32, #tpu.memory_space<hbm>>
    %dma_start3A_112 = tpu.memref_squeeze %dma_start3A_111 : memref<1x10240xf32, #tpu.memory_space<hbm>> -> memref<10240xf32, #tpu.memory_space<hbm>>
    %dma_start3A_113 = arith.constant 0 : i32
    %dma_start3A_114 = tpu.memref_slice %arg6[%add3A_109, %dma_start3A_113] : memref<128x10240xf32, #tpu.memory_space<hbm>> -> memref<1x10240xf32, #tpu.memory_space<hbm>>
    %dma_start3A_115 = tpu.memref_squeeze %dma_start3A_114 : memref<1x10240xf32, #tpu.memory_space<hbm>> -> memref<10240xf32, #tpu.memory_space<hbm>>
    tpu.enqueue_dma source(%arg10 : memref<10240xf32, #tpu.memory_space<vmem>>) target(%dma_start3A_115 : memref<10240xf32, #tpu.memory_space<hbm>>) target_semaphore(%arg20 : memref<!tpu.dma_semaphore, #tpu.memory_space<semaphore_mem>>)
    %add3A_116 = arith.constant 0 : i32
    %add3A_117 = arith.addi %mul3A_2, %add3A_116 : i32
    %dma_wait3A_118 = arith.constant 0 : i32
    %dma_wait3A_119 = tpu.memref_slice %arg6[%add3A_117, %dma_wait3A_118] : memref<128x10240xf32, #tpu.memory_space<hbm>> -> memref<1x10240xf32, #tpu.memory_space<hbm>>
    %dma_wait3A_120 = tpu.memref_squeeze %dma_wait3A_119 : memref<1x10240xf32, #tpu.memory_space<hbm>> -> memref<10240xf32, #tpu.memory_space<hbm>>
    %dma_wait3A_121 = arith.constant 0 : i32
    %dma_wait3A_122 = tpu.memref_slice %arg6[%add3A_117, %dma_wait3A_121] : memref<128x10240xf32, #tpu.memory_space<hbm>> -> memref<1x10240xf32, #tpu.memory_space<hbm>>
    %dma_wait3A_123 = tpu.memref_squeeze %dma_wait3A_122 : memref<1x10240xf32, #tpu.memory_space<hbm>> -> memref<10240xf32, #tpu.memory_space<hbm>>
    tpu.wait_dma2 semaphore(%arg20 : memref<!tpu.dma_semaphore, #tpu.memory_space<semaphore_mem>>) src(%arg7 : memref<10240xf32, #tpu.memory_space<vmem>>) dst(%dma_wait3A_123 : memref<10240xf32, #tpu.memory_space<hbm>>)
    %add3A_124 = arith.constant 1 : i32
    %add3A_125 = arith.addi %mul3A_2, %add3A_124 : i32
    %dma_wait3A_126 = arith.constant 0 : i32
    %dma_wait3A_127 = tpu.memref_slice %arg6[%add3A_125, %dma_wait3A_126] : memref<128x10240xf32, #tpu.memory_space<hbm>> -> memref<1x10240xf32, #tpu.memory_space<hbm>>
    %dma_wait3A_128 = tpu.memref_squeeze %dma_wait3A_127 : memref<1x10240xf32, #tpu.memory_space<hbm>> -> memref<10240xf32, #tpu.memory_space<hbm>>
    %dma_wait3A_129 = arith.constant 0 : i32
    %dma_wait3A_130 = tpu.memref_slice %arg6[%add3A_125, %dma_wait3A_129] : memref<128x10240xf32, #tpu.memory_space<hbm>> -> memref<1x10240xf32, #tpu.memory_space<hbm>>
    %dma_wait3A_131 = tpu.memref_squeeze %dma_wait3A_130 : memref<1x10240xf32, #tpu.memory_space<hbm>> -> memref<10240xf32, #tpu.memory_space<hbm>>
    tpu.wait_dma2 semaphore(%arg20 : memref<!tpu.dma_semaphore, #tpu.memory_space<semaphore_mem>>) src(%arg8 : memref<10240xf32, #tpu.memory_space<vmem>>) dst(%dma_wait3A_131 : memref<10240xf32, #tpu.memory_space<hbm>>)
    %add3A_132 = arith.constant 2 : i32
    %add3A_133 = arith.addi %mul3A_2, %add3A_132 : i32
    %dma_wait3A_134 = arith.constant 0 : i32
    %dma_wait3A_135 = tpu.memref_slice %arg6[%add3A_133, %dma_wait3A_134] : memref<128x10240xf32, #tpu.memory_space<hbm>> -> memref<1x10240xf32, #tpu.memory_space<hbm>>
    %dma_wait3A_136 = tpu.memref_squeeze %dma_wait3A_135 : memref<1x10240xf32, #tpu.memory_space<hbm>> -> memref<10240xf32, #tpu.memory_space<hbm>>
    %dma_wait3A_137 = arith.constant 0 : i32
    %dma_wait3A_138 = tpu.memref_slice %arg6[%add3A_133, %dma_wait3A_137] : memref<128x10240xf32, #tpu.memory_space<hbm>> -> memref<1x10240xf32, #tpu.memory_space<hbm>>
    %dma_wait3A_139 = tpu.memref_squeeze %dma_wait3A_138 : memref<1x10240xf32, #tpu.memory_space<hbm>> -> memref<10240xf32, #tpu.memory_space<hbm>>
    tpu.wait_dma2 semaphore(%arg20 : memref<!tpu.dma_semaphore, #tpu.memory_space<semaphore_mem>>) src(%arg9 : memref<10240xf32, #tpu.memory_space<vmem>>) dst(%dma_wait3A_139 : memref<10240xf32, #tpu.memory_space<hbm>>)
    %add3A_140 = arith.constant 3 : i32
    %add3A_141 = arith.addi %mul3A_2, %add3A_140 : i32
    %dma_wait3A_142 = arith.constant 0 : i32
    %dma_wait3A_143 = tpu.memref_slice %arg6[%add3A_141, %dma_wait3A_142] : memref<128x10240xf32, #tpu.memory_space<hbm>> -> memref<1x10240xf32, #tpu.memory_space<hbm>>
    %dma_wait3A_144 = tpu.memref_squeeze %dma_wait3A_143 : memref<1x10240xf32, #tpu.memory_space<hbm>> -> memref<10240xf32, #tpu.memory_space<hbm>>
    %dma_wait3A_145 = arith.constant 0 : i32
    %dma_wait3A_146 = tpu.memref_slice %arg6[%add3A_141, %dma_wait3A_145] : memref<128x10240xf32, #tpu.memory_space<hbm>> -> memref<1x10240xf32, #tpu.memory_space<hbm>>
    %dma_wait3A_147 = tpu.memref_squeeze %dma_wait3A_146 : memref<1x10240xf32, #tpu.memory_space<hbm>> -> memref<10240xf32, #tpu.memory_space<hbm>>
    tpu.wait_dma2 semaphore(%arg20 : memref<!tpu.dma_semaphore, #tpu.memory_space<semaphore_mem>>) src(%arg10 : memref<10240xf32, #tpu.memory_space<vmem>>) dst(%dma_wait3A_147 : memref<10240xf32, #tpu.memory_space<hbm>>)
    return
  }
}

#map = affine_map<(d0, d1) -> (0)>
#map1 = affine_map<(d0, d1) -> (0, 0)>
module attributes {stable_mosaic.version = 14 : i64} {
  func.func @_cnt_kernel(%arg0: i32, %arg1: i32, %arg2: memref<320000xi32, #tpu.memory_space<hbm>>, %arg3: memref<32x256xi32, #tpu.memory_space<hbm>>, %arg4: memref<256xi32, #tpu.memory_space<vmem>>, %arg5: memref<10000xi32, #tpu.memory_space<vmem>>, %arg6: memref<!tpu.dma_semaphore, #tpu.memory_space<semaphore_mem>>) attributes {dimension_semantics = [#tpu.dimension_semantics<core_parallel>, #tpu.dimension_semantics<subcore_parallel>], iteration_bounds = array<i64: 2, 16>, scalar_prefetch = 0 : i64, scratch_operands = 3 : i64, tpu.core_type = #tpu.core_type<sc_vector_subcore>, window_params = [{transform_indices = #map}, {transform_indices = #map1}]} {
    %mul3A = arith.constant 16 : i32
    %mul3A_0 = arith.muli %arg0, %mul3A : i32
    %add3A = arith.addi %mul3A_0, %arg1 : i32
    %mul3A_1 = arith.constant 10000 : i32
    %mul3A_2 = arith.muli %add3A, %mul3A_1 : i32
    %dma_start3A = tpu.memref_slice %arg2[%mul3A_2] : memref<320000xi32, #tpu.memory_space<hbm>> -> memref<10000xi32, #tpu.memory_space<hbm>>
    %dma_start3A_3 = tpu.memref_slice %arg2[%mul3A_2] : memref<320000xi32, #tpu.memory_space<hbm>> -> memref<10000xi32, #tpu.memory_space<hbm>>
    tpu.enqueue_dma source(%dma_start3A_3 : memref<10000xi32, #tpu.memory_space<hbm>>) target(%arg5 : memref<10000xi32, #tpu.memory_space<vmem>>) target_semaphore(%arg6 : memref<!tpu.dma_semaphore, #tpu.memory_space<semaphore_mem>>)
    %dma_wait3A = tpu.memref_slice %arg2[%mul3A_2] : memref<320000xi32, #tpu.memory_space<hbm>> -> memref<10000xi32, #tpu.memory_space<hbm>>
    %dma_wait3A_4 = tpu.memref_slice %arg2[%mul3A_2] : memref<320000xi32, #tpu.memory_space<hbm>> -> memref<10000xi32, #tpu.memory_space<hbm>>
    tpu.wait_dma2 semaphore(%arg6 : memref<!tpu.dma_semaphore, #tpu.memory_space<semaphore_mem>>) src(%dma_wait3A_4 : memref<10000xi32, #tpu.memory_space<hbm>>) dst(%arg5 : memref<10000xi32, #tpu.memory_space<vmem>>)
    %scan3A = arith.constant 0 : i32
    %scan3A_5 = arith.constant 16 : i32
    %scan3A_6 = arith.addi %scan3A, %scan3A_5 : i32
    %scan3A_7 = arith.constant 1 : i32
    scf.for %scan3A_12 = %scan3A to %scan3A_6 step %scan3A_7  : i32 {
      %mul3A_13 = arith.constant 16 : i32
      %mul3A_14 = arith.muli %scan3A_12, %mul3A_13 : i32
      %add3A_15 = arith.constant 0 : i32
      %add3A_16 = arith.addi %add3A_15, %mul3A_14 : i32
      %broadcast_in_dim3A_17 = arith.constant 0 : i32
      %broadcast_in_dim3A_18 = vector.broadcast %broadcast_in_dim3A_17 : i32 to vector<16xi32>
      %swap3A = arith.index_cast %add3A_16 : i32 to index
      %swap3A_19 = tpu.vector_load %arg4[%swap3A] {strides = array<i32>} : memref<256xi32, #tpu.memory_space<vmem>>, vector<16xi32>,
      tpu.vector_store %arg4[%swap3A], %broadcast_in_dim3A_18 {strides = array<i32>} : memref<256xi32, #tpu.memory_space<vmem>>, vector<16xi32>,
    }
    %scan3A_8 = arith.constant 16 : i32
    %broadcast_in_dim3A = arith.constant 1 : i32
    %broadcast_in_dim3A_9 = vector.broadcast %broadcast_in_dim3A : i32 to vector<16xi32>
    %parallel_loop3A = arith.constant 0 : i32
    %parallel_loop3A_10 = arith.constant 10000 : i32
    %parallel_loop3A_11 = arith.constant 16 : i32
    scf.for %parallel_loop3A_12 = %parallel_loop3A to %parallel_loop3A_10 step %parallel_loop3A_11  : i32 {
      %parallel_loop3A_13 = arith.index_cast %parallel_loop3A_12 : i32 to index
      %parallel_loop3A_14 = tpu.vector_load %arg5[%parallel_loop3A_13] {strides = array<i32>} : memref<10000xi32, #tpu.memory_space<vmem>>, vector<16xi32>,
      %parallel_loop3A_15 = arith.constant 65535 : i32
      %parallel_loop3A_16 = vector.broadcast %parallel_loop3A_15 : i32 to vector<16xi32>
      %parallel_loop3A_17 = arith.andi %parallel_loop3A_14, %parallel_loop3A_16 : vector<16xi32>
      %parallel_loop3A_18 = arith.constant 16 : i32
      %parallel_loop3A_19 = vector.broadcast %parallel_loop3A_18 : i32 to vector<16xi32>
      %parallel_loop3A_20 = arith.shrui %parallel_loop3A_14, %parallel_loop3A_19 : vector<16xi32>
      %parallel_loop3A_21 = arith.subi %parallel_loop3A_20, %parallel_loop3A_17 : vector<16xi32>
      %parallel_loop3A_22 = arith.constant 15 : i32
      %parallel_loop3A_23 = vector.broadcast %parallel_loop3A_22 : i32 to vector<16xi32>
      %parallel_loop3A_24 = arith.andi %parallel_loop3A_21, %parallel_loop3A_23 : vector<16xi32>
      %parallel_loop3A_25 = arith.constant 16 : i32
      %parallel_loop3A_26 = vector.broadcast %parallel_loop3A_25 : i32 to vector<16xi32>
      %parallel_loop3A_27 = arith.muli %parallel_loop3A_24, %parallel_loop3A_26 : vector<16xi32>
      %parallel_loop3A_28 = arith.constant 15 : i32
      %parallel_loop3A_29 = vector.broadcast %parallel_loop3A_28 : i32 to vector<16xi32>
      %parallel_loop3A_30 = arith.andi %parallel_loop3A_17, %parallel_loop3A_29 : vector<16xi32>
      %parallel_loop3A_31 = arith.addi %parallel_loop3A_27, %parallel_loop3A_30 : vector<16xi32>
      tpu.vector_store_idx %arg4[%parallel_loop3A_31], %broadcast_in_dim3A_9 {add = true} : memref<256xi32, #tpu.memory_space<vmem>>[vector<16xi32>], vector<16xi32>,
    } {sc.loop_unroll_factor = 2 : i64, sc.parallel_access}
    "tpu.region"() ({
      %run_scoped3A = tpu.sem_alloc : memref<!tpu.dma_semaphore, #tpu.memory_space<semaphore_mem>>
      %dma_start3A_12 = arith.constant 0 : i32
      %dma_start3A_13 = tpu.memref_slice %arg3[%add3A, %dma_start3A_12] : memref<32x256xi32, #tpu.memory_space<hbm>> -> memref<1x256xi32, #tpu.memory_space<hbm>>
      %dma_start3A_14 = tpu.memref_squeeze %dma_start3A_13 : memref<1x256xi32, #tpu.memory_space<hbm>> -> memref<256xi32, #tpu.memory_space<hbm>>
      %dma_start3A_15 = arith.constant 0 : i32
      %dma_start3A_16 = tpu.memref_slice %arg3[%add3A, %dma_start3A_15] : memref<32x256xi32, #tpu.memory_space<hbm>> -> memref<1x256xi32, #tpu.memory_space<hbm>>
      %dma_start3A_17 = tpu.memref_squeeze %dma_start3A_16 : memref<1x256xi32, #tpu.memory_space<hbm>> -> memref<256xi32, #tpu.memory_space<hbm>>
      tpu.enqueue_dma source(%arg4 : memref<256xi32, #tpu.memory_space<vmem>>) target(%dma_start3A_17 : memref<256xi32, #tpu.memory_space<hbm>>) target_semaphore(%run_scoped3A : memref<!tpu.dma_semaphore, #tpu.memory_space<semaphore_mem>>)
      %dma_wait3A_18 = arith.constant 0 : i32
      %dma_wait3A_19 = tpu.memref_slice %arg3[%add3A, %dma_wait3A_18] : memref<32x256xi32, #tpu.memory_space<hbm>> -> memref<1x256xi32, #tpu.memory_space<hbm>>
      %dma_wait3A_20 = tpu.memref_squeeze %dma_wait3A_19 : memref<1x256xi32, #tpu.memory_space<hbm>> -> memref<256xi32, #tpu.memory_space<hbm>>
      %dma_wait3A_21 = arith.constant 0 : i32
      %dma_wait3A_22 = tpu.memref_slice %arg3[%add3A, %dma_wait3A_21] : memref<32x256xi32, #tpu.memory_space<hbm>> -> memref<1x256xi32, #tpu.memory_space<hbm>>
      %dma_wait3A_23 = tpu.memref_squeeze %dma_wait3A_22 : memref<1x256xi32, #tpu.memory_space<hbm>> -> memref<256xi32, #tpu.memory_space<hbm>>
      tpu.wait_dma2 semaphore(%run_scoped3A : memref<!tpu.dma_semaphore, #tpu.memory_space<semaphore_mem>>) src(%arg4 : memref<256xi32, #tpu.memory_space<vmem>>) dst(%dma_wait3A_23 : memref<256xi32, #tpu.memory_space<hbm>>)
      tpu.yield
    }) : () -> ()
    return
  }
}

#map = affine_map<(d0, d1) -> (0)>
#map1 = affine_map<(d0, d1) -> (0, 0)>
module attributes {stable_mosaic.version = 14 : i64} {
  func.func @_pos_kernel(%arg0: i32, %arg1: i32, %arg2: memref<320000xi32, #tpu.memory_space<hbm>>, %arg3: memref<32x256xi32, #tpu.memory_space<hbm>>, %arg4: memref<32x256xi32, #tpu.memory_space<hbm>>, %arg5: memref<678912xi32, #tpu.memory_space<hbm>>, %arg6: memref<256xi32, #tpu.memory_space<vmem>>, %arg7: memref<256xi32, #tpu.memory_space<vmem>>, %arg8: memref<10000xi32, #tpu.memory_space<vmem>>, %arg9: memref<10000xi32, #tpu.memory_space<vmem>>, %arg10: memref<!tpu.dma_semaphore, #tpu.memory_space<semaphore_mem>>) attributes {dimension_semantics = [#tpu.dimension_semantics<core_parallel>, #tpu.dimension_semantics<subcore_parallel>], iteration_bounds = array<i64: 2, 16>, scalar_prefetch = 0 : i64, scratch_operands = 5 : i64, tpu.core_type = #tpu.core_type<sc_vector_subcore>, window_params = [{transform_indices = #map}, {transform_indices = #map1}, {transform_indices = #map1}, {transform_indices = #map}]} {
    %mul3A = arith.constant 16 : i32
    %mul3A_0 = arith.muli %arg0, %mul3A : i32
    %add3A = arith.addi %mul3A_0, %arg1 : i32
    %mul3A_1 = arith.constant 10000 : i32
    %mul3A_2 = arith.muli %add3A, %mul3A_1 : i32
    %dma_start3A = tpu.memref_slice %arg2[%mul3A_2] : memref<320000xi32, #tpu.memory_space<hbm>> -> memref<10000xi32, #tpu.memory_space<hbm>>
    %dma_start3A_3 = tpu.memref_slice %arg2[%mul3A_2] : memref<320000xi32, #tpu.memory_space<hbm>> -> memref<10000xi32, #tpu.memory_space<hbm>>
    tpu.enqueue_dma source(%dma_start3A_3 : memref<10000xi32, #tpu.memory_space<hbm>>) target(%arg8 : memref<10000xi32, #tpu.memory_space<vmem>>) target_semaphore(%arg10 : memref<!tpu.dma_semaphore, #tpu.memory_space<semaphore_mem>>)
    %dma_wait3A = tpu.memref_slice %arg2[%mul3A_2] : memref<320000xi32, #tpu.memory_space<hbm>> -> memref<10000xi32, #tpu.memory_space<hbm>>
    %dma_wait3A_4 = tpu.memref_slice %arg2[%mul3A_2] : memref<320000xi32, #tpu.memory_space<hbm>> -> memref<10000xi32, #tpu.memory_space<hbm>>
    tpu.wait_dma2 semaphore(%arg10 : memref<!tpu.dma_semaphore, #tpu.memory_space<semaphore_mem>>) src(%dma_wait3A_4 : memref<10000xi32, #tpu.memory_space<hbm>>) dst(%arg8 : memref<10000xi32, #tpu.memory_space<vmem>>)
    %dma_start3A_5 = arith.constant 0 : i32
    %dma_start3A_6 = tpu.memref_slice %arg3[%add3A, %dma_start3A_5] : memref<32x256xi32, #tpu.memory_space<hbm>> -> memref<1x256xi32, #tpu.memory_space<hbm>>
    %dma_start3A_7 = tpu.memref_squeeze %dma_start3A_6 : memref<1x256xi32, #tpu.memory_space<hbm>> -> memref<256xi32, #tpu.memory_space<hbm>>
    %dma_start3A_8 = arith.constant 0 : i32
    %dma_start3A_9 = tpu.memref_slice %arg3[%add3A, %dma_start3A_8] : memref<32x256xi32, #tpu.memory_space<hbm>> -> memref<1x256xi32, #tpu.memory_space<hbm>>
    %dma_start3A_10 = tpu.memref_squeeze %dma_start3A_9 : memref<1x256xi32, #tpu.memory_space<hbm>> -> memref<256xi32, #tpu.memory_space<hbm>>
    tpu.enqueue_dma source(%dma_start3A_10 : memref<256xi32, #tpu.memory_space<hbm>>) target(%arg6 : memref<256xi32, #tpu.memory_space<vmem>>) target_semaphore(%arg10 : memref<!tpu.dma_semaphore, #tpu.memory_space<semaphore_mem>>)
    %dma_wait3A_11 = arith.constant 0 : i32
    %dma_wait3A_12 = tpu.memref_slice %arg3[%add3A, %dma_wait3A_11] : memref<32x256xi32, #tpu.memory_space<hbm>> -> memref<1x256xi32, #tpu.memory_space<hbm>>
    %dma_wait3A_13 = tpu.memref_squeeze %dma_wait3A_12 : memref<1x256xi32, #tpu.memory_space<hbm>> -> memref<256xi32, #tpu.memory_space<hbm>>
    %dma_wait3A_14 = arith.constant 0 : i32
    %dma_wait3A_15 = tpu.memref_slice %arg3[%add3A, %dma_wait3A_14] : memref<32x256xi32, #tpu.memory_space<hbm>> -> memref<1x256xi32, #tpu.memory_space<hbm>>
    %dma_wait3A_16 = tpu.memref_squeeze %dma_wait3A_15 : memref<1x256xi32, #tpu.memory_space<hbm>> -> memref<256xi32, #tpu.memory_space<hbm>>
    tpu.wait_dma2 semaphore(%arg10 : memref<!tpu.dma_semaphore, #tpu.memory_space<semaphore_mem>>) src(%dma_wait3A_16 : memref<256xi32, #tpu.memory_space<hbm>>) dst(%arg6 : memref<256xi32, #tpu.memory_space<vmem>>)
    %dma_start3A_17 = arith.constant 0 : i32
    %dma_start3A_18 = tpu.memref_slice %arg4[%add3A, %dma_start3A_17] : memref<32x256xi32, #tpu.memory_space<hbm>> -> memref<1x256xi32, #tpu.memory_space<hbm>>
    %dma_start3A_19 = tpu.memref_squeeze %dma_start3A_18 : memref<1x256xi32, #tpu.memory_space<hbm>> -> memref<256xi32, #tpu.memory_space<hbm>>
    %dma_start3A_20 = arith.constant 0 : i32
    %dma_start3A_21 = tpu.memref_slice %arg4[%add3A, %dma_start3A_20] : memref<32x256xi32, #tpu.memory_space<hbm>> -> memref<1x256xi32, #tpu.memory_space<hbm>>
    %dma_start3A_22 = tpu.memref_squeeze %dma_start3A_21 : memref<1x256xi32, #tpu.memory_space<hbm>> -> memref<256xi32, #tpu.memory_space<hbm>>
    tpu.enqueue_dma source(%dma_start3A_22 : memref<256xi32, #tpu.memory_space<hbm>>) target(%arg7 : memref<256xi32, #tpu.memory_space<vmem>>) target_semaphore(%arg10 : memref<!tpu.dma_semaphore, #tpu.memory_space<semaphore_mem>>)
    %dma_wait3A_23 = arith.constant 0 : i32
    %dma_wait3A_24 = tpu.memref_slice %arg4[%add3A, %dma_wait3A_23] : memref<32x256xi32, #tpu.memory_space<hbm>> -> memref<1x256xi32, #tpu.memory_space<hbm>>
    %dma_wait3A_25 = tpu.memref_squeeze %dma_wait3A_24 : memref<1x256xi32, #tpu.memory_space<hbm>> -> memref<256xi32, #tpu.memory_space<hbm>>
    %dma_wait3A_26 = arith.constant 0 : i32
    %dma_wait3A_27 = tpu.memref_slice %arg4[%add3A, %dma_wait3A_26] : memref<32x256xi32, #tpu.memory_space<hbm>> -> memref<1x256xi32, #tpu.memory_space<hbm>>
    %dma_wait3A_28 = tpu.memref_squeeze %dma_wait3A_27 : memref<1x256xi32, #tpu.memory_space<hbm>> -> memref<256xi32, #tpu.memory_space<hbm>>
    tpu.wait_dma2 semaphore(%arg10 : memref<!tpu.dma_semaphore, #tpu.memory_space<semaphore_mem>>) src(%dma_wait3A_28 : memref<256xi32, #tpu.memory_space<hbm>>) dst(%arg7 : memref<256xi32, #tpu.memory_space<vmem>>)
    %scan3A = arith.constant 0 : i32
    %scan3A_29 = arith.constant 625 : i32
    %scan3A_30 = arith.addi %scan3A, %scan3A_29 : i32
    %scan3A_31 = arith.constant 1 : i32
    scf.for %scan3A_37 = %scan3A to %scan3A_30 step %scan3A_31  : i32 {
      %mul3A_38 = arith.constant 16 : i32
      %mul3A_39 = arith.muli %scan3A_37, %mul3A_38 : i32
      %add3A_40 = arith.constant 0 : i32
      %add3A_41 = arith.addi %add3A_40, %mul3A_39 : i32
      %get3A = arith.index_cast %add3A_41 : i32 to index
      %get3A_42 = tpu.vector_load %arg8[%get3A] {strides = array<i32>} : memref<10000xi32, #tpu.memory_space<vmem>>, vector<16xi32>,
      %and3A = arith.constant 65535 : i32
      %and3A_43 = vector.broadcast %and3A : i32 to vector<16xi32>
      %and3A_44 = arith.andi %get3A_42, %and3A_43 : vector<16xi32>
      %shift_right_logical3A = arith.constant 16 : i32
      %shift_right_logical3A_45 = vector.broadcast %shift_right_logical3A : i32 to vector<16xi32>
      %shift_right_logical3A_46 = arith.shrui %get3A_42, %shift_right_logical3A_45 : vector<16xi32>
      %sub3A = arith.subi %shift_right_logical3A_46, %and3A_44 : vector<16xi32>
      %and3A_47 = arith.constant 15 : i32
      %and3A_48 = vector.broadcast %and3A_47 : i32 to vector<16xi32>
      %and3A_49 = arith.andi %sub3A, %and3A_48 : vector<16xi32>
      %mul3A_50 = arith.constant 16 : i32
      %mul3A_51 = vector.broadcast %mul3A_50 : i32 to vector<16xi32>
      %mul3A_52 = arith.muli %and3A_49, %mul3A_51 : vector<16xi32>
      %and3A_53 = arith.constant 15 : i32
      %and3A_54 = vector.broadcast %and3A_53 : i32 to vector<16xi32>
      %and3A_55 = arith.andi %and3A_44, %and3A_54 : vector<16xi32>
      %add3A_56 = arith.addi %mul3A_52, %and3A_55 : vector<16xi32>
      %broadcast_in_dim3A = arith.constant true
      %broadcast_in_dim3A_57 = vector.broadcast %broadcast_in_dim3A : i1 to vector<16xi1>
      %unique3A, %unique3A_58 = tpu.scan_count mask(%broadcast_in_dim3A_57 : vector<16xi1>) value(%add3A_56 : vector<16xi32>) : vector<16xi1>, vector<16xi32>
      %gather3A = tpu.vector_load_idx %arg6[%add3A_56] : memref<256xi32, #tpu.memory_space<vmem>>[vector<16xi32>], vector<16xi32>,
      %add3A_59 = arith.addi %gather3A, %unique3A_58 : vector<16xi32>
      %sub3A_60 = arith.constant 1 : i32
      %sub3A_61 = vector.broadcast %sub3A_60 : i32 to vector<16xi32>
      %sub3A_62 = arith.subi %add3A_59, %sub3A_61 : vector<16xi32>
      tpu.vector_store_idx %arg6[%add3A_56], %unique3A_58 masked %unique3A {add = true} : memref<256xi32, #tpu.memory_space<vmem>>[vector<16xi32>], vector<16xi32>, vector<16xi1>
      %lt3A = arith.constant 1344 : i32
      %lt3A_63 = vector.broadcast %lt3A : i32 to vector<16xi32>
      %lt3A_64 = arith.cmpi slt, %sub3A_62, %lt3A_63 : vector<16xi32>
      %shift_right_logical3A_65 = arith.constant 4 : i32
      %shift_right_logical3A_66 = vector.broadcast %shift_right_logical3A_65 : i32 to vector<16xi32>
      %shift_right_logical3A_67 = arith.shrui %add3A_56, %shift_right_logical3A_66 : vector<16xi32>
      %mul3A_68 = arith.constant 21504 : i32
      %mul3A_69 = vector.broadcast %mul3A_68 : i32 to vector<16xi32>
      %mul3A_70 = arith.muli %shift_right_logical3A_67, %mul3A_69 : vector<16xi32>
      %mul3A_71 = arith.constant 16 : i32
      %mul3A_72 = vector.broadcast %mul3A_71 : i32 to vector<16xi32>
      %mul3A_73 = arith.muli %sub3A_62, %mul3A_72 : vector<16xi32>
      %add3A_74 = arith.addi %mul3A_70, %mul3A_73 : vector<16xi32>
      %and3A_75 = arith.constant 15 : i32
      %and3A_76 = vector.broadcast %and3A_75 : i32 to vector<16xi32>
      %and3A_77 = arith.andi %add3A_56, %and3A_76 : vector<16xi32>
      %add3A_78 = arith.addi %add3A_74, %and3A_77 : vector<16xi32>
      %not3A = arith.constant dense<true> : vector<16xi1>
      %not3A_79 = arith.xori %lt3A_64, %not3A : vector<16xi1>
      %unique3A_80, %unique3A_81 = tpu.scan_count mask(%not3A_79 : vector<16xi1>) value(%add3A_56 : vector<16xi32>) : vector<16xi1>, vector<16xi32>
      %gather3A_82 = tpu.vector_load_idx %arg7[%add3A_56] : memref<256xi32, #tpu.memory_space<vmem>>[vector<16xi32>], vector<16xi32>,
      %add3A_83 = arith.addi %gather3A_82, %unique3A_81 : vector<16xi32>
      %sub3A_84 = arith.constant 1 : i32
      %sub3A_85 = vector.broadcast %sub3A_84 : i32 to vector<16xi32>
      %sub3A_86 = arith.subi %add3A_83, %sub3A_85 : vector<16xi32>
      %and3A_87 = arith.andi %unique3A_80, %not3A_79 : vector<16xi1>
      tpu.vector_store_idx %arg7[%add3A_56], %unique3A_81 masked %and3A_87 {add = true} : memref<256xi32, #tpu.memory_space<vmem>>[vector<16xi32>], vector<16xi32>, vector<16xi1>
      %add3A_88 = arith.constant 344064 : i32
      %add3A_89 = vector.broadcast %add3A_88 : i32 to vector<16xi32>
      %add3A_90 = arith.addi %add3A_89, %sub3A_86 : vector<16xi32>
      %select_n3A = arith.select %lt3A_64, %add3A_78, %add3A_90 : vector<16xi1>, vector<16xi32>
      %swap3A = arith.index_cast %add3A_41 : i32 to index
      %swap3A_91 = tpu.vector_load %arg9[%swap3A] {strides = array<i32>} : memref<10000xi32, #tpu.memory_space<vmem>>, vector<16xi32>,
      tpu.vector_store %arg9[%swap3A], %select_n3A {strides = array<i32>} : memref<10000xi32, #tpu.memory_space<vmem>>, vector<16xi32>,
    }
    %scan3A_32 = arith.constant 625 : i32
    %dma_start3A_33 = arith.constant 0 : i32
    %dma_start3A_34 = tpu.memref_slice %arg5[%dma_start3A_33] : memref<678912xi32, #tpu.memory_space<hbm>> -> memref<678912xi32, #tpu.memory_space<hbm>>
    tpu.enqueue_indirect_dma source(%arg8 : memref<10000xi32, #tpu.memory_space<vmem>>) target(%dma_start3A_34 : memref<678912xi32, #tpu.memory_space<hbm>>) offsets(%arg9 : memref<10000xi32, #tpu.memory_space<vmem>>) semaphore(%arg10 : memref<!tpu.dma_semaphore, #tpu.memory_space<semaphore_mem>>)
    %dma_wait3A_35 = arith.constant 0 : i32
    %dma_wait3A_36 = tpu.memref_slice %arg5[%dma_wait3A_35] : memref<678912xi32, #tpu.memory_space<hbm>> -> memref<678912xi32, #tpu.memory_space<hbm>>
    tpu.wait_indirect_dma semaphore(%arg10 : memref<!tpu.dma_semaphore, #tpu.memory_space<semaphore_mem>>) src(%arg8 : memref<10000xi32, #tpu.memory_space<vmem>>) dst(%dma_wait3A_36 : memref<678912xi32, #tpu.memory_space<hbm>>)
    return
  }
}

#map = affine_map<(d0, d1) -> (0)>
#map1 = affine_map<(d0, d1) -> (0, 0)>
module attributes {stable_mosaic.version = 14 : i64} {
  func.func @_deg_kernel(%arg0: i32, %arg1: i32, %arg2: memref<678912xi32, #tpu.memory_space<hbm>>, %arg3: memref<32x10240xf32, #tpu.memory_space<hbm>>, %arg4: memref<10240xf32, #tpu.memory_space<vmem>>, %arg5: memref<21216xi32, #tpu.memory_space<vmem>>, %arg6: memref<!tpu.dma_semaphore, #tpu.memory_space<semaphore_mem>>) attributes {dimension_semantics = [#tpu.dimension_semantics<core_parallel>, #tpu.dimension_semantics<subcore_parallel>], iteration_bounds = array<i64: 2, 16>, scalar_prefetch = 0 : i64, scratch_operands = 3 : i64, tpu.core_type = #tpu.core_type<sc_vector_subcore>, window_params = [{transform_indices = #map}, {transform_indices = #map1}]} {
    %mul3A = arith.constant 16 : i32
    %mul3A_0 = arith.muli %arg0, %mul3A : i32
    %add3A = arith.addi %mul3A_0, %arg1 : i32
    %mul3A_1 = arith.constant 21216 : i32
    %mul3A_2 = arith.muli %add3A, %mul3A_1 : i32
    %dma_start3A = tpu.memref_slice %arg2[%mul3A_2] : memref<678912xi32, #tpu.memory_space<hbm>> -> memref<21216xi32, #tpu.memory_space<hbm>>
    %dma_start3A_3 = tpu.memref_slice %arg2[%mul3A_2] : memref<678912xi32, #tpu.memory_space<hbm>> -> memref<21216xi32, #tpu.memory_space<hbm>>
    tpu.enqueue_dma source(%dma_start3A_3 : memref<21216xi32, #tpu.memory_space<hbm>>) target(%arg5 : memref<21216xi32, #tpu.memory_space<vmem>>) target_semaphore(%arg6 : memref<!tpu.dma_semaphore, #tpu.memory_space<semaphore_mem>>)
    %dma_wait3A = tpu.memref_slice %arg2[%mul3A_2] : memref<678912xi32, #tpu.memory_space<hbm>> -> memref<21216xi32, #tpu.memory_space<hbm>>
    %dma_wait3A_4 = tpu.memref_slice %arg2[%mul3A_2] : memref<678912xi32, #tpu.memory_space<hbm>> -> memref<21216xi32, #tpu.memory_space<hbm>>
    tpu.wait_dma2 semaphore(%arg6 : memref<!tpu.dma_semaphore, #tpu.memory_space<semaphore_mem>>) src(%dma_wait3A_4 : memref<21216xi32, #tpu.memory_space<hbm>>) dst(%arg5 : memref<21216xi32, #tpu.memory_space<vmem>>)
    %scan3A = arith.constant 0 : i32
    %scan3A_5 = arith.constant 640 : i32
    %scan3A_6 = arith.addi %scan3A, %scan3A_5 : i32
    %scan3A_7 = arith.constant 4 : i32
    scf.for %scan3A_12 = %scan3A to %scan3A_6 step %scan3A_7  : i32 {
      %mul3A_13 = arith.constant 16 : i32
      %mul3A_14 = arith.muli %scan3A_12, %mul3A_13 : i32
      %add3A_15 = arith.constant 0 : i32
      %add3A_16 = arith.addi %add3A_15, %mul3A_14 : i32
      %broadcast_in_dim3A_17 = arith.constant 0.000000e+00 : f32
      %broadcast_in_dim3A_18 = vector.broadcast %broadcast_in_dim3A_17 : f32 to vector<16xf32>
      %swap3A = arith.index_cast %add3A_16 : i32 to index
      %swap3A_19 = tpu.vector_load %arg4[%swap3A] {strides = array<i32>} : memref<10240xf32, #tpu.memory_space<vmem>>, vector<16xf32>,
      tpu.vector_store %arg4[%swap3A], %broadcast_in_dim3A_18 {strides = array<i32>} : memref<10240xf32, #tpu.memory_space<vmem>>, vector<16xf32>,
      %scan3A_20 = arith.constant 1 : i32
      %scan3A_21 = arith.addi %scan3A_12, %scan3A_20 : i32
      %mul3A_22 = arith.constant 16 : i32
      %mul3A_23 = arith.muli %scan3A_21, %mul3A_22 : i32
      %add3A_24 = arith.constant 0 : i32
      %add3A_25 = arith.addi %add3A_24, %mul3A_23 : i32
      %broadcast_in_dim3A_26 = arith.constant 0.000000e+00 : f32
      %broadcast_in_dim3A_27 = vector.broadcast %broadcast_in_dim3A_26 : f32 to vector<16xf32>
      %swap3A_28 = arith.index_cast %add3A_25 : i32 to index
      %swap3A_29 = tpu.vector_load %arg4[%swap3A_28] {strides = array<i32>} : memref<10240xf32, #tpu.memory_space<vmem>>, vector<16xf32>,
      tpu.vector_store %arg4[%swap3A_28], %broadcast_in_dim3A_27 {strides = array<i32>} : memref<10240xf32, #tpu.memory_space<vmem>>, vector<16xf32>,
      %scan3A_30 = arith.constant 2 : i32
      %scan3A_31 = arith.addi %scan3A_12, %scan3A_30 : i32
      %mul3A_32 = arith.constant 16 : i32
      %mul3A_33 = arith.muli %scan3A_31, %mul3A_32 : i32
      %add3A_34 = arith.constant 0 : i32
      %add3A_35 = arith.addi %add3A_34, %mul3A_33 : i32
      %broadcast_in_dim3A_36 = arith.constant 0.000000e+00 : f32
      %broadcast_in_dim3A_37 = vector.broadcast %broadcast_in_dim3A_36 : f32 to vector<16xf32>
      %swap3A_38 = arith.index_cast %add3A_35 : i32 to index
      %swap3A_39 = tpu.vector_load %arg4[%swap3A_38] {strides = array<i32>} : memref<10240xf32, #tpu.memory_space<vmem>>, vector<16xf32>,
      tpu.vector_store %arg4[%swap3A_38], %broadcast_in_dim3A_37 {strides = array<i32>} : memref<10240xf32, #tpu.memory_space<vmem>>, vector<16xf32>,
      %scan3A_40 = arith.constant 3 : i32
      %scan3A_41 = arith.addi %scan3A_12, %scan3A_40 : i32
      %mul3A_42 = arith.constant 16 : i32
      %mul3A_43 = arith.muli %scan3A_41, %mul3A_42 : i32
      %add3A_44 = arith.constant 0 : i32
      %add3A_45 = arith.addi %add3A_44, %mul3A_43 : i32
      %broadcast_in_dim3A_46 = arith.constant 0.000000e+00 : f32
      %broadcast_in_dim3A_47 = vector.broadcast %broadcast_in_dim3A_46 : f32 to vector<16xf32>
      %swap3A_48 = arith.index_cast %add3A_45 : i32 to index
      %swap3A_49 = tpu.vector_load %arg4[%swap3A_48] {strides = array<i32>} : memref<10240xf32, #tpu.memory_space<vmem>>, vector<16xf32>,
      tpu.vector_store %arg4[%swap3A_48], %broadcast_in_dim3A_47 {strides = array<i32>} : memref<10240xf32, #tpu.memory_space<vmem>>, vector<16xf32>,
    }
    %scan3A_8 = arith.constant 640 : i32
    %broadcast_in_dim3A = arith.constant 1.000000e+00 : f32
    %broadcast_in_dim3A_9 = vector.broadcast %broadcast_in_dim3A : f32 to vector<16xf32>
    %parallel_loop3A = arith.constant 0 : i32
    %parallel_loop3A_10 = arith.constant 21216 : i32
    %parallel_loop3A_11 = arith.constant 16 : i32
    scf.for %parallel_loop3A_12 = %parallel_loop3A to %parallel_loop3A_10 step %parallel_loop3A_11  : i32 {
      %parallel_loop3A_13 = arith.index_cast %parallel_loop3A_12 : i32 to index
      %parallel_loop3A_14 = tpu.vector_load %arg5[%parallel_loop3A_13] {strides = array<i32>} : memref<21216xi32, #tpu.memory_space<vmem>>, vector<16xi32>,
      %parallel_loop3A_15 = arith.constant 65535 : i32
      %parallel_loop3A_16 = vector.broadcast %parallel_loop3A_15 : i32 to vector<16xi32>
      %parallel_loop3A_17 = arith.andi %parallel_loop3A_14, %parallel_loop3A_16 : vector<16xi32>
      %parallel_loop3A_18 = arith.constant 16 : i32
      %parallel_loop3A_19 = vector.broadcast %parallel_loop3A_18 : i32 to vector<16xi32>
      %parallel_loop3A_20 = arith.shrui %parallel_loop3A_14, %parallel_loop3A_19 : vector<16xi32>
      tpu.vector_store_idx %arg4[%parallel_loop3A_20], %broadcast_in_dim3A_9 {add = true} : memref<10240xf32, #tpu.memory_space<vmem>>[vector<16xi32>], vector<16xf32>,
    } {sc.loop_unroll_factor = 4 : i64, sc.parallel_access}
    "tpu.region"() ({
      %run_scoped3A = tpu.sem_alloc : memref<!tpu.dma_semaphore, #tpu.memory_space<semaphore_mem>>
      %dma_start3A_12 = arith.constant 0 : i32
      %dma_start3A_13 = tpu.memref_slice %arg3[%add3A, %dma_start3A_12] : memref<32x10240xf32, #tpu.memory_space<hbm>> -> memref<1x10240xf32, #tpu.memory_space<hbm>>
      %dma_start3A_14 = tpu.memref_squeeze %dma_start3A_13 : memref<1x10240xf32, #tpu.memory_space<hbm>> -> memref<10240xf32, #tpu.memory_space<hbm>>
      %dma_start3A_15 = arith.constant 0 : i32
      %dma_start3A_16 = tpu.memref_slice %arg3[%add3A, %dma_start3A_15] : memref<32x10240xf32, #tpu.memory_space<hbm>> -> memref<1x10240xf32, #tpu.memory_space<hbm>>
      %dma_start3A_17 = tpu.memref_squeeze %dma_start3A_16 : memref<1x10240xf32, #tpu.memory_space<hbm>> -> memref<10240xf32, #tpu.memory_space<hbm>>
      tpu.enqueue_dma source(%arg4 : memref<10240xf32, #tpu.memory_space<vmem>>) target(%dma_start3A_17 : memref<10240xf32, #tpu.memory_space<hbm>>) target_semaphore(%run_scoped3A : memref<!tpu.dma_semaphore, #tpu.memory_space<semaphore_mem>>)
      %dma_wait3A_18 = arith.constant 0 : i32
      %dma_wait3A_19 = tpu.memref_slice %arg3[%add3A, %dma_wait3A_18] : memref<32x10240xf32, #tpu.memory_space<hbm>> -> memref<1x10240xf32, #tpu.memory_space<hbm>>
      %dma_wait3A_20 = tpu.memref_squeeze %dma_wait3A_19 : memref<1x10240xf32, #tpu.memory_space<hbm>> -> memref<10240xf32, #tpu.memory_space<hbm>>
      %dma_wait3A_21 = arith.constant 0 : i32
      %dma_wait3A_22 = tpu.memref_slice %arg3[%add3A, %dma_wait3A_21] : memref<32x10240xf32, #tpu.memory_space<hbm>> -> memref<1x10240xf32, #tpu.memory_space<hbm>>
      %dma_wait3A_23 = tpu.memref_squeeze %dma_wait3A_22 : memref<1x10240xf32, #tpu.memory_space<hbm>> -> memref<10240xf32, #tpu.memory_space<hbm>>
      tpu.wait_dma2 semaphore(%run_scoped3A : memref<!tpu.dma_semaphore, #tpu.memory_space<semaphore_mem>>) src(%arg4 : memref<10240xf32, #tpu.memory_space<vmem>>) dst(%dma_wait3A_23 : memref<10240xf32, #tpu.memory_space<hbm>>)
      tpu.yield
    }) : () -> ()
    return
  }
}

#map = affine_map<(d0, d1) -> (0, 0)>
#map1 = affine_map<(d0, d1) -> (0)>
module attributes {stable_mosaic.version = 14 : i64} {
  func.func @_final_kernel(%arg0: i32, %arg1: i32, %arg2: memref<16x10240xf32, #tpu.memory_space<hbm>>, %arg3: memref<678912xi32, #tpu.memory_space<hbm>>, %arg4: memref<10240xf32, #tpu.memory_space<hbm>>, %arg5: memref<16xi32, #tpu.memory_space<hbm>>, %arg6: memref<16x10240xf32, #tpu.memory_space<hbm>>, %arg7: memref<10240xf32, #tpu.memory_space<vmem>>, %arg8: memref<10240xf32, #tpu.memory_space<vmem>>, %arg9: memref<10240xf32, #tpu.memory_space<vmem>>, %arg10: memref<2x17408xi32, #tpu.memory_space<vmem>>, %arg11: memref<16xi32, #tpu.memory_space<vmem>>, %arg12: memref<!tpu.dma_semaphore, #tpu.memory_space<semaphore_mem>>, %arg13: memref<!tpu.dma_semaphore, #tpu.memory_space<semaphore_mem>>, %arg14: memref<!tpu.dma_semaphore, #tpu.memory_space<semaphore_mem>>) attributes {dimension_semantics = [#tpu.dimension_semantics<core_parallel>, #tpu.dimension_semantics<subcore_parallel>], iteration_bounds = array<i64: 2, 16>, scalar_prefetch = 0 : i64, scratch_operands = 8 : i64, tpu.core_type = #tpu.core_type<sc_vector_subcore>, window_params = [{transform_indices = #map}, {transform_indices = #map1}, {transform_indices = #map1}, {transform_indices = #map1}, {transform_indices = #map}]} {
    %mul3A = arith.constant 16 : i32
    %mul3A_0 = arith.muli %arg0, %mul3A : i32
    %add3A = arith.addi %mul3A_0, %arg1 : i32
    %lt3A = arith.constant 16 : i32
    %lt3A_1 = arith.cmpi slt, %add3A, %lt3A : i32
    %convert_element_type3A = arith.extui %lt3A_1 : i1 to i32
    %cond3A = arith.constant 0 : i32
    %cond3A_2 = arith.cmpi ne, %convert_element_type3A, %cond3A : i32
    scf.if %cond3A_2 {
      %dma_start3A = arith.constant 0 : i32
      %dma_start3A_3 = tpu.memref_slice %arg2[%add3A, %dma_start3A] : memref<16x10240xf32, #tpu.memory_space<hbm>> -> memref<1x10240xf32, #tpu.memory_space<hbm>>
      %dma_start3A_4 = tpu.memref_squeeze %dma_start3A_3 : memref<1x10240xf32, #tpu.memory_space<hbm>> -> memref<10240xf32, #tpu.memory_space<hbm>>
      %dma_start3A_5 = arith.constant 0 : i32
      %dma_start3A_6 = tpu.memref_slice %arg2[%add3A, %dma_start3A_5] : memref<16x10240xf32, #tpu.memory_space<hbm>> -> memref<1x10240xf32, #tpu.memory_space<hbm>>
      %dma_start3A_7 = tpu.memref_squeeze %dma_start3A_6 : memref<1x10240xf32, #tpu.memory_space<hbm>> -> memref<10240xf32, #tpu.memory_space<hbm>>
      tpu.enqueue_dma source(%dma_start3A_7 : memref<10240xf32, #tpu.memory_space<hbm>>) target(%arg7 : memref<10240xf32, #tpu.memory_space<vmem>>) target_semaphore(%arg14 : memref<!tpu.dma_semaphore, #tpu.memory_space<semaphore_mem>>)
      %dma_wait3A = arith.constant 0 : i32
      %dma_wait3A_8 = tpu.memref_slice %arg2[%add3A, %dma_wait3A] : memref<16x10240xf32, #tpu.memory_space<hbm>> -> memref<1x10240xf32, #tpu.memory_space<hbm>>
      %dma_wait3A_9 = tpu.memref_squeeze %dma_wait3A_8 : memref<1x10240xf32, #tpu.memory_space<hbm>> -> memref<10240xf32, #tpu.memory_space<hbm>>
      %dma_wait3A_10 = arith.constant 0 : i32
      %dma_wait3A_11 = tpu.memref_slice %arg2[%add3A, %dma_wait3A_10] : memref<16x10240xf32, #tpu.memory_space<hbm>> -> memref<1x10240xf32, #tpu.memory_space<hbm>>
      %dma_wait3A_12 = tpu.memref_squeeze %dma_wait3A_11 : memref<1x10240xf32, #tpu.memory_space<hbm>> -> memref<10240xf32, #tpu.memory_space<hbm>>
      tpu.wait_dma2 semaphore(%arg14 : memref<!tpu.dma_semaphore, #tpu.memory_space<semaphore_mem>>) src(%dma_wait3A_12 : memref<10240xf32, #tpu.memory_space<hbm>>) dst(%arg7 : memref<10240xf32, #tpu.memory_space<vmem>>)
      tpu.enqueue_dma source(%arg4 : memref<10240xf32, #tpu.memory_space<hbm>>) target(%arg9 : memref<10240xf32, #tpu.memory_space<vmem>>) target_semaphore(%arg14 : memref<!tpu.dma_semaphore, #tpu.memory_space<semaphore_mem>>)
      tpu.wait_dma2 semaphore(%arg14 : memref<!tpu.dma_semaphore, #tpu.memory_space<semaphore_mem>>) src(%arg4 : memref<10240xf32, #tpu.memory_space<hbm>>) dst(%arg9 : memref<10240xf32, #tpu.memory_space<vmem>>)
      tpu.enqueue_dma source(%arg5 : memref<16xi32, #tpu.memory_space<hbm>>) target(%arg11 : memref<16xi32, #tpu.memory_space<vmem>>) target_semaphore(%arg14 : memref<!tpu.dma_semaphore, #tpu.memory_space<semaphore_mem>>)
      tpu.wait_dma2 semaphore(%arg14 : memref<!tpu.dma_semaphore, #tpu.memory_space<semaphore_mem>>) src(%arg5 : memref<16xi32, #tpu.memory_space<hbm>>) dst(%arg11 : memref<16xi32, #tpu.memory_space<vmem>>)
      %get3A = arith.constant 0 : index
      %get3A_13 = tpu.vector_load %arg11[%get3A] {strides = array<i32>} : memref<16xi32, #tpu.memory_space<vmem>>, vector<16xi32>,
      %reduce_max3A = arith.constant true
      %reduce_max3A_14 = vector.broadcast %reduce_max3A : i1 to vector<16xi1>
      %reduce_max3A_15 = arith.constant -2147483648 : i32
      %reduce_max3A_16 = vector.broadcast %reduce_max3A_15 : i32 to vector<16xi32>
      %reduce_max3A_17 = arith.xori %get3A_13, %reduce_max3A_16 : vector<16xi32>
      %reduce_max3A_18 = tpu.scan <max>, %reduce_max3A_17 masked %reduce_max3A_14 : vector<16xi32>, vector<16xi1> -> vector<16xi32>
      %reduce_max3A_19 = arith.xori %reduce_max3A_18, %reduce_max3A_16 : vector<16xi32>
      %reduce_max3A_20 = vector.extract %reduce_max3A_19[15] : i32 from vector<16xi32>
      %shift_right_logical3A = arith.constant 8 : i32
      %shift_right_logical3A_21 = arith.shrui %reduce_max3A_20, %shift_right_logical3A : i32
      %scan3A = arith.constant 0 : i32
      %scan3A_22 = arith.constant 640 : i32
      %scan3A_23 = arith.addi %scan3A, %scan3A_22 : i32
      %scan3A_24 = arith.constant 4 : i32
      scf.for %scan3A_63 = %scan3A to %scan3A_23 step %scan3A_24  : i32 {
        %mul3A_64 = arith.constant 16 : i32
        %mul3A_65 = arith.muli %scan3A_63, %mul3A_64 : i32
        %add3A_66 = arith.constant 0 : i32
        %add3A_67 = arith.addi %add3A_66, %mul3A_65 : i32
        %get3A_68 = arith.index_cast %add3A_67 : i32 to index
        %get3A_69 = tpu.vector_load %arg7[%get3A_68] {strides = array<i32>} : memref<10240xf32, #tpu.memory_space<vmem>>, vector<16xf32>,
        %swap3A = arith.index_cast %add3A_67 : i32 to index
        %swap3A_70 = tpu.vector_load %arg8[%swap3A] {strides = array<i32>} : memref<10240xf32, #tpu.memory_space<vmem>>, vector<16xf32>,
        tpu.vector_store %arg8[%swap3A], %get3A_69 {strides = array<i32>} : memref<10240xf32, #tpu.memory_space<vmem>>, vector<16xf32>,
        %scan3A_71 = arith.constant 1 : i32
        %scan3A_72 = arith.addi %scan3A_63, %scan3A_71 : i32
        %mul3A_73 = arith.constant 16 : i32
        %mul3A_74 = arith.muli %scan3A_72, %mul3A_73 : i32
        %add3A_75 = arith.constant 0 : i32
        %add3A_76 = arith.addi %add3A_75, %mul3A_74 : i32
        %get3A_77 = arith.index_cast %add3A_76 : i32 to index
        %get3A_78 = tpu.vector_load %arg7[%get3A_77] {strides = array<i32>} : memref<10240xf32, #tpu.memory_space<vmem>>, vector<16xf32>,
        %swap3A_79 = arith.index_cast %add3A_76 : i32 to index
        %swap3A_80 = tpu.vector_load %arg8[%swap3A_79] {strides = array<i32>} : memref<10240xf32, #tpu.memory_space<vmem>>, vector<16xf32>,
        tpu.vector_store %arg8[%swap3A_79], %get3A_78 {strides = array<i32>} : memref<10240xf32, #tpu.memory_space<vmem>>, vector<16xf32>,
        %scan3A_81 = arith.constant 2 : i32
        %scan3A_82 = arith.addi %scan3A_63, %scan3A_81 : i32
        %mul3A_83 = arith.constant 16 : i32
        %mul3A_84 = arith.muli %scan3A_82, %mul3A_83 : i32
        %add3A_85 = arith.constant 0 : i32
        %add3A_86 = arith.addi %add3A_85, %mul3A_84 : i32
        %get3A_87 = arith.index_cast %add3A_86 : i32 to index
        %get3A_88 = tpu.vector_load %arg7[%get3A_87] {strides = array<i32>} : memref<10240xf32, #tpu.memory_space<vmem>>, vector<16xf32>,
        %swap3A_89 = arith.index_cast %add3A_86 : i32 to index
        %swap3A_90 = tpu.vector_load %arg8[%swap3A_89] {strides = array<i32>} : memref<10240xf32, #tpu.memory_space<vmem>>, vector<16xf32>,
        tpu.vector_store %arg8[%swap3A_89], %get3A_88 {strides = array<i32>} : memref<10240xf32, #tpu.memory_space<vmem>>, vector<16xf32>,
        %scan3A_91 = arith.constant 3 : i32
        %scan3A_92 = arith.addi %scan3A_63, %scan3A_91 : i32
        %mul3A_93 = arith.constant 16 : i32
        %mul3A_94 = arith.muli %scan3A_92, %mul3A_93 : i32
        %add3A_95 = arith.constant 0 : i32
        %add3A_96 = arith.addi %add3A_95, %mul3A_94 : i32
        %get3A_97 = arith.index_cast %add3A_96 : i32 to index
        %get3A_98 = tpu.vector_load %arg7[%get3A_97] {strides = array<i32>} : memref<10240xf32, #tpu.memory_space<vmem>>, vector<16xf32>,
        %swap3A_99 = arith.index_cast %add3A_96 : i32 to index
        %swap3A_100 = tpu.vector_load %arg8[%swap3A_99] {strides = array<i32>} : memref<10240xf32, #tpu.memory_space<vmem>>, vector<16xf32>,
        tpu.vector_store %arg8[%swap3A_99], %get3A_98 {strides = array<i32>} : memref<10240xf32, #tpu.memory_space<vmem>>, vector<16xf32>,
      }
      %scan3A_25 = arith.constant 640 : i32
      %dma_start3A_26 = arith.constant 0 : i32
      %dma_start3A_27 = arith.constant 0 : i32
      %dma_start3A_28 = tpu.memref_slice %arg10[%dma_start3A_26, %dma_start3A_27] : memref<2x17408xi32, #tpu.memory_space<vmem>> -> memref<1x17408xi32, #tpu.memory_space<vmem>>
      %dma_start3A_29 = tpu.memref_squeeze %dma_start3A_28 : memref<1x17408xi32, #tpu.memory_space<vmem>> -> memref<17408xi32, #tpu.memory_space<vmem>>
      %dma_start3A_30 = arith.constant 0 : i32
      %dma_start3A_31 = tpu.memref_slice %arg3[%dma_start3A_30] : memref<678912xi32, #tpu.memory_space<hbm>> -> memref<17408xi32, #tpu.memory_space<hbm>>
      %dma_start3A_32 = arith.constant 0 : i32
      %dma_start3A_33 = tpu.memref_slice %arg10[%dma_start3A_26, %dma_start3A_32] : memref<2x17408xi32, #tpu.memory_space<vmem>> -> memref<1x17408xi32, #tpu.memory_space<vmem>>
      %dma_start3A_34 = tpu.memref_squeeze %dma_start3A_33 : memref<1x17408xi32, #tpu.memory_space<vmem>> -> memref<17408xi32, #tpu.memory_space<vmem>>
      %dma_start3A_35 = arith.constant 0 : i32
      %dma_start3A_36 = tpu.memref_slice %arg3[%dma_start3A_35] : memref<678912xi32, #tpu.memory_space<hbm>> -> memref<17408xi32, #tpu.memory_space<hbm>>
      tpu.enqueue_dma source(%dma_start3A_36 : memref<17408xi32, #tpu.memory_space<hbm>>) target(%dma_start3A_34 : memref<17408xi32, #tpu.memory_space<vmem>>) target_semaphore(%arg12 : memref<!tpu.dma_semaphore, #tpu.memory_space<semaphore_mem>>)
      %scan3A_37 = arith.constant 0 : i32
      %scan3A_38 = arith.constant 10 : i32
      %scan3A_39 = arith.addi %scan3A_37, %scan3A_38 : i32
      %scan3A_40 = arith.constant 1 : i32
      scf.for %scan3A_63 = %scan3A_37 to %scan3A_39 step %scan3A_40  : i32 {
        %mul3A_64 = arith.constant 2 : i32
        %mul3A_65 = arith.muli %scan3A_63, %mul3A_64 : i32
        %add3A_66 = arith.constant 0 : i32
        %add3A_67 = arith.addi %add3A_66, %mul3A_65 : i32
        %add3A_68 = arith.constant 1 : i32
        %add3A_69 = arith.addi %add3A_67, %add3A_68 : i32
        %mul3A_70 = arith.constant 17408 : i32
        %mul3A_71 = arith.muli %add3A_69, %mul3A_70 : i32
        %dma_start3A_72 = arith.constant 1 : i32
        %dma_start3A_73 = arith.constant 0 : i32
        %dma_start3A_74 = tpu.memref_slice %arg10[%dma_start3A_72, %dma_start3A_73] : memref<2x17408xi32, #tpu.memory_space<vmem>> -> memref<1x17408xi32, #tpu.memory_space<vmem>>
        %dma_start3A_75 = tpu.memref_squeeze %dma_start3A_74 : memref<1x17408xi32, #tpu.memory_space<vmem>> -> memref<17408xi32, #tpu.memory_space<vmem>>
        %dma_start3A_76 = tpu.memref_slice %arg3[%mul3A_71] : memref<678912xi32, #tpu.memory_space<hbm>> -> memref<17408xi32, #tpu.memory_space<hbm>>
        %dma_start3A_77 = arith.constant 0 : i32
        %dma_start3A_78 = tpu.memref_slice %arg10[%dma_start3A_72, %dma_start3A_77] : memref<2x17408xi32, #tpu.memory_space<vmem>> -> memref<1x17408xi32, #tpu.memory_space<vmem>>
        %dma_start3A_79 = tpu.memref_squeeze %dma_start3A_78 : memref<1x17408xi32, #tpu.memory_space<vmem>> -> memref<17408xi32, #tpu.memory_space<vmem>>
        %dma_start3A_80 = tpu.memref_slice %arg3[%mul3A_71] : memref<678912xi32, #tpu.memory_space<hbm>> -> memref<17408xi32, #tpu.memory_space<hbm>>
        tpu.enqueue_dma source(%dma_start3A_80 : memref<17408xi32, #tpu.memory_space<hbm>>) target(%dma_start3A_79 : memref<17408xi32, #tpu.memory_space<vmem>>) target_semaphore(%arg13 : memref<!tpu.dma_semaphore, #tpu.memory_space<semaphore_mem>>)
        %mul3A_81 = arith.constant 17408 : i32
        %mul3A_82 = arith.muli %add3A_67, %mul3A_81 : i32
        %dma_wait3A_83 = arith.constant 0 : i32
        %dma_wait3A_84 = arith.constant 0 : i32
        %dma_wait3A_85 = tpu.memref_slice %arg10[%dma_wait3A_83, %dma_wait3A_84] : memref<2x17408xi32, #tpu.memory_space<vmem>> -> memref<1x17408xi32, #tpu.memory_space<vmem>>
        %dma_wait3A_86 = tpu.memref_squeeze %dma_wait3A_85 : memref<1x17408xi32, #tpu.memory_space<vmem>> -> memref<17408xi32, #tpu.memory_space<vmem>>
        %dma_wait3A_87 = tpu.memref_slice %arg3[%mul3A_82] : memref<678912xi32, #tpu.memory_space<hbm>> -> memref<17408xi32, #tpu.memory_space<hbm>>
        %dma_wait3A_88 = arith.constant 0 : i32
        %dma_wait3A_89 = tpu.memref_slice %arg10[%dma_wait3A_83, %dma_wait3A_88] : memref<2x17408xi32, #tpu.memory_space<vmem>> -> memref<1x17408xi32, #tpu.memory_space<vmem>>
        %dma_wait3A_90 = tpu.memref_squeeze %dma_wait3A_89 : memref<1x17408xi32, #tpu.memory_space<vmem>> -> memref<17408xi32, #tpu.memory_space<vmem>>
        %dma_wait3A_91 = tpu.memref_slice %arg3[%mul3A_82] : memref<678912xi32, #tpu.memory_space<hbm>> -> memref<17408xi32, #tpu.memory_space<hbm>>
        tpu.wait_dma2 semaphore(%arg12 : memref<!tpu.dma_semaphore, #tpu.memory_space<semaphore_mem>>) src(%dma_wait3A_91 : memref<17408xi32, #tpu.memory_space<hbm>>) dst(%dma_wait3A_90 : memref<17408xi32, #tpu.memory_space<vmem>>)
        %parallel_loop3A = arith.constant 0 : i32
        %parallel_loop3A_92 = arith.constant 17408 : i32
        %parallel_loop3A_93 = arith.constant 16 : i32
        scf.for %parallel_loop3A_117 = %parallel_loop3A to %parallel_loop3A_92 step %parallel_loop3A_93  : i32 {
          %parallel_loop3A_118 = arith.constant 0 : i32
          %parallel_loop3A_119 = arith.index_cast %parallel_loop3A_118 : i32 to index
          %parallel_loop3A_120 = arith.index_cast %parallel_loop3A_117 : i32 to index
          %parallel_loop3A_121 = tpu.vector_load %arg10[%parallel_loop3A_119, %parallel_loop3A_120] {strides = array<i32>} : memref<2x17408xi32, #tpu.memory_space<vmem>>, vector<16xi32>,
          %parallel_loop3A_122 = arith.constant 65535 : i32
          %parallel_loop3A_123 = vector.broadcast %parallel_loop3A_122 : i32 to vector<16xi32>
          %parallel_loop3A_124 = arith.andi %parallel_loop3A_121, %parallel_loop3A_123 : vector<16xi32>
          %parallel_loop3A_125 = arith.constant 16 : i32
          %parallel_loop3A_126 = vector.broadcast %parallel_loop3A_125 : i32 to vector<16xi32>
          %parallel_loop3A_127 = arith.shrui %parallel_loop3A_121, %parallel_loop3A_126 : vector<16xi32>
          %parallel_loop3A_128 = tpu.vector_load_idx %arg7[%parallel_loop3A_124] : memref<10240xf32, #tpu.memory_space<vmem>>[vector<16xi32>], vector<16xf32>,
          tpu.vector_store_idx %arg8[%parallel_loop3A_127], %parallel_loop3A_128 {add = true} : memref<10240xf32, #tpu.memory_space<vmem>>[vector<16xi32>], vector<16xf32>,
        } {sc.loop_unroll_factor = 4 : i64, sc.parallel_access}
        %add3A_94 = arith.constant 2 : i32
        %add3A_95 = arith.addi %add3A_67, %add3A_94 : i32
        %lt3A_96 = arith.constant 20 : i32
        %lt3A_97 = arith.cmpi slt, %add3A_95, %lt3A_96 : i32
        %convert_element_type3A_98 = arith.extui %lt3A_97 : i1 to i32
        %cond3A_99 = arith.constant 0 : i32
        %cond3A_100 = arith.cmpi ne, %convert_element_type3A_98, %cond3A_99 : i32
        scf.if %cond3A_100 {
          %add3A_117 = arith.constant 2 : i32
          %add3A_118 = arith.addi %add3A_67, %add3A_117 : i32
          %mul3A_119 = arith.constant 17408 : i32
          %mul3A_120 = arith.muli %add3A_118, %mul3A_119 : i32
          %dma_start3A_121 = arith.constant 0 : i32
          %dma_start3A_122 = arith.constant 0 : i32
          %dma_start3A_123 = tpu.memref_slice %arg10[%dma_start3A_121, %dma_start3A_122] : memref<2x17408xi32, #tpu.memory_space<vmem>> -> memref<1x17408xi32, #tpu.memory_space<vmem>>
          %dma_start3A_124 = tpu.memref_squeeze %dma_start3A_123 : memref<1x17408xi32, #tpu.memory_space<vmem>> -> memref<17408xi32, #tpu.memory_space<vmem>>
          %dma_start3A_125 = tpu.memref_slice %arg3[%mul3A_120] : memref<678912xi32, #tpu.memory_space<hbm>> -> memref<17408xi32, #tpu.memory_space<hbm>>
          %dma_start3A_126 = arith.constant 0 : i32
          %dma_start3A_127 = tpu.memref_slice %arg10[%dma_start3A_121, %dma_start3A_126] : memref<2x17408xi32, #tpu.memory_space<vmem>> -> memref<1x17408xi32, #tpu.memory_space<vmem>>
          %dma_start3A_128 = tpu.memref_squeeze %dma_start3A_127 : memref<1x17408xi32, #tpu.memory_space<vmem>> -> memref<17408xi32, #tpu.memory_space<vmem>>
          %dma_start3A_129 = tpu.memref_slice %arg3[%mul3A_120] : memref<678912xi32, #tpu.memory_space<hbm>> -> memref<17408xi32, #tpu.memory_space<hbm>>
          tpu.enqueue_dma source(%dma_start3A_129 : memref<17408xi32, #tpu.memory_space<hbm>>) target(%dma_start3A_128 : memref<17408xi32, #tpu.memory_space<vmem>>) target_semaphore(%arg12 : memref<!tpu.dma_semaphore, #tpu.memory_space<semaphore_mem>>)
        } else {
        }
        %add3A_101 = arith.constant 1 : i32
        %add3A_102 = arith.addi %add3A_67, %add3A_101 : i32
        %mul3A_103 = arith.constant 17408 : i32
        %mul3A_104 = arith.muli %add3A_102, %mul3A_103 : i32
        %dma_wait3A_105 = arith.constant 1 : i32
        %dma_wait3A_106 = arith.constant 0 : i32
        %dma_wait3A_107 = tpu.memref_slice %arg10[%dma_wait3A_105, %dma_wait3A_106] : memref<2x17408xi32, #tpu.memory_space<vmem>> -> memref<1x17408xi32, #tpu.memory_space<vmem>>
        %dma_wait3A_108 = tpu.memref_squeeze %dma_wait3A_107 : memref<1x17408xi32, #tpu.memory_space<vmem>> -> memref<17408xi32, #tpu.memory_space<vmem>>
        %dma_wait3A_109 = tpu.memref_slice %arg3[%mul3A_104] : memref<678912xi32, #tpu.memory_space<hbm>> -> memref<17408xi32, #tpu.memory_space<hbm>>
        %dma_wait3A_110 = arith.constant 0 : i32
        %dma_wait3A_111 = tpu.memref_slice %arg10[%dma_wait3A_105, %dma_wait3A_110] : memref<2x17408xi32, #tpu.memory_space<vmem>> -> memref<1x17408xi32, #tpu.memory_space<vmem>>
        %dma_wait3A_112 = tpu.memref_squeeze %dma_wait3A_111 : memref<1x17408xi32, #tpu.memory_space<vmem>> -> memref<17408xi32, #tpu.memory_space<vmem>>
        %dma_wait3A_113 = tpu.memref_slice %arg3[%mul3A_104] : memref<678912xi32, #tpu.memory_space<hbm>> -> memref<17408xi32, #tpu.memory_space<hbm>>
        tpu.wait_dma2 semaphore(%arg13 : memref<!tpu.dma_semaphore, #tpu.memory_space<semaphore_mem>>) src(%dma_wait3A_113 : memref<17408xi32, #tpu.memory_space<hbm>>) dst(%dma_wait3A_112 : memref<17408xi32, #tpu.memory_space<vmem>>)
        %parallel_loop3A_114 = arith.constant 0 : i32
        %parallel_loop3A_115 = arith.constant 17408 : i32
        %parallel_loop3A_116 = arith.constant 16 : i32
        scf.for %parallel_loop3A_117 = %parallel_loop3A_114 to %parallel_loop3A_115 step %parallel_loop3A_116  : i32 {
          %parallel_loop3A_118 = arith.constant 1 : i32
          %parallel_loop3A_119 = arith.index_cast %parallel_loop3A_118 : i32 to index
          %parallel_loop3A_120 = arith.index_cast %parallel_loop3A_117 : i32 to index
          %parallel_loop3A_121 = tpu.vector_load %arg10[%parallel_loop3A_119, %parallel_loop3A_120] {strides = array<i32>} : memref<2x17408xi32, #tpu.memory_space<vmem>>, vector<16xi32>,
          %parallel_loop3A_122 = arith.constant 65535 : i32
          %parallel_loop3A_123 = vector.broadcast %parallel_loop3A_122 : i32 to vector<16xi32>
          %parallel_loop3A_124 = arith.andi %parallel_loop3A_121, %parallel_loop3A_123 : vector<16xi32>
          %parallel_loop3A_125 = arith.constant 16 : i32
          %parallel_loop3A_126 = vector.broadcast %parallel_loop3A_125 : i32 to vector<16xi32>
          %parallel_loop3A_127 = arith.shrui %parallel_loop3A_121, %parallel_loop3A_126 : vector<16xi32>
          %parallel_loop3A_128 = tpu.vector_load_idx %arg7[%parallel_loop3A_124] : memref<10240xf32, #tpu.memory_space<vmem>>[vector<16xi32>], vector<16xf32>,
          tpu.vector_store_idx %arg8[%parallel_loop3A_127], %parallel_loop3A_128 {add = true} : memref<10240xf32, #tpu.memory_space<vmem>>[vector<16xi32>], vector<16xf32>,
        } {sc.loop_unroll_factor = 4 : i64, sc.parallel_access}
      }
      %scan3A_41 = arith.constant 10 : i32
      %sub3A = arith.constant 0 : i32
      %sub3A_42 = arith.subi %shift_right_logical3A_21, %sub3A : i32
      %sub3A_43 = arith.constant 1 : i32
      %sub3A_44 = arith.constant 1 : i32
      %sub3A_45 = arith.subi %sub3A_43, %sub3A_44 : i32
      %add3A_46 = arith.addi %sub3A_42, %sub3A_45 : i32
      %div3A = arith.constant 1 : i32
      %div3A_47 = arith.divsi %add3A_46, %div3A : i32
      %while3A = arith.constant 1 : i32
      %while3A_48 = arith.constant 0 : i32
      %while3A_49 = arith.constant 0 : i32
      %while3A_50 = arith.subi %div3A_47, %while3A_49 : i32
      %while3A_51 = arith.addi %while3A_49, %while3A_50 : i32
      %while3A_52 = arith.constant 1 : i32
      %while3A_53 = arith.divsi %while3A_50, %while3A_52 : i32
      %while3A_54 = arith.muli %while3A_53, %while3A_52 : i32
      %while3A_55 = arith.addi %while3A_49, %while3A_54 : i32
      %while3A_56 = arith.constant 1 : i32
      scf.for %while3A_63 = %while3A_49 to %while3A_55 step %while3A_56  : i32 {
        %mul3A_64 = arith.muli %while3A_63, %while3A : i32
        %add3A_65 = arith.addi %while3A_48, %mul3A_64 : i32
        %mul3A_66 = arith.constant 17408 : i32
        %mul3A_67 = arith.muli %add3A_65, %mul3A_66 : i32
        %add3A_68 = arith.constant 348160 : i32
        %add3A_69 = arith.addi %add3A_68, %mul3A_67 : i32
        %run_scoped3A = arith.constant 0 : i32
        "tpu.region"() ({
          %run_scoped3A_72 = tpu.sem_alloc : memref<!tpu.dma_semaphore, #tpu.memory_space<semaphore_mem>>
          %dma_start3A_73 = arith.constant 0 : i32
          %dma_start3A_74 = tpu.memref_slice %arg10[%run_scoped3A, %dma_start3A_73] : memref<2x17408xi32, #tpu.memory_space<vmem>> -> memref<1x17408xi32, #tpu.memory_space<vmem>>
          %dma_start3A_75 = tpu.memref_squeeze %dma_start3A_74 : memref<1x17408xi32, #tpu.memory_space<vmem>> -> memref<17408xi32, #tpu.memory_space<vmem>>
          %dma_start3A_76 = tpu.memref_slice %arg3[%add3A_69] : memref<678912xi32, #tpu.memory_space<hbm>> -> memref<17408xi32, #tpu.memory_space<hbm>>
          %dma_start3A_77 = arith.constant 0 : i32
          %dma_start3A_78 = tpu.memref_slice %arg10[%run_scoped3A, %dma_start3A_77] : memref<2x17408xi32, #tpu.memory_space<vmem>> -> memref<1x17408xi32, #tpu.memory_space<vmem>>
          %dma_start3A_79 = tpu.memref_squeeze %dma_start3A_78 : memref<1x17408xi32, #tpu.memory_space<vmem>> -> memref<17408xi32, #tpu.memory_space<vmem>>
          %dma_start3A_80 = tpu.memref_slice %arg3[%add3A_69] : memref<678912xi32, #tpu.memory_space<hbm>> -> memref<17408xi32, #tpu.memory_space<hbm>>
          tpu.enqueue_dma source(%dma_start3A_80 : memref<17408xi32, #tpu.memory_space<hbm>>) target(%dma_start3A_79 : memref<17408xi32, #tpu.memory_space<vmem>>) target_semaphore(%run_scoped3A_72 : memref<!tpu.dma_semaphore, #tpu.memory_space<semaphore_mem>>)
          %dma_wait3A_81 = arith.constant 0 : i32
          %dma_wait3A_82 = tpu.memref_slice %arg10[%run_scoped3A, %dma_wait3A_81] : memref<2x17408xi32, #tpu.memory_space<vmem>> -> memref<1x17408xi32, #tpu.memory_space<vmem>>
          %dma_wait3A_83 = tpu.memref_squeeze %dma_wait3A_82 : memref<1x17408xi32, #tpu.memory_space<vmem>> -> memref<17408xi32, #tpu.memory_space<vmem>>
          %dma_wait3A_84 = tpu.memref_slice %arg3[%add3A_69] : memref<678912xi32, #tpu.memory_space<hbm>> -> memref<17408xi32, #tpu.memory_space<hbm>>
          %dma_wait3A_85 = arith.constant 0 : i32
          %dma_wait3A_86 = tpu.memref_slice %arg10[%run_scoped3A, %dma_wait3A_85] : memref<2x17408xi32, #tpu.memory_space<vmem>> -> memref<1x17408xi32, #tpu.memory_space<vmem>>
          %dma_wait3A_87 = tpu.memref_squeeze %dma_wait3A_86 : memref<1x17408xi32, #tpu.memory_space<vmem>> -> memref<17408xi32, #tpu.memory_space<vmem>>
          %dma_wait3A_88 = tpu.memref_slice %arg3[%add3A_69] : memref<678912xi32, #tpu.memory_space<hbm>> -> memref<17408xi32, #tpu.memory_space<hbm>>
          tpu.wait_dma2 semaphore(%run_scoped3A_72 : memref<!tpu.dma_semaphore, #tpu.memory_space<semaphore_mem>>) src(%dma_wait3A_88 : memref<17408xi32, #tpu.memory_space<hbm>>) dst(%dma_wait3A_87 : memref<17408xi32, #tpu.memory_space<vmem>>)
          tpu.yield
        }) : () -> ()
        %parallel_loop3A = arith.constant 0 : i32
        %parallel_loop3A_70 = arith.constant 17408 : i32
        %parallel_loop3A_71 = arith.constant 16 : i32
        scf.for %parallel_loop3A_72 = %parallel_loop3A to %parallel_loop3A_70 step %parallel_loop3A_71  : i32 {
          %parallel_loop3A_73 = arith.constant 0 : i32
          %parallel_loop3A_74 = arith.index_cast %parallel_loop3A_73 : i32 to index
          %parallel_loop3A_75 = arith.index_cast %parallel_loop3A_72 : i32 to index
          %parallel_loop3A_76 = tpu.vector_load %arg10[%parallel_loop3A_74, %parallel_loop3A_75] {strides = array<i32>} : memref<2x17408xi32, #tpu.memory_space<vmem>>, vector<16xi32>,
          %parallel_loop3A_77 = arith.constant 65535 : i32
          %parallel_loop3A_78 = vector.broadcast %parallel_loop3A_77 : i32 to vector<16xi32>
          %parallel_loop3A_79 = arith.andi %parallel_loop3A_76, %parallel_loop3A_78 : vector<16xi32>
          %parallel_loop3A_80 = arith.constant 16 : i32
          %parallel_loop3A_81 = vector.broadcast %parallel_loop3A_80 : i32 to vector<16xi32>
          %parallel_loop3A_82 = arith.shrui %parallel_loop3A_76, %parallel_loop3A_81 : vector<16xi32>
          %parallel_loop3A_83 = tpu.vector_load_idx %arg7[%parallel_loop3A_79] : memref<10240xf32, #tpu.memory_space<vmem>>[vector<16xi32>], vector<16xf32>,
          tpu.vector_store_idx %arg8[%parallel_loop3A_82], %parallel_loop3A_83 {add = true} : memref<10240xf32, #tpu.memory_space<vmem>>[vector<16xi32>], vector<16xf32>,
        } {sc.loop_unroll_factor = 4 : i64, sc.parallel_access}
      }
      %while3A_57 = arith.constant 1 : i32
      scf.for %while3A_63 = %while3A_55 to %while3A_51 step %while3A_57  : i32 {
        %mul3A_64 = arith.muli %while3A_63, %while3A : i32
        %add3A_65 = arith.addi %while3A_48, %mul3A_64 : i32
        %mul3A_66 = arith.constant 17408 : i32
        %mul3A_67 = arith.muli %add3A_65, %mul3A_66 : i32
        %add3A_68 = arith.constant 348160 : i32
        %add3A_69 = arith.addi %add3A_68, %mul3A_67 : i32
        %run_scoped3A = arith.constant 0 : i32
        "tpu.region"() ({
          %run_scoped3A_72 = tpu.sem_alloc : memref<!tpu.dma_semaphore, #tpu.memory_space<semaphore_mem>>
          %dma_start3A_73 = arith.constant 0 : i32
          %dma_start3A_74 = tpu.memref_slice %arg10[%run_scoped3A, %dma_start3A_73] : memref<2x17408xi32, #tpu.memory_space<vmem>> -> memref<1x17408xi32, #tpu.memory_space<vmem>>
          %dma_start3A_75 = tpu.memref_squeeze %dma_start3A_74 : memref<1x17408xi32, #tpu.memory_space<vmem>> -> memref<17408xi32, #tpu.memory_space<vmem>>
          %dma_start3A_76 = tpu.memref_slice %arg3[%add3A_69] : memref<678912xi32, #tpu.memory_space<hbm>> -> memref<17408xi32, #tpu.memory_space<hbm>>
          %dma_start3A_77 = arith.constant 0 : i32
          %dma_start3A_78 = tpu.memref_slice %arg10[%run_scoped3A, %dma_start3A_77] : memref<2x17408xi32, #tpu.memory_space<vmem>> -> memref<1x17408xi32, #tpu.memory_space<vmem>>
          %dma_start3A_79 = tpu.memref_squeeze %dma_start3A_78 : memref<1x17408xi32, #tpu.memory_space<vmem>> -> memref<17408xi32, #tpu.memory_space<vmem>>
          %dma_start3A_80 = tpu.memref_slice %arg3[%add3A_69] : memref<678912xi32, #tpu.memory_space<hbm>> -> memref<17408xi32, #tpu.memory_space<hbm>>
          tpu.enqueue_dma source(%dma_start3A_80 : memref<17408xi32, #tpu.memory_space<hbm>>) target(%dma_start3A_79 : memref<17408xi32, #tpu.memory_space<vmem>>) target_semaphore(%run_scoped3A_72 : memref<!tpu.dma_semaphore, #tpu.memory_space<semaphore_mem>>)
          %dma_wait3A_81 = arith.constant 0 : i32
          %dma_wait3A_82 = tpu.memref_slice %arg10[%run_scoped3A, %dma_wait3A_81] : memref<2x17408xi32, #tpu.memory_space<vmem>> -> memref<1x17408xi32, #tpu.memory_space<vmem>>
          %dma_wait3A_83 = tpu.memref_squeeze %dma_wait3A_82 : memref<1x17408xi32, #tpu.memory_space<vmem>> -> memref<17408xi32, #tpu.memory_space<vmem>>
          %dma_wait3A_84 = tpu.memref_slice %arg3[%add3A_69] : memref<678912xi32, #tpu.memory_space<hbm>> -> memref<17408xi32, #tpu.memory_space<hbm>>
          %dma_wait3A_85 = arith.constant 0 : i32
          %dma_wait3A_86 = tpu.memref_slice %arg10[%run_scoped3A, %dma_wait3A_85] : memref<2x17408xi32, #tpu.memory_space<vmem>> -> memref<1x17408xi32, #tpu.memory_space<vmem>>
          %dma_wait3A_87 = tpu.memref_squeeze %dma_wait3A_86 : memref<1x17408xi32, #tpu.memory_space<vmem>> -> memref<17408xi32, #tpu.memory_space<vmem>>
          %dma_wait3A_88 = tpu.memref_slice %arg3[%add3A_69] : memref<678912xi32, #tpu.memory_space<hbm>> -> memref<17408xi32, #tpu.memory_space<hbm>>
          tpu.wait_dma2 semaphore(%run_scoped3A_72 : memref<!tpu.dma_semaphore, #tpu.memory_space<semaphore_mem>>) src(%dma_wait3A_88 : memref<17408xi32, #tpu.memory_space<hbm>>) dst(%dma_wait3A_87 : memref<17408xi32, #tpu.memory_space<vmem>>)
          tpu.yield
        }) : () -> ()
        %parallel_loop3A = arith.constant 0 : i32
        %parallel_loop3A_70 = arith.constant 17408 : i32
        %parallel_loop3A_71 = arith.constant 16 : i32
        scf.for %parallel_loop3A_72 = %parallel_loop3A to %parallel_loop3A_70 step %parallel_loop3A_71  : i32 {
          %parallel_loop3A_73 = arith.constant 0 : i32
          %parallel_loop3A_74 = arith.index_cast %parallel_loop3A_73 : i32 to index
          %parallel_loop3A_75 = arith.index_cast %parallel_loop3A_72 : i32 to index
          %parallel_loop3A_76 = tpu.vector_load %arg10[%parallel_loop3A_74, %parallel_loop3A_75] {strides = array<i32>} : memref<2x17408xi32, #tpu.memory_space<vmem>>, vector<16xi32>,
          %parallel_loop3A_77 = arith.constant 65535 : i32
          %parallel_loop3A_78 = vector.broadcast %parallel_loop3A_77 : i32 to vector<16xi32>
          %parallel_loop3A_79 = arith.andi %parallel_loop3A_76, %parallel_loop3A_78 : vector<16xi32>
          %parallel_loop3A_80 = arith.constant 16 : i32
          %parallel_loop3A_81 = vector.broadcast %parallel_loop3A_80 : i32 to vector<16xi32>
          %parallel_loop3A_82 = arith.shrui %parallel_loop3A_76, %parallel_loop3A_81 : vector<16xi32>
          %parallel_loop3A_83 = tpu.vector_load_idx %arg7[%parallel_loop3A_79] : memref<10240xf32, #tpu.memory_space<vmem>>[vector<16xi32>], vector<16xf32>,
          tpu.vector_store_idx %arg8[%parallel_loop3A_82], %parallel_loop3A_83 {add = true} : memref<10240xf32, #tpu.memory_space<vmem>>[vector<16xi32>], vector<16xf32>,
        } {sc.loop_unroll_factor = 4 : i64, sc.parallel_access}
      }
      %scan3A_58 = arith.constant 0 : i32
      %scan3A_59 = arith.constant 640 : i32
      %scan3A_60 = arith.addi %scan3A_58, %scan3A_59 : i32
      %scan3A_61 = arith.constant 4 : i32
      scf.for %scan3A_63 = %scan3A_58 to %scan3A_60 step %scan3A_61  : i32 {
        %mul3A_64 = arith.constant 16 : i32
        %mul3A_65 = arith.muli %scan3A_63, %mul3A_64 : i32
        %add3A_66 = arith.constant 0 : i32
        %add3A_67 = arith.addi %add3A_66, %mul3A_65 : i32
        %get3A_68 = arith.index_cast %add3A_67 : i32 to index
        %get3A_69 = tpu.vector_load %arg8[%get3A_68] {strides = array<i32>} : memref<10240xf32, #tpu.memory_space<vmem>>, vector<16xf32>,
        %get3A_70 = arith.index_cast %add3A_67 : i32 to index
        %get3A_71 = tpu.vector_load %arg9[%get3A_70] {strides = array<i32>} : memref<10240xf32, #tpu.memory_space<vmem>>, vector<16xf32>,
        %mul3A_72 = arith.mulf %get3A_69, %get3A_71 : vector<16xf32>
        %swap3A = arith.index_cast %add3A_67 : i32 to index
        %swap3A_73 = tpu.vector_load %arg8[%swap3A] {strides = array<i32>} : memref<10240xf32, #tpu.memory_space<vmem>>, vector<16xf32>,
        tpu.vector_store %arg8[%swap3A], %mul3A_72 {strides = array<i32>} : memref<10240xf32, #tpu.memory_space<vmem>>, vector<16xf32>,
        %scan3A_74 = arith.constant 1 : i32
        %scan3A_75 = arith.addi %scan3A_63, %scan3A_74 : i32
        %mul3A_76 = arith.constant 16 : i32
        %mul3A_77 = arith.muli %scan3A_75, %mul3A_76 : i32
        %add3A_78 = arith.constant 0 : i32
        %add3A_79 = arith.addi %add3A_78, %mul3A_77 : i32
        %get3A_80 = arith.index_cast %add3A_79 : i32 to index
        %get3A_81 = tpu.vector_load %arg8[%get3A_80] {strides = array<i32>} : memref<10240xf32, #tpu.memory_space<vmem>>, vector<16xf32>,
        %get3A_82 = arith.index_cast %add3A_79 : i32 to index
        %get3A_83 = tpu.vector_load %arg9[%get3A_82] {strides = array<i32>} : memref<10240xf32, #tpu.memory_space<vmem>>, vector<16xf32>,
        %mul3A_84 = arith.mulf %get3A_81, %get3A_83 : vector<16xf32>
        %swap3A_85 = arith.index_cast %add3A_79 : i32 to index
        %swap3A_86 = tpu.vector_load %arg8[%swap3A_85] {strides = array<i32>} : memref<10240xf32, #tpu.memory_space<vmem>>, vector<16xf32>,
        tpu.vector_store %arg8[%swap3A_85], %mul3A_84 {strides = array<i32>} : memref<10240xf32, #tpu.memory_space<vmem>>, vector<16xf32>,
        %scan3A_87 = arith.constant 2 : i32
        %scan3A_88 = arith.addi %scan3A_63, %scan3A_87 : i32
        %mul3A_89 = arith.constant 16 : i32
        %mul3A_90 = arith.muli %scan3A_88, %mul3A_89 : i32
        %add3A_91 = arith.constant 0 : i32
        %add3A_92 = arith.addi %add3A_91, %mul3A_90 : i32
        %get3A_93 = arith.index_cast %add3A_92 : i32 to index
        %get3A_94 = tpu.vector_load %arg8[%get3A_93] {strides = array<i32>} : memref<10240xf32, #tpu.memory_space<vmem>>, vector<16xf32>,
        %get3A_95 = arith.index_cast %add3A_92 : i32 to index
        %get3A_96 = tpu.vector_load %arg9[%get3A_95] {strides = array<i32>} : memref<10240xf32, #tpu.memory_space<vmem>>, vector<16xf32>,
        %mul3A_97 = arith.mulf %get3A_94, %get3A_96 : vector<16xf32>
        %swap3A_98 = arith.index_cast %add3A_92 : i32 to index
        %swap3A_99 = tpu.vector_load %arg8[%swap3A_98] {strides = array<i32>} : memref<10240xf32, #tpu.memory_space<vmem>>, vector<16xf32>,
        tpu.vector_store %arg8[%swap3A_98], %mul3A_97 {strides = array<i32>} : memref<10240xf32, #tpu.memory_space<vmem>>, vector<16xf32>,
        %scan3A_100 = arith.constant 3 : i32
        %scan3A_101 = arith.addi %scan3A_63, %scan3A_100 : i32
        %mul3A_102 = arith.constant 16 : i32
        %mul3A_103 = arith.muli %scan3A_101, %mul3A_102 : i32
        %add3A_104 = arith.constant 0 : i32
        %add3A_105 = arith.addi %add3A_104, %mul3A_103 : i32
        %get3A_106 = arith.index_cast %add3A_105 : i32 to index
        %get3A_107 = tpu.vector_load %arg8[%get3A_106] {strides = array<i32>} : memref<10240xf32, #tpu.memory_space<vmem>>, vector<16xf32>,
        %get3A_108 = arith.index_cast %add3A_105 : i32 to index
        %get3A_109 = tpu.vector_load %arg9[%get3A_108] {strides = array<i32>} : memref<10240xf32, #tpu.memory_space<vmem>>, vector<16xf32>,
        %mul3A_110 = arith.mulf %get3A_107, %get3A_109 : vector<16xf32>
        %swap3A_111 = arith.index_cast %add3A_105 : i32 to index
        %swap3A_112 = tpu.vector_load %arg8[%swap3A_111] {strides = array<i32>} : memref<10240xf32, #tpu.memory_space<vmem>>, vector<16xf32>,
        tpu.vector_store %arg8[%swap3A_111], %mul3A_110 {strides = array<i32>} : memref<10240xf32, #tpu.memory_space<vmem>>, vector<16xf32>,
      }
      %scan3A_62 = arith.constant 640 : i32
      "tpu.region"() ({
        %run_scoped3A = tpu.sem_alloc : memref<!tpu.dma_semaphore, #tpu.memory_space<semaphore_mem>>
        %dma_start3A_63 = arith.constant 0 : i32
        %dma_start3A_64 = tpu.memref_slice %arg6[%add3A, %dma_start3A_63] : memref<16x10240xf32, #tpu.memory_space<hbm>> -> memref<1x10240xf32, #tpu.memory_space<hbm>>
        %dma_start3A_65 = tpu.memref_squeeze %dma_start3A_64 : memref<1x10240xf32, #tpu.memory_space<hbm>> -> memref<10240xf32, #tpu.memory_space<hbm>>
        %dma_start3A_66 = arith.constant 0 : i32
        %dma_start3A_67 = tpu.memref_slice %arg6[%add3A, %dma_start3A_66] : memref<16x10240xf32, #tpu.memory_space<hbm>> -> memref<1x10240xf32, #tpu.memory_space<hbm>>
        %dma_start3A_68 = tpu.memref_squeeze %dma_start3A_67 : memref<1x10240xf32, #tpu.memory_space<hbm>> -> memref<10240xf32, #tpu.memory_space<hbm>>
        tpu.enqueue_dma source(%arg8 : memref<10240xf32, #tpu.memory_space<vmem>>) target(%dma_start3A_68 : memref<10240xf32, #tpu.memory_space<hbm>>) target_semaphore(%run_scoped3A : memref<!tpu.dma_semaphore, #tpu.memory_space<semaphore_mem>>)
        %dma_wait3A_69 = arith.constant 0 : i32
        %dma_wait3A_70 = tpu.memref_slice %arg6[%add3A, %dma_wait3A_69] : memref<16x10240xf32, #tpu.memory_space<hbm>> -> memref<1x10240xf32, #tpu.memory_space<hbm>>
        %dma_wait3A_71 = tpu.memref_squeeze %dma_wait3A_70 : memref<1x10240xf32, #tpu.memory_space<hbm>> -> memref<10240xf32, #tpu.memory_space<hbm>>
        %dma_wait3A_72 = arith.constant 0 : i32
        %dma_wait3A_73 = tpu.memref_slice %arg6[%add3A, %dma_wait3A_72] : memref<16x10240xf32, #tpu.memory_space<hbm>> -> memref<1x10240xf32, #tpu.memory_space<hbm>>
        %dma_wait3A_74 = tpu.memref_squeeze %dma_wait3A_73 : memref<1x10240xf32, #tpu.memory_space<hbm>> -> memref<10240xf32, #tpu.memory_space<hbm>>
        tpu.wait_dma2 semaphore(%run_scoped3A : memref<!tpu.dma_semaphore, #tpu.memory_space<semaphore_mem>>) src(%arg8 : memref<10240xf32, #tpu.memory_space<vmem>>) dst(%dma_wait3A_74 : memref<10240xf32, #tpu.memory_space<hbm>>)
        tpu.yield
      }) : () -> ()
    } else {
    }
    return
  }
}

module attributes {stable_mosaic.version = 14 : i64} {
  func.func @_mm0_body(%arg0: i32, %arg1: memref<128x128xf32, #tpu.memory_space<vmem>>, %arg2: memref<1024x128xf32, #tpu.memory_space<vmem>>, %arg3: memref<128x1xf32, #tpu.memory_space<vmem>>, %arg4: memref<128x1024xf32, #tpu.memory_space<vmem>>) attributes {dimension_semantics = [#tpu.dimension_semantics<arbitrary>], iteration_bounds = array<i64: 10>, scalar_prefetch = 0 : i64, scratch_operands = 0 : i64, tpu.core_type = #tpu.core_type<tc>, window_params = [{pipeline_mode = #tpu.pipeline_mode<synchronous>, transform_indices = @transform_0, window_bounds = array<i64: 128, 128>}, {transform_indices = @transform_1, window_bounds = array<i64: 1024, 128>}, {pipeline_mode = #tpu.pipeline_mode<synchronous>, transform_indices = @transform_2, window_bounds = array<i64: 128, 1>}, {transform_indices = @transform_3, window_bounds = array<i64: 128, 1024>}]} {
    %get3A = arith.constant 0 : index
    %get3A_0 = arith.constant 0 : index
    %get3A_1 = vector.load %arg1[%get3A, %get3A_0] : memref<128x128xf32, #tpu.memory_space<vmem>>, vector<128x128xf32>
    %get3A_2 = arith.constant 0 : index
    %get3A_3 = arith.constant 0 : index
    %get3A_4 = vector.load %arg2[%get3A_2, %get3A_3] : memref<1024x128xf32, #tpu.memory_space<vmem>>, vector<1024x128xf32>
    %dot_general3A = arith.constant dense<0.000000e+00> : vector<128x1024xf32>
    %dot_general3A_5 = tpu.matmul %get3A_1, %get3A_4, %dot_general3A {dimension_numbers = #tpu.dot_dimension_numbers<[0], [1], [1], [0], [0, 1, 1, 0], [], []>, transpose_lhs_hint = false} : vector<128x128xf32>, vector<1024x128xf32>, vector<128x1024xf32> -> vector<128x1024xf32>
    %get3A_6 = arith.constant 0 : index
    %get3A_7 = arith.constant 0 : index
    %get3A_8 = vector.load %arg3[%get3A_6, %get3A_7] : memref<128x1xf32, #tpu.memory_space<vmem>>, vector<128x1xf32>
    %add3A = vector.broadcast %get3A_8 : vector<128x1xf32> to vector<128x1024xf32>
    %add3A_9 = arith.addf %dot_general3A_5, %add3A : vector<128x1024xf32>
    %swap3A = arith.constant 0 : index
    %swap3A_10 = arith.constant 0 : index
    %swap3A_11 = vector.load %arg4[%swap3A, %swap3A_10] : memref<128x1024xf32, #tpu.memory_space<vmem>>, vector<128x1024xf32>
    tpu.vector_store %arg4[%swap3A, %swap3A_10], %add3A_9 {strides = array<i32>} : memref<128x1024xf32, #tpu.memory_space<vmem>>, vector<128x1024xf32>,
    return
  }
  func.func @transform_0(%arg0: i32) -> (i32, i32) {
    %c0_i32 = arith.constant 0 : i32
    %c0_i32_0 = arith.constant 0 : i32
    %c0_i32_1 = arith.constant 0 : i32
    return %c0_i32, %c0_i32_0 : i32, i32
  }
  func.func @transform_1(%arg0: i32) -> (i32, i32) {
    %c0_i32 = arith.constant 0 : i32
    %c0_i32_0 = arith.constant 0 : i32
    return %arg0, %c0_i32 : i32, i32
  }
  func.func @transform_2(%arg0: i32) -> (i32, i32) {
    %c0_i32 = arith.constant 0 : i32
    %c0_i32_0 = arith.constant 0 : i32
    %c0_i32_1 = arith.constant 0 : i32
    return %c0_i32, %c0_i32_0 : i32, i32
  }
  func.func @transform_3(%arg0: i32) -> (i32, i32) {
    %c0_i32 = arith.constant 0 : i32
    %c0_i32_0 = arith.constant 0 : i32
    return %c0_i32, %arg0 : i32, i32
  }
}

module attributes {stable_mosaic.version = 14 : i64} {
  func.func @_scale_body(%arg0: i32, %arg1: memref<128x1024xf32, #tpu.memory_space<vmem>>, %arg2: memref<32x1024xf32, #tpu.memory_space<vmem>>, %arg3: memref<128x1024xf32, #tpu.memory_space<vmem>>, %arg4: memref<1x1024xf32, #tpu.memory_space<vmem>>, %arg5: memref<1x1024xf32, #tpu.memory_space<vmem>>, %arg6: memref<1x1024xf32, #tpu.memory_space<vmem>>) attributes {dimension_semantics = [#tpu.dimension_semantics<arbitrary>], iteration_bounds = array<i64: 10>, scalar_prefetch = 0 : i64, scratch_operands = 0 : i64, tpu.core_type = #tpu.core_type<tc>, window_params = [{transform_indices = @transform_0, window_bounds = array<i64: 128, 1024>}, {transform_indices = @transform_1, window_bounds = array<i64: 32, 1024>}, {transform_indices = @transform_2, window_bounds = array<i64: 128, 1024>}, {transform_indices = @transform_3, window_bounds = array<i64: 1, 1024>}, {transform_indices = @transform_4, window_bounds = array<i64: 1, 1024>}, {transform_indices = @transform_5, window_bounds = array<i64: 1, 1024>}]} {
    %get3A = arith.constant 0 : index
    %get3A_0 = arith.constant 0 : index
    %get3A_1 = vector.load %arg2[%get3A, %get3A_0] : memref<32x1024xf32, #tpu.memory_space<vmem>>, vector<32x1024xf32>
    %reduce_sum3A = arith.constant dense<0.000000e+00> : vector<1024xf32>
    %reduce_sum3A_2 = vector.multi_reduction <add>, %get3A_1, %reduce_sum3A [0] : vector<32x1024xf32> to vector<1024xf32>
    %broadcast_in_dim3A = vector.shape_cast %reduce_sum3A_2 : vector<1024xf32> to vector<1x1024xf32>
    %add3A = arith.constant 1.000000e+00 : f32
    %add3A_3 = vector.broadcast %add3A : f32 to vector<1x1024xf32>
    %add3A_4 = arith.addf %add3A_3, %broadcast_in_dim3A : vector<1x1024xf32>
    %gt3A = arith.constant 0.000000e+00 : f32
    %gt3A_5 = vector.broadcast %gt3A : f32 to vector<1x1024xf32>
    %gt3A_6 = arith.cmpf ogt, %add3A_4, %gt3A_5 : vector<1x1024xf32>
    %div3A = arith.constant 1.000000e+00 : f32
    %div3A_7 = vector.broadcast %div3A : f32 to vector<1x1024xf32>
    %div3A_8 = arith.divf %div3A_7, %add3A_4 : vector<1x1024xf32>
    %jit3A = arith.constant 0.000000e+00 : f32
    %broadcast_in_dim3A_9 = vector.broadcast %jit3A : f32 to vector<1x1024xf32>
    %select_n3A = arith.select %gt3A_6, %div3A_8, %broadcast_in_dim3A_9 : vector<1x1024xi1>, vector<1x1024xf32>
    %swap3A = arith.constant 0 : index
    %swap3A_10 = arith.constant 0 : index
    %swap3A_11 = vector.load %arg4[%swap3A, %swap3A_10] : memref<1x1024xf32, #tpu.memory_space<vmem>>, vector<1x1024xf32>
    tpu.vector_store %arg4[%swap3A, %swap3A_10], %select_n3A {strides = array<i32>} : memref<1x1024xf32, #tpu.memory_space<vmem>>, vector<1x1024xf32>,
    %sqrt3A = math.sqrt %add3A_4 : vector<1x1024xf32>
    %swap3A_12 = arith.constant 0 : index
    %swap3A_13 = arith.constant 0 : index
    %swap3A_14 = vector.load %arg5[%swap3A_12, %swap3A_13] : memref<1x1024xf32, #tpu.memory_space<vmem>>, vector<1x1024xf32>
    tpu.vector_store %arg5[%swap3A_12, %swap3A_13], %sqrt3A {strides = array<i32>} : memref<1x1024xf32, #tpu.memory_space<vmem>>, vector<1x1024xf32>,
    %div3A_15 = arith.constant 1.000000e+00 : f32
    %div3A_16 = vector.broadcast %div3A_15 : f32 to vector<1x1024xf32>
    %div3A_17 = arith.divf %div3A_16, %sqrt3A : vector<1x1024xf32>
    %jit3A_18 = arith.constant 0.000000e+00 : f32
    %broadcast_in_dim3A_19 = vector.broadcast %jit3A_18 : f32 to vector<1x1024xf32>
    %select_n3A_20 = arith.select %gt3A_6, %div3A_17, %broadcast_in_dim3A_19 : vector<1x1024xi1>, vector<1x1024xf32>
    %swap3A_21 = arith.constant 0 : index
    %swap3A_22 = arith.constant 0 : index
    %swap3A_23 = vector.load %arg6[%swap3A_21, %swap3A_22] : memref<1x1024xf32, #tpu.memory_space<vmem>>, vector<1x1024xf32>
    tpu.vector_store %arg6[%swap3A_21, %swap3A_22], %select_n3A_20 {strides = array<i32>} : memref<1x1024xf32, #tpu.memory_space<vmem>>, vector<1x1024xf32>,
    %get3A_24 = arith.constant 0 : index
    %get3A_25 = arith.constant 0 : index
    %get3A_26 = vector.load %arg1[%get3A_24, %get3A_25] : memref<128x1024xf32, #tpu.memory_space<vmem>>, vector<128x1024xf32>
    %mul3A = vector.broadcast %select_n3A_20 : vector<1x1024xf32> to vector<128x1024xf32>
    %mul3A_27 = arith.mulf %get3A_26, %mul3A : vector<128x1024xf32>
    %swap3A_28 = arith.constant 0 : index
    %swap3A_29 = arith.constant 0 : index
    %swap3A_30 = vector.load %arg3[%swap3A_28, %swap3A_29] : memref<128x1024xf32, #tpu.memory_space<vmem>>, vector<128x1024xf32>
    tpu.vector_store %arg3[%swap3A_28, %swap3A_29], %mul3A_27 {strides = array<i32>} : memref<128x1024xf32, #tpu.memory_space<vmem>>, vector<128x1024xf32>,
    return
  }
  func.func @transform_0(%arg0: i32) -> (i32, i32) {
    %c0_i32 = arith.constant 0 : i32
    %c0_i32_0 = arith.constant 0 : i32
    return %c0_i32, %arg0 : i32, i32
  }
  func.func @transform_1(%arg0: i32) -> (i32, i32) {
    %c0_i32 = arith.constant 0 : i32
    %c0_i32_0 = arith.constant 0 : i32
    return %c0_i32, %arg0 : i32, i32
  }
  func.func @transform_2(%arg0: i32) -> (i32, i32) {
    %c0_i32 = arith.constant 0 : i32
    %c0_i32_0 = arith.constant 0 : i32
    return %c0_i32, %arg0 : i32, i32
  }
  func.func @transform_3(%arg0: i32) -> (i32, i32) {
    %c0_i32 = arith.constant 0 : i32
    %c0_i32_0 = arith.constant 0 : i32
    return %c0_i32, %arg0 : i32, i32
  }
  func.func @transform_4(%arg0: i32) -> (i32, i32) {
    %c0_i32 = arith.constant 0 : i32
    %c0_i32_0 = arith.constant 0 : i32
    return %c0_i32, %arg0 : i32, i32
  }
  func.func @transform_5(%arg0: i32) -> (i32, i32) {
    %c0_i32 = arith.constant 0 : i32
    %c0_i32_0 = arith.constant 0 : i32
    return %c0_i32, %arg0 : i32, i32
  }
}

module attributes {stable_mosaic.version = 14 : i64} {
  func.func @_clf_body(%arg0: i32, %arg1: memref<16x128xf32, #tpu.memory_space<vmem>>, %arg2: memref<128x1024xf32, #tpu.memory_space<vmem>>, %arg3: memref<1x1024xf32, #tpu.memory_space<vmem>>, %arg4: memref<1x1024xf32, #tpu.memory_space<vmem>>, %arg5: memref<16x1xf32, #tpu.memory_space<vmem>>, %arg6: memref<16x1024xf32, #tpu.memory_space<vmem>>) attributes {dimension_semantics = [#tpu.dimension_semantics<arbitrary>], iteration_bounds = array<i64: 10>, scalar_prefetch = 0 : i64, scratch_operands = 0 : i64, tpu.core_type = #tpu.core_type<tc>, window_params = [{pipeline_mode = #tpu.pipeline_mode<synchronous>, transform_indices = @transform_0, window_bounds = array<i64: 16, 128>}, {transform_indices = @transform_1, window_bounds = array<i64: 128, 1024>}, {transform_indices = @transform_2, window_bounds = array<i64: 1, 1024>}, {transform_indices = @transform_3, window_bounds = array<i64: 1, 1024>}, {pipeline_mode = #tpu.pipeline_mode<synchronous>, transform_indices = @transform_4, window_bounds = array<i64: 16, 1>}, {transform_indices = @transform_5, window_bounds = array<i64: 16, 1024>}]} {
    %get3A = arith.constant 0 : index
    %get3A_0 = arith.constant 0 : index
    %get3A_1 = vector.load %arg2[%get3A, %get3A_0] : memref<128x1024xf32, #tpu.memory_space<vmem>>, vector<128x1024xf32>
    %max3A = arith.constant 0.000000e+00 : f32
    %max3A_2 = vector.broadcast %max3A : f32 to vector<128x1024xf32>
    %max3A_3 = arith.maximumf %get3A_1, %max3A_2 : vector<128x1024xf32>
    %get3A_4 = arith.constant 0 : index
    %get3A_5 = arith.constant 0 : index
    %get3A_6 = vector.load %arg3[%get3A_4, %get3A_5] : memref<1x1024xf32, #tpu.memory_space<vmem>>, vector<1x1024xf32>
    %mul3A = vector.broadcast %get3A_6 : vector<1x1024xf32> to vector<128x1024xf32>
    %mul3A_7 = arith.mulf %max3A_3, %mul3A : vector<128x1024xf32>
    %get3A_8 = arith.constant 0 : index
    %get3A_9 = arith.constant 0 : index
    %get3A_10 = vector.load %arg1[%get3A_8, %get3A_9] : memref<16x128xf32, #tpu.memory_space<vmem>>, vector<16x128xf32>
    %dot_general3A = arith.constant dense<0.000000e+00> : vector<16x1024xf32>
    %dot_general3A_11 = tpu.matmul %get3A_10, %mul3A_7, %dot_general3A {dimension_numbers = #tpu.dot_dimension_numbers<[1], [0], [0], [1], [0, 0, 1, 1], [], []>, transpose_lhs_hint = false} : vector<16x128xf32>, vector<128x1024xf32>, vector<16x1024xf32> -> vector<16x1024xf32>
    %get3A_12 = arith.constant 0 : index
    %get3A_13 = arith.constant 0 : index
    %get3A_14 = vector.load %arg5[%get3A_12, %get3A_13] : memref<16x1xf32, #tpu.memory_space<vmem>>, vector<16x1xf32>
    %add3A = vector.broadcast %get3A_14 : vector<16x1xf32> to vector<16x1024xf32>
    %add3A_15 = arith.addf %dot_general3A_11, %add3A : vector<16x1024xf32>
    %get3A_16 = arith.constant 0 : index
    %get3A_17 = arith.constant 0 : index
    %get3A_18 = vector.load %arg4[%get3A_16, %get3A_17] : memref<1x1024xf32, #tpu.memory_space<vmem>>, vector<1x1024xf32>
    %mul3A_19 = vector.broadcast %get3A_18 : vector<1x1024xf32> to vector<16x1024xf32>
    %mul3A_20 = arith.mulf %add3A_15, %mul3A_19 : vector<16x1024xf32>
    %swap3A = arith.constant 0 : index
    %swap3A_21 = arith.constant 0 : index
    %swap3A_22 = vector.load %arg6[%swap3A, %swap3A_21] : memref<16x1024xf32, #tpu.memory_space<vmem>>, vector<16x1024xf32>
    tpu.vector_store %arg6[%swap3A, %swap3A_21], %mul3A_20 {strides = array<i32>} : memref<16x1024xf32, #tpu.memory_space<vmem>>, vector<16x1024xf32>,
    return
  }
  func.func @transform_0(%arg0: i32) -> (i32, i32) {
    %c0_i32 = arith.constant 0 : i32
    %c0_i32_0 = arith.constant 0 : i32
    %c0_i32_1 = arith.constant 0 : i32
    return %c0_i32, %c0_i32_0 : i32, i32
  }
  func.func @transform_1(%arg0: i32) -> (i32, i32) {
    %c0_i32 = arith.constant 0 : i32
    %c0_i32_0 = arith.constant 0 : i32
    return %c0_i32, %arg0 : i32, i32
  }
  func.func @transform_2(%arg0: i32) -> (i32, i32) {
    %c0_i32 = arith.constant 0 : i32
    %c0_i32_0 = arith.constant 0 : i32
    return %c0_i32, %arg0 : i32, i32
  }
  func.func @transform_3(%arg0: i32) -> (i32, i32) {
    %c0_i32 = arith.constant 0 : i32
    %c0_i32_0 = arith.constant 0 : i32
    return %c0_i32, %arg0 : i32, i32
  }
  func.func @transform_4(%arg0: i32) -> (i32, i32) {
    %c0_i32 = arith.constant 0 : i32
    %c0_i32_0 = arith.constant 0 : i32
    %c0_i32_1 = arith.constant 0 : i32
    return %c0_i32, %c0_i32_0 : i32, i32
  }
  func.func @transform_5(%arg0: i32) -> (i32, i32) {
    %c0_i32 = arith.constant 0 : i32
    %c0_i32_0 = arith.constant 0 : i32
    return %c0_i32, %arg0 : i32, i32
  }
}

</mosaic_0001>

<sc_bundles>
// kernel: kernel.10.cloned.1.call-start
scs
__scs_entry_jumppad:
0x0: {  	(pc) =	sbr.rel $0x88, $3  }
0x1: {  	(tag) =	ssettag $0x0;
	lr =	simm.s32 $0x1  }
0x2: {  	[smem:$0x3F9A] =	sst lr;
	_ =	strace $0xD0000000  }
0x3: {  	_ = 	snop  }
0x4: {  	_ = 	snop  }
0x5: {  	_ = 	snop  }
0x6: {  	_ = 	snop  }
0x7: {  	_ = 	snop  }
__scs_overlays_trampoline_lowered:
0x8: {  	[smem:$0x3FA9] =	sst s0  }
0x9: {  	[smem:$0x3FAA] =	sst s1  }
0xa: {  	[smem:$0x3FAB] =	sst s2  }
0xb: {  	[smem:$0x3FAC] =	sst s3  }
0xc: {  	[smem:$0x3FAD] =	sst s4  }
0xd: {  	[smem:$0x3FAE] =	sst s5  }
0xe: {  	[smem:$0x3FAF] =	sst s6  }
0xf: {  	[smem:$0x3FB0] =	sst s7  }
0x10: {  	[smem:$0x3FB1] =	sst s8  }
0x11: {  	[smem:$0x3FB2] =	sst s9;
	s0 =	simm.s32 @!p0 $0x0  }
0x12: {  	s1 =	sld [smem:$0x3F98];
	s0 =	simm.s32 @p0 $0x1  }
0x13: {  	[smem:$0x3FB3] =	sst s0;
	s0 =	simm.s32 @!p1 $0x0  }
0x14: {  	s2 =	sld [smem:$0x3F97];
	s0 =	simm.s32 @p1 $0x1  }
0x15: {  	[smem:$0x3FB4] =	sst s0;
	s0 =	simm.s32 @!p2 $0x0  }
0x16: {  	s3 =	sld [smem:$0x3FDB];
	s0 =	simm.s32 @p2 $0x1  }
0x17: {  	s4 =	simm.s32 $0x1BF5;
	[smem:$0x3FB6] =	sst s0  }
0x18: {  	s0 =	sld [smem:$0x3F99];
	_ =	swait.ge [sflag:s4], $0x0  }
0x19: {  	s7 =	sld [smem:$0x3F9A]  }
0x1a: {  	s8 =	sadd.s32 $0xFFFFE003, lr  }
0x1b: {  	s9 =	sadd.s32 $0xFFFFFEF7, lr;
	s5 =	simm.s32 $0xFFFFFFFF;
	p2 =	slt.u32 s8, $0xFFFFF086  }
0x1c: {  	p1 =	slt.u32 s9, $0xF7A;
	s5 =	simm.s32 @!p2 $0x0  }
0x1d: {  	s5 =	simm.s32 @p1 $0x1;
	p0 =	seq.s32 s7, s2  }
0x1e: {  	s7 =	smul.u32 @!p0 $0xF7A, s2;
	p2 =	seq.s32 @!p0 s5, $0x0  }
0x1f: {  	s9 =	smul.u32 $0xF7A, s1;
	s8 =	simm.s32 @!p0 $0x1BF5;
	p2 =	por !p2, p0  }
0x20: {  	[sflag:s8] =	ssyncset.s32 @!p0 $0xFFFFF086;
	s6 =	sadd.s32 @!p0 s3, s7;
	s7 =	simm.s32 @!p0 $0x108  }
0x21: {  	s3 =	sadd.s32 s3, s9;
	s6 =	sadd.s32 @!p0 $0x88, s6;
	s7 =	simm.s32 @p2 $0x1082  }
0x22: {  	[simem:s7], [sflag:s8] =	dma.local @!p0 [hbm:s6], $0xF7A  }
0x23: {  	s9 =	sor.u32 $0xD0000000, s2;
	s6 =	simm.s32 $0x108;
	_ =	swait.ge @!p0 [sflag:s8], $0x0  }
0x24: {  	s3 =	sadd.s32 $0x88, s3;
	s6 =	simm.s32 @!p1 $0x1082;
	[sflag:s4] =	ssyncset.s32 $0xFFFFF086  }
0x25: {  	[simem:s6], [sflag:s4] =	dma.local [hbm:s3], $0xF7A  }
0x26: {  	[smem:$0x3F9A] =	sst s1;
	(tag) =	ssettag s2;
	_ =	strace s9  }
0x27: {  	s1 =	sld [smem:$0x3FAA]  }
0x28: {  	s2 =	sld [smem:$0x3FAB]  }
0x29: {  	s4 =	sld [smem:$0x3FAD]  }
0x2a: {  	p0 =	seq.s32 s5, $0x0;
	s5 =	sld [smem:$0x3FAE]  }
0x2b: {  	s6 =	sld [smem:$0x3FAF]  }
0x2c: {  	s7 =	sld [smem:$0x3FB0]  }
0x2d: {  	s3 =	simm.s32 $0x108;
	s8 =	sld [smem:$0x3FB1]  }
0x2e: {  	s3 =	simm.s32 @!p0 $0x1082;
	s9 =	sld [smem:$0x3FB2]  }
0x2f: {  	lr =	sadd.s32 s0, s3;
	s0 =	sld [smem:$0x3FA9]  }
0x30: {  	s3 =	sld [smem:$0x3FAC]  }
0x31: {  	[smem:$0x3FB5] =	sst s10  }
0x32: {  	s10 =	sld [smem:$0x3FB3];
	_ =	sdelay $0x3  }
0x33: {  	p0 =	seq.s32 s10, $0x1;
	s10 =	sld [smem:$0x3FB5];
	_ =	sdelay $0x3  }
0x34: {  	[smem:$0x3FB5] =	sst s10  }
0x35: {  	s10 =	sld [smem:$0x3FB4];
	_ =	sdelay $0x3  }
0x36: {  	p1 =	seq.s32 s10, $0x1;
	s10 =	sld [smem:$0x3FB5];
	_ =	sdelay $0x3  }
0x37: {  	[smem:$0x3FB5] =	sst s10  }
0x38: {  	s10 =	sld [smem:$0x3FB6]  }
0x39: {  	_ = 	snop;
	(pc) =	sbr.ind lr, $3  }
0x3a: {  	_ = 	snop  }
0x3b: {  	_ = 	snop  }
0x3c: {  	p2 =	seq.s32 s10, $0x1;
	s10 =	sld [smem:$0x3FB5]  }
0x3d: {  	_ =	shalt  }
0x3e: {  	_ =	shalt  }
0x3f: {  	_ =	shalt  }
0x40: {  	_ =	shalt  }
0x41: {  	_ =	shalt  }
0x42: {  	_ =	shalt  }
0x43: {  	_ =	shalt  }
0x44: {  	_ =	shalt  }
0x45: {  	_ =	shalt  }
0x46: {  	_ =	shalt  }
0x47: {  	_ =	shalt  }
0x48: {  	_ =	shalt  }
0x49: {  	_ =	shalt  }
0x4a: {  	_ =	shalt  }
0x4b: {  	_ =	shalt  }
0x4c: {  	_ =	shalt  }
0x4d: {  	_ =	shalt  }
0x4e: {  	_ =	shalt  }
0x4f: {  	_ =	shalt  }
0x50: {  	_ =	shalt  }
0x51: {  	_ =	shalt  }
0x52: {  	_ =	shalt  }
0x53: {  	_ =	shalt  }
0x54: {  	_ =	shalt  }
0x55: {  	_ =	shalt  }
0x56: {  	_ =	shalt  }
0x57: {  	_ =	shalt  }
0x58: {  	_ =	shalt  }
0x59: {  	_ =	shalt  }
0x5a: {  	_ =	shalt  }
0x5b: {  	_ =	shalt  }
0x5c: {  	_ =	shalt  }
0x5d: {  	_ =	shalt  }
0x5e: {  	_ =	shalt  }
0x5f: {  	_ =	shalt  }
0x60: {  	_ =	shalt  }
0x61: {  	_ =	shalt  }
0x62: {  	_ =	shalt  }
0x63: {  	_ =	shalt  }
0x64: {  	_ =	shalt  }
0x65: {  	_ =	shalt  }
0x66: {  	_ =	shalt  }
0x67: {  	_ =	shalt  }
0x68: {  	_ =	shalt  }
0x69: {  	_ =	shalt  }
0x6a: {  	_ =	shalt  }
0x6b: {  	_ =	shalt  }
0x6c: {  	_ =	shalt  }
0x6d: {  	_ =	shalt  }
0x6e: {  	_ =	shalt  }
0x6f: {  	_ =	shalt  }
0x70: {  	_ =	shalt  }
0x71: {  	_ =	shalt  }
0x72: {  	_ =	shalt  }
0x73: {  	_ =	shalt  }
0x74: {  	_ =	shalt  }
0x75: {  	_ =	shalt  }
0x76: {  	_ =	shalt  }
0x77: {  	_ =	shalt  }
0x78: {  	_ =	shalt  }
0x79: {  	_ =	shalt  }
0x7a: {  	_ =	shalt  }
0x7b: {  	_ =	shalt  }
0x7c: {  	_ =	shalt  }
0x7d: {  	_ =	shalt  }
0x7e: {  	_ =	shalt  }
0x7f: {  	_ =	shalt  }
0x80: {  	_ =	shalt  }
0x81: {  	_ =	shalt  }
0x82: {  	_ =	shalt  }
0x83: {  	_ =	shalt  }
0x84: {  	_ =	shalt  }
0x85: {  	_ =	shalt  }
0x86: {  	_ =	shalt  }
0x87: {  	_ =	shalt  }
.Lfunc_end0:
.L_simem_size_0:
called_computation_lowered:
.L_overlay_start_0:
0x88: {  	s2 =	sld [smem:$0x3FD9]  }
0x89: {  	s3 =	sld [smem:$0x3FFE];
	_ =	sdelay $0x1  }
0x8a: {  	s1 =	srdreg.scid  }
0x8b: {  	s0 =	sand.u32 $0x1, s1  }
0x8c: {  	s17 =	sshll.u32 s0, $0xA;
	s2 =	sadd.s32 s3, s2  }
0x8d: {  	s2 =	sadd.s32 s2, s17  }
0x8e: {  	[smem:$0x3FC1] =	sst s2  }
0x8f: {  	_ = 	snop  }
0x90: {  	s2 =	sld [smem:$0x3FD0];
	(tm) =	ssettm $0x1  }
0x91: {  	s18 =	sld [smem:$0x3FFB];
	_ =	sdelay $0x3  }
0x92: {  	_ =	strace s18  }
0x93: {  	s3 =	sld [smem:$0x3FFC];
	_ =	sdelay $0x3  }
0x94: {  	_ =	strace s3  }
0x95: {  	s3 =	sld [smem:$0x3FFD];
	_ =	sdelay $0x3  }
0x96: {  	_ =	strace s3  }
0x97: {  	_ =	strace $0x8FFFFFFF  }
0x98: {  	s19 =	sld [smem:$0x3FDB];
	_ =	sdelay $0x1  }
0x99: {  	s4 =	simm.s32 $_scs_section_size  }
0x9a: {  	s5 =	simm.s32 $_size__tile_overlayer_lowered;
	s6 =	simm.s32 $_tile_overlayer_lowered  }
0x9b: {  	s22 =	simm.s32 $0x1BFF;
	s21 =	sshll.u32 s6, $0x1;
	s3 =	sadd.s32 s4, s19  }
0x9c: {  	s7 =	simm.s32 $0x0;
	s20 =	sshll.u32 s5, $0x1;
	s5 =	sadd.s32 s21, s3  }
0x9d: {  	[timem:s7], [sflag:s22] =	dma.local [hbm:s5], s20  }
0x9e: {  	_ =	swait.ge [sflag:s22], s20  }
0x9f: {  	s4 =	ssub.s32 $0x0, s20;
	[sflag:s22] =	ssyncset.done $0x0  }
0xa0: {  	[sflag:s22] =	ssyncadd.s32 s4;
	_ =	sdelay $0x1  }
0xa1: {  	s23 =	simm.s32 $0x1B8B  }
0xa2: {  	_ =	swait.ge [sflag:s23], $0x1  }
0xa3: {  	[sflag:s23] =	ssyncset.done $0x0  }
0xa4: {  	s25 =	simm.s32 $0x1B8E;
	s24 =	sld [smem:$0x3FFE];
	[sflag:s23] =	ssyncadd.s32 $0xFFFFFFFF  }
0xa5: {  	s26 =	simm.s32 $execute0_lowered;
	[smem:$0x3FD2] =	sst s25  }
0xa6: {  	s5 =	sshll.u32 s26, $0x1;
	_ =	strace $0x80000046;
	[dreg:$0x1] =	wrdreg $0xFFFFFFFF  }
0xa7: {  	s28 =	simm.s32 $_size_execute0_lowered;
	s3 =	sadd.s32 s3, s5;
	[dreg:$0x0] =	wrdreg $0x0  }
0xa8: {  	s5 =	sshll.u32 s28, $0x1;
	[dreg:$0x2] =	wrdreg s3  }
0xa9: {  	[dreg:$0x3] =	wrdreg s5  }
0xaa: {  	[dreg:$0x4] =	wrdreg $0xC0  }
0xab: {  	_ =	task [dreg:s7], $0x5FFFF  }
0xac: {  	[dreg:$0x1] =	wrdreg $0xFFFFFFFF  }
0xad: {  	[dreg:$0x0] =	wrdreg $0x60  }
0xae: {  	[dreg:$0x2] =	wrdreg s24  }
0xaf: {  	[dreg:$0x3] =	wrdreg s2  }
0xb0: {  	[dreg:$0x4] =	wrdreg $0x9  }
0xb1: {  	_ =	task.clear_ibuf [dreg:s7], $0x5FFFF;
	_ =	strace $0x90000046  }
0xb2: {  	s29 =	simm.s32 $0x9;
	_ =	strace $0x80000048  }
0xb3: {  	_ =	swait.ge [sflag:s29], $0x1  }
0xb4: {  	[sflag:s29] =	ssyncadd.s32 $0xFFFFFFFF  }
0xb5: {  	_ =	strace $0x90000048  }
0xb6: {  	_ =	sfence  }
0xb7: {  	s30 =	sld [smem:$0x0];
	_ =	sdelay $0x2  }
0xb8: {  	s31 =	sshll.u32 s1, $0xD;
	s1 =	sshrl.u32 s1, $0x2  }
0xb9: {  	s3 =	sand.u32 $0x4000, s31;
	s1 =	sadd.s32 s1, s30  }
0xba: {  	s0 =	sor.u32 s3, s0;
	s1 =	sshll.u32 s1, $0x11  }
0xbb: {  	s0 =	sor.u32 s1, s0  }
0xbc: {  	s0 =	sadd.s32 $0x8F2B, s0  }
0xbd: {  	[sflag:s0] =	ssyncadd.remote.s32 $0x1  }
0xbe: {  	_ =	sfence.sel $0xFFFF  }
0xbf: {  	[dreg:$0x0] =	wrdreg $0xFFFFFFFF;
	(pc) =	sbr.abs _section_cstart, $3  }
0xc0: {  	[dreg:$0x1] =	wrdreg $0xFFFFFFFF  }
0xc1: {  	_ =	task.clear_ibuf [dreg:s7], $0x2FFFF;
	_ =	strace $0x9FFFFFFF  }
0xc2: {  	(tm) =	ssettm $0x7FFFFFFF  }
0xc3: {  	_ =	shalt  }
tec
execute0_lowered:
.L_overlay_start_1:
0x0: {  	(tag) =	ssettag $0x1  }
0x1: {  	s3 =	rddreg [dreg:$0x0]  }
0x2: {  	s0 =	srdreg.scid;
	s5 =	rddreg [dreg:$0x1]  }
0x3: {  	s1 =	stileid.u32;
	s2 =	simm.s32 $0x0;
	s9 =	simm.s32 $0x400  }
0x4: {  	s10 =	simm.s32 $0x2;
	s4 =	sand.u32 $0x1, s0;
	s0 =	rddreg [dreg:$0x2]  }
0x5: {  	s11 =	simm.s32 $0x0;
	[smem:$0x7FF] =	sst s2;
	s6 =	sshll.u32 s4, $0x4  }
0x6: {  	s30 =	sshll.u32 s1, $0x4;
	s4 =	ssub.s32 $0x2, s4;
	s6 =	sor.u32 s1, s6  }
0x7: {  	s8 =	sshrl.u32 s4, $0x1;
	s7 =	smul.u32 $0x4E2, s6;
	s6 =	sshll.u32 s6, $0x5  }
0x8: {  	_ =	strace $0x80000047;
	s8 =	ssub.s32 s4, s8;
	s31 =	sand.u32 $0x300, s6  }
0x9: {  	s6 =	simm.s32 $0x100;
	s3 =	sadd.s32 s7, s3;
	s7 =	sand.u32 $0x70, s30  }
0xa: {  	s5 =	sadd.s32 s5, s7;
	s3 =	sadd.s32 $0xE00, s3;
	s7 =	simm.s32 $0x1  }
0xb: {  	v0 =	vimm.s32 $0x0;
	v1 =	vimm.s32 $0x1;
	s4 =	sadd.s32 s31, s5;
	s5 =	smax.u32 s8, $0x1;
	s8 =	simm.s32 $0x80  }
.LBB2_1:
0xc: {  	[tilespmem:s6], [sflag:$0x1] =	stream.linear.gather [hbm4b:s3+s2], $0x2710, $0x38;
	[tilespmem:$0x2880] =	vst v63  }
0xd: {  	_ =	swait.ge [sflag:s7], $0x2710  }
0xe: {  	[sflag:s7] =	ssyncset.done $0x0  }
0xf: {  	[sflag:s7] =	ssyncadd.s32 $0xFFFFD8F0  }
0x10: {  	[tilespmem:$0x0] =	vst v0  }
0x11: {  	[tilespmem:$0x10] =	vst v0  }
0x12: {  	[tilespmem:$0x20] =	vst v0  }
0x13: {  	[tilespmem:$0x30] =	vst v0  }
0x14: {  	[tilespmem:$0x40] =	vst v0  }
0x15: {  	[tilespmem:$0x50] =	vst v0  }
0x16: {  	[tilespmem:$0x60] =	vst v0  }
0x17: {  	[tilespmem:$0x70] =	vst v0  }
0x18: {  	[tilespmem:$0x80] =	vst v0  }
0x19: {  	[tilespmem:$0x90] =	vst v0  }
0x1a: {  	[tilespmem:$0xA0] =	vst v0  }
0x1b: {  	[tilespmem:$0xB0] =	vst v0  }
0x1c: {  	[tilespmem:$0xC0] =	vst v0  }
0x1d: {  	[tilespmem:$0xD0] =	vst v0  }
0x1e: {  	[tilespmem:$0xE0] =	vst v0  }
0x1f: {  	s12 =	simm.s32 $0x110;
	[tilespmem:$0xF0] =	vst v0  }
0x20: {  	v2 =	vld [tilespmem:s12+$0xFFFFFFF0]  }
0x21: {  	v3 =	vld [tilespmem:s12+$0x0];
	_ =	sdelay $0x1  }
0x22: {  	s31 =	simm.s32 $0x130  }
0x23: {  	v4 =	vld [tilespmem:s31+$0xFFFFFFF0]  }
0x24: {  	v7 =	vld [tilespmem:s31+$0x0];
	v5 =	vshrl.u32 v2, $0x10  }
0x25: {  	v6 =	vshrl.u32 v3, $0x10;
	v5 =	vsub.s32 v5, v2  }
0x26: {  	v8 =	vand.u32 $0xF, v3;
	v6 =	vsub.s32 v6, v3;
	v5 =	vshll.u32 v5, $0x4  }
0x27: {  	v2 =	vand.u32 $0xF, v2;
	v3 =	vand.u32 $0xF0, v5;
	v5 =	vshll.u32 v6, $0x4  }
0x28: {  	v6 =	vshrl.u32 v4, $0x10;
	v5 =	vand.u32 $0xF0, v5;
	v3 =	vor.u32 v2, v3  }
0x29: {  	s12 =	simm.s32 $0x150;
	v2 =	vor.u32 v8, v5;
	v5 =	vsub.s32 v6, v4;
	v8 =	vshrl.u32 v7, $0x10  }
0x2a: {  	v6 =	vand.u32 $0xF, v4;
	v4 =	vld [tilespmem:s12+$0xFFFFFFF0];
	v9 =	vshll.u32 v5, $0x4;
	v10 =	vsub.s32 v8, v7  }
0x2b: {  	s13 =	simm.s32 $0x40;
	v7 =	vand.u32 $0xF, v7;
	v5 =	vld [tilespmem:s12+$0x0];
	v8 =	vand.u32 $0xF0, v9;
	v9 =	vshll.u32 v10, $0x4  }
.LBB2_2:
0x2c: {  	s13 =	sadd.s32 $0x20, s13  }
0x2d: {  	v9 =	vand.u32 $0xF0, v9;
	[tilespmem:v3+s2+$0x0] =	vst.idx.add.s32.msk $0xffff, v1;
	p0 =	slt.u32 s13, $0x26E0  }
.Ltmp0:
0x2e: {  	v3 =	vor.u32 v6, v8;
	[tilespmem:v2+s2+$0x0] =	vst.idx.add.s32.msk $0xffff, v1;
	v2 =	vor.u32 v7, v9;
	(pc) =	sbr.rel @p0 .LBB2_2-.Ltmp0, $4  }
0x2f: {  	s12 =	sadd.s32 $0x20, s12;
	v7 =	vshrl.u32 v4, $0x10;
	v6 =	vand.u32 $0xF, v4  }
0x30: {  	v8 =	vsub.s32 v7, v4;
	v4 =	vld [tilespmem:s12+$0xFFFFFFF0];
	v9 =	vshrl.u32 v5, $0x10;
	v7 =	vand.u32 $0xF, v5  }
0x31: {  	v8 =	vshll.u32 v8, $0x4;
	v9 =	vsub.s32 v9, v5;
	v5 =	vld [tilespmem:s12+$0x0]  }
0x32: {  	v8 =	vand.u32 $0xF0, v8;
	v9 =	vshll.u32 v9, $0x4  }
0x33: {  	_ =	sdelay $0x1  }
0x34: {  	v9 =	vand.u32 $0xF0, v9;
	v10 =	vshrl.u32 v4, $0x10  }
0x35: {  	v6 =	vor.u32 v6, v8;
	v59 =	vsub.s32 v10, v4;
	v60 =	vshrl.u32 v5, $0x10  }
0x36: {  	v7 =	vor.u32 v7, v9;
	v8 =	vshll.u32 v59, $0x4;
	v61 =	vsub.s32 v60, v5  }
0x37: {  	v62 =	vand.u32 $0xF, v4;
	v8 =	vand.u32 $0xF0, v8;
	v9 =	vshll.u32 v61, $0x4  }
0x38: {  	v63 =	vand.u32 $0xF, v5;
	v9 =	vand.u32 $0xF0, v9;
	v4 =	vor.u32 v62, v8  }
0x39: {  	[tilespmem:v3+s2+$0x0] =	vst.idx.add.s32.msk $0xffff, v1;
	v3 =	vor.u32 v63, v9  }
0x3a: {  	[tilespmem:v2+s2+$0x0] =	vst.idx.add.s32.msk $0xffff, v1  }
0x3b: {  	[tilespmem:v6+s2+$0x0] =	vst.idx.add.s32.msk $0xffff, v1  }
0x3c: {  	[tilespmem:v7+s2+$0x0] =	vst.idx.add.s32.msk $0xffff, v1  }
0x3d: {  	[tilespmem:v4+s2+$0x0] =	vst.idx.add.s32.msk $0xffff, v1  }
0x3e: {  	[tilespmem:v3+s2+$0x0] =	vst.idx.add.s32.msk $0xffff, v1  }
0x3f: {  	v2 =	vld [tilespmem:$0x2800];
	_ =	sdelay $0x4  }
0x40: {  	v3 =	vshrl.u32 v2, $0x10  }
0x41: {  	v3 =	vsub.s32 v3, v2  }
0x42: {  	v3 =	vshll.u32 v3, $0x4  }
0x43: {  	v2 =	vand.u32 $0xF, v2;
	v3 =	vand.u32 $0xF0, v3  }
0x44: {  	v2 =	vor.u32 v2, v3;
	_ =	sdelay $0x2  }
0x45: {  	s11 =	sadd.s32 $0x1, s11  }
0x46: {  	p0 =	sne.s32 s11, s5  }
.Ltmp1:
0x47: {  	[tilespmem:v2+s2+$0x0] =	vst.idx.add.s32.msk $0xffff, v1;
	(pc) =	sbr.rel @p0 .LBB2_1-.Ltmp1, $4  }
0x48: {  	[hbm4b:s4+s8] =	stream.strided.scatter [tilespmem:s2], [sflag:$0x2], $0x100, s9, s8, $0x38;
	[tilespmem:$0x2880] =	vst v63  }
0x49: {  	_ =	swait.ge [sflag:s10], $0x100  }
0x4a: {  	[sflag:s10] =	ssyncset.done $0x0  }
0x4b: {  	[sflag:s10] =	ssyncadd.s32 $0xFFFFFF00  }
0x4c: {  	_ =	sfence.sel $0x180000  }
0x4d: {  	[bflag:$0x0] =	sbarrier.arrive $0xFFFF  }
0x4e: {  	p0 =	sne.s32 s1, $0x0;
	_ =	strace $0x90000047  }
0x4f: {  	s0 =	sadd.s32 @!p0 $0x100000, s0;
	[bflag:$0x2] =	sbarrier.arrive $0xFFFF  }
0x50: {  	[sflag:s0] =	ssyncadd.tile.s32 @!p0 $0x1;
	_ =	shalt  }
.Lfunc_end2:
_tile_overlayer_lowered:
.L_overlay_start_2:
0x51: {  	(tag) =	ssettag $0x2  }
0x52: {  	s0 =	rddreg [dreg:$0x0];
	s2 =	stileid.u32  }
0x53: {  	s1 =	rddreg [dreg:$0x1];
	p0 =	sne.s32 s2, $0x0  }
0x54: {  	s3 =	rddreg [dreg:$0x2];
	[bflag:$0x3] =	sbarrier.arrive $0xFFFF;
	s2 =	simm.s32 @!p0 $0x1C02  }
0x55: {  	[timem:s3], [sflag:s2] =	dma.local @!p0 [hbm:s0], s1  }
0x56: {  	s0 =	simm.s32 @!p0 $0x2  }
0x57: {  	_ =	swait.ge @!p0 [sflag:s0], s1  }
0x58: {  	s1 =	ssub.s32 @!p0 $0x0, s1;
	[sflag:s0] =	ssyncset.done @!p0 $0x0  }
0x59: {  	[sflag:s0] =	ssyncadd.s32 @!p0 s1  }
0x5a: {  	[bflag:$0x3] =	sbarrier.arrive $0xFFFF  }
0x5b: {  	_ =	shalt  }

// kernel: kernel.13.cloned.1.call-start
scs
__scs_entry_jumppad:
0x0: {  	(pc) =	sbr.rel $0x88, $3  }
0x1: {  	(tag) =	ssettag $0x0;
	lr =	simm.s32 $0x1  }
0x2: {  	[smem:$0x3F9A] =	sst lr;
	_ =	strace $0xD0000000  }
0x3: {  	_ = 	snop  }
0x4: {  	_ = 	snop  }
0x5: {  	_ = 	snop  }
0x6: {  	_ = 	snop  }
0x7: {  	_ = 	snop  }
__scs_overlays_trampoline_lowered:
0x8: {  	[smem:$0x3FA9] =	sst s0  }
0x9: {  	[smem:$0x3FAA] =	sst s1  }
0xa: {  	[smem:$0x3FAB] =	sst s2  }
0xb: {  	[smem:$0x3FAC] =	sst s3  }
0xc: {  	[smem:$0x3FAD] =	sst s4  }
0xd: {  	[smem:$0x3FAE] =	sst s5  }
0xe: {  	[smem:$0x3FAF] =	sst s6  }
0xf: {  	[smem:$0x3FB0] =	sst s7  }
0x10: {  	[smem:$0x3FB1] =	sst s8  }
0x11: {  	[smem:$0x3FB2] =	sst s9;
	s0 =	simm.s32 @!p0 $0x0  }
0x12: {  	s1 =	sld [smem:$0x3F98];
	s0 =	simm.s32 @p0 $0x1  }
0x13: {  	[smem:$0x3FB3] =	sst s0;
	s0 =	simm.s32 @!p1 $0x0  }
0x14: {  	s2 =	sld [smem:$0x3F97];
	s0 =	simm.s32 @p1 $0x1  }
0x15: {  	[smem:$0x3FB4] =	sst s0;
	s0 =	simm.s32 @!p2 $0x0  }
0x16: {  	s3 =	sld [smem:$0x3FDB];
	s0 =	simm.s32 @p2 $0x1  }
0x17: {  	s4 =	simm.s32 $0x1BF5;
	[smem:$0x3FB6] =	sst s0  }
0x18: {  	s0 =	sld [smem:$0x3F99];
	_ =	swait.ge [sflag:s4], $0x0  }
0x19: {  	s7 =	sld [smem:$0x3F9A]  }
0x1a: {  	s8 =	sadd.s32 $0xFFFFE003, lr  }
0x1b: {  	s9 =	sadd.s32 $0xFFFFFEF7, lr;
	s5 =	simm.s32 $0xFFFFFFFF;
	p2 =	slt.u32 s8, $0xFFFFF086  }
0x1c: {  	p1 =	slt.u32 s9, $0xF7A;
	s5 =	simm.s32 @!p2 $0x0  }
0x1d: {  	s5 =	simm.s32 @p1 $0x1;
	p0 =	seq.s32 s7, s2  }
0x1e: {  	s7 =	smul.u32 @!p0 $0xF7A, s2;
	p2 =	seq.s32 @!p0 s5, $0x0  }
0x1f: {  	s9 =	smul.u32 $0xF7A, s1;
	s8 =	simm.s32 @!p0 $0x1BF5;
	p2 =	por !p2, p0  }
0x20: {  	[sflag:s8] =	ssyncset.s32 @!p0 $0xFFFFF086;
	s6 =	sadd.s32 @!p0 s3, s7;
	s7 =	simm.s32 @!p0 $0x108  }
0x21: {  	s3 =	sadd.s32 s3, s9;
	s6 =	sadd.s32 @!p0 $0x88, s6;
	s7 =	simm.s32 @p2 $0x1082  }
0x22: {  	[simem:s7], [sflag:s8] =	dma.local @!p0 [hbm:s6], $0xF7A  }
0x23: {  	s9 =	sor.u32 $0xD0000000, s2;
	s6 =	simm.s32 $0x108;
	_ =	swait.ge @!p0 [sflag:s8], $0x0  }
0x24: {  	s3 =	sadd.s32 $0x88, s3;
	s6 =	simm.s32 @!p1 $0x1082;
	[sflag:s4] =	ssyncset.s32 $0xFFFFF086  }
0x25: {  	[simem:s6], [sflag:s4] =	dma.local [hbm:s3], $0xF7A  }
0x26: {  	[smem:$0x3F9A] =	sst s1;
	(tag) =	ssettag s2;
	_ =	strace s9  }
0x27: {  	s1 =	sld [smem:$0x3FAA]  }
0x28: {  	s2 =	sld [smem:$0x3FAB]  }
0x29: {  	s4 =	sld [smem:$0x3FAD]  }
0x2a: {  	p0 =	seq.s32 s5, $0x0;
	s5 =	sld [smem:$0x3FAE]  }
0x2b: {  	s6 =	sld [smem:$0x3FAF]  }
0x2c: {  	s7 =	sld [smem:$0x3FB0]  }
0x2d: {  	s3 =	simm.s32 $0x108;
	s8 =	sld [smem:$0x3FB1]  }
0x2e: {  	s3 =	simm.s32 @!p0 $0x1082;
	s9 =	sld [smem:$0x3FB2]  }
0x2f: {  	lr =	sadd.s32 s0, s3;
	s0 =	sld [smem:$0x3FA9]  }
0x30: {  	s3 =	sld [smem:$0x3FAC]  }
0x31: {  	[smem:$0x3FB5] =	sst s10  }
0x32: {  	s10 =	sld [smem:$0x3FB3];
	_ =	sdelay $0x3  }
0x33: {  	p0 =	seq.s32 s10, $0x1;
	s10 =	sld [smem:$0x3FB5];
	_ =	sdelay $0x3  }
0x34: {  	[smem:$0x3FB5] =	sst s10  }
0x35: {  	s10 =	sld [smem:$0x3FB4];
	_ =	sdelay $0x3  }
0x36: {  	p1 =	seq.s32 s10, $0x1;
	s10 =	sld [smem:$0x3FB5];
	_ =	sdelay $0x3  }
0x37: {  	[smem:$0x3FB5] =	sst s10  }
0x38: {  	s10 =	sld [smem:$0x3FB6]  }
0x39: {  	_ = 	snop;
	(pc) =	sbr.ind lr, $3  }
0x3a: {  	_ = 	snop  }
0x3b: {  	_ = 	snop  }
0x3c: {  	p2 =	seq.s32 s10, $0x1;
	s10 =	sld [smem:$0x3FB5]  }
0x3d: {  	_ =	shalt  }
0x3e: {  	_ =	shalt  }
0x3f: {  	_ =	shalt  }
0x40: {  	_ =	shalt  }
0x41: {  	_ =	shalt  }
0x42: {  	_ =	shalt  }
0x43: {  	_ =	shalt  }
0x44: {  	_ =	shalt  }
0x45: {  	_ =	shalt  }
0x46: {  	_ =	shalt  }
0x47: {  	_ =	shalt  }
0x48: {  	_ =	shalt  }
0x49: {  	_ =	shalt  }
0x4a: {  	_ =	shalt  }
0x4b: {  	_ =	shalt  }
0x4c: {  	_ =	shalt  }
0x4d: {  	_ =	shalt  }
0x4e: {  	_ =	shalt  }
0x4f: {  	_ =	shalt  }
0x50: {  	_ =	shalt  }
0x51: {  	_ =	shalt  }
0x52: {  	_ =	shalt  }
0x53: {  	_ =	shalt  }
0x54: {  	_ =	shalt  }
0x55: {  	_ =	shalt  }
0x56: {  	_ =	shalt  }
0x57: {  	_ =	shalt  }
0x58: {  	_ =	shalt  }
0x59: {  	_ =	shalt  }
0x5a: {  	_ =	shalt  }
0x5b: {  	_ =	shalt  }
0x5c: {  	_ =	shalt  }
0x5d: {  	_ =	shalt  }
0x5e: {  	_ =	shalt  }
0x5f: {  	_ =	shalt  }
0x60: {  	_ =	shalt  }
0x61: {  	_ =	shalt  }
0x62: {  	_ =	shalt  }
0x63: {  	_ =	shalt  }
0x64: {  	_ =	shalt  }
0x65: {  	_ =	shalt  }
0x66: {  	_ =	shalt  }
0x67: {  	_ =	shalt  }
0x68: {  	_ =	shalt  }
0x69: {  	_ =	shalt  }
0x6a: {  	_ =	shalt  }
0x6b: {  	_ =	shalt  }
0x6c: {  	_ =	shalt  }
0x6d: {  	_ =	shalt  }
0x6e: {  	_ =	shalt  }
0x6f: {  	_ =	shalt  }
0x70: {  	_ =	shalt  }
0x71: {  	_ =	shalt  }
0x72: {  	_ =	shalt  }
0x73: {  	_ =	shalt  }
0x74: {  	_ =	shalt  }
0x75: {  	_ =	shalt  }
0x76: {  	_ =	shalt  }
0x77: {  	_ =	shalt  }
0x78: {  	_ =	shalt  }
0x79: {  	_ =	shalt  }
0x7a: {  	_ =	shalt  }
0x7b: {  	_ =	shalt  }
0x7c: {  	_ =	shalt  }
0x7d: {  	_ =	shalt  }
0x7e: {  	_ =	shalt  }
0x7f: {  	_ =	shalt  }
0x80: {  	_ =	shalt  }
0x81: {  	_ =	shalt  }
0x82: {  	_ =	shalt  }
0x83: {  	_ =	shalt  }
0x84: {  	_ =	shalt  }
0x85: {  	_ =	shalt  }
0x86: {  	_ =	shalt  }
0x87: {  	_ =	shalt  }
.Lfunc_end0:
.L_simem_size_0:
called_computation.1_lowered:
.L_overlay_start_0:
0x88: {  	s2 =	sld [smem:$0x3FD9]  }
0x89: {  	s3 =	sld [smem:$0x3FFE];
	_ =	sdelay $0x1  }
0x8a: {  	s1 =	srdreg.scid  }
0x8b: {  	s0 =	sand.u32 $0x1, s1  }
0x8c: {  	s17 =	sshll.u32 s0, $0xA;
	s2 =	sadd.s32 s3, s2  }
0x8d: {  	s2 =	sadd.s32 s2, s17  }
0x8e: {  	[smem:$0x3FC1] =	sst s2  }
0x8f: {  	_ = 	snop  }
0x90: {  	s2 =	sld [smem:$0x3FD0];
	(tm) =	ssettm $0x1  }
0x91: {  	s18 =	sld [smem:$0x3FFB];
	_ =	sdelay $0x3  }
0x92: {  	_ =	strace s18  }
0x93: {  	s3 =	sld [smem:$0x3FFC];
	_ =	sdelay $0x3  }
0x94: {  	_ =	strace s3  }
0x95: {  	s3 =	sld [smem:$0x3FFD];
	_ =	sdelay $0x3  }
0x96: {  	_ =	strace s3  }
0x97: {  	_ =	strace $0x8FFFFFFF  }
0x98: {  	s19 =	sld [smem:$0x3FDB];
	_ =	sdelay $0x1  }
0x99: {  	s4 =	simm.s32 $_scs_section_size  }
0x9a: {  	s5 =	simm.s32 $_size__tile_overlayer_lowered;
	s6 =	simm.s32 $_tile_overlayer_lowered  }
0x9b: {  	s22 =	simm.s32 $0x1BFF;
	s21 =	sshll.u32 s6, $0x1;
	s3 =	sadd.s32 s4, s19  }
0x9c: {  	s7 =	simm.s32 $0x0;
	s20 =	sshll.u32 s5, $0x1;
	s5 =	sadd.s32 s21, s3  }
0x9d: {  	[timem:s7], [sflag:s22] =	dma.local [hbm:s5], s20  }
0x9e: {  	_ =	swait.ge [sflag:s22], s20  }
0x9f: {  	s4 =	ssub.s32 $0x0, s20;
	[sflag:s22] =	ssyncset.done $0x0  }
0xa0: {  	[sflag:s22] =	ssyncadd.s32 s4;
	_ =	sdelay $0x1  }
0xa1: {  	s23 =	simm.s32 $0x1B8B  }
0xa2: {  	_ =	swait.ge [sflag:s23], $0x1  }
0xa3: {  	[sflag:s23] =	ssyncset.done $0x0  }
0xa4: {  	s25 =	simm.s32 $0x1B8E;
	s24 =	sld [smem:$0x3FFE];
	[sflag:s23] =	ssyncadd.s32 $0xFFFFFFFF  }
0xa5: {  	s26 =	simm.s32 $execute0_lowered;
	[smem:$0x3FD2] =	sst s25  }
0xa6: {  	s5 =	sshll.u32 s26, $0x1;
	_ =	strace $0x80000049;
	[dreg:$0x1] =	wrdreg $0xFFFFFFFF  }
0xa7: {  	s28 =	simm.s32 $_size_execute0_lowered;
	s3 =	sadd.s32 s3, s5;
	[dreg:$0x0] =	wrdreg $0x0  }
0xa8: {  	s5 =	sshll.u32 s28, $0x1;
	[dreg:$0x2] =	wrdreg s3  }
0xa9: {  	[dreg:$0x3] =	wrdreg s5  }
0xaa: {  	[dreg:$0x4] =	wrdreg $0xC0  }
0xab: {  	_ =	task [dreg:s7], $0x5FFFF  }
0xac: {  	[dreg:$0x1] =	wrdreg $0xFFFFFFFF  }
0xad: {  	[dreg:$0x0] =	wrdreg $0x60  }
0xae: {  	[dreg:$0x2] =	wrdreg s24  }
0xaf: {  	[dreg:$0x3] =	wrdreg s2  }
0xb0: {  	[dreg:$0x4] =	wrdreg $0x9  }
0xb1: {  	_ =	task.clear_ibuf [dreg:s7], $0x5FFFF;
	_ =	strace $0x90000049  }
0xb2: {  	s29 =	simm.s32 $0x9;
	_ =	strace $0x8000004B  }
0xb3: {  	_ =	swait.ge [sflag:s29], $0x1  }
0xb4: {  	[sflag:s29] =	ssyncadd.s32 $0xFFFFFFFF  }
0xb5: {  	_ =	strace $0x9000004B  }
0xb6: {  	_ =	sfence  }
0xb7: {  	s30 =	sld [smem:$0x0];
	_ =	sdelay $0x2  }
0xb8: {  	s31 =	sshll.u32 s1, $0xD;
	s1 =	sshrl.u32 s1, $0x2  }
0xb9: {  	s3 =	sand.u32 $0x4000, s31;
	s1 =	sadd.s32 s1, s30  }
0xba: {  	s0 =	sor.u32 s3, s0;
	s1 =	sshll.u32 s1, $0x11  }
0xbb: {  	s0 =	sor.u32 s1, s0  }
0xbc: {  	s0 =	sadd.s32 $0x8F2B, s0  }
0xbd: {  	[sflag:s0] =	ssyncadd.remote.s32 $0x1  }
0xbe: {  	_ =	sfence.sel $0xFFFF  }
0xbf: {  	[dreg:$0x0] =	wrdreg $0xFFFFFFFF;
	(pc) =	sbr.abs _section_cstart, $3  }
0xc0: {  	[dreg:$0x1] =	wrdreg $0xFFFFFFFF  }
0xc1: {  	_ =	task.clear_ibuf [dreg:s7], $0x2FFFF;
	_ =	strace $0x9FFFFFFF  }
0xc2: {  	(tm) =	ssettm $0x7FFFFFFF  }
0xc3: {  	_ =	shalt  }
tec
execute0_lowered:
.L_overlay_start_1:
0x0: {  	(tag) =	ssettag $0x1  }
0x1: {  	s3 =	rddreg [dreg:$0x0]  }
0x2: {  	s6 =	rddreg [dreg:$0x1]  }
0x3: {  	s1 =	srdreg.scid;
	s0 =	rddreg [dreg:$0x2];
	s2 =	simm.s32 $0x0  }
0x4: {  	s11 =	simm.s32 $0x400;
	s12 =	simm.s32 $0x100;
	s13 =	simm.s32 $0x2710  }
0x5: {  	s14 =	simm.s32 $0x2980;
	s15 =	simm.s32 $0x0;
	s4 =	sand.u32 $0x1, s1  }
0x6: {  	[smem:$0x7FF] =	sst s2;
	s1 =	stileid.u32;
	s5 =	sshll.u32 s4, $0x4  }
0x7: {  	_ =	strace $0x8000004A;
	s8 =	sshll.u32 s1, $0x4;
	s5 =	sor.u32 s1, s5  }
0x8: {  	s4 =	ssub.s32 $0x2, s4;
	s7 =	smul.u32 $0x4E2, s5;
	s5 =	sshll.u32 s5, $0x5  }
0x9: {  	s8 =	sand.u32 $0x70, s8;
	s31 =	sshrl.u32 s4, $0x1;
	s5 =	sand.u32 $0x300, s5  }
0xa: {  	s10 =	ssub.s32 s4, s31;
	s7 =	sadd.s32 s7, s3;
	s8 =	sor.u32 s8, s5  }
0xb: {  	s9 =	sadd.s32 s8, s3;
	s3 =	sadd.s32 $0xB200, s3;
	s4 =	sadd.s32 $0xE00, s7  }
0xc: {  	s6 =	sadd.s32 s6, s8;
	s7 =	smax.u32 s10, $0x1;
	s8 =	simm.s32 $0x200  }
0xd: {  	s10 =	simm.s32 $0x80;
	s5 =	sadd.s32 $0xAE00, s9;
	s9 =	simm.s32 $0x1  }
.LBB2_1:
0xe: {  	[tilespmem:s8], [sflag:$0x1] =	stream.linear.gather [hbm4b:s4+s2], $0x2710, $0x38;
	[tilespmem:$0x5100] =	vst v63  }
0xf: {  	_ =	swait.ge [sflag:s9], $0x2710  }
0x10: {  	[sflag:s9] =	ssyncset.done $0x0  }
0x11: {  	[sflag:s9] =	ssyncadd.s32 $0xFFFFD8F0  }
0x12: {  	[tilespmem:s2], [sflag:$0x1] =	stream.strided.gather [hbm4b:s5+s10], $0x100, s11, s10, $0x38;
	[tilespmem:$0x5100] =	vst v63  }
0x13: {  	_ =	swait.ge [sflag:s9], $0x100  }
0x14: {  	[sflag:s9] =	ssyncset.done $0x0  }
0x15: {  	[sflag:s9] =	ssyncadd.s32 $0xFFFFFF00  }
0x16: {  	[tilespmem:s12], [sflag:$0x1] =	stream.strided.gather [hbm4b:s6+s10], $0x100, s11, s10, $0x38;
	[tilespmem:$0x5100] =	vst v63  }
0x17: {  	_ =	swait.ge [sflag:s9], $0x100  }
0x18: {  	[sflag:s9] =	ssyncset.done $0x0  }
0x19: {  	s16 =	simm.s32 $0x0;
	[sflag:s9] =	ssyncadd.s32 $0xFFFFFF00  }
0x1a: {  	s17 =	simm.s32 $0x40;
	v0 =	vld [tilespmem:s16+$0x200]  }
.LBB2_2:
0x1b: {  	p0 =	sne.s32 s17, $0x9C00;
	_ =	sdelay $0x3  }
0x1c: {  	v1 =	vshrl.u32 v0, $0x10  }
0x1d: {  	v1 =	vsub.s32 v1, v0  }
0x1e: {  	v1 =	vshll.u32 v1, $0x4  }
0x1f: {  	v0 =	vand.u32 $0xF, v0;
	v2 =	vand.u32 $0xF0, v1  }
0x20: {  	v3 =	vor.u32 v0, v2  }
0x21: {  	(xrf1) =	vunique.msk.u32 $0xffff, v3;
	_ =	sdelay $0x2  }
0x22: {  	v1 =	vand.u32 $0x80, v1;
	v4 =	vand.u32 $0x7F, v3  }
0x23: {  	v1 =	vor.u32 v1, v4;
	_ =	sdelay $0x4  }
0x24: {  	v4 =	vld.idx.msk [tilespmem:v1+s2+$0x0], $0xffff;
	_ =	sdelay $0x4  }
0x25: {  	_, v5, vm1 =	vpop (xrf1)  }
0x26: {  	v4 =	vadd.s32 v5, v4  }
0x27: {  	v4 =	vadd.s32 $0xFFFFFFFF, v4  }
0x28: {  	vm0 =	vgt.s32 v4, $0x53F  }
0x29: {  	(xrf1) =	vunique.msk.u32 vm0, v3;
	_ =	sdelay $0xb  }
0x2a: {  	[tilespmem:v1+s2+$0x0] =	vst.idx.add.s32.msk vm1, v5  }
0x2b: {  	v3 =	vld.idx.msk [tilespmem:v1+s12+$0x0], $0xffff  }
0x2c: {  	_, v5, vm1 =	vpop (xrf1)  }
0x2d: {  	vm1 =	vmand vm0, vm1  }
0x2e: {  	v2 =	vshrl.u32 v2, $0x4  }
0x2f: {  	v2 =	vmul.u32 $0x5400, v2  }
.Ltmp0:
0x30: {  	v4 =	vshll.u32 v4, $0x4;
	(pc) =	sbr.rel @p0 .LBB2_2-.Ltmp0, $4  }
0x31: {  	v2 =	vadd.s32 v2, v4;
	v3 =	vadd.s32 v5, v3  }
0x32: {  	v0 =	vor.u32 v0, v2;
	v2 =	vadd.s32 $0x53FFF, v3  }
0x33: {  	s18 =	sshra.s32 s17, $0x2;
	[tilespmem:v1+s12+$0x0] =	vst.idx.add.s32.msk vm1, v5;
	v1 =	vsel vm0, v2, v0  }
0x34: {  	s17 =	sadd.s32 $0x40, s17;
	v0 =	vld [tilespmem:s18+$0x200];
	[tilespmem:s16+$0x2980] =	vst v1;
	s16 =	smov.u32 s18  }
0x35: {  	_ =	sdelay $0x3  }
0x36: {  	v1 =	vshrl.u32 v0, $0x10  }
0x37: {  	v1 =	vsub.s32 v1, v0  }
0x38: {  	v1 =	vshll.u32 v1, $0x4  }
0x39: {  	v61 =	vand.u32 $0xF, v0;
	v2 =	vand.u32 $0xF0, v1  }
0x3a: {  	v3 =	vor.u32 v61, v2  }
0x3b: {  	(xrf1) =	vunique.msk.u32 $0xffff, v3;
	_ =	sdelay $0x3  }
0x3c: {  	v1 =	vand.u32 $0x80, v1;
	v4 =	vand.u32 $0x7F, v3  }
0x3d: {  	v1 =	vor.u32 v1, v4;
	_ =	sdelay $0x4  }
0x3e: {  	v4 =	vld.idx.msk [tilespmem:v1+s2+$0x0], $0xffff;
	_ =	sdelay $0x3  }
0x3f: {  	_, v5, vm0 =	vpop (xrf1)  }
0x40: {  	v4 =	vadd.s32 v5, v4  }
0x41: {  	v4 =	vadd.s32 $0xFFFFFFFF, v4  }
0x42: {  	vm1 =	vgt.s32 v4, $0x53F  }
0x43: {  	(xrf1) =	vunique.msk.u32 vm1, v3;
	_ =	sdelay $0xc  }
0x44: {  	[tilespmem:v1+s2+$0x0] =	vst.idx.add.s32.msk vm0, v5  }
0x45: {  	v62 =	vld.idx.msk [tilespmem:v1+s12+$0x0], $0xffff;
	_, v5, vm0 =	vpop (xrf1)  }
0x46: {  	vm0 =	vmand vm1, vm0  }
0x47: {  	v2 =	vshrl.u32 v2, $0x4  }
0x48: {  	v2 =	vmul.u32 $0x5400, v2  }
0x49: {  	v4 =	vshll.u32 v4, $0x4  }
0x4a: {  	v2 =	vadd.s32 v2, v4;
	v3 =	vadd.s32 v5, v62  }
0x4b: {  	s15 =	sadd.s32 $0x1, s15;
	v0 =	vor.u32 v61, v2;
	v63 =	vadd.s32 $0x53FFF, v3  }
0x4c: {  	p0 =	sne.s32 s15, s7;
	v0 =	vsel vm1, v63, v0;
	[tilespmem:v1+s12+$0x0] =	vst.idx.add.s32.msk vm0, v5  }
.Ltmp1:
0x4d: {  	[tilespmem:s16+$0x2980] =	vst v0;
	(pc) =	sbr.rel @p0 .LBB2_1-.Ltmp1, $4  }
0x4e: {  	[hbm4b:s3+s13] =	stream.indirect.scatter [tilespmem:s8], [sflag:$0x1], $0x1, s14, s13, $0xb8;
	[tilespmem:$0x5100] =	vst v63  }
0x4f: {  	_ =	swait.ge [sflag:s9], $0x2710  }
0x50: {  	[sflag:s9] =	ssyncset.done $0x0  }
0x51: {  	[sflag:s9] =	ssyncadd.s32 $0xFFFFD8F0  }
0x52: {  	_ =	sfence.sel $0x180000  }
0x53: {  	[bflag:$0x0] =	sbarrier.arrive $0xFFFF  }
0x54: {  	p0 =	sne.s32 s1, $0x0;
	_ =	strace $0x9000004A  }
0x55: {  	s0 =	sadd.s32 @!p0 $0x100000, s0;
	[bflag:$0x2] =	sbarrier.arrive $0xFFFF  }
0x56: {  	[sflag:s0] =	ssyncadd.tile.s32 @!p0 $0x1;
	_ =	shalt  }
.Lfunc_end2:
_tile_overlayer_lowered:
.L_overlay_start_2:
0x57: {  	(tag) =	ssettag $0x2  }
0x58: {  	s0 =	rddreg [dreg:$0x0];
	s2 =	stileid.u32  }
0x59: {  	s1 =	rddreg [dreg:$0x1];
	p0 =	sne.s32 s2, $0x0  }
0x5a: {  	s3 =	rddreg [dreg:$0x2];
	[bflag:$0x3] =	sbarrier.arrive $0xFFFF;
	s2 =	simm.s32 @!p0 $0x1C02  }
0x5b: {  	[timem:s3], [sflag:s2] =	dma.local @!p0 [hbm:s0], s1  }
0x5c: {  	s0 =	simm.s32 @!p0 $0x2  }
0x5d: {  	_ =	swait.ge @!p0 [sflag:s0], s1  }
0x5e: {  	s1 =	ssub.s32 @!p0 $0x0, s1;
	[sflag:s0] =	ssyncset.done @!p0 $0x0  }
0x5f: {  	[sflag:s0] =	ssyncadd.s32 @!p0 s1  }
0x60: {  	[bflag:$0x3] =	sbarrier.arrive $0xFFFF  }
0x61: {  	_ =	shalt  }

// kernel: kernel.16.cloned.1.call-start
scs
__scs_entry_jumppad:
0x0: {  	(pc) =	sbr.rel $0x88, $3  }
0x1: {  	(tag) =	ssettag $0x0;
	lr =	simm.s32 $0x1  }
0x2: {  	[smem:$0x3F9A] =	sst lr;
	_ =	strace $0xD0000000  }
0x3: {  	_ = 	snop  }
0x4: {  	_ = 	snop  }
0x5: {  	_ = 	snop  }
0x6: {  	_ = 	snop  }
0x7: {  	_ = 	snop  }
__scs_overlays_trampoline_lowered:
0x8: {  	[smem:$0x3FA9] =	sst s0  }
0x9: {  	[smem:$0x3FAA] =	sst s1  }
0xa: {  	[smem:$0x3FAB] =	sst s2  }
0xb: {  	[smem:$0x3FAC] =	sst s3  }
0xc: {  	[smem:$0x3FAD] =	sst s4  }
0xd: {  	[smem:$0x3FAE] =	sst s5  }
0xe: {  	[smem:$0x3FAF] =	sst s6  }
0xf: {  	[smem:$0x3FB0] =	sst s7  }
0x10: {  	[smem:$0x3FB1] =	sst s8  }
0x11: {  	[smem:$0x3FB2] =	sst s9;
	s0 =	simm.s32 @!p0 $0x0  }
0x12: {  	s1 =	sld [smem:$0x3F98];
	s0 =	simm.s32 @p0 $0x1  }
0x13: {  	[smem:$0x3FB3] =	sst s0;
	s0 =	simm.s32 @!p1 $0x0  }
0x14: {  	s2 =	sld [smem:$0x3F97];
	s0 =	simm.s32 @p1 $0x1  }
0x15: {  	[smem:$0x3FB4] =	sst s0;
	s0 =	simm.s32 @!p2 $0x0  }
0x16: {  	s3 =	sld [smem:$0x3FDB];
	s0 =	simm.s32 @p2 $0x1  }
0x17: {  	s4 =	simm.s32 $0x1BF5;
	[smem:$0x3FB6] =	sst s0  }
0x18: {  	s0 =	sld [smem:$0x3F99];
	_ =	swait.ge [sflag:s4], $0x0  }
0x19: {  	s7 =	sld [smem:$0x3F9A]  }
0x1a: {  	s8 =	sadd.s32 $0xFFFFE003, lr  }
0x1b: {  	s9 =	sadd.s32 $0xFFFFFEF7, lr;
	s5 =	simm.s32 $0xFFFFFFFF;
	p2 =	slt.u32 s8, $0xFFFFF086  }
0x1c: {  	p1 =	slt.u32 s9, $0xF7A;
	s5 =	simm.s32 @!p2 $0x0  }
0x1d: {  	s5 =	simm.s32 @p1 $0x1;
	p0 =	seq.s32 s7, s2  }
0x1e: {  	s7 =	smul.u32 @!p0 $0xF7A, s2;
	p2 =	seq.s32 @!p0 s5, $0x0  }
0x1f: {  	s9 =	smul.u32 $0xF7A, s1;
	s8 =	simm.s32 @!p0 $0x1BF5;
	p2 =	por !p2, p0  }
0x20: {  	[sflag:s8] =	ssyncset.s32 @!p0 $0xFFFFF086;
	s6 =	sadd.s32 @!p0 s3, s7;
	s7 =	simm.s32 @!p0 $0x108  }
0x21: {  	s3 =	sadd.s32 s3, s9;
	s6 =	sadd.s32 @!p0 $0x88, s6;
	s7 =	simm.s32 @p2 $0x1082  }
0x22: {  	[simem:s7], [sflag:s8] =	dma.local @!p0 [hbm:s6], $0xF7A  }
0x23: {  	s9 =	sor.u32 $0xD0000000, s2;
	s6 =	simm.s32 $0x108;
	_ =	swait.ge @!p0 [sflag:s8], $0x0  }
0x24: {  	s3 =	sadd.s32 $0x88, s3;
	s6 =	simm.s32 @!p1 $0x1082;
	[sflag:s4] =	ssyncset.s32 $0xFFFFF086  }
0x25: {  	[simem:s6], [sflag:s4] =	dma.local [hbm:s3], $0xF7A  }
0x26: {  	[smem:$0x3F9A] =	sst s1;
	(tag) =	ssettag s2;
	_ =	strace s9  }
0x27: {  	s1 =	sld [smem:$0x3FAA]  }
0x28: {  	s2 =	sld [smem:$0x3FAB]  }
0x29: {  	s4 =	sld [smem:$0x3FAD]  }
0x2a: {  	p0 =	seq.s32 s5, $0x0;
	s5 =	sld [smem:$0x3FAE]  }
0x2b: {  	s6 =	sld [smem:$0x3FAF]  }
0x2c: {  	s7 =	sld [smem:$0x3FB0]  }
0x2d: {  	s3 =	simm.s32 $0x108;
	s8 =	sld [smem:$0x3FB1]  }
0x2e: {  	s3 =	simm.s32 @!p0 $0x1082;
	s9 =	sld [smem:$0x3FB2]  }
0x2f: {  	lr =	sadd.s32 s0, s3;
	s0 =	sld [smem:$0x3FA9]  }
0x30: {  	s3 =	sld [smem:$0x3FAC]  }
0x31: {  	[smem:$0x3FB5] =	sst s10  }
0x32: {  	s10 =	sld [smem:$0x3FB3];
	_ =	sdelay $0x3  }
0x33: {  	p0 =	seq.s32 s10, $0x1;
	s10 =	sld [smem:$0x3FB5];
	_ =	sdelay $0x3  }
0x34: {  	[smem:$0x3FB5] =	sst s10  }
0x35: {  	s10 =	sld [smem:$0x3FB4];
	_ =	sdelay $0x3  }
0x36: {  	p1 =	seq.s32 s10, $0x1;
	s10 =	sld [smem:$0x3FB5];
	_ =	sdelay $0x3  }
0x37: {  	[smem:$0x3FB5] =	sst s10  }
0x38: {  	s10 =	sld [smem:$0x3FB6]  }
0x39: {  	_ = 	snop;
	(pc) =	sbr.ind lr, $3  }
0x3a: {  	_ = 	snop  }
0x3b: {  	_ = 	snop  }
0x3c: {  	p2 =	seq.s32 s10, $0x1;
	s10 =	sld [smem:$0x3FB5]  }
0x3d: {  	_ =	shalt  }
0x3e: {  	_ =	shalt  }
0x3f: {  	_ =	shalt  }
0x40: {  	_ =	shalt  }
0x41: {  	_ =	shalt  }
0x42: {  	_ =	shalt  }
0x43: {  	_ =	shalt  }
0x44: {  	_ =	shalt  }
0x45: {  	_ =	shalt  }
0x46: {  	_ =	shalt  }
0x47: {  	_ =	shalt  }
0x48: {  	_ =	shalt  }
0x49: {  	_ =	shalt  }
0x4a: {  	_ =	shalt  }
0x4b: {  	_ =	shalt  }
0x4c: {  	_ =	shalt  }
0x4d: {  	_ =	shalt  }
0x4e: {  	_ =	shalt  }
0x4f: {  	_ =	shalt  }
0x50: {  	_ =	shalt  }
0x51: {  	_ =	shalt  }
0x52: {  	_ =	shalt  }
0x53: {  	_ =	shalt  }
0x54: {  	_ =	shalt  }
0x55: {  	_ =	shalt  }
0x56: {  	_ =	shalt  }
0x57: {  	_ =	shalt  }
0x58: {  	_ =	shalt  }
0x59: {  	_ =	shalt  }
0x5a: {  	_ =	shalt  }
0x5b: {  	_ =	shalt  }
0x5c: {  	_ =	shalt  }
0x5d: {  	_ =	shalt  }
0x5e: {  	_ =	shalt  }
0x5f: {  	_ =	shalt  }
0x60: {  	_ =	shalt  }
0x61: {  	_ =	shalt  }
0x62: {  	_ =	shalt  }
0x63: {  	_ =	shalt  }
0x64: {  	_ =	shalt  }
0x65: {  	_ =	shalt  }
0x66: {  	_ =	shalt  }
0x67: {  	_ =	shalt  }
0x68: {  	_ =	shalt  }
0x69: {  	_ =	shalt  }
0x6a: {  	_ =	shalt  }
0x6b: {  	_ =	shalt  }
0x6c: {  	_ =	shalt  }
0x6d: {  	_ =	shalt  }
0x6e: {  	_ =	shalt  }
0x6f: {  	_ =	shalt  }
0x70: {  	_ =	shalt  }
0x71: {  	_ =	shalt  }
0x72: {  	_ =	shalt  }
0x73: {  	_ =	shalt  }
0x74: {  	_ =	shalt  }
0x75: {  	_ =	shalt  }
0x76: {  	_ =	shalt  }
0x77: {  	_ =	shalt  }
0x78: {  	_ =	shalt  }
0x79: {  	_ =	shalt  }
0x7a: {  	_ =	shalt  }
0x7b: {  	_ =	shalt  }
0x7c: {  	_ =	shalt  }
0x7d: {  	_ =	shalt  }
0x7e: {  	_ =	shalt  }
0x7f: {  	_ =	shalt  }
0x80: {  	_ =	shalt  }
0x81: {  	_ =	shalt  }
0x82: {  	_ =	shalt  }
0x83: {  	_ =	shalt  }
0x84: {  	_ =	shalt  }
0x85: {  	_ =	shalt  }
0x86: {  	_ =	shalt  }
0x87: {  	_ =	shalt  }
.Lfunc_end0:
.L_simem_size_0:
called_computation.2_lowered:
.L_overlay_start_0:
0x88: {  	s2 =	sld [smem:$0x3FD9]  }
0x89: {  	s3 =	sld [smem:$0x3FFE];
	_ =	sdelay $0x1  }
0x8a: {  	s1 =	srdreg.scid  }
0x8b: {  	s0 =	sand.u32 $0x1, s1  }
0x8c: {  	s16 =	sshll.u32 s0, $0xA;
	s2 =	sadd.s32 s3, s2  }
0x8d: {  	s2 =	sadd.s32 s2, s16  }
0x8e: {  	[smem:$0x3FC1] =	sst s2  }
0x8f: {  	_ = 	snop  }
0x90: {  	(tm) =	ssettm $0x1  }
0x91: {  	s17 =	sld [smem:$0x3FFB];
	_ =	sdelay $0x3  }
0x92: {  	_ =	strace s17  }
0x93: {  	s2 =	sld [smem:$0x3FFC];
	_ =	sdelay $0x3  }
0x94: {  	_ =	strace s2  }
0x95: {  	s2 =	sld [smem:$0x3FFD];
	_ =	sdelay $0x3  }
0x96: {  	_ =	strace s2  }
0x97: {  	_ =	strace $0x8FFFFFFF  }
0x98: {  	s18 =	sld [smem:$0x3FDB];
	_ =	sdelay $0x1  }
0x99: {  	s19 =	simm.s32 $_scs_section_size  }
0x9a: {  	s4 =	simm.s32 $_size__tile_overlayer_lowered;
	s5 =	simm.s32 $_tile_overlayer_lowered  }
0x9b: {  	s22 =	simm.s32 $0x1BFF;
	s21 =	sshll.u32 s5, $0x1;
	s2 =	sadd.s32 s19, s18  }
0x9c: {  	s6 =	simm.s32 $0x0;
	s20 =	sshll.u32 s4, $0x1;
	s4 =	sadd.s32 s21, s2  }
0x9d: {  	[timem:s6], [sflag:s22] =	dma.local [hbm:s4], s20  }
0x9e: {  	_ =	swait.ge [sflag:s22], s20  }
0x9f: {  	s3 =	ssub.s32 $0x0, s20;
	[sflag:s22] =	ssyncset.done $0x0  }
0xa0: {  	[sflag:s22] =	ssyncadd.s32 s3;
	_ =	sdelay $0x1  }
0xa1: {  	s23 =	simm.s32 $0x1B8B  }
0xa2: {  	_ =	swait.ge [sflag:s23], $0x1  }
0xa3: {  	[sflag:s23] =	ssyncset.done $0x0  }
0xa4: {  	s25 =	simm.s32 $0x1B8E;
	s24 =	sld [smem:$0x3FFE];
	[sflag:s23] =	ssyncadd.s32 $0xFFFFFFFF  }
0xa5: {  	s26 =	simm.s32 $execute0_lowered;
	[smem:$0x3FD2] =	sst s25  }
0xa6: {  	s4 =	sshll.u32 s26, $0x1;
	_ =	strace $0x8000004C;
	[dreg:$0x1] =	wrdreg $0xFFFFFFFF  }
0xa7: {  	s28 =	simm.s32 $_size_execute0_lowered;
	s2 =	sadd.s32 s2, s4;
	[dreg:$0x0] =	wrdreg $0x0  }
0xa8: {  	s4 =	sshll.u32 s28, $0x1;
	[dreg:$0x2] =	wrdreg s2  }
0xa9: {  	[dreg:$0x3] =	wrdreg s4  }
0xaa: {  	[dreg:$0x4] =	wrdreg $0xC0  }
0xab: {  	_ =	task [dreg:s6], $0x5FFFF  }
0xac: {  	[dreg:$0x1] =	wrdreg $0xFFFFFFFF  }
0xad: {  	[dreg:$0x0] =	wrdreg $0x60  }
0xae: {  	[dreg:$0x2] =	wrdreg s24  }
0xaf: {  	[dreg:$0x3] =	wrdreg $0x9  }
0xb0: {  	_ =	task.clear_ibuf [dreg:s6], $0x4FFFF;
	_ =	strace $0x9000004C  }
0xb1: {  	s29 =	simm.s32 $0x9;
	_ =	strace $0x8000004E  }
0xb2: {  	_ =	swait.ge [sflag:s29], $0x1  }
0xb3: {  	[sflag:s29] =	ssyncadd.s32 $0xFFFFFFFF  }
0xb4: {  	_ =	strace $0x9000004E  }
0xb5: {  	_ =	sfence  }
0xb6: {  	s30 =	sld [smem:$0x0];
	_ =	sdelay $0x2  }
0xb7: {  	s31 =	sshll.u32 s1, $0xD;
	s1 =	sshrl.u32 s1, $0x2  }
0xb8: {  	s3 =	sand.u32 $0x4000, s31;
	s1 =	sadd.s32 s1, s30  }
0xb9: {  	s0 =	sor.u32 s3, s0;
	s1 =	sshll.u32 s1, $0x11  }
0xba: {  	s0 =	sor.u32 s1, s0  }
0xbb: {  	s0 =	sadd.s32 $0x8F2B, s0  }
0xbc: {  	[sflag:s0] =	ssyncadd.remote.s32 $0x1  }
0xbd: {  	_ =	sfence.sel $0xFFFF  }
0xbe: {  	[dreg:$0x0] =	wrdreg $0xFFFFFFFF;
	(pc) =	sbr.abs _section_cstart, $3  }
0xbf: {  	[dreg:$0x1] =	wrdreg $0xFFFFFFFF  }
0xc0: {  	_ =	task.clear_ibuf [dreg:s6], $0x2FFFF;
	_ =	strace $0x9FFFFFFF  }
0xc1: {  	(tm) =	ssettm $0x7FFFFFFF  }
tec
execute0_lowered:
.L_overlay_start_1:
0x0: {  	(tag) =	ssettag $0x1  }
0x1: {  	s0 =	srdreg.scid  }
0x2: {  	s4 =	rddreg [dreg:$0x0];
	s2 =	simm.s32 $0x0;
	s3 =	sand.u32 $0x1, s0  }
0x3: {  	s8 =	simm.s32 $0x80;
	s0 =	stileid.u32;
	s1 =	sshll.u32 s3, $0x4  }
0x4: {  	s9 =	simm.s32 $0x400;
	s10 =	simm.s32 $0x2;
	s5 =	sor.u32 s0, s1  }
0x5: {  	s11 =	simm.s32 $0x0;
	[smem:$0x7FF] =	sst s2;
	s6 =	sshrl.u32 s5, $0x3  }
0x6: {  	s7 =	sshll.u32 s0, $0x7;
	s3 =	ssub.s32 $0x2, s3;
	s6 =	smul.u32 $0x14000, s6  }
0x7: {  	s1 =	rddreg [dreg:$0x1];
	s7 =	sand.u32 $0x380, s7;
	s5 =	smul.u32 $0xA5C, s5  }
0x8: {  	_ =	strace $0x8000004D;
	s30 =	sshrl.u32 s3, $0x1;
	s6 =	sor.u32 s7, s6  }
0x9: {  	s31 =	ssub.s32 s3, s30;
	s5 =	sadd.s32 s5, s4;
	s6 =	sshrl.u32 s6, $0x3  }
0xa: {  	s3 =	sadd.s32 $0x1FE00, s5;
	s5 =	smax.u32 s31, $0x1;
	s4 =	sadd.s32 s6, s4  }
0xb: {  	v0 =	vimm.f32 $0.0e+00;
	v1 =	vimm.f32 $1.000000000e+00;
	s7 =	simm.s32 $0x1;
	s6 =	simm.s32 $0x2800;
	s4 =	sadd.s32 $0xAE00, s4  }
.LBB2_1:
0xc: {  	[tilespmem:s6], [sflag:$0x1] =	stream.linear.gather [hbm4b:s3+s2], $0x52E0, $0x38;
	[tilespmem:$0x7B00] =	vst v63  }
0xd: {  	_ =	swait.ge [sflag:s7], $0x52E0  }
0xe: {  	[sflag:s7] =	ssyncset.done $0x0  }
0xf: {  	s13 =	simm.s32 $0x20;
	[sflag:s7] =	ssyncadd.s32 $0xFFFFAD20  }
0x10: {  	[tilespmem:s13+$0xFFFFFFE0] =	vst v0  }
0x11: {  	[tilespmem:s13+$0x10] =	vst v0  }
0x12: {  	s14 =	simm.s32 $0x0;
	s12 =	simm.s32 $0x2820;
	[tilespmem:s13+$0x0] =	vst v0  }
.LBB2_2:
0x13: {  	s14 =	sadd.s32 $0x4, s14  }
0x14: {  	[tilespmem:s13+$0xFFFFFFF0] =	vst v0;
	s13 =	sadd.s32 $0x40, s13;
	p0 =	slt.u32 s14, $0x27C  }
.Ltmp0:
0x15: {  	[tilespmem:s13+$0xFFFFFFE0] =	vst v0;
	(pc) =	sbr.rel @p0 .LBB2_2-.Ltmp0, $3  }
0x16: {  	_ =	sdelay $0x1  }
0x17: {  	[tilespmem:s13+$0x10] =	vst v0  }
0x18: {  	[tilespmem:s13+$0x0] =	vst v0  }
0x19: {  	[tilespmem:s13+$0xFFFFFFF0] =	vst v0  }
0x1a: {  	v2 =	vld [tilespmem:s12+$0x10];
	_ =	sdelay $0x1  }
0x1b: {  	v6 =	vld [tilespmem:s12+$0xFFFFFFF0]  }
0x1c: {  	v3 =	vld [tilespmem:s12+$0x0]  }
0x1d: {  	v5 =	vld [tilespmem:s12+$0xFFFFFFE0]  }
0x1e: {  	v4 =	vshrl.u32 v2, $0x10;
	_ =	sdelay $0x1  }
0x1f: {  	s13 =	simm.s32 $0x0;
	s15 =	simm.s32 $0x2860;
	v2 =	vshrl.u32 v6, $0x10  }
.LBB2_4:
0x20: {  	v6 =	vld [tilespmem:s15+$0x10];
	s13 =	sadd.s32 $0x40, s13;
	v7 =	vshrl.u32 v3, $0x10  }
0x21: {  	v8 =	vld [tilespmem:s15+$0xFFFFFFF0];
	p0 =	slt.u32 s13, $0x5280;
	v9 =	vshrl.u32 v5, $0x10  }
0x22: {  	s12 =	simm.s32 $0x52B0;
	s14 =	simm.s32 $0x7AC0;
	[tilespmem:v4+s2+$0x0] =	vst.idx.add.f32.msk $0xffff, v1  }
.Ltmp1:
0x23: {  	v3 =	vld [tilespmem:s15+$0x0];
	(pc) =	sbr.rel @p0 .LBB2_4-.Ltmp1, $4  }
0x24: {  	v5 =	vld [tilespmem:s15+$0xFFFFFFE0]  }
0x25: {  	v4 =	vshrl.u32 v6, $0x10;
	[tilespmem:v2+s2+$0x0] =	vst.idx.add.f32.msk $0xffff, v1  }
0x26: {  	v2 =	vshrl.u32 v8, $0x10;
	[tilespmem:v9+s2+$0x0] =	vst.idx.add.f32.msk $0xffff, v1  }
0x27: {  	s15 =	sadd.s32 $0x40, s15;
	[tilespmem:v7+s2+$0x0] =	vst.idx.add.f32.msk $0xffff, v1  }
0x28: {  	_ = 	snop  }
0x29: {  	v3 =	vshrl.u32 v3, $0x10  }
0x2a: {  	v5 =	vshrl.u32 v5, $0x10;
	_ =	sdelay $0x1  }
0x2b: {  	[tilespmem:v4+s2+$0x0] =	vst.idx.add.f32.msk $0xffff, v1  }
0x2c: {  	[tilespmem:v2+s2+$0x0] =	vst.idx.add.f32.msk $0xffff, v1  }
0x2d: {  	[tilespmem:v3+s2+$0x0] =	vst.idx.add.f32.msk $0xffff, v1  }
0x2e: {  	[tilespmem:v5+s2+$0x0] =	vst.idx.add.f32.msk $0xffff, v1  }
.LBB2_6:
0x2f: {  	v2 =	vld [tilespmem:s14+$0x0];
	_ =	sdelay $0x3  }
0x30: {  	s12 =	sadd.s32 $0x10, s12  }
0x31: {  	p0 =	slt.u32 s12, $0x52D0;
	v2 =	vshrl.u32 v2, $0x10  }
.Ltmp2:
0x32: {  	_ = 	snop;
	(pc) =	sbr.rel @p0 .LBB2_6-.Ltmp2, $2  }
0x33: {  	_ =	sdelay $0x2  }
0x34: {  	s14 =	sadd.s32 $0x10, s14;
	[tilespmem:v2+s2+$0x0] =	vst.idx.add.f32.msk $0xffff, v1  }
0x35: {  	s11 =	sadd.s32 $0x1, s11  }
0x36: {  	p0 =	sne.s32 s11, s5  }
.Ltmp3:
0x37: {  	_ = 	snop;
	(pc) =	sbr.rel @p0 .LBB2_1-.Ltmp3, $4  }
0x38: {  	[hbm4b:s4+s8] =	stream.strided.scatter [tilespmem:s2], [sflag:$0x2], $0x2800, s9, s8, $0x38;
	[tilespmem:$0x7B00] =	vst v63  }
0x39: {  	_ =	swait.ge [sflag:s10], $0x2800  }
0x3a: {  	[sflag:s10] =	ssyncset.done $0x0  }
0x3b: {  	[sflag:s10] =	ssyncadd.s32 $0xFFFFD800  }
0x3c: {  	_ =	sfence.sel $0x180000  }
0x3d: {  	[bflag:$0x0] =	sbarrier.arrive $0xFFFF  }
0x3e: {  	p0 =	sne.s32 s0, $0x0;
	_ =	strace $0x9000004D  }
0x3f: {  	s0 =	sadd.s32 @!p0 $0x100000, s1;
	[bflag:$0x2] =	sbarrier.arrive $0xFFFF  }
0x40: {  	[sflag:s0] =	ssyncadd.tile.s32 @!p0 $0x1;
	_ =	shalt  }
.Lfunc_end2:
_tile_overlayer_lowered:
.L_overlay_start_2:
0x41: {  	(tag) =	ssettag $0x2  }
0x42: {  	s0 =	rddreg [dreg:$0x0];
	s2 =	stileid.u32  }
0x43: {  	s1 =	rddreg [dreg:$0x1];
	p0 =	sne.s32 s2, $0x0  }
0x44: {  	s3 =	rddreg [dreg:$0x2];
	[bflag:$0x3] =	sbarrier.arrive $0xFFFF;
	s2 =	simm.s32 @!p0 $0x1C02  }
0x45: {  	[timem:s3], [sflag:s2] =	dma.local @!p0 [hbm:s0], s1  }
0x46: {  	s0 =	simm.s32 @!p0 $0x2  }
0x47: {  	_ =	swait.ge @!p0 [sflag:s0], s1  }
0x48: {  	s1 =	ssub.s32 @!p0 $0x0, s1;
	[sflag:s0] =	ssyncset.done @!p0 $0x0  }
0x49: {  	[sflag:s0] =	ssyncadd.s32 @!p0 s1  }
0x4a: {  	[bflag:$0x3] =	sbarrier.arrive $0xFFFF  }
0x4b: {  	_ =	shalt  }

// kernel: kernel.19.cloned.1.call-start
scs
__scs_entry_jumppad:
0x0: {  	(pc) =	sbr.rel $0x88, $3  }
0x1: {  	(tag) =	ssettag $0x0;
	lr =	simm.s32 $0x1  }
0x2: {  	[smem:$0x3F9A] =	sst lr;
	_ =	strace $0xD0000000  }
0x3: {  	_ = 	snop  }
0x4: {  	_ = 	snop  }
0x5: {  	_ = 	snop  }
0x6: {  	_ = 	snop  }
0x7: {  	_ = 	snop  }
__scs_overlays_trampoline_lowered:
0x8: {  	[smem:$0x3FA9] =	sst s0  }
0x9: {  	[smem:$0x3FAA] =	sst s1  }
0xa: {  	[smem:$0x3FAB] =	sst s2  }
0xb: {  	[smem:$0x3FAC] =	sst s3  }
0xc: {  	[smem:$0x3FAD] =	sst s4  }
0xd: {  	[smem:$0x3FAE] =	sst s5  }
0xe: {  	[smem:$0x3FAF] =	sst s6  }
0xf: {  	[smem:$0x3FB0] =	sst s7  }
0x10: {  	[smem:$0x3FB1] =	sst s8  }
0x11: {  	[smem:$0x3FB2] =	sst s9;
	s0 =	simm.s32 @!p0 $0x0  }
0x12: {  	s1 =	sld [smem:$0x3F98];
	s0 =	simm.s32 @p0 $0x1  }
0x13: {  	[smem:$0x3FB3] =	sst s0;
	s0 =	simm.s32 @!p1 $0x0  }
0x14: {  	s2 =	sld [smem:$0x3F97];
	s0 =	simm.s32 @p1 $0x1  }
0x15: {  	[smem:$0x3FB4] =	sst s0;
	s0 =	simm.s32 @!p2 $0x0  }
0x16: {  	s3 =	sld [smem:$0x3FDB];
	s0 =	simm.s32 @p2 $0x1  }
0x17: {  	s4 =	simm.s32 $0x1BF5;
	[smem:$0x3FB6] =	sst s0  }
0x18: {  	s0 =	sld [smem:$0x3F99];
	_ =	swait.ge [sflag:s4], $0x0  }
0x19: {  	s7 =	sld [smem:$0x3F9A]  }
0x1a: {  	s8 =	sadd.s32 $0xFFFFE003, lr  }
0x1b: {  	s9 =	sadd.s32 $0xFFFFFEF7, lr;
	s5 =	simm.s32 $0xFFFFFFFF;
	p2 =	slt.u32 s8, $0xFFFFF086  }
0x1c: {  	p1 =	slt.u32 s9, $0xF7A;
	s5 =	simm.s32 @!p2 $0x0  }
0x1d: {  	s5 =	simm.s32 @p1 $0x1;
	p0 =	seq.s32 s7, s2  }
0x1e: {  	s7 =	smul.u32 @!p0 $0xF7A, s2;
	p2 =	seq.s32 @!p0 s5, $0x0  }
0x1f: {  	s9 =	smul.u32 $0xF7A, s1;
	s8 =	simm.s32 @!p0 $0x1BF5;
	p2 =	por !p2, p0  }
0x20: {  	[sflag:s8] =	ssyncset.s32 @!p0 $0xFFFFF086;
	s6 =	sadd.s32 @!p0 s3, s7;
	s7 =	simm.s32 @!p0 $0x108  }
0x21: {  	s3 =	sadd.s32 s3, s9;
	s6 =	sadd.s32 @!p0 $0x88, s6;
	s7 =	simm.s32 @p2 $0x1082  }
0x22: {  	[simem:s7], [sflag:s8] =	dma.local @!p0 [hbm:s6], $0xF7A  }
0x23: {  	s9 =	sor.u32 $0xD0000000, s2;
	s6 =	simm.s32 $0x108;
	_ =	swait.ge @!p0 [sflag:s8], $0x0  }
0x24: {  	s3 =	sadd.s32 $0x88, s3;
	s6 =	simm.s32 @!p1 $0x1082;
	[sflag:s4] =	ssyncset.s32 $0xFFFFF086  }
0x25: {  	[simem:s6], [sflag:s4] =	dma.local [hbm:s3], $0xF7A  }
0x26: {  	[smem:$0x3F9A] =	sst s1;
	(tag) =	ssettag s2;
	_ =	strace s9  }
0x27: {  	s1 =	sld [smem:$0x3FAA]  }
0x28: {  	s2 =	sld [smem:$0x3FAB]  }
0x29: {  	s4 =	sld [smem:$0x3FAD]  }
0x2a: {  	p0 =	seq.s32 s5, $0x0;
	s5 =	sld [smem:$0x3FAE]  }
0x2b: {  	s6 =	sld [smem:$0x3FAF]  }
0x2c: {  	s7 =	sld [smem:$0x3FB0]  }
0x2d: {  	s3 =	simm.s32 $0x108;
	s8 =	sld [smem:$0x3FB1]  }
0x2e: {  	s3 =	simm.s32 @!p0 $0x1082;
	s9 =	sld [smem:$0x3FB2]  }
0x2f: {  	lr =	sadd.s32 s0, s3;
	s0 =	sld [smem:$0x3FA9]  }
0x30: {  	s3 =	sld [smem:$0x3FAC]  }
0x31: {  	[smem:$0x3FB5] =	sst s10  }
0x32: {  	s10 =	sld [smem:$0x3FB3];
	_ =	sdelay $0x3  }
0x33: {  	p0 =	seq.s32 s10, $0x1;
	s10 =	sld [smem:$0x3FB5];
	_ =	sdelay $0x3  }
0x34: {  	[smem:$0x3FB5] =	sst s10  }
0x35: {  	s10 =	sld [smem:$0x3FB4];
	_ =	sdelay $0x3  }
0x36: {  	p1 =	seq.s32 s10, $0x1;
	s10 =	sld [smem:$0x3FB5];
	_ =	sdelay $0x3  }
0x37: {  	[smem:$0x3FB5] =	sst s10  }
0x38: {  	s10 =	sld [smem:$0x3FB6]  }
0x39: {  	_ = 	snop;
	(pc) =	sbr.ind lr, $3  }
0x3a: {  	_ = 	snop  }
0x3b: {  	_ = 	snop  }
0x3c: {  	p2 =	seq.s32 s10, $0x1;
	s10 =	sld [smem:$0x3FB5]  }
0x3d: {  	_ =	shalt  }
0x3e: {  	_ =	shalt  }
0x3f: {  	_ =	shalt  }
0x40: {  	_ =	shalt  }
0x41: {  	_ =	shalt  }
0x42: {  	_ =	shalt  }
0x43: {  	_ =	shalt  }
0x44: {  	_ =	shalt  }
0x45: {  	_ =	shalt  }
0x46: {  	_ =	shalt  }
0x47: {  	_ =	shalt  }
0x48: {  	_ =	shalt  }
0x49: {  	_ =	shalt  }
0x4a: {  	_ =	shalt  }
0x4b: {  	_ =	shalt  }
0x4c: {  	_ =	shalt  }
0x4d: {  	_ =	shalt  }
0x4e: {  	_ =	shalt  }
0x4f: {  	_ =	shalt  }
0x50: {  	_ =	shalt  }
0x51: {  	_ =	shalt  }
0x52: {  	_ =	shalt  }
0x53: {  	_ =	shalt  }
0x54: {  	_ =	shalt  }
0x55: {  	_ =	shalt  }
0x56: {  	_ =	shalt  }
0x57: {  	_ =	shalt  }
0x58: {  	_ =	shalt  }
0x59: {  	_ =	shalt  }
0x5a: {  	_ =	shalt  }
0x5b: {  	_ =	shalt  }
0x5c: {  	_ =	shalt  }
0x5d: {  	_ =	shalt  }
0x5e: {  	_ =	shalt  }
0x5f: {  	_ =	shalt  }
0x60: {  	_ =	shalt  }
0x61: {  	_ =	shalt  }
0x62: {  	_ =	shalt  }
0x63: {  	_ =	shalt  }
0x64: {  	_ =	shalt  }
0x65: {  	_ =	shalt  }
0x66: {  	_ =	shalt  }
0x67: {  	_ =	shalt  }
0x68: {  	_ =	shalt  }
0x69: {  	_ =	shalt  }
0x6a: {  	_ =	shalt  }
0x6b: {  	_ =	shalt  }
0x6c: {  	_ =	shalt  }
0x6d: {  	_ =	shalt  }
0x6e: {  	_ =	shalt  }
0x6f: {  	_ =	shalt  }
0x70: {  	_ =	shalt  }
0x71: {  	_ =	shalt  }
0x72: {  	_ =	shalt  }
0x73: {  	_ =	shalt  }
0x74: {  	_ =	shalt  }
0x75: {  	_ =	shalt  }
0x76: {  	_ =	shalt  }
0x77: {  	_ =	shalt  }
0x78: {  	_ =	shalt  }
0x79: {  	_ =	shalt  }
0x7a: {  	_ =	shalt  }
0x7b: {  	_ =	shalt  }
0x7c: {  	_ =	shalt  }
0x7d: {  	_ =	shalt  }
0x7e: {  	_ =	shalt  }
0x7f: {  	_ =	shalt  }
0x80: {  	_ =	shalt  }
0x81: {  	_ =	shalt  }
0x82: {  	_ =	shalt  }
0x83: {  	_ =	shalt  }
0x84: {  	_ =	shalt  }
0x85: {  	_ =	shalt  }
0x86: {  	_ =	shalt  }
0x87: {  	_ =	shalt  }
.Lfunc_end0:
.L_simem_size_0:
called_computation.3_lowered:
.L_overlay_start_0:
0x88: {  	s2 =	sld [smem:$0x3FD9]  }
0x89: {  	s3 =	sld [smem:$0x3FFE];
	_ =	sdelay $0x1  }
0x8a: {  	s1 =	srdreg.scid  }
0x8b: {  	s0 =	sand.u32 $0x1, s1  }
0x8c: {  	s17 =	sshll.u32 s0, $0xA;
	s2 =	sadd.s32 s3, s2  }
0x8d: {  	s2 =	sadd.s32 s2, s17  }
0x8e: {  	[smem:$0x3FC1] =	sst s2  }
0x8f: {  	_ = 	snop  }
0x90: {  	s2 =	sld [smem:$0x3FD0];
	(tm) =	ssettm $0x1  }
0x91: {  	s18 =	sld [smem:$0x3FFB];
	_ =	sdelay $0x3  }
0x92: {  	_ =	strace s18  }
0x93: {  	s3 =	sld [smem:$0x3FFC];
	_ =	sdelay $0x3  }
0x94: {  	_ =	strace s3  }
0x95: {  	s3 =	sld [smem:$0x3FFD];
	_ =	sdelay $0x3  }
0x96: {  	_ =	strace s3  }
0x97: {  	_ =	strace $0x8FFFFFFF  }
0x98: {  	s19 =	sld [smem:$0x3FDB];
	_ =	sdelay $0x1  }
0x99: {  	s4 =	simm.s32 $_scs_section_size  }
0x9a: {  	s5 =	simm.s32 $_size__tile_overlayer_lowered;
	s6 =	simm.s32 $_tile_overlayer_lowered  }
0x9b: {  	s22 =	simm.s32 $0x1BFF;
	s21 =	sshll.u32 s6, $0x1;
	s3 =	sadd.s32 s4, s19  }
0x9c: {  	s7 =	simm.s32 $0x0;
	s20 =	sshll.u32 s5, $0x1;
	s5 =	sadd.s32 s21, s3  }
0x9d: {  	[timem:s7], [sflag:s22] =	dma.local [hbm:s5], s20  }
0x9e: {  	_ =	swait.ge [sflag:s22], s20  }
0x9f: {  	s4 =	ssub.s32 $0x0, s20;
	[sflag:s22] =	ssyncset.done $0x0  }
0xa0: {  	[sflag:s22] =	ssyncadd.s32 s4;
	_ =	sdelay $0x1  }
0xa1: {  	s23 =	simm.s32 $0x1B8B  }
0xa2: {  	_ =	swait.ge [sflag:s23], $0x1  }
0xa3: {  	[sflag:s23] =	ssyncset.done $0x0  }
0xa4: {  	s25 =	simm.s32 $0x1B8E;
	s24 =	sld [smem:$0x3FFE];
	[sflag:s23] =	ssyncadd.s32 $0xFFFFFFFF  }
0xa5: {  	s26 =	simm.s32 $execute0_lowered;
	[smem:$0x3FD2] =	sst s25  }
0xa6: {  	s5 =	sshll.u32 s26, $0x1;
	_ =	strace $0x8000004F;
	[dreg:$0x1] =	wrdreg $0xFFFFFFFF  }
0xa7: {  	s28 =	simm.s32 $_size_execute0_lowered;
	s3 =	sadd.s32 s3, s5;
	[dreg:$0x0] =	wrdreg $0x0  }
0xa8: {  	s5 =	sshll.u32 s28, $0x1;
	[dreg:$0x2] =	wrdreg s3  }
0xa9: {  	[dreg:$0x3] =	wrdreg s5  }
0xaa: {  	[dreg:$0x4] =	wrdreg $0xC0  }
0xab: {  	_ =	task [dreg:s7], $0x5FFFF  }
0xac: {  	[dreg:$0x1] =	wrdreg $0xFFFFFFFF  }
0xad: {  	[dreg:$0x0] =	wrdreg $0x60  }
0xae: {  	[dreg:$0x2] =	wrdreg s24  }
0xaf: {  	[dreg:$0x3] =	wrdreg s2  }
0xb0: {  	[dreg:$0x4] =	wrdreg $0x9  }
0xb1: {  	_ =	task.clear_ibuf [dreg:s7], $0x5FFFF;
	_ =	strace $0x9000004F  }
0xb2: {  	s29 =	simm.s32 $0x9;
	_ =	strace $0x80000051  }
0xb3: {  	_ =	swait.ge [sflag:s29], $0x1  }
0xb4: {  	[sflag:s29] =	ssyncadd.s32 $0xFFFFFFFF  }
0xb5: {  	_ =	strace $0x90000051  }
0xb6: {  	_ =	sfence  }
0xb7: {  	s30 =	sld [smem:$0x0];
	_ =	sdelay $0x2  }
0xb8: {  	s31 =	sshll.u32 s1, $0xD;
	s1 =	sshrl.u32 s1, $0x2  }
0xb9: {  	s3 =	sand.u32 $0x4000, s31;
	s1 =	sadd.s32 s1, s30  }
0xba: {  	s0 =	sor.u32 s3, s0;
	s1 =	sshll.u32 s1, $0x11  }
0xbb: {  	s0 =	sor.u32 s1, s0  }
0xbc: {  	s0 =	sadd.s32 $0x8F2B, s0  }
0xbd: {  	[sflag:s0] =	ssyncadd.remote.s32 $0x1  }
0xbe: {  	_ =	sfence.sel $0xFFFF  }
0xbf: {  	[dreg:$0x0] =	wrdreg $0xFFFFFFFF;
	(pc) =	sbr.abs _section_cstart, $3  }
0xc0: {  	[dreg:$0x1] =	wrdreg $0xFFFFFFFF  }
0xc1: {  	_ =	task.clear_ibuf [dreg:s7], $0x2FFFF;
	_ =	strace $0x9FFFFFFF  }
0xc2: {  	(tm) =	ssettm $0x7FFFFFFF  }
0xc3: {  	_ =	shalt  }
tec
execute0_lowered:
.L_overlay_start_1:
0x0: {  	(tag) =	ssettag $0x1  }
0x1: {  	s0 =	srdreg.scid;
	s4 =	stileid.u32  }
0x2: {  	s1 =	rddreg [dreg:$0x0];
	s15 =	simm.s32 $0x80;
	s16 =	simm.s32 $0x400  }
0x3: {  	s17 =	simm.s32 $0x2800;
	s18 =	simm.s32 $0x5000;
	s0 =	sand.u32 $0x1, s0  }
0x4: {  	s19 =	simm.s32 $0x7800;
	s3 =	sshll.u32 s4, $0x2;
	s2 =	sshll.u32 s0, $0x6  }
0x5: {  	s28 =	simm.s32 $0x11800;
	s29 =	simm.s32 $0x2;
	s2 =	sor.u32 s3, s2  }
0x6: {  	s30 =	simm.s32 $0x4;
	s4 =	sshll.u32 s4, $0x9;
	s2 =	sshrl.u32 s2, $0x3  }
0x7: {  	s5 =	sadd.s32 $0x34A00, s1;
	s20 =	sadd.s32 $0x1400, s1;
	s2 =	smul.u32 $0x14000, s2  }
0x8: {  	s6 =	sand.u32 $0x200, s4;
	s4 =	sadd.s32 $0x1FE00, s1;
	s3 =	simm.s32 $0x0  }
0x9: {  	s1 =	sadd.s32 $0x5CA00, s1;
	[smem:$0x7FF] =	sst s3;
	s2 =	sor.u32 s6, s2  }
0xa: {  	_ =	strace $0x80000050;
	[dreg:$0x3] =	wrdreg s20;
	s2 =	sshrl.u32 s2, $0x3  }
0xb: {  	s22 =	sadd.s32 s5, s2;
	s23 =	sor.u32 $0x10, s2;
	s7 =	sor.u32 $0x20, s2  }
0xc: {  	s8 =	sor.u32 $0x30, s2;
	s2 =	sadd.s32 s1, s2;
	[dreg:$0x4] =	wrdreg s22  }
0xd: {  	s31 =	simm.s32 $0x0;
	s9 =	sadd.s32 s5, s23;
	[dreg:$0x8] =	wrdreg s2  }
0xe: {  	s0 =	ssub.s32 $0x2, s0;
	s24 =	sadd.s32 s5, s7;
	[dreg:$0x5] =	wrdreg s9  }
0xf: {  	s21 =	sshrl.u32 s0, $0x1;
	s5 =	sadd.s32 s5, s8;
	[dreg:$0x6] =	wrdreg s24  }
.Ltmp0:
0x10: {  	s25 =	sadd.s32 s1, s23;
	[dreg:$0x7] =	wrdreg s5;
	(pc) =	sbr.rel .LBB2_1-.Ltmp0, $4  }
0x11: {  	s0 =	ssub.s32 s0, s21;
	s26 =	sadd.s32 s1, s7;
	[dreg:$0x9] =	wrdreg s25  }
0x12: {  	s14 =	smax.u32 s0, $0x1;
	s1 =	sadd.s32 s1, s8;
	[dreg:$0xa] =	wrdreg s26  }
0x13: {  	s22 =	simm.s32 $0x3;
	s23 =	simm.s32 $0x1;
	[dreg:$0xb] =	wrdreg s1  }
0x14: {  	s24 =	simm.s32 $0xA000;
	s25 =	simm.s32 $0xC800;
	s26 =	simm.s32 $0xF000  }
.LBB2_29:
0x15: {  	s0 =	rddreg [dreg:$0x8]  }
0x16: {  	[hbm4b:s0+s15] =	stream.strided.scatter [tilespmem:s3], [sflag:$0x3], $0x2800, s16, s15, $0x38;
	[tilespmem:$0x1F080] =	vst v63  }
0x17: {  	s13 =	rddreg [dreg:$0x9]  }
0x18: {  	[hbm4b:s13+s15] =	stream.strided.scatter [tilespmem:s17], [sflag:$0x3], $0x2800, s16, s15, $0x38;
	[tilespmem:$0x1F080] =	vst v63  }
0x19: {  	s20 =	rddreg [dreg:$0xa]  }
0x1a: {  	[hbm4b:s20+s15] =	stream.strided.scatter [tilespmem:s18], [sflag:$0x3], $0x2800, s16, s15, $0x38;
	[tilespmem:$0x1F080] =	vst v63  }
0x1b: {  	s21 =	rddreg [dreg:$0xb]  }
0x1c: {  	[hbm4b:s21+s15] =	stream.strided.scatter [tilespmem:s19], [sflag:$0x3], $0x2800, s16, s15, $0x38;
	[tilespmem:$0x1F080] =	vst v63  }
0x1d: {  	_ =	swait.ge [sflag:s22], $0x2800  }
0x1e: {  	[sflag:s22] =	ssyncset.done $0x0  }
0x1f: {  	[sflag:s22] =	ssyncadd.s32 $0xFFFFD800  }
0x20: {  	_ =	swait.ge [sflag:s22], $0x2800  }
0x21: {  	[sflag:s22] =	ssyncset.done $0x0  }
0x22: {  	s31 =	sadd.s32 $0x1, s31;
	[sflag:s22] =	ssyncadd.s32 $0xFFFFD800  }
0x23: {  	p0 =	sne.s32 s31, s14;
	_ =	swait.ge [sflag:s22], $0x2800  }
.Ltmp1:
0x24: {  	[sflag:s22] =	ssyncset.done $0x0;
	(pc) =	sbr.rel @!p0 .LBB2_30-.Ltmp1, $4  }
0x25: {  	[sflag:s22] =	ssyncadd.s32 $0xFFFFD800  }
0x26: {  	_ =	swait.ge [sflag:s22], $0x2800  }
0x27: {  	[sflag:s22] =	ssyncset.done $0x0  }
0x28: {  	[sflag:s22] =	ssyncadd.s32 $0xFFFFD800  }
.LBB2_1:
0x29: {  	s0 =	rddreg [dreg:$0x4]  }
0x2a: {  	[tilespmem:s3], [sflag:$0x3] =	stream.strided.gather [hbm4b:s0+s15], $0x2800, s16, s15, $0x38;
	[tilespmem:$0x1F080] =	vst v63  }
0x2b: {  	s10 =	rddreg [dreg:$0x5]  }
0x2c: {  	[tilespmem:s17], [sflag:$0x3] =	stream.strided.gather [hbm4b:s10+s15], $0x2800, s16, s15, $0x38;
	[tilespmem:$0x1F080] =	vst v63  }
0x2d: {  	s11 =	rddreg [dreg:$0x6]  }
0x2e: {  	[tilespmem:s18], [sflag:$0x3] =	stream.strided.gather [hbm4b:s11+s15], $0x2800, s16, s15, $0x38;
	[tilespmem:$0x1F080] =	vst v63  }
0x2f: {  	s12 =	rddreg [dreg:$0x7]  }
0x30: {  	[tilespmem:s19], [sflag:$0x3] =	stream.strided.gather [hbm4b:s12+s15], $0x2800, s16, s15, $0x38;
	[tilespmem:$0x1F080] =	vst v63  }
0x31: {  	s13 =	rddreg [dreg:$0x1];
	s1 =	simm.s32 $0x14000  }
0x32: {  	[tilespmem:s1], [sflag:$0x3] =	stream.linear.gather [hbm4b:s13+s3], $0x2800, $0x38;
	[tilespmem:$0x1F080] =	vst v63  }
0x33: {  	s20 =	rddreg [dreg:$0x3];
	s21 =	simm.s32 $0x1F000  }
0x34: {  	[tilespmem:s21], [sflag:$0x3] =	stream.linear.gather [hbm4b:s20+s3], $0x80, $0x38;
	[tilespmem:$0x1F080] =	vst v63  }
0x35: {  	_ =	swait.ge [sflag:s22], $0x2800  }
0x36: {  	[sflag:s22] =	ssyncset.done $0x0  }
0x37: {  	[sflag:s22] =	ssyncadd.s32 $0xFFFFD800  }
0x38: {  	_ =	swait.ge [sflag:s22], $0x2800  }
0x39: {  	[sflag:s22] =	ssyncset.done $0x0  }
0x3a: {  	[sflag:s22] =	ssyncadd.s32 $0xFFFFD800  }
0x3b: {  	_ =	swait.ge [sflag:s22], $0x2800  }
0x3c: {  	[sflag:s22] =	ssyncset.done $0x0  }
0x3d: {  	[sflag:s22] =	ssyncadd.s32 $0xFFFFD800  }
0x3e: {  	_ =	swait.ge [sflag:s22], $0x2800  }
0x3f: {  	[sflag:s22] =	ssyncset.done $0x0  }
0x40: {  	[sflag:s22] =	ssyncadd.s32 $0xFFFFD800  }
0x41: {  	_ =	swait.ge [sflag:s22], $0x2800  }
0x42: {  	[sflag:s22] =	ssyncset.done $0x0  }
0x43: {  	[sflag:s22] =	ssyncadd.s32 $0xFFFFD800  }
0x44: {  	_ =	swait.ge [sflag:s22], $0x80  }
0x45: {  	[sflag:s22] =	ssyncset.done $0x0  }
0x46: {  	[sflag:s22] =	ssyncadd.s32 $0xFFFFFF80  }
0x47: {  	v0 =	vld [tilespmem:$0x1F000];
	_ =	sdelay $0x4  }
0x48: {  	v0 =	vxor.u32 $0x80000000, v0  }
0x49: {  	(xrf0) =	vmax.scan.msk.u32 $0xffff, v0;
	_ =	sdelay $0x5  }
0x4a: {  	v0, _, _ =	vpop (xrf0)  }
0x4b: {  	(v2sf) =	vpush v0, $0xF;
	_ =	sdelay $0xe  }
0x4c: {  	s0 =	spop (v2sf)  }
0x4d: {  	s1 =	sand.u32 $0xFF, s0  }
0x4e: {  	p0 =	seq.s32 s1, $0x0  }
.Ltmp2:
0x4f: {  	_ = 	snop;
	(pc) =	sbr.rel @p0 .LBB2_29-.Ltmp2, $1  }
0x50: {  	_ =	sdelay $0x3  }
0x51: {  	s5 =	sshrl.u32 s0, $0x8  }
0x52: {  	s0 =	sxor.u32 $0x800000, s5  }
0x53: {  	s2 =	simm.s32 $0x0;
	p0 =	seq.s32 s5, $0x800000;
	s0 =	smax.u32 s0, $0x1  }
.LBB2_3:
0x54: {  	s7 =	simm.s32 $0x20  }
0x55: {  	v0 =	vld [tilespmem:s7+$0xFFFFFFE0];
	_ =	sdelay $0x3  }
0x56: {  	s8 =	simm.s32 $0xA020  }
0x57: {  	s9 =	simm.s32 $0x2820;
	[tilespmem:s8+$0xFFFFFFE0] =	vst v0  }
0x58: {  	v0 =	vld [tilespmem:s9+$0xFFFFFFE0];
	_ =	sdelay $0x3  }
0x59: {  	s10 =	simm.s32 $0xC820  }
0x5a: {  	s11 =	simm.s32 $0x5020;
	[tilespmem:s10+$0xFFFFFFE0] =	vst v0  }
0x5b: {  	v0 =	vld [tilespmem:s11+$0xFFFFFFE0];
	_ =	sdelay $0x3  }
0x5c: {  	s12 =	simm.s32 $0xF020  }
0x5d: {  	s5 =	simm.s32 $0x7820;
	[tilespmem:s12+$0xFFFFFFE0] =	vst v0  }
0x5e: {  	v0 =	vld [tilespmem:s5+$0xFFFFFFE0];
	_ =	sdelay $0x3  }
0x5f: {  	s6 =	simm.s32 $0x11820  }
0x60: {  	[tilespmem:s6+$0xFFFFFFE0] =	vst v0  }
0x61: {  	v0 =	vld [tilespmem:s7+$0xFFFFFFF0];
	_ =	sdelay $0x4  }
0x62: {  	[tilespmem:s8+$0xFFFFFFF0] =	vst v0  }
0x63: {  	v0 =	vld [tilespmem:s9+$0xFFFFFFF0];
	_ =	sdelay $0x4  }
0x64: {  	[tilespmem:s10+$0xFFFFFFF0] =	vst v0  }
0x65: {  	v0 =	vld [tilespmem:s11+$0xFFFFFFF0];
	_ =	sdelay $0x4  }
0x66: {  	[tilespmem:s12+$0xFFFFFFF0] =	vst v0  }
0x67: {  	v0 =	vld [tilespmem:s5+$0xFFFFFFF0];
	_ =	sdelay $0x4  }
0x68: {  	[tilespmem:s6+$0xFFFFFFF0] =	vst v0  }
0x69: {  	v0 =	vld [tilespmem:s7+$0x0];
	_ =	sdelay $0x4  }
0x6a: {  	[tilespmem:s8+$0x0] =	vst v0  }
0x6b: {  	v0 =	vld [tilespmem:s9+$0x0];
	_ =	sdelay $0x4  }
0x6c: {  	[tilespmem:s10+$0x0] =	vst v0  }
0x6d: {  	v0 =	vld [tilespmem:s11+$0x0];
	_ =	sdelay $0x4  }
0x6e: {  	[tilespmem:s12+$0x0] =	vst v0  }
0x6f: {  	v0 =	vld [tilespmem:s5+$0x0];
	_ =	sdelay $0x4  }
0x70: {  	[tilespmem:s6+$0x0] =	vst v0  }
0x71: {  	v0 =	vld [tilespmem:s7+$0x10];
	_ =	sdelay $0x4  }
0x72: {  	[tilespmem:s8+$0x10] =	vst v0  }
0x73: {  	v0 =	vld [tilespmem:s9+$0x10];
	_ =	sdelay $0x4  }
0x74: {  	[tilespmem:s10+$0x10] =	vst v0  }
0x75: {  	v0 =	vld [tilespmem:s11+$0x10];
	_ =	sdelay $0x4  }
0x76: {  	[tilespmem:s12+$0x10] =	vst v0  }
0x77: {  	v0 =	vld [tilespmem:s5+$0x10];
	_ =	sdelay $0x1  }
0x78: {  	s13 =	simm.s32 $0x5060;
	s21 =	simm.s32 $0xC860  }
0x79: {  	s7 =	simm.s32 $0x16800;
	s8 =	simm.s32 $0x0;
	s9 =	simm.s32 $0x2860  }
0x7a: {  	s10 =	simm.s32 $0xA060;
	s11 =	simm.s32 $0x60;
	s12 =	simm.s32 $0xF060  }
.LBB2_4:
0x7b: {  	s8 =	sadd.s32 $0x4, s8;
	[tilespmem:s6+$0x10] =	vst v0;
	s6 =	sadd.s32 $0x40, s6;
	s5 =	sadd.s32 $0x40, s5  }
0x7c: {  	v0 =	vld [tilespmem:s11+$0xFFFFFFE0];
	p1 =	slt.u32 s8, $0x27C;
	_ =	sdelay $0x4  }
0x7d: {  	[tilespmem:s10+$0xFFFFFFE0] =	vst v0  }
0x7e: {  	v0 =	vld [tilespmem:s9+$0xFFFFFFE0];
	_ =	sdelay $0x4  }
0x7f: {  	[tilespmem:s21+$0xFFFFFFE0] =	vst v0  }
0x80: {  	v0 =	vld [tilespmem:s13+$0xFFFFFFE0];
	_ =	sdelay $0x4  }
0x81: {  	[tilespmem:s12+$0xFFFFFFE0] =	vst v0  }
0x82: {  	v0 =	vld [tilespmem:s5+$0xFFFFFFE0];
	_ =	sdelay $0x4  }
0x83: {  	[tilespmem:s6+$0xFFFFFFE0] =	vst v0  }
0x84: {  	v0 =	vld [tilespmem:s11+$0xFFFFFFF0];
	_ =	sdelay $0x4  }
0x85: {  	[tilespmem:s10+$0xFFFFFFF0] =	vst v0  }
0x86: {  	v0 =	vld [tilespmem:s9+$0xFFFFFFF0];
	_ =	sdelay $0x4  }
0x87: {  	[tilespmem:s21+$0xFFFFFFF0] =	vst v0  }
0x88: {  	v0 =	vld [tilespmem:s13+$0xFFFFFFF0];
	_ =	sdelay $0x4  }
0x89: {  	[tilespmem:s12+$0xFFFFFFF0] =	vst v0  }
0x8a: {  	v0 =	vld [tilespmem:s5+$0xFFFFFFF0];
	_ =	sdelay $0x4  }
0x8b: {  	[tilespmem:s6+$0xFFFFFFF0] =	vst v0  }
0x8c: {  	v0 =	vld [tilespmem:s11+$0x0];
	_ =	sdelay $0x4  }
0x8d: {  	[tilespmem:s10+$0x0] =	vst v0  }
0x8e: {  	v0 =	vld [tilespmem:s9+$0x0];
	_ =	sdelay $0x4  }
0x8f: {  	[tilespmem:s21+$0x0] =	vst v0  }
0x90: {  	v0 =	vld [tilespmem:s13+$0x0];
	_ =	sdelay $0x4  }
0x91: {  	[tilespmem:s12+$0x0] =	vst v0  }
0x92: {  	v0 =	vld [tilespmem:s5+$0x0];
	_ =	sdelay $0x4  }
0x93: {  	[tilespmem:s6+$0x0] =	vst v0  }
0x94: {  	v0 =	vld [tilespmem:s11+$0x10];
	_ =	sdelay $0x4  }
0x95: {  	[tilespmem:s10+$0x10] =	vst v0  }
0x96: {  	v0 =	vld [tilespmem:s9+$0x10];
	_ =	sdelay $0x4  }
0x97: {  	[tilespmem:s21+$0x10] =	vst v0  }
0x98: {  	v0 =	vld [tilespmem:s13+$0x10];
	_ =	sdelay $0x4  }
0x99: {  	[tilespmem:s12+$0x10] =	vst v0  }
.Ltmp3:
0x9a: {  	v0 =	vld [tilespmem:s5+$0x10];
	(pc) =	sbr.rel @p1 .LBB2_4-.Ltmp3, $4  }
0x9b: {  	_ = 	snop  }
0x9c: {  	s20 =	simm.s32 $0x0  }
0x9d: {  	s11 =	sadd.s32 $0x40, s11;
	s10 =	sadd.s32 $0x40, s10;
	s9 =	sadd.s32 $0x40, s9  }
0x9e: {  	s21 =	sadd.s32 $0x40, s21;
	s13 =	sadd.s32 $0x40, s13;
	s12 =	sadd.s32 $0x40, s12  }
0x9f: {  	[tilespmem:s6+$0x10] =	vst v0;
	s5 =	simm.s32 $0x10;
	s8 =	sadd.s32 $0x0, s4;
	s6 =	simm.s32 $0x16900  }
.LBB2_6:
0xa0: {  	[tilespmem:s7], [sflag:$0x1] =	stream.linear.gather [hbm4b:s8+s20], $0x80, $0x38;
	[tilespmem:$0x1F080] =	vst v63  }
0xa1: {  	s8 =	smov.u32 s5;
	s7 =	smov.u32 s6;
	p1 =	seq.s32 s5, $0x870  }
.Ltmp4:
0xa2: {  	s5 =	sadd.s32 $0x10, s5;
	(pc) =	sbr.rel @!p1 .LBB2_6-.Ltmp4, $2  }
0xa3: {  	_ =	sdelay $0x2  }
0xa4: {  	s6 =	sadd.s32 $0x100, s6;
	s8 =	sadd.s32 s8, s4  }
0xa5: {  	[tilespmem:s7], [sflag:$0x1] =	stream.linear.gather [hbm4b:s8+s20], $0x80, $0x38;
	[tilespmem:$0x1F080] =	vst v63  }
.LBB2_8:
0xa6: {  	s5 =	smul.u32 $0x8800, s20;
	_ =	sdelay $0x1  }
0xa7: {  	s5 =	sshrl.u32 s5, $0x3  }
0xa8: {  	s21 =	sadd.s32 s4, s5  }
0xa9: {  	s6 =	simm.s32 $0x16880;
	s5 =	sadd.s32 $0x880, s21  }
0xaa: {  	s7 =	simm.s32 $0x10;
	s8 =	simm.s32 $0x16980;
	s9 =	sadd.s32 $0x0, s5  }
.LBB2_9:
0xab: {  	[tilespmem:s6], [sflag:$0x2] =	stream.linear.gather [hbm4b:s9+s3], $0x80, $0x38;
	[tilespmem:$0x1F080] =	vst v63  }
0xac: {  	s9 =	smov.u32 s7;
	s6 =	smov.u32 s8;
	p1 =	sne.s32 s7, $0x870  }
.Ltmp5:
0xad: {  	s7 =	sadd.s32 $0x10, s7;
	(pc) =	sbr.rel @p1 .LBB2_9-.Ltmp5, $2  }
0xae: {  	_ =	sdelay $0x2  }
0xaf: {  	s8 =	sadd.s32 $0x100, s8;
	s9 =	sadd.s32 s9, s5  }
0xb0: {  	[tilespmem:s6], [sflag:$0x2] =	stream.linear.gather [hbm4b:s9+s3], $0x80, $0x38;
	[tilespmem:$0x1F080] =	vst v63  }
0xb1: {  	_ =	swait.ge [sflag:s23], $0x4400  }
0xb2: {  	[sflag:s23] =	ssyncset.done $0x0  }
0xb3: {  	s5 =	simm.s32 $0x16840;
	[sflag:s23] =	ssyncadd.s32 $0xFFFFBC00  }
0xb4: {  	v0 =	vld [tilespmem:s5+$0x30];
	_ =	sdelay $0x2  }
0xb5: {  	v1 =	vld [tilespmem:s5+$0xFFFFFFD0]  }
0xb6: {  	v3 =	vld [tilespmem:s5+$0xFFFFFFE0]  }
0xb7: {  	v4 =	vld [tilespmem:s5+$0xFFFFFFF0];
	v2 =	vand.u32 $0xFFFF, v0  }
0xb8: {  	v9 =	vld [tilespmem:s5+$0xFFFFFFC0]  }
0xb9: {  	v5 =	vld [tilespmem:s5+$0x0]  }
0xba: {  	v6 =	vld [tilespmem:s5+$0x10]  }
0xbb: {  	v7 =	vld [tilespmem:s5+$0x20];
	v8 =	vand.u32 $0xFFFF, v1  }
0xbc: {  	v10 =	vld.idx.msk [tilespmem:v2+s3+$0x0], $0xffff  }
0xbd: {  	v14 =	vand.u32 $0xFFFF, v9;
	v11 =	vld.idx.msk [tilespmem:v2+s17+$0x0], $0xffff  }
0xbe: {  	v12 =	vld.idx.msk [tilespmem:v2+s18+$0x0], $0xffff  }
0xbf: {  	v2 =	vld.idx.msk [tilespmem:v2+s19+$0x0], $0xffff  }
0xc0: {  	v13 =	vld.idx.msk [tilespmem:v8+s3+$0x0], $0xffff  }
0xc1: {  	v15 =	vld.idx.msk [tilespmem:v8+s17+$0x0], $0xffff  }
0xc2: {  	v16 =	vand.u32 $0xFFFF, v4;
	v58 =	vld.idx.msk [tilespmem:v14+s17+$0x0], $0xffff  }
0xc3: {  	v59 =	vld.idx.msk [tilespmem:v14+s18+$0x0], $0xffff  }
0xc4: {  	v60 =	vld.idx.msk [tilespmem:v14+s19+$0x0], $0xffff  }
0xc5: {  	v61 =	vld.idx.msk [tilespmem:v8+s18+$0x0], $0xffff  }
0xc6: {  	v20 =	vand.u32 $0xFFFF, v5;
	v8 =	vld.idx.msk [tilespmem:v8+s19+$0x0], $0xffff  }
0xc7: {  	v22 =	vld.idx.msk [tilespmem:v16+s3+$0x0], $0xffff  }
0xc8: {  	v23 =	vld.idx.msk [tilespmem:v16+s17+$0x0], $0xffff  }
0xc9: {  	v24 =	vld.idx.msk [tilespmem:v16+s18+$0x0], $0xffff  }
0xca: {  	v28 =	vand.u32 $0xFFFF, v7;
	v16 =	vld.idx.msk [tilespmem:v16+s19+$0x0], $0xffff  }
0xcb: {  	v25 =	vld.idx.msk [tilespmem:v20+s3+$0x0], $0xffff  }
0xcc: {  	v26 =	vld.idx.msk [tilespmem:v20+s17+$0x0], $0xffff  }
0xcd: {  	v0 =	vshrl.u32 v0, $0x10;
	v27 =	vld.idx.msk [tilespmem:v20+s18+$0x0], $0xffff  }
0xce: {  	v35 =	vshrl.u32 v1, $0x10;
	v20 =	vld.idx.msk [tilespmem:v20+s19+$0x0], $0xffff  }
0xcf: {  	v62 =	vshrl.u32 v5, $0x10;
	v33 =	vld.idx.msk [tilespmem:v28+s3+$0x0], $0xffff  }
0xd0: {  	v34 =	vld.idx.msk [tilespmem:v28+s17+$0x0], $0xffff  }
0xd1: {  	v1 =	vld.idx.msk [tilespmem:v28+s19+$0x0], $0xffff  }
0xd2: {  	[tilespmem:v0+s24+$0x0] =	vst.idx.add.f32.msk $0xffff, v10  }
0xd3: {  	[tilespmem:v35+s24+$0x0] =	vst.idx.add.f32.msk $0xffff, v13  }
0xd4: {  	[tilespmem:v62+s24+$0x0] =	vst.idx.add.f32.msk $0xffff, v25  }
0xd5: {  	[tilespmem:v0+s25+$0x0] =	vst.idx.add.f32.msk $0xffff, v11  }
0xd6: {  	[tilespmem:v35+s25+$0x0] =	vst.idx.add.f32.msk $0xffff, v15  }
0xd7: {  	[tilespmem:v62+s25+$0x0] =	vst.idx.add.f32.msk $0xffff, v26  }
0xd8: {  	[tilespmem:v0+s26+$0x0] =	vst.idx.add.f32.msk $0xffff, v12  }
0xd9: {  	[tilespmem:v35+s26+$0x0] =	vst.idx.add.f32.msk $0xffff, v61  }
0xda: {  	[tilespmem:v0+s28+$0x0] =	vst.idx.add.f32.msk $0xffff, v2;
	v2 =	vand.u32 $0xFFFF, v3  }
0xdb: {  	[tilespmem:v62+s26+$0x0] =	vst.idx.add.f32.msk $0xffff, v27  }
0xdc: {  	v0 =	vld.idx.msk [tilespmem:v14+s3+$0x0], $0xffff  }
0xdd: {  	[tilespmem:v35+s28+$0x0] =	vst.idx.add.f32.msk $0xffff, v8  }
0xde: {  	v9 =	vshrl.u32 v9, $0x10;
	[tilespmem:v62+s28+$0x0] =	vst.idx.add.f32.msk $0xffff, v20  }
0xdf: {  	v17 =	vld.idx.msk [tilespmem:v2+s3+$0x0], $0xffff  }
0xe0: {  	v18 =	vld.idx.msk [tilespmem:v2+s17+$0x0], $0xffff  }
0xe1: {  	v19 =	vld.idx.msk [tilespmem:v2+s18+$0x0], $0xffff  }
0xe2: {  	v21 =	vld.idx.msk [tilespmem:v2+s19+$0x0], $0xffff;
	v2 =	vand.u32 $0xFFFF, v6  }
0xe3: {  	[tilespmem:v9+s24+$0x0] =	vst.idx.add.f32.msk $0xffff, v0  }
0xe4: {  	[tilespmem:v9+s25+$0x0] =	vst.idx.add.f32.msk $0xffff, v58  }
0xe5: {  	[tilespmem:v9+s26+$0x0] =	vst.idx.add.f32.msk $0xffff, v59  }
0xe6: {  	[tilespmem:v9+s28+$0x0] =	vst.idx.add.f32.msk $0xffff, v60  }
0xe7: {  	v0 =	vshrl.u32 v3, $0x10;
	v29 =	vld.idx.msk [tilespmem:v2+s3+$0x0], $0xffff  }
0xe8: {  	v3 =	vshrl.u32 v4, $0x10;
	v30 =	vld.idx.msk [tilespmem:v2+s17+$0x0], $0xffff  }
0xe9: {  	v31 =	vld.idx.msk [tilespmem:v2+s18+$0x0], $0xffff  }
0xea: {  	v32 =	vld.idx.msk [tilespmem:v2+s19+$0x0], $0xffff  }
0xeb: {  	v2 =	vld.idx.msk [tilespmem:v28+s18+$0x0], $0xffff  }
0xec: {  	[tilespmem:v0+s24+$0x0] =	vst.idx.add.f32.msk $0xffff, v17  }
0xed: {  	[tilespmem:v3+s24+$0x0] =	vst.idx.add.f32.msk $0xffff, v22  }
0xee: {  	[tilespmem:v0+s25+$0x0] =	vst.idx.add.f32.msk $0xffff, v18  }
0xef: {  	v63 =	vshrl.u32 v6, $0x10;
	[tilespmem:v3+s25+$0x0] =	vst.idx.add.f32.msk $0xffff, v23  }
0xf0: {  	[tilespmem:v0+s26+$0x0] =	vst.idx.add.f32.msk $0xffff, v19  }
0xf1: {  	[tilespmem:v3+s26+$0x0] =	vst.idx.add.f32.msk $0xffff, v24  }
0xf2: {  	[tilespmem:v0+s28+$0x0] =	vst.idx.add.f32.msk $0xffff, v21  }
0xf3: {  	[tilespmem:v3+s28+$0x0] =	vst.idx.add.f32.msk $0xffff, v16;
	v0 =	vshrl.u32 v7, $0x10  }
0xf4: {  	[tilespmem:v63+s24+$0x0] =	vst.idx.add.f32.msk $0xffff, v29  }
0xf5: {  	[tilespmem:v63+s25+$0x0] =	vst.idx.add.f32.msk $0xffff, v30  }
0xf6: {  	[tilespmem:v63+s26+$0x0] =	vst.idx.add.f32.msk $0xffff, v31  }
0xf7: {  	[tilespmem:v63+s28+$0x0] =	vst.idx.add.f32.msk $0xffff, v32  }
0xf8: {  	[tilespmem:v0+s24+$0x0] =	vst.idx.add.f32.msk $0xffff, v33  }
0xf9: {  	s6 =	simm.s32 $0x16940;
	s5 =	simm.s32 $0x0;
	[tilespmem:v0+s25+$0x0] =	vst.idx.add.f32.msk $0xffff, v34  }
.LBB2_11:
0xfa: {  	v3 =	vld [tilespmem:s6+$0x30]  }
0xfb: {  	v4 =	vld [tilespmem:s6+$0xFFFFFFD0]  }
0xfc: {  	v5 =	vld [tilespmem:s6+$0xFFFFFFE0]  }
0xfd: {  	s5 =	sadd.s32 $0x80, s5;
	v6 =	vld [tilespmem:s6+$0xFFFFFFF0]  }
0xfe: {  	p1 =	slt.u32 s5, $0x4380;
	v7 =	vld [tilespmem:s6+$0x0]  }
0xff: {  	v8 =	vld [tilespmem:s6+$0x10];
	v9 =	vand.u32 $0xFFFF, v3  }
0x100: {  	v10 =	vshrl.u32 v4, $0x10;
	v4 =	vand.u32 $0xFFFF, v4;
	v11 =	vld [tilespmem:s6+$0x20]  }
0x101: {  	v12 =	vld [tilespmem:s6+$0xFFFFFFC0];
	v13 =	vshrl.u32 v5, $0x10;
	v5 =	vand.u32 $0xFFFF, v5  }
0x102: {  	v14 =	vshrl.u32 v6, $0x10;
	v6 =	vand.u32 $0xFFFF, v6;
	[tilespmem:v0+s26+$0x0] =	vst.idx.add.f32.msk $0xffff, v2  }
0x103: {  	v15 =	vshrl.u32 v7, $0x10;
	v2 =	vand.u32 $0xFFFF, v7;
	[tilespmem:v0+s28+$0x0] =	vst.idx.add.f32.msk $0xffff, v1  }
0x104: {  	v7 =	vshrl.u32 v8, $0x10;
	v1 =	vand.u32 $0xFFFF, v8;
	v8 =	vld.idx.msk [tilespmem:v9+s3+$0x0], $0xffff  }
0x105: {  	v3 =	vshrl.u32 v3, $0x10;
	v0 =	vshrl.u32 v11, $0x10;
	v11 =	vand.u32 $0xFFFF, v11;
	v16 =	vld.idx.msk [tilespmem:v9+s17+$0x0], $0xffff  }
0x106: {  	v17 =	vshrl.u32 v12, $0x10;
	v12 =	vand.u32 $0xFFFF, v12;
	v18 =	vld.idx.msk [tilespmem:v9+s18+$0x0], $0xffff  }
0x107: {  	v9 =	vld.idx.msk [tilespmem:v9+s19+$0x0], $0xffff  }
0x108: {  	v19 =	vld.idx.msk [tilespmem:v4+s3+$0x0], $0xffff  }
0x109: {  	v20 =	vld.idx.msk [tilespmem:v4+s17+$0x0], $0xffff  }
0x10a: {  	[tilespmem:v3+s24+$0x0] =	vst.idx.add.f32.msk $0xffff, v8  }
0x10b: {  	[tilespmem:v3+s25+$0x0] =	vst.idx.add.f32.msk $0xffff, v16  }
0x10c: {  	[tilespmem:v3+s26+$0x0] =	vst.idx.add.f32.msk $0xffff, v18  }
0x10d: {  	[tilespmem:v3+s28+$0x0] =	vst.idx.add.f32.msk $0xffff, v9  }
0x10e: {  	v3 =	vld.idx.msk [tilespmem:v12+s3+$0x0], $0xffff  }
0x10f: {  	v8 =	vld.idx.msk [tilespmem:v12+s17+$0x0], $0xffff  }
0x110: {  	v9 =	vld.idx.msk [tilespmem:v12+s18+$0x0], $0xffff  }
0x111: {  	v12 =	vld.idx.msk [tilespmem:v12+s19+$0x0], $0xffff  }
0x112: {  	v16 =	vld.idx.msk [tilespmem:v4+s18+$0x0], $0xffff  }
0x113: {  	v4 =	vld.idx.msk [tilespmem:v4+s19+$0x0], $0xffff  }
0x114: {  	v18 =	vld.idx.msk [tilespmem:v5+s3+$0x0], $0xffff  }
0x115: {  	v21 =	vld.idx.msk [tilespmem:v5+s17+$0x0], $0xffff  }
0x116: {  	v22 =	vld.idx.msk [tilespmem:v5+s18+$0x0], $0xffff  }
0x117: {  	v5 =	vld.idx.msk [tilespmem:v5+s19+$0x0], $0xffff  }
0x118: {  	v23 =	vld.idx.msk [tilespmem:v6+s3+$0x0], $0xffff  }
0x119: {  	v24 =	vld.idx.msk [tilespmem:v6+s17+$0x0], $0xffff  }
0x11a: {  	v25 =	vld.idx.msk [tilespmem:v6+s18+$0x0], $0xffff  }
0x11b: {  	v6 =	vld.idx.msk [tilespmem:v6+s19+$0x0], $0xffff  }
0x11c: {  	v26 =	vld.idx.msk [tilespmem:v2+s3+$0x0], $0xffff  }
0x11d: {  	v27 =	vld.idx.msk [tilespmem:v2+s17+$0x0], $0xffff  }
0x11e: {  	v28 =	vld.idx.msk [tilespmem:v2+s18+$0x0], $0xffff  }
0x11f: {  	v29 =	vld.idx.msk [tilespmem:v2+s19+$0x0], $0xffff  }
0x120: {  	v30 =	vld.idx.msk [tilespmem:v1+s3+$0x0], $0xffff  }
0x121: {  	v31 =	vld.idx.msk [tilespmem:v1+s17+$0x0], $0xffff  }
0x122: {  	v32 =	vld.idx.msk [tilespmem:v1+s18+$0x0], $0xffff  }
0x123: {  	v33 =	vld.idx.msk [tilespmem:v1+s19+$0x0], $0xffff  }
0x124: {  	v34 =	vld.idx.msk [tilespmem:v11+s3+$0x0], $0xffff  }
0x125: {  	v35 =	vld.idx.msk [tilespmem:v11+s17+$0x0], $0xffff  }
0x126: {  	v2 =	vld.idx.msk [tilespmem:v11+s18+$0x0], $0xffff  }
0x127: {  	v1 =	vld.idx.msk [tilespmem:v11+s19+$0x0], $0xffff  }
0x128: {  	[tilespmem:v17+s24+$0x0] =	vst.idx.add.f32.msk $0xffff, v3  }
0x129: {  	[tilespmem:v17+s25+$0x0] =	vst.idx.add.f32.msk $0xffff, v8  }
0x12a: {  	[tilespmem:v17+s26+$0x0] =	vst.idx.add.f32.msk $0xffff, v9  }
0x12b: {  	[tilespmem:v17+s28+$0x0] =	vst.idx.add.f32.msk $0xffff, v12  }
0x12c: {  	[tilespmem:v10+s24+$0x0] =	vst.idx.add.f32.msk $0xffff, v19  }
0x12d: {  	[tilespmem:v10+s25+$0x0] =	vst.idx.add.f32.msk $0xffff, v20  }
0x12e: {  	[tilespmem:v10+s26+$0x0] =	vst.idx.add.f32.msk $0xffff, v16  }
0x12f: {  	[tilespmem:v10+s28+$0x0] =	vst.idx.add.f32.msk $0xffff, v4  }
0x130: {  	[tilespmem:v13+s24+$0x0] =	vst.idx.add.f32.msk $0xffff, v18  }
0x131: {  	[tilespmem:v13+s25+$0x0] =	vst.idx.add.f32.msk $0xffff, v21  }
0x132: {  	[tilespmem:v13+s26+$0x0] =	vst.idx.add.f32.msk $0xffff, v22  }
0x133: {  	[tilespmem:v13+s28+$0x0] =	vst.idx.add.f32.msk $0xffff, v5  }
0x134: {  	[tilespmem:v14+s24+$0x0] =	vst.idx.add.f32.msk $0xffff, v23  }
0x135: {  	[tilespmem:v14+s25+$0x0] =	vst.idx.add.f32.msk $0xffff, v24  }
0x136: {  	[tilespmem:v14+s26+$0x0] =	vst.idx.add.f32.msk $0xffff, v25  }
0x137: {  	[tilespmem:v14+s28+$0x0] =	vst.idx.add.f32.msk $0xffff, v6  }
0x138: {  	[tilespmem:v15+s24+$0x0] =	vst.idx.add.f32.msk $0xffff, v26  }
0x139: {  	[tilespmem:v15+s25+$0x0] =	vst.idx.add.f32.msk $0xffff, v27  }
0x13a: {  	[tilespmem:v15+s26+$0x0] =	vst.idx.add.f32.msk $0xffff, v28  }
0x13b: {  	[tilespmem:v15+s28+$0x0] =	vst.idx.add.f32.msk $0xffff, v29  }
0x13c: {  	[tilespmem:v7+s24+$0x0] =	vst.idx.add.f32.msk $0xffff, v30  }
.Ltmp6:
0x13d: {  	[tilespmem:v7+s25+$0x0] =	vst.idx.add.f32.msk $0xffff, v31;
	(pc) =	sbr.rel @p1 .LBB2_11-.Ltmp6, $4  }
0x13e: {  	[tilespmem:v7+s26+$0x0] =	vst.idx.add.f32.msk $0xffff, v32  }
0x13f: {  	[tilespmem:v7+s28+$0x0] =	vst.idx.add.f32.msk $0xffff, v33  }
0x140: {  	[tilespmem:v0+s24+$0x0] =	vst.idx.add.f32.msk $0xffff, v34  }
0x141: {  	s6 =	sadd.s32 $0x100, s6;
	[tilespmem:v0+s25+$0x0] =	vst.idx.add.f32.msk $0xffff, v35  }
0x142: {  	p1 =	seq.s32 s20, $0x9  }
.Ltmp7:
0x143: {  	_ = 	snop;
	(pc) =	sbr.rel @p1 .LBB2_16-.Ltmp7, $3  }
0x144: {  	_ =	sdelay $0x1  }
0x145: {  	[tilespmem:v0+s26+$0x0] =	vst.idx.add.f32.msk $0xffff, v2  }
0x146: {  	[tilespmem:v0+s28+$0x0] =	vst.idx.add.f32.msk $0xffff, v1  }
0x147: {  	s5 =	sadd.s32 $0x1100, s21;
	s6 =	simm.s32 $0x16800  }
0x148: {  	s7 =	simm.s32 $0x10;
	s8 =	simm.s32 $0x16900;
	s9 =	sadd.s32 $0x0, s5  }
.LBB2_14:
0x149: {  	[tilespmem:s6], [sflag:$0x1] =	stream.linear.gather [hbm4b:s9+s3], $0x80, $0x38;
	[tilespmem:$0x1F080] =	vst v63  }
0x14a: {  	s9 =	smov.u32 s7;
	s6 =	smov.u32 s8;
	p1 =	sne.s32 s7, $0x870  }
.Ltmp8:
0x14b: {  	s7 =	sadd.s32 $0x10, s7;
	(pc) =	sbr.rel @p1 .LBB2_14-.Ltmp8, $2  }
0x14c: {  	_ =	sdelay $0x2  }
0x14d: {  	s8 =	sadd.s32 $0x100, s8;
	s9 =	sadd.s32 s9, s5  }
0x14e: {  	[tilespmem:s6], [sflag:$0x1] =	stream.linear.gather [hbm4b:s9+s3], $0x80, $0x38;
	[tilespmem:$0x1F080] =	vst v63  }
.LBB2_16:
0x14f: {  	_ =	swait.ge [sflag:s29], $0x4400  }
0x150: {  	[sflag:s29] =	ssyncset.done $0x0  }
0x151: {  	s5 =	simm.s32 $0x168F0;
	[sflag:s29] =	ssyncadd.s32 $0xFFFFBC00  }
0x152: {  	v0 =	vld [tilespmem:s5+$0x0];
	_ =	sdelay $0x2  }
0x153: {  	v1 =	vld [tilespmem:s5+$0xFFFFFFA0]  }
0x154: {  	v3 =	vld [tilespmem:s5+$0xFFFFFFB0]  }
0x155: {  	v4 =	vld [tilespmem:s5+$0xFFFFFFC0];
	v2 =	vand.u32 $0xFFFF, v0  }
0x156: {  	v9 =	vld [tilespmem:s5+$0xFFFFFF90]  }
0x157: {  	v5 =	vld [tilespmem:s5+$0xFFFFFFD0]  }
0x158: {  	v6 =	vld [tilespmem:s5+$0xFFFFFFE0]  }
0x159: {  	v7 =	vld [tilespmem:s5+$0xFFFFFFF0];
	v8 =	vand.u32 $0xFFFF, v1  }
0x15a: {  	v10 =	vld.idx.msk [tilespmem:v2+s3+$0x0], $0xffff  }
0x15b: {  	v14 =	vand.u32 $0xFFFF, v9;
	v11 =	vld.idx.msk [tilespmem:v2+s17+$0x0], $0xffff  }
0x15c: {  	v12 =	vld.idx.msk [tilespmem:v2+s18+$0x0], $0xffff  }
0x15d: {  	v2 =	vld.idx.msk [tilespmem:v2+s19+$0x0], $0xffff  }
0x15e: {  	v13 =	vld.idx.msk [tilespmem:v8+s3+$0x0], $0xffff  }
0x15f: {  	v15 =	vld.idx.msk [tilespmem:v8+s17+$0x0], $0xffff  }
0x160: {  	v16 =	vand.u32 $0xFFFF, v4;
	v58 =	vld.idx.msk [tilespmem:v14+s17+$0x0], $0xffff  }
0x161: {  	v59 =	vld.idx.msk [tilespmem:v14+s18+$0x0], $0xffff  }
0x162: {  	v60 =	vld.idx.msk [tilespmem:v14+s19+$0x0], $0xffff  }
0x163: {  	v61 =	vld.idx.msk [tilespmem:v8+s18+$0x0], $0xffff  }
0x164: {  	v20 =	vand.u32 $0xFFFF, v5;
	v8 =	vld.idx.msk [tilespmem:v8+s19+$0x0], $0xffff  }
0x165: {  	v22 =	vld.idx.msk [tilespmem:v16+s3+$0x0], $0xffff  }
0x166: {  	v23 =	vld.idx.msk [tilespmem:v16+s17+$0x0], $0xffff  }
0x167: {  	v24 =	vld.idx.msk [tilespmem:v16+s18+$0x0], $0xffff  }
0x168: {  	v28 =	vand.u32 $0xFFFF, v7;
	v16 =	vld.idx.msk [tilespmem:v16+s19+$0x0], $0xffff  }
0x169: {  	v25 =	vld.idx.msk [tilespmem:v20+s3+$0x0], $0xffff  }
0x16a: {  	v26 =	vld.idx.msk [tilespmem:v20+s17+$0x0], $0xffff  }
0x16b: {  	v0 =	vshrl.u32 v0, $0x10;
	v27 =	vld.idx.msk [tilespmem:v20+s18+$0x0], $0xffff  }
0x16c: {  	v35 =	vshrl.u32 v1, $0x10;
	v20 =	vld.idx.msk [tilespmem:v20+s19+$0x0], $0xffff  }
0x16d: {  	v62 =	vshrl.u32 v5, $0x10;
	v33 =	vld.idx.msk [tilespmem:v28+s3+$0x0], $0xffff  }
0x16e: {  	v34 =	vld.idx.msk [tilespmem:v28+s17+$0x0], $0xffff  }
0x16f: {  	v1 =	vld.idx.msk [tilespmem:v28+s19+$0x0], $0xffff  }
0x170: {  	[tilespmem:v0+s24+$0x0] =	vst.idx.add.f32.msk $0xffff, v10  }
0x171: {  	[tilespmem:v35+s24+$0x0] =	vst.idx.add.f32.msk $0xffff, v13  }
0x172: {  	[tilespmem:v62+s24+$0x0] =	vst.idx.add.f32.msk $0xffff, v25  }
0x173: {  	[tilespmem:v0+s25+$0x0] =	vst.idx.add.f32.msk $0xffff, v11  }
0x174: {  	[tilespmem:v35+s25+$0x0] =	vst.idx.add.f32.msk $0xffff, v15  }
0x175: {  	[tilespmem:v62+s25+$0x0] =	vst.idx.add.f32.msk $0xffff, v26  }
0x176: {  	[tilespmem:v0+s26+$0x0] =	vst.idx.add.f32.msk $0xffff, v12  }
0x177: {  	[tilespmem:v35+s26+$0x0] =	vst.idx.add.f32.msk $0xffff, v61  }
0x178: {  	[tilespmem:v0+s28+$0x0] =	vst.idx.add.f32.msk $0xffff, v2;
	v2 =	vand.u32 $0xFFFF, v3  }
0x179: {  	[tilespmem:v62+s26+$0x0] =	vst.idx.add.f32.msk $0xffff, v27  }
0x17a: {  	v0 =	vld.idx.msk [tilespmem:v14+s3+$0x0], $0xffff  }
0x17b: {  	[tilespmem:v35+s28+$0x0] =	vst.idx.add.f32.msk $0xffff, v8  }
0x17c: {  	v9 =	vshrl.u32 v9, $0x10;
	[tilespmem:v62+s28+$0x0] =	vst.idx.add.f32.msk $0xffff, v20  }
0x17d: {  	v17 =	vld.idx.msk [tilespmem:v2+s3+$0x0], $0xffff  }
0x17e: {  	v18 =	vld.idx.msk [tilespmem:v2+s17+$0x0], $0xffff  }
0x17f: {  	v19 =	vld.idx.msk [tilespmem:v2+s18+$0x0], $0xffff  }
0x180: {  	v21 =	vld.idx.msk [tilespmem:v2+s19+$0x0], $0xffff;
	v2 =	vand.u32 $0xFFFF, v6  }
0x181: {  	[tilespmem:v9+s24+$0x0] =	vst.idx.add.f32.msk $0xffff, v0  }
0x182: {  	[tilespmem:v9+s25+$0x0] =	vst.idx.add.f32.msk $0xffff, v58  }
0x183: {  	[tilespmem:v9+s26+$0x0] =	vst.idx.add.f32.msk $0xffff, v59  }
0x184: {  	[tilespmem:v9+s28+$0x0] =	vst.idx.add.f32.msk $0xffff, v60  }
0x185: {  	v0 =	vshrl.u32 v3, $0x10;
	v29 =	vld.idx.msk [tilespmem:v2+s3+$0x0], $0xffff  }
0x186: {  	v3 =	vshrl.u32 v4, $0x10;
	v30 =	vld.idx.msk [tilespmem:v2+s17+$0x0], $0xffff  }
0x187: {  	v31 =	vld.idx.msk [tilespmem:v2+s18+$0x0], $0xffff  }
0x188: {  	v32 =	vld.idx.msk [tilespmem:v2+s19+$0x0], $0xffff  }
0x189: {  	v2 =	vld.idx.msk [tilespmem:v28+s18+$0x0], $0xffff  }
0x18a: {  	[tilespmem:v0+s24+$0x0] =	vst.idx.add.f32.msk $0xffff, v17  }
0x18b: {  	[tilespmem:v3+s24+$0x0] =	vst.idx.add.f32.msk $0xffff, v22  }
0x18c: {  	[tilespmem:v0+s25+$0x0] =	vst.idx.add.f32.msk $0xffff, v18  }
0x18d: {  	v63 =	vshrl.u32 v6, $0x10;
	[tilespmem:v3+s25+$0x0] =	vst.idx.add.f32.msk $0xffff, v23  }
0x18e: {  	[tilespmem:v0+s26+$0x0] =	vst.idx.add.f32.msk $0xffff, v19  }
0x18f: {  	[tilespmem:v3+s26+$0x0] =	vst.idx.add.f32.msk $0xffff, v24  }
0x190: {  	[tilespmem:v0+s28+$0x0] =	vst.idx.add.f32.msk $0xffff, v21  }
0x191: {  	[tilespmem:v3+s28+$0x0] =	vst.idx.add.f32.msk $0xffff, v16;
	v0 =	vshrl.u32 v7, $0x10  }
0x192: {  	[tilespmem:v63+s24+$0x0] =	vst.idx.add.f32.msk $0xffff, v29  }
0x193: {  	[tilespmem:v63+s25+$0x0] =	vst.idx.add.f32.msk $0xffff, v30  }
0x194: {  	[tilespmem:v63+s26+$0x0] =	vst.idx.add.f32.msk $0xffff, v31  }
0x195: {  	[tilespmem:v63+s28+$0x0] =	vst.idx.add.f32.msk $0xffff, v32  }
0x196: {  	[tilespmem:v0+s24+$0x0] =	vst.idx.add.f32.msk $0xffff, v33  }
0x197: {  	s6 =	simm.s32 $0x169F0;
	s5 =	simm.s32 $0x0;
	[tilespmem:v0+s25+$0x0] =	vst.idx.add.f32.msk $0xffff, v34  }
.LBB2_17:
0x198: {  	v3 =	vld [tilespmem:s6+$0x0]  }
0x199: {  	v4 =	vld [tilespmem:s6+$0xFFFFFFA0]  }
0x19a: {  	v5 =	vld [tilespmem:s6+$0xFFFFFFB0]  }
0x19b: {  	s5 =	sadd.s32 $0x80, s5;
	v6 =	vld [tilespmem:s6+$0xFFFFFFC0]  }
0x19c: {  	p1 =	slt.u32 s5, $0x4380;
	v7 =	vld [tilespmem:s6+$0xFFFFFFD0]  }
0x19d: {  	v8 =	vld [tilespmem:s6+$0xFFFFFFE0];
	v9 =	vand.u32 $0xFFFF, v3  }
0x19e: {  	v10 =	vshrl.u32 v4, $0x10;
	v4 =	vand.u32 $0xFFFF, v4;
	v11 =	vld [tilespmem:s6+$0xFFFFFFF0]  }
0x19f: {  	v12 =	vld [tilespmem:s6+$0xFFFFFF90];
	v13 =	vshrl.u32 v5, $0x10;
	v5 =	vand.u32 $0xFFFF, v5  }
0x1a0: {  	v14 =	vshrl.u32 v6, $0x10;
	v6 =	vand.u32 $0xFFFF, v6;
	[tilespmem:v0+s26+$0x0] =	vst.idx.add.f32.msk $0xffff, v2  }
0x1a1: {  	v15 =	vshrl.u32 v7, $0x10;
	v2 =	vand.u32 $0xFFFF, v7;
	[tilespmem:v0+s28+$0x0] =	vst.idx.add.f32.msk $0xffff, v1  }
0x1a2: {  	v7 =	vshrl.u32 v8, $0x10;
	v1 =	vand.u32 $0xFFFF, v8;
	v8 =	vld.idx.msk [tilespmem:v9+s3+$0x0], $0xffff  }
0x1a3: {  	v3 =	vshrl.u32 v3, $0x10;
	v0 =	vshrl.u32 v11, $0x10;
	v11 =	vand.u32 $0xFFFF, v11;
	v16 =	vld.idx.msk [tilespmem:v9+s17+$0x0], $0xffff  }
0x1a4: {  	v17 =	vshrl.u32 v12, $0x10;
	v12 =	vand.u32 $0xFFFF, v12;
	v18 =	vld.idx.msk [tilespmem:v9+s18+$0x0], $0xffff  }
0x1a5: {  	v9 =	vld.idx.msk [tilespmem:v9+s19+$0x0], $0xffff  }
0x1a6: {  	v19 =	vld.idx.msk [tilespmem:v4+s3+$0x0], $0xffff  }
0x1a7: {  	v20 =	vld.idx.msk [tilespmem:v4+s17+$0x0], $0xffff  }
0x1a8: {  	[tilespmem:v3+s24+$0x0] =	vst.idx.add.f32.msk $0xffff, v8  }
0x1a9: {  	[tilespmem:v3+s25+$0x0] =	vst.idx.add.f32.msk $0xffff, v16  }
0x1aa: {  	[tilespmem:v3+s26+$0x0] =	vst.idx.add.f32.msk $0xffff, v18  }
0x1ab: {  	[tilespmem:v3+s28+$0x0] =	vst.idx.add.f32.msk $0xffff, v9  }
0x1ac: {  	v3 =	vld.idx.msk [tilespmem:v12+s3+$0x0], $0xffff  }
0x1ad: {  	v8 =	vld.idx.msk [tilespmem:v12+s17+$0x0], $0xffff  }
0x1ae: {  	v9 =	vld.idx.msk [tilespmem:v12+s18+$0x0], $0xffff  }
0x1af: {  	v12 =	vld.idx.msk [tilespmem:v12+s19+$0x0], $0xffff  }
0x1b0: {  	v16 =	vld.idx.msk [tilespmem:v4+s18+$0x0], $0xffff  }
0x1b1: {  	v4 =	vld.idx.msk [tilespmem:v4+s19+$0x0], $0xffff  }
0x1b2: {  	v18 =	vld.idx.msk [tilespmem:v5+s3+$0x0], $0xffff  }
0x1b3: {  	v21 =	vld.idx.msk [tilespmem:v5+s17+$0x0], $0xffff  }
0x1b4: {  	v22 =	vld.idx.msk [tilespmem:v5+s18+$0x0], $0xffff  }
0x1b5: {  	v5 =	vld.idx.msk [tilespmem:v5+s19+$0x0], $0xffff  }
0x1b6: {  	v23 =	vld.idx.msk [tilespmem:v6+s3+$0x0], $0xffff  }
0x1b7: {  	v24 =	vld.idx.msk [tilespmem:v6+s17+$0x0], $0xffff  }
0x1b8: {  	v25 =	vld.idx.msk [tilespmem:v6+s18+$0x0], $0xffff  }
0x1b9: {  	v6 =	vld.idx.msk [tilespmem:v6+s19+$0x0], $0xffff  }
0x1ba: {  	v26 =	vld.idx.msk [tilespmem:v2+s3+$0x0], $0xffff  }
0x1bb: {  	v27 =	vld.idx.msk [tilespmem:v2+s17+$0x0], $0xffff  }
0x1bc: {  	v28 =	vld.idx.msk [tilespmem:v2+s18+$0x0], $0xffff  }
0x1bd: {  	v29 =	vld.idx.msk [tilespmem:v2+s19+$0x0], $0xffff  }
0x1be: {  	v30 =	vld.idx.msk [tilespmem:v1+s3+$0x0], $0xffff  }
0x1bf: {  	v31 =	vld.idx.msk [tilespmem:v1+s17+$0x0], $0xffff  }
0x1c0: {  	v32 =	vld.idx.msk [tilespmem:v1+s18+$0x0], $0xffff  }
0x1c1: {  	v33 =	vld.idx.msk [tilespmem:v1+s19+$0x0], $0xffff  }
0x1c2: {  	v34 =	vld.idx.msk [tilespmem:v11+s3+$0x0], $0xffff  }
0x1c3: {  	v35 =	vld.idx.msk [tilespmem:v11+s17+$0x0], $0xffff  }
0x1c4: {  	v2 =	vld.idx.msk [tilespmem:v11+s18+$0x0], $0xffff  }
0x1c5: {  	v1 =	vld.idx.msk [tilespmem:v11+s19+$0x0], $0xffff  }
0x1c6: {  	[tilespmem:v17+s24+$0x0] =	vst.idx.add.f32.msk $0xffff, v3  }
0x1c7: {  	[tilespmem:v17+s25+$0x0] =	vst.idx.add.f32.msk $0xffff, v8  }
0x1c8: {  	[tilespmem:v17+s26+$0x0] =	vst.idx.add.f32.msk $0xffff, v9  }
0x1c9: {  	[tilespmem:v17+s28+$0x0] =	vst.idx.add.f32.msk $0xffff, v12  }
0x1ca: {  	[tilespmem:v10+s24+$0x0] =	vst.idx.add.f32.msk $0xffff, v19  }
0x1cb: {  	[tilespmem:v10+s25+$0x0] =	vst.idx.add.f32.msk $0xffff, v20  }
0x1cc: {  	[tilespmem:v10+s26+$0x0] =	vst.idx.add.f32.msk $0xffff, v16  }
0x1cd: {  	[tilespmem:v10+s28+$0x0] =	vst.idx.add.f32.msk $0xffff, v4  }
0x1ce: {  	[tilespmem:v13+s24+$0x0] =	vst.idx.add.f32.msk $0xffff, v18  }
0x1cf: {  	[tilespmem:v13+s25+$0x0] =	vst.idx.add.f32.msk $0xffff, v21  }
0x1d0: {  	[tilespmem:v13+s26+$0x0] =	vst.idx.add.f32.msk $0xffff, v22  }
0x1d1: {  	[tilespmem:v13+s28+$0x0] =	vst.idx.add.f32.msk $0xffff, v5  }
0x1d2: {  	[tilespmem:v14+s24+$0x0] =	vst.idx.add.f32.msk $0xffff, v23  }
0x1d3: {  	[tilespmem:v14+s25+$0x0] =	vst.idx.add.f32.msk $0xffff, v24  }
0x1d4: {  	[tilespmem:v14+s26+$0x0] =	vst.idx.add.f32.msk $0xffff, v25  }
0x1d5: {  	[tilespmem:v14+s28+$0x0] =	vst.idx.add.f32.msk $0xffff, v6  }
0x1d6: {  	[tilespmem:v15+s24+$0x0] =	vst.idx.add.f32.msk $0xffff, v26  }
0x1d7: {  	[tilespmem:v15+s25+$0x0] =	vst.idx.add.f32.msk $0xffff, v27  }
0x1d8: {  	[tilespmem:v15+s26+$0x0] =	vst.idx.add.f32.msk $0xffff, v28  }
0x1d9: {  	[tilespmem:v15+s28+$0x0] =	vst.idx.add.f32.msk $0xffff, v29  }
0x1da: {  	[tilespmem:v7+s24+$0x0] =	vst.idx.add.f32.msk $0xffff, v30  }
.Ltmp9:
0x1db: {  	[tilespmem:v7+s25+$0x0] =	vst.idx.add.f32.msk $0xffff, v31;
	(pc) =	sbr.rel @p1 .LBB2_17-.Ltmp9, $4  }
0x1dc: {  	[tilespmem:v7+s26+$0x0] =	vst.idx.add.f32.msk $0xffff, v32  }
0x1dd: {  	[tilespmem:v7+s28+$0x0] =	vst.idx.add.f32.msk $0xffff, v33  }
0x1de: {  	[tilespmem:v0+s24+$0x0] =	vst.idx.add.f32.msk $0xffff, v34  }
0x1df: {  	s6 =	sadd.s32 $0x100, s6;
	[tilespmem:v0+s25+$0x0] =	vst.idx.add.f32.msk $0xffff, v35  }
0x1e0: {  	s20 =	sadd.s32 $0x1, s20  }
0x1e1: {  	p1 =	seq.s32 s20, $0xA  }
.Ltmp10:
0x1e2: {  	_ = 	snop;
	(pc) =	sbr.rel @!p1 .LBB2_8-.Ltmp10, $3  }
0x1e3: {  	_ =	sdelay $0x1  }
0x1e4: {  	[tilespmem:v0+s26+$0x0] =	vst.idx.add.f32.msk $0xffff, v2  }
0x1e5: {  	[tilespmem:v0+s28+$0x0] =	vst.idx.add.f32.msk $0xffff, v1  }
.Ltmp11:
0x1e6: {  	(pc) =	sbr.rel @p0 .LBB2_26-.Ltmp11, $1  }
0x1e7: {  	_ =	sdelay $0x3  }
0x1e8: {  	s20 =	simm.s32 $0x0  }
.LBB2_21:
0x1e9: {  	s5 =	smul.u32 $0x4400, s20;
	_ =	sdelay $0x1  }
0x1ea: {  	s5 =	sadd.s32 $0x55000, s5  }
0x1eb: {  	s5 =	sshrl.u32 s5, $0x3  }
0x1ec: {  	s6 =	simm.s32 $0x16800;
	s5 =	sadd.s32 s4, s5  }
0x1ed: {  	s7 =	simm.s32 $0x10;
	s8 =	simm.s32 $0x16900;
	s9 =	sadd.s32 $0x0, s5  }
.LBB2_22:
0x1ee: {  	[tilespmem:s6], [sflag:$0x4] =	stream.linear.gather [hbm4b:s9+s3], $0x80, $0x38;
	[tilespmem:$0x1F080] =	vst v63  }
0x1ef: {  	s9 =	smov.u32 s7;
	s6 =	smov.u32 s8;
	p1 =	sne.s32 s7, $0x870  }
.Ltmp12:
0x1f0: {  	s7 =	sadd.s32 $0x10, s7;
	(pc) =	sbr.rel @p1 .LBB2_22-.Ltmp12, $2  }
0x1f1: {  	_ =	sdelay $0x2  }
0x1f2: {  	s8 =	sadd.s32 $0x100, s8;
	s9 =	sadd.s32 s9, s5  }
0x1f3: {  	[tilespmem:s6], [sflag:$0x4] =	stream.linear.gather [hbm4b:s9+s3], $0x80, $0x38;
	[tilespmem:$0x1F080] =	vst v63  }
0x1f4: {  	_ =	swait.ge [sflag:s30], $0x4400  }
0x1f5: {  	[sflag:s30] =	ssyncset.done $0x0  }
0x1f6: {  	s5 =	simm.s32 $0x16840;
	[sflag:s30] =	ssyncadd.s32 $0xFFFFBC00  }
0x1f7: {  	v0 =	vld [tilespmem:s5+$0x30];
	_ =	sdelay $0x2  }
0x1f8: {  	v1 =	vld [tilespmem:s5+$0xFFFFFFD0]  }
0x1f9: {  	v3 =	vld [tilespmem:s5+$0xFFFFFFE0]  }
0x1fa: {  	v4 =	vld [tilespmem:s5+$0xFFFFFFF0];
	v2 =	vand.u32 $0xFFFF, v0  }
0x1fb: {  	v9 =	vld [tilespmem:s5+$0xFFFFFFC0]  }
0x1fc: {  	v5 =	vld [tilespmem:s5+$0x0]  }
0x1fd: {  	v6 =	vld [tilespmem:s5+$0x10]  }
0x1fe: {  	v7 =	vld [tilespmem:s5+$0x20];
	v8 =	vand.u32 $0xFFFF, v1  }
0x1ff: {  	v10 =	vld.idx.msk [tilespmem:v2+s3+$0x0], $0xffff  }
0x200: {  	v14 =	vand.u32 $0xFFFF, v9;
	v11 =	vld.idx.msk [tilespmem:v2+s17+$0x0], $0xffff  }
0x201: {  	v12 =	vld.idx.msk [tilespmem:v2+s18+$0x0], $0xffff  }
0x202: {  	v2 =	vld.idx.msk [tilespmem:v2+s19+$0x0], $0xffff  }
0x203: {  	v13 =	vld.idx.msk [tilespmem:v8+s3+$0x0], $0xffff  }
0x204: {  	v15 =	vld.idx.msk [tilespmem:v8+s17+$0x0], $0xffff  }
0x205: {  	v16 =	vand.u32 $0xFFFF, v4;
	v58 =	vld.idx.msk [tilespmem:v14+s17+$0x0], $0xffff  }
0x206: {  	v59 =	vld.idx.msk [tilespmem:v14+s18+$0x0], $0xffff  }
0x207: {  	v60 =	vld.idx.msk [tilespmem:v14+s19+$0x0], $0xffff  }
0x208: {  	v61 =	vld.idx.msk [tilespmem:v8+s18+$0x0], $0xffff  }
0x209: {  	v20 =	vand.u32 $0xFFFF, v5;
	v8 =	vld.idx.msk [tilespmem:v8+s19+$0x0], $0xffff  }
0x20a: {  	v22 =	vld.idx.msk [tilespmem:v16+s3+$0x0], $0xffff  }
0x20b: {  	v23 =	vld.idx.msk [tilespmem:v16+s17+$0x0], $0xffff  }
0x20c: {  	v24 =	vld.idx.msk [tilespmem:v16+s18+$0x0], $0xffff  }
0x20d: {  	v28 =	vand.u32 $0xFFFF, v7;
	v16 =	vld.idx.msk [tilespmem:v16+s19+$0x0], $0xffff  }
0x20e: {  	v25 =	vld.idx.msk [tilespmem:v20+s3+$0x0], $0xffff  }
0x20f: {  	v26 =	vld.idx.msk [tilespmem:v20+s17+$0x0], $0xffff  }
0x210: {  	v0 =	vshrl.u32 v0, $0x10;
	v27 =	vld.idx.msk [tilespmem:v20+s18+$0x0], $0xffff  }
0x211: {  	v35 =	vshrl.u32 v1, $0x10;
	v20 =	vld.idx.msk [tilespmem:v20+s19+$0x0], $0xffff  }
0x212: {  	v62 =	vshrl.u32 v5, $0x10;
	v33 =	vld.idx.msk [tilespmem:v28+s3+$0x0], $0xffff  }
0x213: {  	v34 =	vld.idx.msk [tilespmem:v28+s17+$0x0], $0xffff  }
0x214: {  	v1 =	vld.idx.msk [tilespmem:v28+s19+$0x0], $0xffff  }
0x215: {  	[tilespmem:v0+s24+$0x0] =	vst.idx.add.f32.msk $0xffff, v10  }
0x216: {  	[tilespmem:v35+s24+$0x0] =	vst.idx.add.f32.msk $0xffff, v13  }
0x217: {  	[tilespmem:v62+s24+$0x0] =	vst.idx.add.f32.msk $0xffff, v25  }
0x218: {  	[tilespmem:v0+s25+$0x0] =	vst.idx.add.f32.msk $0xffff, v11  }
0x219: {  	[tilespmem:v35+s25+$0x0] =	vst.idx.add.f32.msk $0xffff, v15  }
0x21a: {  	[tilespmem:v62+s25+$0x0] =	vst.idx.add.f32.msk $0xffff, v26  }
0x21b: {  	[tilespmem:v0+s26+$0x0] =	vst.idx.add.f32.msk $0xffff, v12  }
0x21c: {  	[tilespmem:v35+s26+$0x0] =	vst.idx.add.f32.msk $0xffff, v61  }
0x21d: {  	[tilespmem:v0+s28+$0x0] =	vst.idx.add.f32.msk $0xffff, v2;
	v2 =	vand.u32 $0xFFFF, v3  }
0x21e: {  	[tilespmem:v62+s26+$0x0] =	vst.idx.add.f32.msk $0xffff, v27  }
0x21f: {  	v0 =	vld.idx.msk [tilespmem:v14+s3+$0x0], $0xffff  }
0x220: {  	[tilespmem:v35+s28+$0x0] =	vst.idx.add.f32.msk $0xffff, v8  }
0x221: {  	v9 =	vshrl.u32 v9, $0x10;
	[tilespmem:v62+s28+$0x0] =	vst.idx.add.f32.msk $0xffff, v20  }
0x222: {  	v17 =	vld.idx.msk [tilespmem:v2+s3+$0x0], $0xffff  }
0x223: {  	v18 =	vld.idx.msk [tilespmem:v2+s17+$0x0], $0xffff  }
0x224: {  	v19 =	vld.idx.msk [tilespmem:v2+s18+$0x0], $0xffff  }
0x225: {  	v21 =	vld.idx.msk [tilespmem:v2+s19+$0x0], $0xffff;
	v2 =	vand.u32 $0xFFFF, v6  }
0x226: {  	[tilespmem:v9+s24+$0x0] =	vst.idx.add.f32.msk $0xffff, v0  }
0x227: {  	[tilespmem:v9+s25+$0x0] =	vst.idx.add.f32.msk $0xffff, v58  }
0x228: {  	[tilespmem:v9+s26+$0x0] =	vst.idx.add.f32.msk $0xffff, v59  }
0x229: {  	[tilespmem:v9+s28+$0x0] =	vst.idx.add.f32.msk $0xffff, v60  }
0x22a: {  	v0 =	vshrl.u32 v3, $0x10;
	v29 =	vld.idx.msk [tilespmem:v2+s3+$0x0], $0xffff  }
0x22b: {  	v3 =	vshrl.u32 v4, $0x10;
	v30 =	vld.idx.msk [tilespmem:v2+s17+$0x0], $0xffff  }
0x22c: {  	v31 =	vld.idx.msk [tilespmem:v2+s18+$0x0], $0xffff  }
0x22d: {  	v32 =	vld.idx.msk [tilespmem:v2+s19+$0x0], $0xffff  }
0x22e: {  	v2 =	vld.idx.msk [tilespmem:v28+s18+$0x0], $0xffff  }
0x22f: {  	[tilespmem:v0+s24+$0x0] =	vst.idx.add.f32.msk $0xffff, v17  }
0x230: {  	[tilespmem:v3+s24+$0x0] =	vst.idx.add.f32.msk $0xffff, v22  }
0x231: {  	[tilespmem:v0+s25+$0x0] =	vst.idx.add.f32.msk $0xffff, v18  }
0x232: {  	v63 =	vshrl.u32 v6, $0x10;
	[tilespmem:v3+s25+$0x0] =	vst.idx.add.f32.msk $0xffff, v23  }
0x233: {  	[tilespmem:v0+s26+$0x0] =	vst.idx.add.f32.msk $0xffff, v19  }
0x234: {  	[tilespmem:v3+s26+$0x0] =	vst.idx.add.f32.msk $0xffff, v24  }
0x235: {  	[tilespmem:v0+s28+$0x0] =	vst.idx.add.f32.msk $0xffff, v21  }
0x236: {  	[tilespmem:v3+s28+$0x0] =	vst.idx.add.f32.msk $0xffff, v16;
	v0 =	vshrl.u32 v7, $0x10  }
0x237: {  	[tilespmem:v63+s24+$0x0] =	vst.idx.add.f32.msk $0xffff, v29  }
0x238: {  	[tilespmem:v63+s25+$0x0] =	vst.idx.add.f32.msk $0xffff, v30  }
0x239: {  	[tilespmem:v63+s26+$0x0] =	vst.idx.add.f32.msk $0xffff, v31  }
0x23a: {  	[tilespmem:v63+s28+$0x0] =	vst.idx.add.f32.msk $0xffff, v32  }
0x23b: {  	[tilespmem:v0+s24+$0x0] =	vst.idx.add.f32.msk $0xffff, v33  }
0x23c: {  	s6 =	simm.s32 $0x16940;
	s5 =	simm.s32 $0x0;
	[tilespmem:v0+s25+$0x0] =	vst.idx.add.f32.msk $0xffff, v34  }
.LBB2_24:
0x23d: {  	v3 =	vld [tilespmem:s6+$0x30]  }
0x23e: {  	v4 =	vld [tilespmem:s6+$0xFFFFFFD0]  }
0x23f: {  	v5 =	vld [tilespmem:s6+$0xFFFFFFE0]  }
0x240: {  	s5 =	sadd.s32 $0x80, s5;
	v6 =	vld [tilespmem:s6+$0xFFFFFFF0]  }
0x241: {  	p1 =	slt.u32 s5, $0x4380;
	v7 =	vld [tilespmem:s6+$0x0]  }
0x242: {  	v8 =	vld [tilespmem:s6+$0x10];
	v9 =	vand.u32 $0xFFFF, v3  }
0x243: {  	v10 =	vshrl.u32 v4, $0x10;
	v4 =	vand.u32 $0xFFFF, v4;
	v11 =	vld [tilespmem:s6+$0x20]  }
0x244: {  	v12 =	vld [tilespmem:s6+$0xFFFFFFC0];
	v13 =	vshrl.u32 v5, $0x10;
	v5 =	vand.u32 $0xFFFF, v5  }
0x245: {  	v14 =	vshrl.u32 v6, $0x10;
	v6 =	vand.u32 $0xFFFF, v6;
	[tilespmem:v0+s26+$0x0] =	vst.idx.add.f32.msk $0xffff, v2  }
0x246: {  	v15 =	vshrl.u32 v7, $0x10;
	v2 =	vand.u32 $0xFFFF, v7;
	[tilespmem:v0+s28+$0x0] =	vst.idx.add.f32.msk $0xffff, v1  }
0x247: {  	v7 =	vshrl.u32 v8, $0x10;
	v1 =	vand.u32 $0xFFFF, v8;
	v8 =	vld.idx.msk [tilespmem:v9+s3+$0x0], $0xffff  }
0x248: {  	v3 =	vshrl.u32 v3, $0x10;
	v0 =	vshrl.u32 v11, $0x10;
	v11 =	vand.u32 $0xFFFF, v11;
	v16 =	vld.idx.msk [tilespmem:v9+s17+$0x0], $0xffff  }
0x249: {  	v17 =	vshrl.u32 v12, $0x10;
	v12 =	vand.u32 $0xFFFF, v12;
	v18 =	vld.idx.msk [tilespmem:v9+s18+$0x0], $0xffff  }
0x24a: {  	v9 =	vld.idx.msk [tilespmem:v9+s19+$0x0], $0xffff  }
0x24b: {  	v19 =	vld.idx.msk [tilespmem:v4+s3+$0x0], $0xffff  }
0x24c: {  	v20 =	vld.idx.msk [tilespmem:v4+s17+$0x0], $0xffff  }
0x24d: {  	[tilespmem:v3+s24+$0x0] =	vst.idx.add.f32.msk $0xffff, v8  }
0x24e: {  	[tilespmem:v3+s25+$0x0] =	vst.idx.add.f32.msk $0xffff, v16  }
0x24f: {  	[tilespmem:v3+s26+$0x0] =	vst.idx.add.f32.msk $0xffff, v18  }
0x250: {  	[tilespmem:v3+s28+$0x0] =	vst.idx.add.f32.msk $0xffff, v9  }
0x251: {  	v3 =	vld.idx.msk [tilespmem:v12+s3+$0x0], $0xffff  }
0x252: {  	v8 =	vld.idx.msk [tilespmem:v12+s17+$0x0], $0xffff  }
0x253: {  	v9 =	vld.idx.msk [tilespmem:v12+s18+$0x0], $0xffff  }
0x254: {  	v12 =	vld.idx.msk [tilespmem:v12+s19+$0x0], $0xffff  }
0x255: {  	v16 =	vld.idx.msk [tilespmem:v4+s18+$0x0], $0xffff  }
0x256: {  	v4 =	vld.idx.msk [tilespmem:v4+s19+$0x0], $0xffff  }
0x257: {  	v18 =	vld.idx.msk [tilespmem:v5+s3+$0x0], $0xffff  }
0x258: {  	v21 =	vld.idx.msk [tilespmem:v5+s17+$0x0], $0xffff  }
0x259: {  	v22 =	vld.idx.msk [tilespmem:v5+s18+$0x0], $0xffff  }
0x25a: {  	v5 =	vld.idx.msk [tilespmem:v5+s19+$0x0], $0xffff  }
0x25b: {  	v23 =	vld.idx.msk [tilespmem:v6+s3+$0x0], $0xffff  }
0x25c: {  	v24 =	vld.idx.msk [tilespmem:v6+s17+$0x0], $0xffff  }
0x25d: {  	v25 =	vld.idx.msk [tilespmem:v6+s18+$0x0], $0xffff  }
0x25e: {  	v6 =	vld.idx.msk [tilespmem:v6+s19+$0x0], $0xffff  }
0x25f: {  	v26 =	vld.idx.msk [tilespmem:v2+s3+$0x0], $0xffff  }
0x260: {  	v27 =	vld.idx.msk [tilespmem:v2+s17+$0x0], $0xffff  }
0x261: {  	v28 =	vld.idx.msk [tilespmem:v2+s18+$0x0], $0xffff  }
0x262: {  	v29 =	vld.idx.msk [tilespmem:v2+s19+$0x0], $0xffff  }
0x263: {  	v30 =	vld.idx.msk [tilespmem:v1+s3+$0x0], $0xffff  }
0x264: {  	v31 =	vld.idx.msk [tilespmem:v1+s17+$0x0], $0xffff  }
0x265: {  	v32 =	vld.idx.msk [tilespmem:v1+s18+$0x0], $0xffff  }
0x266: {  	v33 =	vld.idx.msk [tilespmem:v1+s19+$0x0], $0xffff  }
0x267: {  	v34 =	vld.idx.msk [tilespmem:v11+s3+$0x0], $0xffff  }
0x268: {  	v35 =	vld.idx.msk [tilespmem:v11+s17+$0x0], $0xffff  }
0x269: {  	v2 =	vld.idx.msk [tilespmem:v11+s18+$0x0], $0xffff  }
0x26a: {  	v1 =	vld.idx.msk [tilespmem:v11+s19+$0x0], $0xffff  }
0x26b: {  	[tilespmem:v17+s24+$0x0] =	vst.idx.add.f32.msk $0xffff, v3  }
0x26c: {  	[tilespmem:v17+s25+$0x0] =	vst.idx.add.f32.msk $0xffff, v8  }
0x26d: {  	[tilespmem:v17+s26+$0x0] =	vst.idx.add.f32.msk $0xffff, v9  }
0x26e: {  	[tilespmem:v17+s28+$0x0] =	vst.idx.add.f32.msk $0xffff, v12  }
0x26f: {  	[tilespmem:v10+s24+$0x0] =	vst.idx.add.f32.msk $0xffff, v19  }
0x270: {  	[tilespmem:v10+s25+$0x0] =	vst.idx.add.f32.msk $0xffff, v20  }
0x271: {  	[tilespmem:v10+s26+$0x0] =	vst.idx.add.f32.msk $0xffff, v16  }
0x272: {  	[tilespmem:v10+s28+$0x0] =	vst.idx.add.f32.msk $0xffff, v4  }
0x273: {  	[tilespmem:v13+s24+$0x0] =	vst.idx.add.f32.msk $0xffff, v18  }
0x274: {  	[tilespmem:v13+s25+$0x0] =	vst.idx.add.f32.msk $0xffff, v21  }
0x275: {  	[tilespmem:v13+s26+$0x0] =	vst.idx.add.f32.msk $0xffff, v22  }
0x276: {  	[tilespmem:v13+s28+$0x0] =	vst.idx.add.f32.msk $0xffff, v5  }
0x277: {  	[tilespmem:v14+s24+$0x0] =	vst.idx.add.f32.msk $0xffff, v23  }
0x278: {  	[tilespmem:v14+s25+$0x0] =	vst.idx.add.f32.msk $0xffff, v24  }
0x279: {  	[tilespmem:v14+s26+$0x0] =	vst.idx.add.f32.msk $0xffff, v25  }
0x27a: {  	[tilespmem:v14+s28+$0x0] =	vst.idx.add.f32.msk $0xffff, v6  }
0x27b: {  	[tilespmem:v15+s24+$0x0] =	vst.idx.add.f32.msk $0xffff, v26  }
0x27c: {  	[tilespmem:v15+s25+$0x0] =	vst.idx.add.f32.msk $0xffff, v27  }
0x27d: {  	[tilespmem:v15+s26+$0x0] =	vst.idx.add.f32.msk $0xffff, v28  }
0x27e: {  	[tilespmem:v15+s28+$0x0] =	vst.idx.add.f32.msk $0xffff, v29  }
0x27f: {  	[tilespmem:v7+s24+$0x0] =	vst.idx.add.f32.msk $0xffff, v30  }
.Ltmp13:
0x280: {  	[tilespmem:v7+s25+$0x0] =	vst.idx.add.f32.msk $0xffff, v31;
	(pc) =	sbr.rel @p1 .LBB2_24-.Ltmp13, $4  }
0x281: {  	[tilespmem:v7+s26+$0x0] =	vst.idx.add.f32.msk $0xffff, v32  }
0x282: {  	[tilespmem:v7+s28+$0x0] =	vst.idx.add.f32.msk $0xffff, v33  }
0x283: {  	[tilespmem:v0+s24+$0x0] =	vst.idx.add.f32.msk $0xffff, v34  }
0x284: {  	s6 =	sadd.s32 $0x100, s6;
	[tilespmem:v0+s25+$0x0] =	vst.idx.add.f32.msk $0xffff, v35  }
0x285: {  	s20 =	sadd.s32 $0x1, s20  }
0x286: {  	p1 =	sne.s32 s20, s0  }
.Ltmp14:
0x287: {  	_ = 	snop;
	(pc) =	sbr.rel @p1 .LBB2_21-.Ltmp14, $3  }
0x288: {  	_ =	sdelay $0x1  }
0x289: {  	[tilespmem:v0+s26+$0x0] =	vst.idx.add.f32.msk $0xffff, v2  }
0x28a: {  	[tilespmem:v0+s28+$0x0] =	vst.idx.add.f32.msk $0xffff, v1  }
.LBB2_26:
0x28b: {  	s5 =	simm.s32 $0x14020  }
0x28c: {  	s6 =	simm.s32 $0xA020;
	v0 =	vld [tilespmem:s5+$0xFFFFFFE0]  }
0x28d: {  	v1 =	vld [tilespmem:s6+$0xFFFFFFE0];
	_ =	sdelay $0x4  }
0x28e: {  	v1 =	vmul.f32 v1, v0  }
0x28f: {  	s7 =	simm.s32 $0x20  }
0x290: {  	s8 =	simm.s32 $0xC820;
	[tilespmem:s7+$0xFFFFFFE0] =	vst v1  }
0x291: {  	v1 =	vld [tilespmem:s8+$0xFFFFFFE0];
	_ =	sdelay $0x4  }
0x292: {  	v1 =	vmul.f32 v1, v0  }
0x293: {  	s9 =	simm.s32 $0x2820  }
0x294: {  	s10 =	simm.s32 $0xF020;
	[tilespmem:s9+$0xFFFFFFE0] =	vst v1  }
0x295: {  	v1 =	vld [tilespmem:s10+$0xFFFFFFE0];
	_ =	sdelay $0x4  }
0x296: {  	v1 =	vmul.f32 v1, v0  }
0x297: {  	s11 =	simm.s32 $0x5020  }
0x298: {  	s20 =	simm.s32 $0x11820;
	[tilespmem:s11+$0xFFFFFFE0] =	vst v1  }
0x299: {  	v1 =	vld [tilespmem:s20+$0xFFFFFFE0];
	_ =	sdelay $0x4  }
0x29a: {  	v0 =	vmul.f32 v1, v0  }
0x29b: {  	s21 =	simm.s32 $0x7820  }
0x29c: {  	[tilespmem:s21+$0xFFFFFFE0] =	vst v0  }
0x29d: {  	v0 =	vld [tilespmem:s5+$0xFFFFFFF0]  }
0x29e: {  	v1 =	vld [tilespmem:s6+$0xFFFFFFF0];
	_ =	sdelay $0x4  }
0x29f: {  	v1 =	vmul.f32 v1, v0;
	_ =	sdelay $0x1  }
0x2a0: {  	[tilespmem:s7+$0xFFFFFFF0] =	vst v1  }
0x2a1: {  	v1 =	vld [tilespmem:s8+$0xFFFFFFF0];
	_ =	sdelay $0x4  }
0x2a2: {  	v1 =	vmul.f32 v1, v0;
	_ =	sdelay $0x1  }
0x2a3: {  	[tilespmem:s9+$0xFFFFFFF0] =	vst v1  }
0x2a4: {  	v1 =	vld [tilespmem:s10+$0xFFFFFFF0];
	_ =	sdelay $0x4  }
0x2a5: {  	v1 =	vmul.f32 v1, v0;
	_ =	sdelay $0x1  }
0x2a6: {  	[tilespmem:s11+$0xFFFFFFF0] =	vst v1  }
0x2a7: {  	v1 =	vld [tilespmem:s20+$0xFFFFFFF0];
	_ =	sdelay $0x4  }
0x2a8: {  	v0 =	vmul.f32 v1, v0;
	_ =	sdelay $0x1  }
0x2a9: {  	[tilespmem:s21+$0xFFFFFFF0] =	vst v0  }
0x2aa: {  	v0 =	vld [tilespmem:s5+$0x0]  }
0x2ab: {  	v1 =	vld [tilespmem:s6+$0x0];
	_ =	sdelay $0x4  }
0x2ac: {  	v1 =	vmul.f32 v1, v0;
	_ =	sdelay $0x1  }
0x2ad: {  	[tilespmem:s7+$0x0] =	vst v1  }
0x2ae: {  	v1 =	vld [tilespmem:s8+$0x0];
	_ =	sdelay $0x4  }
0x2af: {  	v1 =	vmul.f32 v1, v0;
	_ =	sdelay $0x1  }
0x2b0: {  	[tilespmem:s9+$0x0] =	vst v1  }
0x2b1: {  	v1 =	vld [tilespmem:s10+$0x0];
	_ =	sdelay $0x4  }
0x2b2: {  	v1 =	vmul.f32 v1, v0;
	_ =	sdelay $0x1  }
0x2b3: {  	[tilespmem:s11+$0x0] =	vst v1  }
0x2b4: {  	v1 =	vld [tilespmem:s20+$0x0];
	_ =	sdelay $0x4  }
0x2b5: {  	v0 =	vmul.f32 v1, v0;
	_ =	sdelay $0x1  }
0x2b6: {  	[tilespmem:s21+$0x0] =	vst v0  }
0x2b7: {  	v0 =	vld [tilespmem:s5+$0x10]  }
0x2b8: {  	v1 =	vld [tilespmem:s6+$0x10];
	_ =	sdelay $0x4  }
0x2b9: {  	v1 =	vmul.f32 v1, v0;
	_ =	sdelay $0x1  }
0x2ba: {  	[tilespmem:s7+$0x10] =	vst v1  }
0x2bb: {  	v1 =	vld [tilespmem:s8+$0x10];
	_ =	sdelay $0x4  }
0x2bc: {  	v1 =	vmul.f32 v1, v0;
	_ =	sdelay $0x1  }
0x2bd: {  	[tilespmem:s9+$0x10] =	vst v1  }
0x2be: {  	v1 =	vld [tilespmem:s10+$0x10];
	_ =	sdelay $0x4  }
0x2bf: {  	v1 =	vmul.f32 v1, v0;
	_ =	sdelay $0x1  }
0x2c0: {  	[tilespmem:s11+$0x10] =	vst v1  }
0x2c1: {  	v1 =	vld [tilespmem:s20+$0x10]  }
0x2c2: {  	s12 =	simm.s32 $0xF060;
	s13 =	simm.s32 $0x2860;
	s5 =	simm.s32 $0x0  }
0x2c3: {  	s6 =	simm.s32 $0x14060;
	s7 =	simm.s32 $0xC860;
	s8 =	simm.s32 $0x60  }
0x2c4: {  	s9 =	simm.s32 $0xA060;
	s10 =	simm.s32 $0x5060;
	s11 =	simm.s32 $0x7820  }
.LBB2_27:
0x2c5: {  	s5 =	sadd.s32 $0x4, s5;
	s21 =	sadd.s32 $0x40, s21;
	s20 =	sadd.s32 $0x40, s20  }
0x2c6: {  	p1 =	slt.u32 s5, $0x27C;
	v0 =	vmul.f32 v1, v0;
	_ =	sdelay $0x1  }
0x2c7: {  	[tilespmem:s11+$0x10] =	vst v0;
	s11 =	smov.u32 s21  }
0x2c8: {  	v0 =	vld [tilespmem:s6+$0xFFFFFFE0]  }
0x2c9: {  	v1 =	vld [tilespmem:s9+$0xFFFFFFE0];
	_ =	sdelay $0x4  }
0x2ca: {  	v1 =	vmul.f32 v1, v0;
	_ =	sdelay $0x1  }
0x2cb: {  	[tilespmem:s8+$0xFFFFFFE0] =	vst v1  }
0x2cc: {  	v1 =	vld [tilespmem:s7+$0xFFFFFFE0];
	_ =	sdelay $0x4  }
0x2cd: {  	v1 =	vmul.f32 v1, v0;
	_ =	sdelay $0x1  }
0x2ce: {  	[tilespmem:s13+$0xFFFFFFE0] =	vst v1  }
0x2cf: {  	v1 =	vld [tilespmem:s12+$0xFFFFFFE0];
	_ =	sdelay $0x4  }
0x2d0: {  	v1 =	vmul.f32 v1, v0;
	_ =	sdelay $0x1  }
0x2d1: {  	[tilespmem:s10+$0xFFFFFFE0] =	vst v1  }
0x2d2: {  	v1 =	vld [tilespmem:s20+$0xFFFFFFE0];
	_ =	sdelay $0x4  }
0x2d3: {  	v0 =	vmul.f32 v1, v0;
	_ =	sdelay $0x1  }
0x2d4: {  	[tilespmem:s21+$0xFFFFFFE0] =	vst v0  }
0x2d5: {  	v0 =	vld [tilespmem:s6+$0xFFFFFFF0]  }
0x2d6: {  	v1 =	vld [tilespmem:s9+$0xFFFFFFF0];
	_ =	sdelay $0x4  }
0x2d7: {  	v1 =	vmul.f32 v1, v0;
	_ =	sdelay $0x1  }
0x2d8: {  	[tilespmem:s8+$0xFFFFFFF0] =	vst v1  }
0x2d9: {  	v1 =	vld [tilespmem:s7+$0xFFFFFFF0];
	_ =	sdelay $0x4  }
0x2da: {  	v1 =	vmul.f32 v1, v0;
	_ =	sdelay $0x1  }
0x2db: {  	[tilespmem:s13+$0xFFFFFFF0] =	vst v1  }
0x2dc: {  	v1 =	vld [tilespmem:s12+$0xFFFFFFF0];
	_ =	sdelay $0x4  }
0x2dd: {  	v1 =	vmul.f32 v1, v0;
	_ =	sdelay $0x1  }
0x2de: {  	[tilespmem:s10+$0xFFFFFFF0] =	vst v1  }
0x2df: {  	v1 =	vld [tilespmem:s20+$0xFFFFFFF0];
	_ =	sdelay $0x4  }
0x2e0: {  	v0 =	vmul.f32 v1, v0;
	_ =	sdelay $0x1  }
0x2e1: {  	[tilespmem:s21+$0xFFFFFFF0] =	vst v0  }
0x2e2: {  	v0 =	vld [tilespmem:s6+$0x0]  }
0x2e3: {  	v1 =	vld [tilespmem:s9+$0x0];
	_ =	sdelay $0x4  }
0x2e4: {  	v1 =	vmul.f32 v1, v0;
	_ =	sdelay $0x1  }
0x2e5: {  	[tilespmem:s8+$0x0] =	vst v1  }
0x2e6: {  	v1 =	vld [tilespmem:s7+$0x0];
	_ =	sdelay $0x4  }
0x2e7: {  	v1 =	vmul.f32 v1, v0;
	_ =	sdelay $0x1  }
0x2e8: {  	[tilespmem:s13+$0x0] =	vst v1  }
0x2e9: {  	v1 =	vld [tilespmem:s12+$0x0];
	_ =	sdelay $0x4  }
0x2ea: {  	v1 =	vmul.f32 v1, v0;
	_ =	sdelay $0x1  }
0x2eb: {  	[tilespmem:s10+$0x0] =	vst v1  }
0x2ec: {  	v1 =	vld [tilespmem:s20+$0x0];
	_ =	sdelay $0x4  }
0x2ed: {  	v0 =	vmul.f32 v1, v0;
	_ =	sdelay $0x1  }
0x2ee: {  	[tilespmem:s21+$0x0] =	vst v0  }
0x2ef: {  	v0 =	vld [tilespmem:s6+$0x10]  }
0x2f0: {  	v1 =	vld [tilespmem:s9+$0x10];
	_ =	sdelay $0x4  }
0x2f1: {  	v1 =	vmul.f32 v1, v0;
	_ =	sdelay $0x1  }
0x2f2: {  	[tilespmem:s8+$0x10] =	vst v1  }
0x2f3: {  	v1 =	vld [tilespmem:s7+$0x10];
	_ =	sdelay $0x4  }
0x2f4: {  	v1 =	vmul.f32 v1, v0;
	_ =	sdelay $0x1  }
0x2f5: {  	[tilespmem:s13+$0x10] =	vst v1  }
0x2f6: {  	v1 =	vld [tilespmem:s12+$0x10];
	_ =	sdelay $0x4  }
0x2f7: {  	v1 =	vmul.f32 v1, v0;
	_ =	sdelay $0x1  }
.Ltmp15:
0x2f8: {  	[tilespmem:s10+$0x10] =	vst v1;
	(pc) =	sbr.rel @p1 .LBB2_27-.Ltmp15, $4  }
0x2f9: {  	v1 =	vld [tilespmem:s20+$0x10]  }
0x2fa: {  	s6 =	sadd.s32 $0x40, s6  }
0x2fb: {  	s9 =	sadd.s32 $0x40, s9;
	s8 =	sadd.s32 $0x40, s8;
	s7 =	sadd.s32 $0x40, s7  }
0x2fc: {  	s13 =	sadd.s32 $0x40, s13;
	s12 =	sadd.s32 $0x40, s12;
	s10 =	sadd.s32 $0x40, s10  }
0x2fd: {  	s2 =	sadd.s32 $0x1, s2  }
0x2fe: {  	p1 =	sne.s32 s2, s1  }
.Ltmp16:
0x2ff: {  	_ = 	snop;
	(pc) =	sbr.rel @p1 .LBB2_3-.Ltmp16, $4  }
.Ltmp17:
0x300: {  	_ = 	snop;
	(pc) =	sbr.rel @!p1 .LBB2_29-.Ltmp17, $4  }
0x301: {  	v0 =	vmul.f32 v1, v0  }
0x302: {  	_ = 	snop  }
0x303: {  	[tilespmem:s11+$0x10] =	vst v0  }
0x304: {  	_ = 	snop  }
.LBB2_30:
0x305: {  	_ =	sfence.sel $0x180000  }
0x306: {  	[bflag:$0x0] =	sbarrier.arrive $0xFFFF  }
0x307: {  	_ =	strace $0x90000050  }
0x308: {  	s0 =	stileid.u32;
	[bflag:$0x2] =	sbarrier.arrive $0xFFFF  }
0x309: {  	p0 =	sne.s32 s0, $0x0;
	s0 =	rddreg [dreg:$0x2]  }
0x30a: {  	s0 =	sadd.s32 @!p0 $0x100000, s0  }
0x30b: {  	[sflag:s0] =	ssyncadd.tile.s32 @!p0 $0x1;
	_ =	shalt  }
.Lfunc_end2:
_tile_overlayer_lowered:
.L_overlay_start_2:
0x30c: {  	(tag) =	ssettag $0x2  }
0x30d: {  	s0 =	rddreg [dreg:$0x0];
	s2 =	stileid.u32  }
0x30e: {  	s1 =	rddreg [dreg:$0x1];
	p0 =	sne.s32 s2, $0x0  }
0x30f: {  	s3 =	rddreg [dreg:$0x2];
	[bflag:$0x3] =	sbarrier.arrive $0xFFFF;
	s2 =	simm.s32 @!p0 $0x1C04  }
0x310: {  	[timem:s3], [sflag:s2] =	dma.local @!p0 [hbm:s0], s1  }
0x311: {  	s0 =	simm.s32 @!p0 $0x4  }
0x312: {  	_ =	swait.ge @!p0 [sflag:s0], s1  }
0x313: {  	s1 =	ssub.s32 @!p0 $0x0, s1;
	[sflag:s0] =	ssyncset.done @!p0 $0x0  }
0x314: {  	[sflag:s0] =	ssyncadd.s32 @!p0 s1  }
0x315: {  	[bflag:$0x3] =	sbarrier.arrive $0xFFFF  }
0x316: {  	_ =	shalt  }

// kernel: kernel.22.cloned.1.call-start
scs
__scs_entry_jumppad:
0x0: {  	(pc) =	sbr.rel $0x88, $3  }
0x1: {  	(tag) =	ssettag $0x0;
	lr =	simm.s32 $0x1  }
0x2: {  	[smem:$0x3F9A] =	sst lr;
	_ =	strace $0xD0000000  }
0x3: {  	_ = 	snop  }
0x4: {  	_ = 	snop  }
0x5: {  	_ = 	snop  }
0x6: {  	_ = 	snop  }
0x7: {  	_ = 	snop  }
__scs_overlays_trampoline_lowered:
0x8: {  	[smem:$0x3FA9] =	sst s0  }
0x9: {  	[smem:$0x3FAA] =	sst s1  }
0xa: {  	[smem:$0x3FAB] =	sst s2  }
0xb: {  	[smem:$0x3FAC] =	sst s3  }
0xc: {  	[smem:$0x3FAD] =	sst s4  }
0xd: {  	[smem:$0x3FAE] =	sst s5  }
0xe: {  	[smem:$0x3FAF] =	sst s6  }
0xf: {  	[smem:$0x3FB0] =	sst s7  }
0x10: {  	[smem:$0x3FB1] =	sst s8  }
0x11: {  	[smem:$0x3FB2] =	sst s9;
	s0 =	simm.s32 @!p0 $0x0  }
0x12: {  	s1 =	sld [smem:$0x3F98];
	s0 =	simm.s32 @p0 $0x1  }
0x13: {  	[smem:$0x3FB3] =	sst s0;
	s0 =	simm.s32 @!p1 $0x0  }
0x14: {  	s2 =	sld [smem:$0x3F97];
	s0 =	simm.s32 @p1 $0x1  }
0x15: {  	[smem:$0x3FB4] =	sst s0;
	s0 =	simm.s32 @!p2 $0x0  }
0x16: {  	s3 =	sld [smem:$0x3FDB];
	s0 =	simm.s32 @p2 $0x1  }
0x17: {  	s4 =	simm.s32 $0x1BF5;
	[smem:$0x3FB6] =	sst s0  }
0x18: {  	s0 =	sld [smem:$0x3F99];
	_ =	swait.ge [sflag:s4], $0x0  }
0x19: {  	s7 =	sld [smem:$0x3F9A]  }
0x1a: {  	s8 =	sadd.s32 $0xFFFFE003, lr  }
0x1b: {  	s9 =	sadd.s32 $0xFFFFFEF7, lr;
	s5 =	simm.s32 $0xFFFFFFFF;
	p2 =	slt.u32 s8, $0xFFFFF086  }
0x1c: {  	p1 =	slt.u32 s9, $0xF7A;
	s5 =	simm.s32 @!p2 $0x0  }
0x1d: {  	s5 =	simm.s32 @p1 $0x1;
	p0 =	seq.s32 s7, s2  }
0x1e: {  	s7 =	smul.u32 @!p0 $0xF7A, s2;
	p2 =	seq.s32 @!p0 s5, $0x0  }
0x1f: {  	s9 =	smul.u32 $0xF7A, s1;
	s8 =	simm.s32 @!p0 $0x1BF5;
	p2 =	por !p2, p0  }
0x20: {  	[sflag:s8] =	ssyncset.s32 @!p0 $0xFFFFF086;
	s6 =	sadd.s32 @!p0 s3, s7;
	s7 =	simm.s32 @!p0 $0x108  }
0x21: {  	s3 =	sadd.s32 s3, s9;
	s6 =	sadd.s32 @!p0 $0x88, s6;
	s7 =	simm.s32 @p2 $0x1082  }
0x22: {  	[simem:s7], [sflag:s8] =	dma.local @!p0 [hbm:s6], $0xF7A  }
0x23: {  	s9 =	sor.u32 $0xD0000000, s2;
	s6 =	simm.s32 $0x108;
	_ =	swait.ge @!p0 [sflag:s8], $0x0  }
0x24: {  	s3 =	sadd.s32 $0x88, s3;
	s6 =	simm.s32 @!p1 $0x1082;
	[sflag:s4] =	ssyncset.s32 $0xFFFFF086  }
0x25: {  	[simem:s6], [sflag:s4] =	dma.local [hbm:s3], $0xF7A  }
0x26: {  	[smem:$0x3F9A] =	sst s1;
	(tag) =	ssettag s2;
	_ =	strace s9  }
0x27: {  	s1 =	sld [smem:$0x3FAA]  }
0x28: {  	s2 =	sld [smem:$0x3FAB]  }
0x29: {  	s4 =	sld [smem:$0x3FAD]  }
0x2a: {  	p0 =	seq.s32 s5, $0x0;
	s5 =	sld [smem:$0x3FAE]  }
0x2b: {  	s6 =	sld [smem:$0x3FAF]  }
0x2c: {  	s7 =	sld [smem:$0x3FB0]  }
0x2d: {  	s3 =	simm.s32 $0x108;
	s8 =	sld [smem:$0x3FB1]  }
0x2e: {  	s3 =	simm.s32 @!p0 $0x1082;
	s9 =	sld [smem:$0x3FB2]  }
0x2f: {  	lr =	sadd.s32 s0, s3;
	s0 =	sld [smem:$0x3FA9]  }
0x30: {  	s3 =	sld [smem:$0x3FAC]  }
0x31: {  	[smem:$0x3FB5] =	sst s10  }
0x32: {  	s10 =	sld [smem:$0x3FB3];
	_ =	sdelay $0x3  }
0x33: {  	p0 =	seq.s32 s10, $0x1;
	s10 =	sld [smem:$0x3FB5];
	_ =	sdelay $0x3  }
0x34: {  	[smem:$0x3FB5] =	sst s10  }
0x35: {  	s10 =	sld [smem:$0x3FB4];
	_ =	sdelay $0x3  }
0x36: {  	p1 =	seq.s32 s10, $0x1;
	s10 =	sld [smem:$0x3FB5];
	_ =	sdelay $0x3  }
0x37: {  	[smem:$0x3FB5] =	sst s10  }
0x38: {  	s10 =	sld [smem:$0x3FB6]  }
0x39: {  	_ = 	snop;
	(pc) =	sbr.ind lr, $3  }
0x3a: {  	_ = 	snop  }
0x3b: {  	_ = 	snop  }
0x3c: {  	p2 =	seq.s32 s10, $0x1;
	s10 =	sld [smem:$0x3FB5]  }
0x3d: {  	_ =	shalt  }
0x3e: {  	_ =	shalt  }
0x3f: {  	_ =	shalt  }
0x40: {  	_ =	shalt  }
0x41: {  	_ =	shalt  }
0x42: {  	_ =	shalt  }
0x43: {  	_ =	shalt  }
0x44: {  	_ =	shalt  }
0x45: {  	_ =	shalt  }
0x46: {  	_ =	shalt  }
0x47: {  	_ =	shalt  }
0x48: {  	_ =	shalt  }
0x49: {  	_ =	shalt  }
0x4a: {  	_ =	shalt  }
0x4b: {  	_ =	shalt  }
0x4c: {  	_ =	shalt  }
0x4d: {  	_ =	shalt  }
0x4e: {  	_ =	shalt  }
0x4f: {  	_ =	shalt  }
0x50: {  	_ =	shalt  }
0x51: {  	_ =	shalt  }
0x52: {  	_ =	shalt  }
0x53: {  	_ =	shalt  }
0x54: {  	_ =	shalt  }
0x55: {  	_ =	shalt  }
0x56: {  	_ =	shalt  }
0x57: {  	_ =	shalt  }
0x58: {  	_ =	shalt  }
0x59: {  	_ =	shalt  }
0x5a: {  	_ =	shalt  }
0x5b: {  	_ =	shalt  }
0x5c: {  	_ =	shalt  }
0x5d: {  	_ =	shalt  }
0x5e: {  	_ =	shalt  }
0x5f: {  	_ =	shalt  }
0x60: {  	_ =	shalt  }
0x61: {  	_ =	shalt  }
0x62: {  	_ =	shalt  }
0x63: {  	_ =	shalt  }
0x64: {  	_ =	shalt  }
0x65: {  	_ =	shalt  }
0x66: {  	_ =	shalt  }
0x67: {  	_ =	shalt  }
0x68: {  	_ =	shalt  }
0x69: {  	_ =	shalt  }
0x6a: {  	_ =	shalt  }
0x6b: {  	_ =	shalt  }
0x6c: {  	_ =	shalt  }
0x6d: {  	_ =	shalt  }
0x6e: {  	_ =	shalt  }
0x6f: {  	_ =	shalt  }
0x70: {  	_ =	shalt  }
0x71: {  	_ =	shalt  }
0x72: {  	_ =	shalt  }
0x73: {  	_ =	shalt  }
0x74: {  	_ =	shalt  }
0x75: {  	_ =	shalt  }
0x76: {  	_ =	shalt  }
0x77: {  	_ =	shalt  }
0x78: {  	_ =	shalt  }
0x79: {  	_ =	shalt  }
0x7a: {  	_ =	shalt  }
0x7b: {  	_ =	shalt  }
0x7c: {  	_ =	shalt  }
0x7d: {  	_ =	shalt  }
0x7e: {  	_ =	shalt  }
0x7f: {  	_ =	shalt  }
0x80: {  	_ =	shalt  }
0x81: {  	_ =	shalt  }
0x82: {  	_ =	shalt  }
0x83: {  	_ =	shalt  }
0x84: {  	_ =	shalt  }
0x85: {  	_ =	shalt  }
0x86: {  	_ =	shalt  }
0x87: {  	_ =	shalt  }
.Lfunc_end0:
.L_simem_size_0:
called_computation.4_lowered:
.L_overlay_start_0:
0x88: {  	s2 =	sld [smem:$0x3FD9]  }
0x89: {  	s3 =	sld [smem:$0x3FFE];
	_ =	sdelay $0x1  }
0x8a: {  	s1 =	srdreg.scid  }
0x8b: {  	s0 =	sand.u32 $0x1, s1  }
0x8c: {  	s16 =	sshll.u32 s0, $0xA;
	s2 =	sadd.s32 s3, s2  }
0x8d: {  	s2 =	sadd.s32 s2, s16  }
0x8e: {  	[smem:$0x3FC1] =	sst s2  }
0x8f: {  	_ = 	snop  }
0x90: {  	(tm) =	ssettm $0x1  }
0x91: {  	s17 =	sld [smem:$0x3FFB];
	_ =	sdelay $0x3  }
0x92: {  	_ =	strace s17  }
0x93: {  	s2 =	sld [smem:$0x3FFC];
	_ =	sdelay $0x3  }
0x94: {  	_ =	strace s2  }
0x95: {  	s2 =	sld [smem:$0x3FFD];
	_ =	sdelay $0x3  }
0x96: {  	_ =	strace s2  }
0x97: {  	_ =	strace $0x8FFFFFFF  }
0x98: {  	s18 =	sld [smem:$0x3FDB];
	_ =	sdelay $0x1  }
0x99: {  	s19 =	simm.s32 $_scs_section_size  }
0x9a: {  	s4 =	simm.s32 $_size__tile_overlayer_lowered;
	s5 =	simm.s32 $_tile_overlayer_lowered  }
0x9b: {  	s22 =	simm.s32 $0x1BFF;
	s21 =	sshll.u32 s5, $0x1;
	s2 =	sadd.s32 s19, s18  }
0x9c: {  	s6 =	simm.s32 $0x0;
	s20 =	sshll.u32 s4, $0x1;
	s4 =	sadd.s32 s21, s2  }
0x9d: {  	[timem:s6], [sflag:s22] =	dma.local [hbm:s4], s20  }
0x9e: {  	_ =	swait.ge [sflag:s22], s20  }
0x9f: {  	s3 =	ssub.s32 $0x0, s20;
	[sflag:s22] =	ssyncset.done $0x0  }
0xa0: {  	[sflag:s22] =	ssyncadd.s32 s3;
	_ =	sdelay $0x1  }
0xa1: {  	s23 =	simm.s32 $0x1B8B  }
0xa2: {  	_ =	swait.ge [sflag:s23], $0x1  }
0xa3: {  	[sflag:s23] =	ssyncset.done $0x0  }
0xa4: {  	s25 =	simm.s32 $0x1B8E;
	s24 =	sld [smem:$0x3FFE];
	[sflag:s23] =	ssyncadd.s32 $0xFFFFFFFF  }
0xa5: {  	s26 =	simm.s32 $execute0_lowered;
	[smem:$0x3FD2] =	sst s25  }
0xa6: {  	s4 =	sshll.u32 s26, $0x1;
	_ =	strace $0x80000052;
	[dreg:$0x1] =	wrdreg $0xFFFFFFFF  }
0xa7: {  	s28 =	simm.s32 $_size_execute0_lowered;
	s2 =	sadd.s32 s2, s4;
	[dreg:$0x0] =	wrdreg $0x0  }
0xa8: {  	s4 =	sshll.u32 s28, $0x1;
	[dreg:$0x2] =	wrdreg s2  }
0xa9: {  	[dreg:$0x3] =	wrdreg s4  }
0xaa: {  	[dreg:$0x4] =	wrdreg $0xC0  }
0xab: {  	_ =	task [dreg:s6], $0x5FFFF  }
0xac: {  	[dreg:$0x1] =	wrdreg $0xFFFFFFFF  }
0xad: {  	[dreg:$0x0] =	wrdreg $0x60  }
0xae: {  	[dreg:$0x2] =	wrdreg s24  }
0xaf: {  	[dreg:$0x3] =	wrdreg $0x9  }
0xb0: {  	_ =	task.clear_ibuf [dreg:s6], $0x4FFFF;
	_ =	strace $0x90000052  }
0xb1: {  	s29 =	simm.s32 $0x9;
	_ =	strace $0x80000054  }
0xb2: {  	_ =	swait.ge [sflag:s29], $0x1  }
0xb3: {  	[sflag:s29] =	ssyncadd.s32 $0xFFFFFFFF  }
0xb4: {  	_ =	strace $0x90000054  }
0xb5: {  	_ =	sfence  }
0xb6: {  	s30 =	sld [smem:$0x0];
	_ =	sdelay $0x2  }
0xb7: {  	s31 =	sshll.u32 s1, $0xD;
	s1 =	sshrl.u32 s1, $0x2  }
0xb8: {  	s3 =	sand.u32 $0x4000, s31;
	s1 =	sadd.s32 s1, s30  }
0xb9: {  	s0 =	sor.u32 s3, s0;
	s1 =	sshll.u32 s1, $0x11  }
0xba: {  	s0 =	sor.u32 s1, s0  }
0xbb: {  	s0 =	sadd.s32 $0x8F2B, s0  }
0xbc: {  	[sflag:s0] =	ssyncadd.remote.s32 $0x1  }
0xbd: {  	_ =	sfence.sel $0xFFFF  }
0xbe: {  	[dreg:$0x0] =	wrdreg $0xFFFFFFFF;
	(pc) =	sbr.abs _section_cstart, $3  }
0xbf: {  	[dreg:$0x1] =	wrdreg $0xFFFFFFFF  }
0xc0: {  	_ =	task.clear_ibuf [dreg:s6], $0x2FFFF;
	_ =	strace $0x9FFFFFFF  }
0xc1: {  	(tm) =	ssettm $0x7FFFFFFF  }
tec
execute0_lowered:
.L_overlay_start_1:
0x0: {  	(tag) =	ssettag $0x1  }
0x1: {  	s1 =	srdreg.scid  }
0x2: {  	s1 =	sand.u32 $0x1, s1  }
0x3: {  	p0 =	seq.s32 s1, $0x1  }
.Ltmp0:
0x4: {  	_ = 	snop;
	(pc) =	sbr.rel @p0 .LBB2_27-.Ltmp0, $4  }
0x5: {  	_ = 	snop  }
0x6: {  	s2 =	rddreg [dreg:$0x0];
	s3 =	simm.s32 $0x0  }
0x7: {  	[smem:$0x7FF] =	sst s3  }
0x8: {  	s0 =	rddreg [dreg:$0x1];
	_ =	strace $0x80000053;
	s1 =	stileid.u32  }
0x9: {  	s4 =	sshrl.u32 s1, $0x3  }
0xa: {  	s5 =	sshll.u32 s1, $0x7;
	s4 =	smul.u32 $0x14000, s4  }
0xb: {  	s5 =	sand.u32 $0x380, s5  }
0xc: {  	s4 =	sor.u32 s5, s4  }
0xd: {  	s22 =	sadd.s32 $0x1600, s2;
	s23 =	simm.s32 $0x80;
	s6 =	sshrl.u32 s4, $0x3  }
0xe: {  	s7 =	simm.s32 $0x400;
	s24 =	simm.s32 $0x3;
	s4 =	sadd.s32 s22, s6  }
0xf: {  	[tilespmem:s3], [sflag:$0x3] =	stream.strided.gather [hbm4b:s4+s23], $0x2800, s7, s23, $0x38;
	[tilespmem:$0x10080] =	vst v63  }
0x10: {  	_ =	swait.ge [sflag:s24], $0x2800  }
0x11: {  	[sflag:s24] =	ssyncset.done $0x0  }
0x12: {  	s25 =	sadd.s32 $0xE00, s2;
	s26 =	simm.s32 $0x5000;
	[sflag:s24] =	ssyncadd.s32 $0xFFFFD800  }
0x13: {  	[tilespmem:s26], [sflag:$0x3] =	stream.linear.gather [hbm4b:s25+s3], $0x2800, $0x38;
	[tilespmem:$0x10080] =	vst v63  }
0x14: {  	_ =	swait.ge [sflag:s24], $0x2800  }
0x15: {  	[sflag:s24] =	ssyncset.done $0x0  }
0x16: {  	s28 =	sadd.s32 $0x1400, s2;
	s29 =	simm.s32 $0x10000;
	[sflag:s24] =	ssyncadd.s32 $0xFFFFD800  }
0x17: {  	[tilespmem:s29], [sflag:$0x3] =	stream.linear.gather [hbm4b:s28+s3], $0x80, $0x38;
	[tilespmem:$0x10080] =	vst v63  }
0x18: {  	_ =	swait.ge [sflag:s24], $0x80  }
0x19: {  	[sflag:s24] =	ssyncset.done $0x0  }
0x1a: {  	s30 =	simm.s32 $0x20;
	[sflag:s24] =	ssyncadd.s32 $0xFFFFFF80  }
0x1b: {  	v1 =	vld [tilespmem:s30+$0xFFFFFFE0];
	_ =	sdelay $0x3  }
0x1c: {  	s4 =	simm.s32 $0x2820  }
0x1d: {  	v0 =	vld [tilespmem:$0x10000];
	[tilespmem:s4+$0xFFFFFFE0] =	vst v1  }
0x1e: {  	v1 =	vld [tilespmem:s30+$0xFFFFFFF0];
	_ =	sdelay $0x4  }
0x1f: {  	[tilespmem:s4+$0xFFFFFFF0] =	vst v1  }
0x20: {  	v1 =	vld [tilespmem:s30+$0x0];
	_ =	sdelay $0x4  }
0x21: {  	[tilespmem:s4+$0x0] =	vst v1  }
0x22: {  	v1 =	vld [tilespmem:s30+$0x10];
	_ =	sdelay $0x3  }
0x23: {  	s5 =	simm.s32 $0x0;
	s31 =	sadd.s32 s6, s2  }
0x24: {  	s6 =	simm.s32 $0x60;
	s3 =	sadd.s32 $0x1FE00, s2;
	s2 =	sadd.s32 $0x6600, s31;
	[tilespmem:s4+$0x10] =	vst v1  }
.LBB2_2:
0x25: {  	v1 =	vld [tilespmem:s6+$0xFFFFFFE0];
	s5 =	sadd.s32 $0x4, s5  }
0x26: {  	p0 =	slt.u32 s5, $0x27C;
	_ =	sdelay $0x2  }
0x27: {  	s4 =	sadd.s32 $0x40, s4  }
0x28: {  	[tilespmem:s4+$0xFFFFFFE0] =	vst v1  }
0x29: {  	v1 =	vld [tilespmem:s6+$0xFFFFFFF0];
	_ =	sdelay $0x4  }
0x2a: {  	[tilespmem:s4+$0xFFFFFFF0] =	vst v1  }
0x2b: {  	v1 =	vld [tilespmem:s6+$0x0];
	_ =	sdelay $0x4  }
0x2c: {  	[tilespmem:s4+$0x0] =	vst v1  }
0x2d: {  	v1 =	vld [tilespmem:s6+$0x10]  }
.Ltmp1:
0x2e: {  	(pc) =	sbr.rel @p0 .LBB2_2-.Ltmp1, $2  }
0x2f: {  	_ =	sdelay $0x2  }
0x30: {  	s6 =	sadd.s32 $0x40, s6;
	[tilespmem:s4+$0x10] =	vst v1  }
0x31: {  	s4 =	simm.s32 $0x0;
	s5 =	simm.s32 $0x7800;
	s6 =	simm.s32 $0x0  }
.LBB2_4:
0x32: {  	p0 =	seq.s32 s6, $0x870  }
.Ltmp2:
0x33: {  	_ = 	snop;
	(pc) =	sbr.rel @!p0 .LBB2_4-.Ltmp2, $4  }
0x34: {  	_ = 	snop  }
0x35: {  	s7 =	sadd.s32 s6, s3  }
0x36: {  	[tilespmem:s5], [sflag:$0x1] =	stream.linear.gather [hbm4b:s7+s4], $0x80, $0x38;
	[tilespmem:$0x10080] =	vst v63  }
0x37: {  	s6 =	sadd.s32 $0x10, s6;
	s5 =	sadd.s32 $0x100, s5  }
0x38: {  	s5 =	simm.s32 $0x0  }
0x39: {  	s6 =	simm.s32 $0x1;
	s7 =	simm.s32 $0x2800;
	s8 =	simm.s32 $0x2  }
.LBB2_6:
0x3a: {  	s9 =	smul.u32 $0x8800, s4;
	_ =	sdelay $0x1  }
0x3b: {  	s9 =	sshrl.u32 s9, $0x3  }
0x3c: {  	s9 =	sadd.s32 s3, s9  }
0x3d: {  	s11 =	simm.s32 $0x7880;
	s10 =	sadd.s32 $0x880, s9  }
0x3e: {  	s12 =	simm.s32 $0x10;
	s13 =	simm.s32 $0x7980;
	s14 =	sadd.s32 $0x0, s10  }
.LBB2_7:
0x3f: {  	[tilespmem:s11], [sflag:$0x2] =	stream.linear.gather [hbm4b:s14+s5], $0x80, $0x38;
	[tilespmem:$0x10080] =	vst v63  }
0x40: {  	s14 =	smov.u32 s12;
	s11 =	smov.u32 s13;
	p0 =	sne.s32 s12, $0x870  }
.Ltmp3:
0x41: {  	s12 =	sadd.s32 $0x10, s12;
	(pc) =	sbr.rel @p0 .LBB2_7-.Ltmp3, $2  }
0x42: {  	_ =	sdelay $0x2  }
0x43: {  	s13 =	sadd.s32 $0x100, s13;
	s14 =	sadd.s32 s14, s10  }
0x44: {  	[tilespmem:s11], [sflag:$0x2] =	stream.linear.gather [hbm4b:s14+s5], $0x80, $0x38;
	[tilespmem:$0x10080] =	vst v63  }
0x45: {  	s10 =	simm.s32 $0x0;
	s26 =	simm.s32 $0x0;
	_ =	swait.ge [sflag:s6], $0x4400  }
0x46: {  	s11 =	sand.u32 $0x40, s26;
	s10 =	sand.u32 $0xFF00, s10;
	[sflag:s6] =	ssyncset.done $0x0  }
0x47: {  	s10 =	sor.u32 s11, s10;
	[sflag:s6] =	ssyncadd.s32 $0xFFFFBC00  }
0x48: {  	v1 =	vld [tilespmem:s10+$0x7830];
	_ =	sdelay $0x1  }
0x49: {  	v2 =	vld [tilespmem:s10+$0x7800];
	_ =	sdelay $0x1  }
0x4a: {  	v4 =	vld [tilespmem:s10+$0x7810]  }
0x4b: {  	s28 =	simm.s32 $0x40;
	s12 =	simm.s32 $0x80;
	v3 =	vand.u32 $0xFFFF, v1  }
0x4c: {  	s29 =	sand.u32 $0x40, s28;
	s30 =	sand.u32 $0xFF00, s12;
	v5 =	vld [tilespmem:s10+$0x7820]  }
0x4d: {  	s10 =	sor.u32 s29, s30;
	v6 =	vand.u32 $0xFFFF, v2  }
0x4e: {  	v7 =	vld [tilespmem:s10+$0x7830]  }
0x4f: {  	v8 =	vld [tilespmem:s10+$0x7800];
	v9 =	vand.u32 $0xFFFF, v4  }
0x50: {  	v1 =	vshrl.u32 v1, $0x10;
	v3 =	vld.idx.msk [tilespmem:v3+s5+$0x0], $0xffff  }
0x51: {  	v11 =	vld [tilespmem:s10+$0x7810];
	v10 =	vand.u32 $0xFFFF, v5  }
0x52: {  	v2 =	vshrl.u32 v2, $0x10;
	v6 =	vld.idx.msk [tilespmem:v6+s5+$0x0], $0xffff  }
0x53: {  	v12 =	vld [tilespmem:s10+$0x7820];
	v13 =	vand.u32 $0xFFFF, v7  }
0x54: {  	v15 =	vld.idx.msk [tilespmem:v9+s5+$0x0], $0xffff  }
0x55: {  	[tilespmem:v1+s7+$0x0] =	vst.idx.add.f32.msk $0xffff, v3;
	v3 =	vand.u32 $0xFFFF, v8  }
0x56: {  	s11 =	simm.s32 $0x100;
	s10 =	simm.s32 $0x80;
	v1 =	vld.idx.msk [tilespmem:v10+s5+$0x0], $0xffff  }
0x57: {  	s13 =	sand.u32 $0xFF00, s11;
	s31 =	sand.u32 $0x40, s10;
	[tilespmem:v2+s7+$0x0] =	vst.idx.add.f32.msk $0xffff, v6  }
0x58: {  	s12 =	sor.u32 s31, s13;
	v6 =	vld.idx.msk [tilespmem:v13+s5+$0x0], $0xffff  }
0x59: {  	v9 =	vand.u32 $0xFFFF, v12;
	v2 =	vld [tilespmem:s12+$0x7830]  }
0x5a: {  	v10 =	vld.idx.msk [tilespmem:v3+s5+$0x0], $0xffff;
	v3 =	vshrl.u32 v7, $0x10  }
0x5b: {  	v13 =	vld [tilespmem:s12+$0x7800];
	v7 =	vand.u32 $0xFFFF, v11  }
0x5c: {  	v18 =	vld [tilespmem:s12+$0x7820];
	v17 =	vshrl.u32 v4, $0x10  }
0x5d: {  	v16 =	vld [tilespmem:s12+$0x7810];
	v14 =	vshrl.u32 v8, $0x10  }
0x5e: {  	v5 =	vshrl.u32 v5, $0x10;
	v9 =	vld.idx.msk [tilespmem:v9+s5+$0x0], $0xffff  }
0x5f: {  	[tilespmem:v3+s7+$0x0] =	vst.idx.add.f32.msk $0xffff, v6;
	v3 =	vshrl.u32 v12, $0x10;
	v12 =	vand.u32 $0xFFFF, v2  }
0x60: {  	v8 =	vld.idx.msk [tilespmem:v7+s5+$0x0], $0xffff;
	v7 =	vshrl.u32 v13, $0x10;
	v13 =	vand.u32 $0xFFFF, v13  }
0x61: {  	v4 =	vshrl.u32 v11, $0x10;
	[tilespmem:v17+s7+$0x0] =	vst.idx.add.f32.msk $0xffff, v15;
	v11 =	vand.u32 $0xFFFF, v18  }
0x62: {  	v6 =	vshrl.u32 v16, $0x10;
	[tilespmem:v14+s7+$0x0] =	vst.idx.add.f32.msk $0xffff, v10;
	v10 =	vand.u32 $0xFFFF, v16;
	v14 =	vshrl.u32 v18, $0x10  }
.LBB2_9:
0x63: {  	s10 =	sadd.s32 $0x40, s10;
	s11 =	sadd.s32 $0x80, s11;
	[tilespmem:v5+s7+$0x0] =	vst.idx.add.f32.msk $0xffff, v1;
	v5 =	vmov v3;
	v3 =	vmov v14  }
0x64: {  	s12 =	sand.u32 $0x40, s10;
	s13 =	sand.u32 $0xFF00, s11;
	p0 =	slt.u32 s10, $0x43C0;
	v12 =	vld.idx.msk [tilespmem:v12+s5+$0x0], $0xffff  }
0x65: {  	v15 =	vmov v8;
	s12 =	sor.u32 s12, s13;
	v14 =	vld.idx.msk [tilespmem:v13+s5+$0x0], $0xffff;
	v13 =	vshrl.u32 v2, $0x10  }
0x66: {  	v1 =	vmov v9;
	v2 =	vld [tilespmem:s12+$0x7830]  }
0x67: {  	v9 =	vld [tilespmem:s12+$0x7800]  }
0x68: {  	v16 =	vld [tilespmem:s12+$0x7810]  }
0x69: {  	v17 =	vld [tilespmem:s12+$0x7820]  }
.Ltmp4:
0x6a: {  	[tilespmem:v13+s7+$0x0] =	vst.idx.add.f32.msk $0xffff, v12;
	(pc) =	sbr.rel @p0 .LBB2_9-.Ltmp4, $4  }
0x6b: {  	v12 =	vand.u32 $0xFFFF, v2;
	v8 =	vld.idx.msk [tilespmem:v10+s5+$0x0], $0xffff  }
0x6c: {  	v18 =	vshrl.u32 v9, $0x10;
	v13 =	vand.u32 $0xFFFF, v9;
	v9 =	vld.idx.msk [tilespmem:v11+s5+$0x0], $0xffff  }
0x6d: {  	v19 =	vshrl.u32 v16, $0x10;
	v10 =	vand.u32 $0xFFFF, v16;
	[tilespmem:v7+s7+$0x0] =	vst.idx.add.f32.msk $0xffff, v14;
	v7 =	vmov v18  }
0x6e: {  	v14 =	vshrl.u32 v17, $0x10;
	v11 =	vand.u32 $0xFFFF, v17;
	[tilespmem:v4+s7+$0x0] =	vst.idx.add.f32.msk $0xffff, v15;
	v4 =	vmovc v6;
	v6 =	vmov v19  }
0x6f: {  	_ =	sdelay $0x3  }
0x70: {  	v12 =	vld.idx.msk [tilespmem:v12+s5+$0x0], $0xffff;
	v2 =	vshrl.u32 v2, $0x10;
	_ =	sdelay $0x1  }
0x71: {  	v13 =	vld.idx.msk [tilespmem:v13+s5+$0x0], $0xffff  }
0x72: {  	[tilespmem:v5+s7+$0x0] =	vst.idx.add.f32.msk $0xffff, v1  }
0x73: {  	v1 =	vld.idx.msk [tilespmem:v10+s5+$0x0], $0xffff  }
0x74: {  	[tilespmem:v2+s7+$0x0] =	vst.idx.add.f32.msk $0xffff, v12  }
0x75: {  	p0 =	seq.s32 s4, $0x9;
	v2 =	vld.idx.msk [tilespmem:v11+s5+$0x0], $0xffff  }
.Ltmp5:
0x76: {  	[tilespmem:v4+s7+$0x0] =	vst.idx.add.f32.msk $0xffff, v8;
	(pc) =	sbr.rel @p0 .LBB2_14-.Ltmp5, $4  }
0x77: {  	[tilespmem:v3+s7+$0x0] =	vst.idx.add.f32.msk $0xffff, v9  }
0x78: {  	[tilespmem:v7+s7+$0x0] =	vst.idx.add.f32.msk $0xffff, v13  }
0x79: {  	[tilespmem:v6+s7+$0x0] =	vst.idx.add.f32.msk $0xffff, v1  }
0x7a: {  	[tilespmem:v14+s7+$0x0] =	vst.idx.add.f32.msk $0xffff, v2  }
0x7b: {  	s9 =	sadd.s32 $0x1100, s9;
	s10 =	simm.s32 $0x7800  }
0x7c: {  	s11 =	simm.s32 $0x10;
	s12 =	simm.s32 $0x7900;
	s13 =	sadd.s32 $0x0, s9  }
.LBB2_12:
0x7d: {  	[tilespmem:s10], [sflag:$0x1] =	stream.linear.gather [hbm4b:s13+s5], $0x80, $0x38;
	[tilespmem:$0x10080] =	vst v63  }
0x7e: {  	s13 =	smov.u32 s11;
	s10 =	smov.u32 s12;
	p0 =	sne.s32 s11, $0x870  }
.Ltmp6:
0x7f: {  	s11 =	sadd.s32 $0x10, s11;
	(pc) =	sbr.rel @p0 .LBB2_12-.Ltmp6, $2  }
0x80: {  	_ =	sdelay $0x2  }
0x81: {  	s12 =	sadd.s32 $0x100, s12;
	s13 =	sadd.s32 s13, s9  }
0x82: {  	[tilespmem:s10], [sflag:$0x1] =	stream.linear.gather [hbm4b:s13+s5], $0x80, $0x38;
	[tilespmem:$0x10080] =	vst v63  }
.LBB2_14:
0x83: {  	p0 =	por $0x0, $0x0;
	s9 =	simm.s32 $0x1  }
0x84: {  	s9 =	simm.s32 @!p0 $0x0  }
0x85: {  	_ =	swait.ge [sflag:s8], $0x4400;
	s9 =	sshll.u32 s9, $0x6  }
0x86: {  	[sflag:s8] =	ssyncset.done $0x0;
	s9 =	sadd.s32 $0x0, s9  }
0x87: {  	[sflag:s8] =	ssyncadd.s32 $0xFFFFBC00;
	s10 =	sor.u32 $0xB0, s9  }
0x88: {  	v1 =	vld [tilespmem:s10+$0x7800];
	_ =	sdelay $0x1  }
0x89: {  	p0 =	por !p0, !p0;
	s24 =	sor.u32 $0x80, s9;
	s10 =	simm.s32 $0x1  }
0x8a: {  	v2 =	vld [tilespmem:s24+$0x7800];
	s10 =	simm.s32 @!p0 $0x0  }
0x8b: {  	s11 =	sor.u32 $0x90, s9;
	s10 =	sshll.u32 s10, $0x6  }
0x8c: {  	s9 =	sor.u32 $0xA0, s9;
	v4 =	vld [tilespmem:s11+$0x7800];
	s25 =	sadd.s32 $0x80, s10;
	v3 =	vand.u32 $0xFFFF, v1  }
0x8d: {  	v6 =	vld [tilespmem:s9+$0x7800];
	s10 =	sor.u32 $0xB0, s25  }
0x8e: {  	s26 =	sor.u32 $0x80, s25;
	v7 =	vld [tilespmem:s10+$0x7800]  }
0x8f: {  	s9 =	sor.u32 $0xA0, s25;
	v5 =	vand.u32 $0xFFFF, v2;
	v8 =	vld [tilespmem:s26+$0x7800]  }
0x90: {  	p0 =	por !p0, !p0;
	v13 =	vld [tilespmem:s9+$0x7800];
	s9 =	simm.s32 $0x1  }
0x91: {  	v1 =	vshrl.u32 v1, $0x10;
	s9 =	simm.s32 @!p0 $0x0;
	v3 =	vld.idx.msk [tilespmem:v3+s5+$0x0], $0xffff  }
0x92: {  	s28 =	sor.u32 $0x90, s25;
	v9 =	vand.u32 $0xFFFF, v4;
	s9 =	sshll.u32 s9, $0x6  }
0x93: {  	v10 =	vand.u32 $0xFFFF, v6;
	v11 =	vld [tilespmem:s28+$0x7800];
	s9 =	sadd.s32 $0x100, s9  }
0x94: {  	v2 =	vshrl.u32 v2, $0x10;
	s31 =	sor.u32 $0x90, s9;
	v5 =	vld.idx.msk [tilespmem:v5+s5+$0x0], $0xffff  }
0x95: {  	v12 =	vand.u32 $0xFFFF, v7;
	v18 =	vld [tilespmem:s31+$0x7800]  }
0x96: {  	v14 =	vand.u32 $0xFFFF, v8;
	[tilespmem:v1+s7+$0x0] =	vst.idx.add.f32.msk $0xffff, v3  }
0x97: {  	v3 =	vld.idx.msk [tilespmem:v9+s5+$0x0], $0xffff  }
0x98: {  	v1 =	vld.idx.msk [tilespmem:v10+s5+$0x0], $0xffff  }
0x99: {  	[tilespmem:v2+s7+$0x0] =	vst.idx.add.f32.msk $0xffff, v5  }
0x9a: {  	v7 =	vshrl.u32 v7, $0x10;
	v2 =	vld.idx.msk [tilespmem:v12+s5+$0x0], $0xffff  }
0x9b: {  	s29 =	sor.u32 $0xB0, s9;
	v16 =	vld.idx.msk [tilespmem:v14+s5+$0x0], $0xffff;
	v9 =	vand.u32 $0xFFFF, v11  }
0x9c: {  	s30 =	sor.u32 $0x80, s9;
	v5 =	vld [tilespmem:s29+$0x7800];
	v10 =	vand.u32 $0xFFFF, v13  }
0x9d: {  	s9 =	sor.u32 $0xA0, s9;
	v17 =	vshrl.u32 v8, $0x10;
	v14 =	vld [tilespmem:s30+$0x7800]  }
0x9e: {  	v12 =	vld [tilespmem:s9+$0x7800]  }
0x9f: {  	v8 =	vshrl.u32 v4, $0x10;
	[tilespmem:v7+s7+$0x0] =	vst.idx.add.f32.msk $0xffff, v2  }
0xa0: {  	v6 =	vshrl.u32 v6, $0x10;
	v4 =	vshrl.u32 v13, $0x10;
	v9 =	vld.idx.msk [tilespmem:v9+s5+$0x0], $0xffff  }
0xa1: {  	v15 =	vshrl.u32 v18, $0x10;
	v2 =	vshrl.u32 v11, $0x10;
	v13 =	vand.u32 $0xFFFF, v5;
	v10 =	vld.idx.msk [tilespmem:v10+s5+$0x0], $0xffff  }
0xa2: {  	s10 =	simm.s32 $0x100;
	p0 =	por !p0, !p0;
	s9 =	simm.s32 $0x80;
	v7 =	vshrl.u32 v14, $0x10;
	v14 =	vand.u32 $0xFFFF, v14;
	v11 =	vand.u32 $0xFFFF, v18;
	[tilespmem:v17+s7+$0x0] =	vst.idx.add.f32.msk $0xffff, v16  }
.LBB2_15:
0xa3: {  	s11 =	simm.s32 $0x1  }
0xa4: {  	s9 =	sadd.s32 $0x40, s9;
	v16 =	vshrl.u32 v12, $0x10;
	v17 =	vand.u32 $0xFFFF, v12;
	[tilespmem:v8+s7+$0x0] =	vst.idx.add.f32.msk $0xffff, v3;
	v8 =	vmovc v2;
	v2 =	vmov v15;
	s11 =	simm.s32 @!p0 $0x0  }
0xa5: {  	s10 =	sadd.s32 $0x80, s10;
	p1 =	slt.u32 s9, $0x43C0;
	s11 =	sshll.u32 s11, $0x6;
	[tilespmem:v6+s7+$0x0] =	vst.idx.add.f32.msk $0xffff, v1;
	v6 =	vmov v4;
	v4 =	vmov v16  }
0xa6: {  	s11 =	sadd.s32 s11, s10;
	v13 =	vld.idx.msk [tilespmem:v13+s5+$0x0], $0xffff  }
0xa7: {  	v3 =	vmov v9;
	s12 =	sor.u32 $0x80, s11;
	s13 =	sor.u32 $0x90, s11;
	s14 =	sor.u32 $0xB0, s11;
	v16 =	vld.idx.msk [tilespmem:v14+s5+$0x0], $0xffff;
	v14 =	vshrl.u32 v5, $0x10  }
0xa8: {  	v1 =	vmov v10;
	s11 =	sor.u32 $0xA0, s11;
	v5 =	vld [tilespmem:s14+$0x7800]  }
0xa9: {  	v10 =	vld [tilespmem:s12+$0x7800]  }
0xaa: {  	v18 =	vld [tilespmem:s13+$0x7800]  }
.Ltmp7:
0xab: {  	v12 =	vld [tilespmem:s11+$0x7800];
	(pc) =	sbr.rel @p1 .LBB2_15-.Ltmp7, $4  }
0xac: {  	[tilespmem:v14+s7+$0x0] =	vst.idx.add.f32.msk $0xffff, v13  }
0xad: {  	v13 =	vand.u32 $0xFFFF, v5;
	v9 =	vld.idx.msk [tilespmem:v11+s5+$0x0], $0xffff  }
0xae: {  	v19 =	vshrl.u32 v10, $0x10;
	v14 =	vand.u32 $0xFFFF, v10;
	v10 =	vld.idx.msk [tilespmem:v17+s5+$0x0], $0xffff  }
0xaf: {  	p0 =	por !p0, !p0;
	v15 =	vshrl.u32 v18, $0x10;
	v11 =	vand.u32 $0xFFFF, v18;
	[tilespmem:v7+s7+$0x0] =	vst.idx.add.f32.msk $0xffff, v16;
	v7 =	vmov v19  }
0xb0: {  	_ =	sdelay $0x3  }
0xb1: {  	v13 =	vld.idx.msk [tilespmem:v13+s5+$0x0], $0xffff  }
0xb2: {  	v16 =	vand.u32 $0xFFFF, v12;
	[tilespmem:v8+s7+$0x0] =	vst.idx.add.f32.msk $0xffff, v3  }
0xb3: {  	v3 =	vld.idx.msk [tilespmem:v14+s5+$0x0], $0xffff  }
0xb4: {  	v5 =	vshrl.u32 v5, $0x10;
	[tilespmem:v6+s7+$0x0] =	vst.idx.add.f32.msk $0xffff, v1  }
0xb5: {  	v1 =	vld.idx.msk [tilespmem:v11+s5+$0x0], $0xffff  }
0xb6: {  	s4 =	sadd.s32 $0x1, s4;
	[tilespmem:v2+s7+$0x0] =	vst.idx.add.f32.msk $0xffff, v9  }
0xb7: {  	v62 =	vshrl.u32 v12, $0x10;
	p0 =	seq.s32 s4, $0xA;
	v63 =	vld.idx.msk [tilespmem:v16+s5+$0x0], $0xffff  }
.Ltmp8:
0xb8: {  	[tilespmem:v4+s7+$0x0] =	vst.idx.add.f32.msk $0xffff, v10;
	(pc) =	sbr.rel @!p0 .LBB2_6-.Ltmp8, $4  }
0xb9: {  	[tilespmem:v5+s7+$0x0] =	vst.idx.add.f32.msk $0xffff, v13  }
0xba: {  	[tilespmem:v7+s7+$0x0] =	vst.idx.add.f32.msk $0xffff, v3  }
0xbb: {  	[tilespmem:v15+s7+$0x0] =	vst.idx.add.f32.msk $0xffff, v1  }
0xbc: {  	[tilespmem:v62+s7+$0x0] =	vst.idx.add.f32.msk $0xffff, v63  }
0xbd: {  	v0 =	vxor.u32 $0x80000000, v0  }
0xbe: {  	(xrf0) =	vmax.scan.msk.u32 $0xffff, v0;
	_ =	sdelay $0x5  }
0xbf: {  	v0, _, _ =	vpop (xrf0)  }
0xc0: {  	(v2sf) =	vpush v0, $0xF;
	_ =	sdelay $0xe  }
0xc1: {  	s4 =	spop (v2sf)  }
0xc2: {  	s4 =	sshrl.u32 s4, $0x8  }
0xc3: {  	p0 =	seq.s32 s4, $0x800000  }
.Ltmp9:
0xc4: {  	_ = 	snop;
	(pc) =	sbr.rel @p0 .LBB2_24-.Ltmp9, $1  }
0xc5: {  	_ =	sdelay $0x3  }
0xc6: {  	s5 =	simm.s32 $0x0  }
0xc7: {  	s6 =	simm.s32 $0x4;
	s7 =	simm.s32 $0x2800;
	s8 =	simm.s32 $0x0  }
.LBB2_19:
0xc8: {  	s9 =	smul.u32 $0x4400, s8;
	_ =	sdelay $0x1  }
0xc9: {  	s9 =	sadd.s32 $0x55000, s9  }
0xca: {  	s9 =	sshrl.u32 s9, $0x3  }
0xcb: {  	s10 =	simm.s32 $0x7800;
	s9 =	sadd.s32 s3, s9  }
0xcc: {  	s11 =	simm.s32 $0x10;
	s12 =	simm.s32 $0x7900;
	s13 =	sadd.s32 $0x0, s9  }
.LBB2_20:
0xcd: {  	[tilespmem:s10], [sflag:$0x4] =	stream.linear.gather [hbm4b:s13+s5], $0x80, $0x38;
	[tilespmem:$0x10080] =	vst v63  }
0xce: {  	s13 =	smov.u32 s11;
	s10 =	smov.u32 s12;
	p0 =	sne.s32 s11, $0x870  }
.Ltmp10:
0xcf: {  	s11 =	sadd.s32 $0x10, s11;
	(pc) =	sbr.rel @p0 .LBB2_20-.Ltmp10, $2  }
0xd0: {  	_ =	sdelay $0x2  }
0xd1: {  	s12 =	sadd.s32 $0x100, s12;
	s13 =	sadd.s32 s13, s9  }
0xd2: {  	[tilespmem:s10], [sflag:$0x4] =	stream.linear.gather [hbm4b:s13+s5], $0x80, $0x38;
	[tilespmem:$0x10080] =	vst v63  }
0xd3: {  	s9 =	simm.s32 $0x0;
	s26 =	simm.s32 $0x0;
	_ =	swait.ge [sflag:s6], $0x4400  }
0xd4: {  	s10 =	sand.u32 $0x40, s26;
	s9 =	sand.u32 $0xFF00, s9;
	[sflag:s6] =	ssyncset.done $0x0  }
0xd5: {  	s9 =	sor.u32 s10, s9;
	[sflag:s6] =	ssyncadd.s32 $0xFFFFBC00  }
0xd6: {  	v0 =	vld [tilespmem:s9+$0x7830];
	_ =	sdelay $0x2  }
0xd7: {  	v1 =	vld [tilespmem:s9+$0x7800];
	_ =	sdelay $0x1  }
0xd8: {  	s28 =	simm.s32 $0x40;
	s11 =	simm.s32 $0x80;
	v2 =	vand.u32 $0xFFFF, v0  }
0xd9: {  	s29 =	sand.u32 $0x40, s28;
	s30 =	sand.u32 $0xFF00, s11;
	v3 =	vld [tilespmem:s9+$0x7810]  }
0xda: {  	v4 =	vld [tilespmem:s9+$0x7820];
	s9 =	sor.u32 s29, s30  }
0xdb: {  	v6 =	vld [tilespmem:s9+$0x7830];
	v5 =	vand.u32 $0xFFFF, v1  }
0xdc: {  	v7 =	vld [tilespmem:s9+$0x7800]  }
0xdd: {  	v0 =	vshrl.u32 v0, $0x10;
	v2 =	vld.idx.msk [tilespmem:v2+s5+$0x0], $0xffff  }
0xde: {  	v8 =	vand.u32 $0xFFFF, v3  }
0xdf: {  	v10 =	vld [tilespmem:s9+$0x7810];
	v9 =	vand.u32 $0xFFFF, v4  }
0xe0: {  	v1 =	vshrl.u32 v1, $0x10;
	v5 =	vld.idx.msk [tilespmem:v5+s5+$0x0], $0xffff  }
0xe1: {  	v11 =	vld [tilespmem:s9+$0x7820];
	v12 =	vand.u32 $0xFFFF, v6  }
0xe2: {  	[tilespmem:v0+s7+$0x0] =	vst.idx.add.f32.msk $0xffff, v2;
	v2 =	vand.u32 $0xFFFF, v7  }
0xe3: {  	v14 =	vld.idx.msk [tilespmem:v8+s5+$0x0], $0xffff  }
0xe4: {  	v0 =	vld.idx.msk [tilespmem:v9+s5+$0x0], $0xffff  }
0xe5: {  	s10 =	simm.s32 $0x100;
	s9 =	simm.s32 $0x80;
	[tilespmem:v1+s7+$0x0] =	vst.idx.add.f32.msk $0xffff, v5  }
0xe6: {  	s12 =	sand.u32 $0xFF00, s10;
	s31 =	sand.u32 $0x40, s9;
	v1 =	vld.idx.msk [tilespmem:v12+s5+$0x0], $0xffff  }
0xe7: {  	s11 =	sor.u32 s31, s12;
	v5 =	vshrl.u32 v6, $0x10;
	v9 =	vld.idx.msk [tilespmem:v2+s5+$0x0], $0xffff  }
0xe8: {  	v8 =	vand.u32 $0xFFFF, v11;
	v2 =	vld [tilespmem:s11+$0x7830]  }
0xe9: {  	v6 =	vand.u32 $0xFFFF, v10;
	v12 =	vld [tilespmem:s11+$0x7800]  }
0xea: {  	v17 =	vld [tilespmem:s11+$0x7820];
	v16 =	vshrl.u32 v3, $0x10  }
0xeb: {  	v15 =	vld [tilespmem:s11+$0x7810];
	v13 =	vshrl.u32 v7, $0x10  }
0xec: {  	[tilespmem:v5+s7+$0x0] =	vst.idx.add.f32.msk $0xffff, v1;
	v5 =	vshrl.u32 v4, $0x10  }
0xed: {  	v8 =	vld.idx.msk [tilespmem:v8+s5+$0x0], $0xffff;
	v1 =	vshrl.u32 v11, $0x10;
	v11 =	vand.u32 $0xFFFF, v2  }
0xee: {  	v7 =	vld.idx.msk [tilespmem:v6+s5+$0x0], $0xffff;
	v6 =	vshrl.u32 v12, $0x10;
	v12 =	vand.u32 $0xFFFF, v12  }
0xef: {  	v3 =	vshrl.u32 v10, $0x10;
	v10 =	vand.u32 $0xFFFF, v17;
	[tilespmem:v16+s7+$0x0] =	vst.idx.add.f32.msk $0xffff, v14  }
0xf0: {  	v4 =	vshrl.u32 v15, $0x10;
	[tilespmem:v13+s7+$0x0] =	vst.idx.add.f32.msk $0xffff, v9;
	v9 =	vand.u32 $0xFFFF, v15;
	v13 =	vshrl.u32 v17, $0x10  }
.LBB2_22:
0xf1: {  	s9 =	sadd.s32 $0x40, s9;
	s10 =	sadd.s32 $0x80, s10;
	[tilespmem:v5+s7+$0x0] =	vst.idx.add.f32.msk $0xffff, v0;
	v5 =	vmov v1;
	v1 =	vmov v13  }
0xf2: {  	s11 =	sand.u32 $0x40, s9;
	s12 =	sand.u32 $0xFF00, s10;
	p0 =	slt.u32 s9, $0x43C0;
	v11 =	vld.idx.msk [tilespmem:v11+s5+$0x0], $0xffff  }
0xf3: {  	v14 =	vmov v7;
	s11 =	sor.u32 s11, s12;
	v13 =	vld.idx.msk [tilespmem:v12+s5+$0x0], $0xffff;
	v12 =	vshrl.u32 v2, $0x10  }
0xf4: {  	v0 =	vmov v8;
	v2 =	vld [tilespmem:s11+$0x7830]  }
0xf5: {  	v8 =	vld [tilespmem:s11+$0x7800]  }
0xf6: {  	v15 =	vld [tilespmem:s11+$0x7810]  }
0xf7: {  	v16 =	vld [tilespmem:s11+$0x7820]  }
.Ltmp11:
0xf8: {  	[tilespmem:v12+s7+$0x0] =	vst.idx.add.f32.msk $0xffff, v11;
	(pc) =	sbr.rel @p0 .LBB2_22-.Ltmp11, $4  }
0xf9: {  	v11 =	vand.u32 $0xFFFF, v2;
	v7 =	vld.idx.msk [tilespmem:v9+s5+$0x0], $0xffff  }
0xfa: {  	v17 =	vshrl.u32 v8, $0x10;
	v12 =	vand.u32 $0xFFFF, v8;
	v8 =	vld.idx.msk [tilespmem:v10+s5+$0x0], $0xffff  }
0xfb: {  	v18 =	vshrl.u32 v15, $0x10;
	v9 =	vand.u32 $0xFFFF, v15;
	[tilespmem:v6+s7+$0x0] =	vst.idx.add.f32.msk $0xffff, v13;
	v6 =	vmov v17  }
0xfc: {  	v13 =	vshrl.u32 v16, $0x10;
	v10 =	vand.u32 $0xFFFF, v16;
	[tilespmem:v3+s7+$0x0] =	vst.idx.add.f32.msk $0xffff, v14;
	v3 =	vmovc v4;
	v4 =	vmov v18  }
0xfd: {  	_ =	sdelay $0x3  }
0xfe: {  	v11 =	vld.idx.msk [tilespmem:v11+s5+$0x0], $0xffff  }
0xff: {  	v12 =	vld.idx.msk [tilespmem:v12+s5+$0x0], $0xffff  }
0x100: {  	v2 =	vshrl.u32 v2, $0x10;
	[tilespmem:v5+s7+$0x0] =	vst.idx.add.f32.msk $0xffff, v0  }
0x101: {  	v62 =	vld.idx.msk [tilespmem:v9+s5+$0x0], $0xffff;
	s8 =	sadd.s32 $0x1, s8  }
0x102: {  	v63 =	vld.idx.msk [tilespmem:v10+s5+$0x0], $0xffff;
	s9 =	sxor.u32 s8, s4  }
0x103: {  	[tilespmem:v3+s7+$0x0] =	vst.idx.add.f32.msk $0xffff, v7;
	p0 =	sne.s32 s9, $0x800000  }
.Ltmp12:
0x104: {  	[tilespmem:v1+s7+$0x0] =	vst.idx.add.f32.msk $0xffff, v8;
	(pc) =	sbr.rel @p0 .LBB2_19-.Ltmp12, $4  }
0x105: {  	[tilespmem:v2+s7+$0x0] =	vst.idx.add.f32.msk $0xffff, v11  }
0x106: {  	[tilespmem:v6+s7+$0x0] =	vst.idx.add.f32.msk $0xffff, v12  }
0x107: {  	[tilespmem:v4+s7+$0x0] =	vst.idx.add.f32.msk $0xffff, v62  }
0x108: {  	[tilespmem:v13+s7+$0x0] =	vst.idx.add.f32.msk $0xffff, v63  }
.LBB2_24:
0x109: {  	s3 =	simm.s32 $0x2820  }
0x10a: {  	s4 =	simm.s32 $0x5020;
	v0 =	vld [tilespmem:s3+$0xFFFFFFE0]  }
0x10b: {  	v1 =	vld [tilespmem:s4+$0xFFFFFFE0];
	_ =	sdelay $0x4  }
0x10c: {  	v0 =	vmul.f32 v1, v0;
	_ =	sdelay $0x1  }
0x10d: {  	[tilespmem:s3+$0xFFFFFFE0] =	vst v0;
	v0 =	vld [tilespmem:s3+$0xFFFFFFF0]  }
0x10e: {  	v1 =	vld [tilespmem:s4+$0xFFFFFFF0];
	_ =	sdelay $0x4  }
0x10f: {  	v0 =	vmul.f32 v1, v0;
	_ =	sdelay $0x1  }
0x110: {  	[tilespmem:s3+$0xFFFFFFF0] =	vst v0;
	v0 =	vld [tilespmem:s3+$0x0]  }
0x111: {  	v1 =	vld [tilespmem:s4+$0x0];
	_ =	sdelay $0x4  }
0x112: {  	v0 =	vmul.f32 v1, v0;
	_ =	sdelay $0x1  }
0x113: {  	[tilespmem:s3+$0x0] =	vst v0;
	v0 =	vld [tilespmem:s3+$0x10]  }
0x114: {  	v1 =	vld [tilespmem:s4+$0x10];
	_ =	sdelay $0x4  }
0x115: {  	v0 =	vmul.f32 v1, v0  }
0x116: {  	s5 =	simm.s32 $0x0;
	s6 =	simm.s32 $0x2860  }
.LBB2_25:
0x117: {  	v1 =	vld [tilespmem:s6+$0xFFFFFFE0];
	[tilespmem:s3+$0x10] =	vst v0;
	s4 =	sadd.s32 $0x40, s4;
	s3 =	smov.u32 s6  }
0x118: {  	s5 =	sadd.s32 $0x4, s5;
	v0 =	vld [tilespmem:s4+$0xFFFFFFE0]  }
0x119: {  	p0 =	slt.u32 s5, $0x27C;
	_ =	sdelay $0x3  }
0x11a: {  	v0 =	vmul.f32 v0, v1;
	_ =	sdelay $0x1  }
0x11b: {  	[tilespmem:s6+$0xFFFFFFE0] =	vst v0;
	v0 =	vld [tilespmem:s6+$0xFFFFFFF0]  }
0x11c: {  	v1 =	vld [tilespmem:s4+$0xFFFFFFF0];
	_ =	sdelay $0x4  }
0x11d: {  	v0 =	vmul.f32 v1, v0;
	_ =	sdelay $0x1  }
0x11e: {  	[tilespmem:s6+$0xFFFFFFF0] =	vst v0;
	v0 =	vld [tilespmem:s6+$0x0]  }
0x11f: {  	v1 =	vld [tilespmem:s4+$0x0];
	_ =	sdelay $0x4  }
0x120: {  	v0 =	vmul.f32 v1, v0;
	_ =	sdelay $0x1  }
0x121: {  	[tilespmem:s6+$0x0] =	vst v0;
	v0 =	vld [tilespmem:s6+$0x10]  }
0x122: {  	v1 =	vld [tilespmem:s4+$0x10];
	_ =	sdelay $0x1  }
.Ltmp13:
0x123: {  	(pc) =	sbr.rel @p0 .LBB2_25-.Ltmp13, $3  }
0x124: {  	_ =	sdelay $0x1  }
0x125: {  	v0 =	vmul.f32 v1, v0  }
0x126: {  	s6 =	sadd.s32 $0x40, s6  }
0x127: {  	s30 =	simm.s32 $0x80  }
0x128: {  	[tilespmem:s3+$0x10] =	vst v0;
	s4 =	simm.s32 $0x400;
	s5 =	simm.s32 $0x2800;
	s31 =	simm.s32 $0x4  }
0x129: {  	[hbm4b:s2+s30] =	stream.strided.scatter [tilespmem:s5], [sflag:$0x4], $0x2800, s4, s30, $0x38;
	[tilespmem:$0x10080] =	vst v63  }
0x12a: {  	_ =	swait.ge [sflag:s31], $0x2800  }
0x12b: {  	[sflag:s31] =	ssyncset.done $0x0  }
0x12c: {  	[sflag:s31] =	ssyncadd.s32 $0xFFFFD800  }
.LBB2_27:
0x12d: {  	_ =	sfence.sel $0x180000  }
0x12e: {  	[bflag:$0x0] =	sbarrier.arrive $0xFFFF  }
0x12f: {  	p0 =	sne.s32 s1, $0x0;
	_ =	strace $0x90000053  }
0x130: {  	s0 =	sadd.s32 @!p0 $0x100000, s0;
	[bflag:$0x2] =	sbarrier.arrive $0xFFFF  }
0x131: {  	[sflag:s0] =	ssyncadd.tile.s32 @!p0 $0x1;
	_ =	shalt  }
.Lfunc_end2:
_tile_overlayer_lowered:
.L_overlay_start_2:
0x132: {  	(tag) =	ssettag $0x2  }
0x133: {  	s0 =	rddreg [dreg:$0x0];
	s2 =	stileid.u32  }
0x134: {  	s1 =	rddreg [dreg:$0x1];
	p0 =	sne.s32 s2, $0x0  }
0x135: {  	s3 =	rddreg [dreg:$0x2];
	[bflag:$0x3] =	sbarrier.arrive $0xFFFF;
	s2 =	simm.s32 @!p0 $0x1C04  }
0x136: {  	[timem:s3], [sflag:s2] =	dma.local @!p0 [hbm:s0], s1  }
0x137: {  	s0 =	simm.s32 @!p0 $0x4  }
0x138: {  	_ =	swait.ge @!p0 [sflag:s0], s1  }
0x139: {  	s1 =	ssub.s32 @!p0 $0x0, s1;
	[sflag:s0] =	ssyncset.done @!p0 $0x0  }
0x13a: {  	[sflag:s0] =	ssyncadd.s32 @!p0 s1  }
0x13b: {  	[bflag:$0x3] =	sbarrier.arrive $0xFFFF  }
0x13c: {  	_ =	shalt  }

</sc_bundles>
